<compile_context>
chip_gen: v7x
topology: tpu7x:2x2x1
jax: 0.10.2.dev20260603
libtpu: 0.0.44.dev20260713+nightly
codegen_flags: <defaults>
</compile_context>

<pallas_src>
import jax
import jax.numpy as jnp
from jax import lax
from jax.experimental import pallas as pl
from jax.experimental.pallas import tpu as pltpu
from jax.experimental.pallas import tpu_sc as plsc

N = 10000
E = 320000
D = 128
R = 8
SW = 16
NC, NS, L = 2, 16, 16
NW = NC * NS
EPW = E // NW
C = 80
NCH = EPW // C
GPC = C // L
STRIPE = 624
TAIL = N - NS * STRIPE
NB = 400
NBLK = N // NB


def _dense_body(x_ref, wra_ref, wrb_ref, ca_ref, cb_ref, a2_ref,
                trans_ref, s_ref):
    xb = x_ref[...]
    bt = wra_ref[...] * ca_ref[...] + wrb_ref[...] * cb_ref[...]
    dn = (((1,), (1,)), ((), ()))
    trans_ref[...] = lax.dot_general(xb, bt, dn,
                                     preferred_element_type=jnp.float32)
    s_ref[...] = lax.dot_general(xb, a2_ref[...], (((1,), (0,)), ((), ())),
                                 preferred_element_type=jnp.float32)


_dense_call = pl.pallas_call(
    _dense_body,
    grid=(NBLK,),
    in_specs=[
        pl.BlockSpec((NB, D), lambda i: (i, 0)),
        pl.BlockSpec((R * D, D), lambda i: (0, 0)),
        pl.BlockSpec((R * D, D), lambda i: (0, 0)),
        pl.BlockSpec((R * D, 1), lambda i: (0, 0)),
        pl.BlockSpec((R * D, 1), lambda i: (0, 0)),
        pl.BlockSpec((D, SW), lambda i: (0, 0)),
    ],
    out_specs=[
        pl.BlockSpec((NB, R * D), lambda i: (i, 0)),
        pl.BlockSpec((NB, SW), lambda i: (i, 0)),
    ],
    out_shape=[
        jax.ShapeDtypeStruct((N, R * D), jnp.float32),
        jax.ShapeDtypeStruct((N, SW), jnp.float32),
    ],
)


def _sc_body(trans_h, s_h, pk_h, num_o, den_o,
             pk0, pk1, row0, row1, dst0, dst1, s1g0, s1g1, s2g0, s2g1,
             rows0, rows1, ee_c, dstg, sp0, sp1, sg0, sg1,
             num_sh, den_sh):
    cid = lax.axis_index("c")
    sid = lax.axis_index("s")
    wid = sid * NC + cid
    cbase = wid * NCH

    zf16 = jnp.zeros((L,), jnp.float32)
    iota16 = lax.iota(jnp.int32, L)
    onehot0 = jnp.where(iota16 == 0, 1.0, 0.0)

    bufs = ((pk0, row0, dst0, s1g0, s2g0, rows0, sp0, sg0),
            (pk1, row1, dst1, s1g1, s2g1, rows1, sp1, sg1))

    def _zrow(j, carry):
        for b in range(D // L):
            rows0[j, pl.ds(b * L, L)] = zf16
        dstg[j, pl.ds(0, L)] = zf16
        return carry

    lax.fori_loop(0, C, _zrow, 0)

    base = sid * STRIPE
    nfull = STRIPE // C
    rem = STRIPE - nfull * C
    for k in range(nfull):
        pltpu.sync_copy(rows0, num_sh.at[pl.ds(base + k * C, C)])
        pltpu.sync_copy(dstg, den_sh.at[pl.ds(base + k * C, C)])
    pltpu.sync_copy(rows0.at[pl.ds(0, rem)],
                    num_sh.at[pl.ds(base + nfull * C, rem)])
    pltpu.sync_copy(dstg.at[pl.ds(0, rem)],
                    den_sh.at[pl.ds(base + nfull * C, rem)])

    @pl.when(sid == 0)
    def _zero_tail():
        pltpu.sync_copy(rows0.at[pl.ds(0, TAIL)],
                        num_sh.at[pl.ds(NS * STRIPE, TAIL)])
        pltpu.sync_copy(dstg.at[pl.ds(0, TAIL)],
                        den_sh.at[pl.ds(NS * STRIPE, TAIL)])

    plsc.subcore_barrier()

    def _issue_pk(c, b):
        pk, _, _, _, _, _, sp, _ = bufs[b]
        return pltpu.async_copy(pk_h.at[cbase + c], pk, sp)

    def _wait_pk(b):
        pk, _, _, _, _, _, sp, _ = bufs[b]
        pltpu.make_async_copy(pk_h.at[0], pk, sp).wait()

    def _prep_and_gather(c, b):
        pk, row_c, dst_c, s1g, s2g, rows, _, sg = bufs[b]
        for g in range(GPC):
            sl = pl.ds(g * L, L)
            row_c[sl] = pk[0, sl] * R + pk[2, sl]
            dst_c[sl] = pk[1, sl]
        pltpu.async_copy(trans_h.at[row_c], rows, sg)
        pltpu.async_copy(s_h.at[pk.at[0]], s1g, sg)
        pltpu.async_copy(s_h.at[pk.at[1]], s2g, sg)

    def _wait_gathers(b):
        pk, row_c, _, s1g, s2g, rows, _, sg = bufs[b]
        pltpu.make_async_copy(trans_h.at[row_c], rows, sg).wait()
        pltpu.make_async_copy(s_h.at[pk.at[0]], s1g, sg).wait()
        pltpu.make_async_copy(s_h.at[pk.at[1]], s2g, sg).wait()

    def _compute_scatter(b):
        _, _, dst_c, s1g, s2g, rows, _, _ = bufs[b]

        @plsc.parallel_loop(0, GPC, unroll=GPC)
        def _ee(g):
            idx = g * L + iota16
            sv = plsc.load_gather(s1g, [idx, jnp.zeros((L,), jnp.int32)])
            dv = plsc.load_gather(s2g, [idx, jnp.ones((L,), jnp.int32)])
            e = sv + dv
            e = jnp.where(e >= 0.0, e, e * 0.01)
            ee_c[pl.ds(g * L, L)] = jnp.exp(e)

        @plsc.parallel_loop(0, C, unroll=8)
        def _srow(j):
            ee = plsc.load_gather(ee_c, [jnp.full((L,), j, jnp.int32)])
            for b2 in range(D // L):
                rows[j, pl.ds(b2 * L, L)] = rows[j, pl.ds(b2 * L, L)] * ee
            dstg[j, pl.ds(0, L)] = ee * onehot0

        pltpu.sync_copy(rows, num_sh.at[dst_c], add=True)
        pltpu.sync_copy(dstg, den_sh.at[dst_c], add=True)

    _issue_pk(0, 0).wait()
    _prep_and_gather(0, 0)
    _issue_pk(1, 1)

    def _pair(p, carry):
        c = p * 2
        for b in (0, 1):
            nb = 1 - b
            _wait_pk(nb)
            _prep_and_gather(c + 1, nb)
            _issue_pk(c + 2, b)
            _wait_gathers(b)
            _compute_scatter(b)
            c = c + 1
        return carry

    lax.fori_loop(0, (NCH - 1) // 2, _pair, 0)

    _wait_pk(1)
    _wait_gathers(0)
    _compute_scatter(0)

    plsc.subcore_barrier()

    pltpu.sync_copy(num_sh.at[pl.ds(base, STRIPE)],
                    num_o.at[cid, pl.ds(base, STRIPE)])
    pltpu.sync_copy(den_sh.at[pl.ds(base, STRIPE)],
                    den_o.at[cid, pl.ds(base, STRIPE)])

    @pl.when(sid == 0)
    def _drain_tail():
        pltpu.sync_copy(num_sh.at[pl.ds(NS * STRIPE, TAIL)],
                        num_o.at[cid, pl.ds(NS * STRIPE, TAIL)])
        pltpu.sync_copy(den_sh.at[pl.ds(NS * STRIPE, TAIL)],
                        den_o.at[cid, pl.ds(NS * STRIPE, TAIL)])


def _make_sc_call():
  mesh = plsc.VectorSubcoreMesh(core_axis_name="c", subcore_axis_name="s",
                                num_cores=NC, num_subcores=NS)
  return pl.kernel(
    _sc_body,
    mesh=mesh,
    compiler_params=pltpu.CompilerParams(needs_layout_passes=False,
                                         use_tc_tiling_on_sc=False),
    out_type=[
        jax.ShapeDtypeStruct((NC, N, D), jnp.float32),
        jax.ShapeDtypeStruct((NC, N, L), jnp.float32),
    ],
    scratch_types=[
        pltpu.VMEM((3, C), jnp.int32),
        pltpu.VMEM((3, C), jnp.int32),
        pltpu.VMEM((C,), jnp.int32),
        pltpu.VMEM((C,), jnp.int32),
        pltpu.VMEM((C,), jnp.int32),
        pltpu.VMEM((C,), jnp.int32),
        pltpu.VMEM((C, SW), jnp.float32),
        pltpu.VMEM((C, SW), jnp.float32),
        pltpu.VMEM((C, SW), jnp.float32),
        pltpu.VMEM((C, SW), jnp.float32),
        pltpu.VMEM((C, D), jnp.float32),
        pltpu.VMEM((C, D), jnp.float32),
        pltpu.VMEM((C,), jnp.float32),
        pltpu.VMEM((C, L), jnp.float32),
        pltpu.SemaphoreType.DMA,
        pltpu.SemaphoreType.DMA,
        pltpu.SemaphoreType.DMA,
        pltpu.SemaphoreType.DMA,
        pltpu.VMEM_SHARED((N, D), jnp.float32),
        pltpu.VMEM_SHARED((N, L), jnp.float32),
    ],
  )


def _combine_body(num_ref, den_ref, out_ref):
    nsum = num_ref[0] + num_ref[1]
    d = den_ref[0, :, 0:1] + den_ref[1, :, 0:1]
    out_ref[...] = nsum / jnp.maximum(d, 1e-30)


_combine_call = pl.pallas_call(
    _combine_body,
    grid=(NBLK,),
    in_specs=[
        pl.BlockSpec((NC, NB, D), lambda i: (0, i, 0)),
        pl.BlockSpec((NC, NB, L), lambda i: (0, i, 0)),
    ],
    out_specs=pl.BlockSpec((NB, D), lambda i: (i, 0)),
    out_shape=jax.ShapeDtypeStruct((N, D), jnp.float32),
)


def kernel(x, edge_index, edge_type, fc_W, attn_W, w, w_comp):
    src = edge_index[0]
    dst = edge_index[1]
    et = edge_type[:, 0]

    w3 = w.reshape(D, 2, D)
    wra = jnp.repeat(w3[:, 0, :], R, axis=0)
    wrb = jnp.repeat(w3[:, 1, :], R, axis=0)
    ca = jnp.tile(w_comp[:, 0], D)[:, None]
    cb = jnp.tile(w_comp[:, 1], D)[:, None]
    a2 = jnp.zeros((D, SW), x.dtype).at[:, 0:2].set(attn_W.reshape(2, D).T)

    trans, s_wide = _dense_call(x, wra, wrb, ca, cb, a2)
    trans2 = trans.reshape(N * R, D)

    pk = jnp.stack([a.reshape(NW * NCH, C) for a in (src, dst, et)], axis=1)
    pk = jnp.concatenate([pk, jnp.zeros((1, 3, C), jnp.int32)], axis=0)

    num, den = _make_sc_call()(trans2, s_wide, pk)
    return _combine_call(num, den)

# --- scband reference (transcript-rebuilt; emitter-appended) ---
"""Pipeline reference for scband-gatlayer-6828998001538 (READ-ONLY COPY).

The authoritative reference and input builder live on the scoring server;
editing this copy changes nothing except your own understanding.
"""

import jax, jax.numpy as jnp
import numpy as np

N = 10000
E = 320000
IN_DIM = 128
OUT_DIM = 128
NUM_RELS = 8
NUM_BASES = 2

def setup_inputs(seed: int = 0):
    key = jax.random.key(seed)
    ks = jax.random.split(key, 7)
    x = jax.random.normal(ks[0], (N, IN_DIM), dtype=jnp.float32)
    edge_index = jax.random.randint(ks[1], (2, E), 0, N, dtype=jnp.int32)
    edge_type = jax.random.randint(ks[2], (E, 1), 0, NUM_RELS, dtype=jnp.int32)
    fc_W = jax.random.normal(ks[3], (OUT_DIM, IN_DIM), dtype=jnp.float32) * (1.0 / np.sqrt(IN_DIM))
    attn_W = jax.random.normal(ks[4], (1, 2 * IN_DIM), dtype=jnp.float32) * (1.0 / np.sqrt(2 * IN_DIM))
    w = jax.random.normal(ks[5], (NUM_BASES, IN_DIM, OUT_DIM), dtype=jnp.float32) * (1.0 / np.sqrt(IN_DIM))
    w_comp = jax.random.normal(ks[6], (NUM_RELS, NUM_BASES), dtype=jnp.float32) * (1.0 / np.sqrt(NUM_BASES))
    return {"x": x, "edge_index": edge_index, "edge_type": edge_type, "fc_W": fc_W, "attn_W": attn_W, "w": w, "w_comp": w_comp}

def reference(x, edge_index, edge_type, fc_W, attn_W, w, w_comp):
    src = edge_index[0]
    dst = edge_index[1]
    n = x.shape[0]
    # z = fc(h): stored in g.ndata['z'] in the original but never consumed downstream
    z = x @ fc_W.T
    # edge attention on RAW node features h (attn_fc takes 2*in_dim)
    z2 = jnp.concatenate([x[src], x[dst]], axis=1)
    e = jax.nn.leaky_relu(z2 @ attn_W.T, negative_slope=0.01)[:, 0]
    # basis-decomposed relational weights, exactly mirroring the torch view/matmul/view
    w3 = w.reshape(OUT_DIM, NUM_BASES, IN_DIM)
    rel_w = jnp.matmul(w_comp, w3).reshape(NUM_RELS, OUT_DIM, IN_DIM)
    # per-edge message: msg_i = rel_w[edge_type_i] @ x[src_i]
    # computed as per-node-per-relation transform then a gather (mathematically identical
    # to the per-edge F.linear loop, without materializing [E, O, I])
    trans = jnp.einsum('ni,roi->nro', x, rel_w)
    msg = trans[src, edge_type[:, 0]]
    # segment softmax over incoming edges of each dst node (DGL mailbox softmax)
    emax = jax.ops.segment_max(e, dst, num_segments=n)
    emax = jnp.where(jnp.isfinite(emax), emax, 0.0)
    ee = jnp.exp(e - emax[dst])
    denom = jax.ops.segment_sum(ee, dst, num_segments=n)
    alpha = ee / denom[dst]
    h_out = jax.ops.segment_sum(alpha[:, None] * msg, dst, num_segments=n)
    return h_out

if __name__ == "__main__":
    import jax
    _d = setup_inputs()
    print(jax.jit(kernel)(*tuple(_d.values())))

</pallas_src>

<mosaic_0001>
#map = affine_map<(d0, d1) -> (0, 0)>
#map1 = affine_map<(d0, d1) -> (0, 0, 0)>
module attributes {stable_mosaic.version = 14 : i64} {
  func.func @_sc_body(%arg0: i32, %arg1: i32, %arg2: memref<80000x128xf32, #tpu.memory_space<hbm>>, %arg3: memref<10000x16xf32, #tpu.memory_space<hbm>>, %arg4: memref<4001x3x80xi32, #tpu.memory_space<hbm>>, %arg5: memref<2x10000x128xf32, #tpu.memory_space<hbm>>, %arg6: memref<2x10000x16xf32, #tpu.memory_space<hbm>>, %arg7: memref<3x80xi32, #tpu.memory_space<vmem>>, %arg8: memref<3x80xi32, #tpu.memory_space<vmem>>, %arg9: memref<80xi32, #tpu.memory_space<vmem>>, %arg10: memref<80xi32, #tpu.memory_space<vmem>>, %arg11: memref<80xi32, #tpu.memory_space<vmem>>, %arg12: memref<80xi32, #tpu.memory_space<vmem>>, %arg13: memref<80x16xf32, #tpu.memory_space<vmem>>, %arg14: memref<80x16xf32, #tpu.memory_space<vmem>>, %arg15: memref<80x16xf32, #tpu.memory_space<vmem>>, %arg16: memref<80x16xf32, #tpu.memory_space<vmem>>, %arg17: memref<80x128xf32, #tpu.memory_space<vmem>>, %arg18: memref<80x128xf32, #tpu.memory_space<vmem>>, %arg19: memref<80xf32, #tpu.memory_space<vmem>>, %arg20: memref<80x16xf32, #tpu.memory_space<vmem>>, %arg21: memref<!tpu.dma_semaphore, #tpu.memory_space<semaphore_mem>>, %arg22: memref<!tpu.dma_semaphore, #tpu.memory_space<semaphore_mem>>, %arg23: memref<!tpu.dma_semaphore, #tpu.memory_space<semaphore_mem>>, %arg24: memref<!tpu.dma_semaphore, #tpu.memory_space<semaphore_mem>>, %arg25: memref<10000x128xf32, #tpu.memory_space<vmem_shared>>, %arg26: memref<10000x16xf32, #tpu.memory_space<vmem_shared>>) attributes {dimension_semantics = [#tpu.dimension_semantics<core_parallel>, #tpu.dimension_semantics<subcore_parallel>], iteration_bounds = array<i64: 2, 16>, scalar_prefetch = 0 : i64, scratch_operands = 20 : i64, tpu.core_type = #tpu.core_type<sc_vector_subcore>, window_params = [{transform_indices = #map}, {transform_indices = #map}, {transform_indices = #map1}, {transform_indices = #map1}, {transform_indices = #map1}]} {
    %mul3A = arith.constant 2 : i32
    %mul3A_0 = arith.muli %arg1, %mul3A : i32
    %add3A = arith.addi %mul3A_0, %arg0 : i32
    %mul3A_1 = arith.constant 125 : i32
    %mul3A_2 = arith.muli %add3A, %mul3A_1 : i32
    %broadcast_in_dim3A = arith.constant 0.000000e+00 : f32
    %broadcast_in_dim3A_3 = vector.broadcast %broadcast_in_dim3A : f32 to vector<16xf32>
    %iota3A = tpu.iota {dimensions = array<i32: 0>} : vector<16xi32>
    %eq3A = arith.constant 0 : i32
    %eq3A_4 = vector.broadcast %eq3A : i32 to vector<16xi32>
    %eq3A_5 = arith.cmpi eq, %iota3A, %eq3A_4 : vector<16xi32>
    %jit3A = arith.constant 1.000000e+00 : f32
    %jit3A_6 = arith.constant 0.000000e+00 : f32
    %broadcast_in_dim3A_7 = vector.broadcast %jit3A : f32 to vector<16xf32>
    %broadcast_in_dim3A_8 = vector.broadcast %jit3A_6 : f32 to vector<16xf32>
    %select_n3A = arith.select %eq3A_5, %broadcast_in_dim3A_7, %broadcast_in_dim3A_8 : vector<16xi1>, vector<16xf32>
    %scan3A = arith.constant 0 : i32
    %scan3A_9 = arith.constant 0 : i32
    %scan3A_10 = arith.constant 80 : i32
    %scan3A_11 = arith.addi %scan3A_9, %scan3A_10 : i32
    %scan3A_12 = arith.constant 1 : i32
    scf.for %scan3A_235 = %scan3A_9 to %scan3A_11 step %scan3A_12  : i32 {
      %swap3A_236 = arith.index_cast %scan3A_235 : i32 to index
      %swap3A_237 = arith.constant 0 : index
      %swap3A_238 = tpu.vector_load %arg17[%swap3A_236, %swap3A_237] {strides = array<i32>} : memref<80x128xf32, #tpu.memory_space<vmem>>, vector<16xf32>,
      tpu.vector_store %arg17[%swap3A_236, %swap3A_237], %broadcast_in_dim3A_3 {strides = array<i32>} : memref<80x128xf32, #tpu.memory_space<vmem>>, vector<16xf32>,
      %swap3A_239 = arith.index_cast %scan3A_235 : i32 to index
      %swap3A_240 = arith.constant 16 : index
      %swap3A_241 = tpu.vector_load %arg17[%swap3A_239, %swap3A_240] {strides = array<i32>} : memref<80x128xf32, #tpu.memory_space<vmem>>, vector<16xf32>,
      tpu.vector_store %arg17[%swap3A_239, %swap3A_240], %broadcast_in_dim3A_3 {strides = array<i32>} : memref<80x128xf32, #tpu.memory_space<vmem>>, vector<16xf32>,
      %swap3A_242 = arith.index_cast %scan3A_235 : i32 to index
      %swap3A_243 = arith.constant 32 : index
      %swap3A_244 = tpu.vector_load %arg17[%swap3A_242, %swap3A_243] {strides = array<i32>} : memref<80x128xf32, #tpu.memory_space<vmem>>, vector<16xf32>,
      tpu.vector_store %arg17[%swap3A_242, %swap3A_243], %broadcast_in_dim3A_3 {strides = array<i32>} : memref<80x128xf32, #tpu.memory_space<vmem>>, vector<16xf32>,
      %swap3A_245 = arith.index_cast %scan3A_235 : i32 to index
      %swap3A_246 = arith.constant 48 : index
      %swap3A_247 = tpu.vector_load %arg17[%swap3A_245, %swap3A_246] {strides = array<i32>} : memref<80x128xf32, #tpu.memory_space<vmem>>, vector<16xf32>,
      tpu.vector_store %arg17[%swap3A_245, %swap3A_246], %broadcast_in_dim3A_3 {strides = array<i32>} : memref<80x128xf32, #tpu.memory_space<vmem>>, vector<16xf32>,
      %swap3A_248 = arith.index_cast %scan3A_235 : i32 to index
      %swap3A_249 = arith.constant 64 : index
      %swap3A_250 = tpu.vector_load %arg17[%swap3A_248, %swap3A_249] {strides = array<i32>} : memref<80x128xf32, #tpu.memory_space<vmem>>, vector<16xf32>,
      tpu.vector_store %arg17[%swap3A_248, %swap3A_249], %broadcast_in_dim3A_3 {strides = array<i32>} : memref<80x128xf32, #tpu.memory_space<vmem>>, vector<16xf32>,
      %swap3A_251 = arith.index_cast %scan3A_235 : i32 to index
      %swap3A_252 = arith.constant 80 : index
      %swap3A_253 = tpu.vector_load %arg17[%swap3A_251, %swap3A_252] {strides = array<i32>} : memref<80x128xf32, #tpu.memory_space<vmem>>, vector<16xf32>,
      tpu.vector_store %arg17[%swap3A_251, %swap3A_252], %broadcast_in_dim3A_3 {strides = array<i32>} : memref<80x128xf32, #tpu.memory_space<vmem>>, vector<16xf32>,
      %swap3A_254 = arith.index_cast %scan3A_235 : i32 to index
      %swap3A_255 = arith.constant 96 : index
      %swap3A_256 = tpu.vector_load %arg17[%swap3A_254, %swap3A_255] {strides = array<i32>} : memref<80x128xf32, #tpu.memory_space<vmem>>, vector<16xf32>,
      tpu.vector_store %arg17[%swap3A_254, %swap3A_255], %broadcast_in_dim3A_3 {strides = array<i32>} : memref<80x128xf32, #tpu.memory_space<vmem>>, vector<16xf32>,
      %swap3A_257 = arith.index_cast %scan3A_235 : i32 to index
      %swap3A_258 = arith.constant 112 : index
      %swap3A_259 = tpu.vector_load %arg17[%swap3A_257, %swap3A_258] {strides = array<i32>} : memref<80x128xf32, #tpu.memory_space<vmem>>, vector<16xf32>,
      tpu.vector_store %arg17[%swap3A_257, %swap3A_258], %broadcast_in_dim3A_3 {strides = array<i32>} : memref<80x128xf32, #tpu.memory_space<vmem>>, vector<16xf32>,
      %swap3A_260 = arith.index_cast %scan3A_235 : i32 to index
      %swap3A_261 = arith.constant 0 : index
      %swap3A_262 = tpu.vector_load %arg20[%swap3A_260, %swap3A_261] {strides = array<i32>} : memref<80x16xf32, #tpu.memory_space<vmem>>, vector<16xf32>,
      tpu.vector_store %arg20[%swap3A_260, %swap3A_261], %broadcast_in_dim3A_3 {strides = array<i32>} : memref<80x16xf32, #tpu.memory_space<vmem>>, vector<16xf32>,
    }
    %scan3A_13 = arith.constant 80 : i32
    %mul3A_14 = arith.constant 624 : i32
    %mul3A_15 = arith.muli %arg1, %mul3A_14 : i32
    %add3A_16 = arith.constant 0 : i32
    %add3A_17 = arith.addi %mul3A_15, %add3A_16 : i32
    "tpu.region"() ({
      %run_scoped3A = tpu.sem_alloc : memref<!tpu.dma_semaphore, #tpu.memory_space<semaphore_mem>>
      %dma_start3A_235 = arith.constant 0 : i32
      %dma_start3A_236 = tpu.memref_slice %arg25[%add3A_17, %dma_start3A_235] : memref<10000x128xf32, #tpu.memory_space<vmem_shared>> -> memref<80x128xf32, #tpu.memory_space<vmem_shared>>
      %dma_start3A_237 = arith.constant 0 : i32
      %dma_start3A_238 = tpu.memref_slice %arg25[%add3A_17, %dma_start3A_237] : memref<10000x128xf32, #tpu.memory_space<vmem_shared>> -> memref<80x128xf32, #tpu.memory_space<vmem_shared>>
      tpu.enqueue_dma source(%arg17 : memref<80x128xf32, #tpu.memory_space<vmem>>) target(%dma_start3A_238 : memref<80x128xf32, #tpu.memory_space<vmem_shared>>) target_semaphore(%run_scoped3A : memref<!tpu.dma_semaphore, #tpu.memory_space<semaphore_mem>>)
      %dma_wait3A_239 = arith.constant 0 : i32
      %dma_wait3A_240 = tpu.memref_slice %arg25[%add3A_17, %dma_wait3A_239] : memref<10000x128xf32, #tpu.memory_space<vmem_shared>> -> memref<80x128xf32, #tpu.memory_space<vmem_shared>>
      %dma_wait3A_241 = arith.constant 0 : i32
      %dma_wait3A_242 = tpu.memref_slice %arg25[%add3A_17, %dma_wait3A_241] : memref<10000x128xf32, #tpu.memory_space<vmem_shared>> -> memref<80x128xf32, #tpu.memory_space<vmem_shared>>
      tpu.wait_dma2 semaphore(%run_scoped3A : memref<!tpu.dma_semaphore, #tpu.memory_space<semaphore_mem>>) src(%arg17 : memref<80x128xf32, #tpu.memory_space<vmem>>) dst(%dma_wait3A_242 : memref<80x128xf32, #tpu.memory_space<vmem_shared>>)
      tpu.yield
    }) : () -> ()
    %add3A_18 = arith.constant 0 : i32
    %add3A_19 = arith.addi %mul3A_15, %add3A_18 : i32
    "tpu.region"() ({
      %run_scoped3A = tpu.sem_alloc : memref<!tpu.dma_semaphore, #tpu.memory_space<semaphore_mem>>
      %dma_start3A_235 = arith.constant 0 : i32
      %dma_start3A_236 = tpu.memref_slice %arg26[%add3A_19, %dma_start3A_235] : memref<10000x16xf32, #tpu.memory_space<vmem_shared>> -> memref<80x16xf32, #tpu.memory_space<vmem_shared>>
      %dma_start3A_237 = arith.constant 0 : i32
      %dma_start3A_238 = tpu.memref_slice %arg26[%add3A_19, %dma_start3A_237] : memref<10000x16xf32, #tpu.memory_space<vmem_shared>> -> memref<80x16xf32, #tpu.memory_space<vmem_shared>>
      tpu.enqueue_dma source(%arg20 : memref<80x16xf32, #tpu.memory_space<vmem>>) target(%dma_start3A_238 : memref<80x16xf32, #tpu.memory_space<vmem_shared>>) target_semaphore(%run_scoped3A : memref<!tpu.dma_semaphore, #tpu.memory_space<semaphore_mem>>)
      %dma_wait3A_239 = arith.constant 0 : i32
      %dma_wait3A_240 = tpu.memref_slice %arg26[%add3A_19, %dma_wait3A_239] : memref<10000x16xf32, #tpu.memory_space<vmem_shared>> -> memref<80x16xf32, #tpu.memory_space<vmem_shared>>
      %dma_wait3A_241 = arith.constant 0 : i32
      %dma_wait3A_242 = tpu.memref_slice %arg26[%add3A_19, %dma_wait3A_241] : memref<10000x16xf32, #tpu.memory_space<vmem_shared>> -> memref<80x16xf32, #tpu.memory_space<vmem_shared>>
      tpu.wait_dma2 semaphore(%run_scoped3A : memref<!tpu.dma_semaphore, #tpu.memory_space<semaphore_mem>>) src(%arg20 : memref<80x16xf32, #tpu.memory_space<vmem>>) dst(%dma_wait3A_242 : memref<80x16xf32, #tpu.memory_space<vmem_shared>>)
      tpu.yield
    }) : () -> ()
    %add3A_20 = arith.constant 80 : i32
    %add3A_21 = arith.addi %mul3A_15, %add3A_20 : i32
    "tpu.region"() ({
      %run_scoped3A = tpu.sem_alloc : memref<!tpu.dma_semaphore, #tpu.memory_space<semaphore_mem>>
      %dma_start3A_235 = arith.constant 0 : i32
      %dma_start3A_236 = tpu.memref_slice %arg25[%add3A_21, %dma_start3A_235] : memref<10000x128xf32, #tpu.memory_space<vmem_shared>> -> memref<80x128xf32, #tpu.memory_space<vmem_shared>>
      %dma_start3A_237 = arith.constant 0 : i32
      %dma_start3A_238 = tpu.memref_slice %arg25[%add3A_21, %dma_start3A_237] : memref<10000x128xf32, #tpu.memory_space<vmem_shared>> -> memref<80x128xf32, #tpu.memory_space<vmem_shared>>
      tpu.enqueue_dma source(%arg17 : memref<80x128xf32, #tpu.memory_space<vmem>>) target(%dma_start3A_238 : memref<80x128xf32, #tpu.memory_space<vmem_shared>>) target_semaphore(%run_scoped3A : memref<!tpu.dma_semaphore, #tpu.memory_space<semaphore_mem>>)
      %dma_wait3A_239 = arith.constant 0 : i32
      %dma_wait3A_240 = tpu.memref_slice %arg25[%add3A_21, %dma_wait3A_239] : memref<10000x128xf32, #tpu.memory_space<vmem_shared>> -> memref<80x128xf32, #tpu.memory_space<vmem_shared>>
      %dma_wait3A_241 = arith.constant 0 : i32
      %dma_wait3A_242 = tpu.memref_slice %arg25[%add3A_21, %dma_wait3A_241] : memref<10000x128xf32, #tpu.memory_space<vmem_shared>> -> memref<80x128xf32, #tpu.memory_space<vmem_shared>>
      tpu.wait_dma2 semaphore(%run_scoped3A : memref<!tpu.dma_semaphore, #tpu.memory_space<semaphore_mem>>) src(%arg17 : memref<80x128xf32, #tpu.memory_space<vmem>>) dst(%dma_wait3A_242 : memref<80x128xf32, #tpu.memory_space<vmem_shared>>)
      tpu.yield
    }) : () -> ()
    %add3A_22 = arith.constant 80 : i32
    %add3A_23 = arith.addi %mul3A_15, %add3A_22 : i32
    "tpu.region"() ({
      %run_scoped3A = tpu.sem_alloc : memref<!tpu.dma_semaphore, #tpu.memory_space<semaphore_mem>>
      %dma_start3A_235 = arith.constant 0 : i32
      %dma_start3A_236 = tpu.memref_slice %arg26[%add3A_23, %dma_start3A_235] : memref<10000x16xf32, #tpu.memory_space<vmem_shared>> -> memref<80x16xf32, #tpu.memory_space<vmem_shared>>
      %dma_start3A_237 = arith.constant 0 : i32
      %dma_start3A_238 = tpu.memref_slice %arg26[%add3A_23, %dma_start3A_237] : memref<10000x16xf32, #tpu.memory_space<vmem_shared>> -> memref<80x16xf32, #tpu.memory_space<vmem_shared>>
      tpu.enqueue_dma source(%arg20 : memref<80x16xf32, #tpu.memory_space<vmem>>) target(%dma_start3A_238 : memref<80x16xf32, #tpu.memory_space<vmem_shared>>) target_semaphore(%run_scoped3A : memref<!tpu.dma_semaphore, #tpu.memory_space<semaphore_mem>>)
      %dma_wait3A_239 = arith.constant 0 : i32
      %dma_wait3A_240 = tpu.memref_slice %arg26[%add3A_23, %dma_wait3A_239] : memref<10000x16xf32, #tpu.memory_space<vmem_shared>> -> memref<80x16xf32, #tpu.memory_space<vmem_shared>>
      %dma_wait3A_241 = arith.constant 0 : i32
      %dma_wait3A_242 = tpu.memref_slice %arg26[%add3A_23, %dma_wait3A_241] : memref<10000x16xf32, #tpu.memory_space<vmem_shared>> -> memref<80x16xf32, #tpu.memory_space<vmem_shared>>
      tpu.wait_dma2 semaphore(%run_scoped3A : memref<!tpu.dma_semaphore, #tpu.memory_space<semaphore_mem>>) src(%arg20 : memref<80x16xf32, #tpu.memory_space<vmem>>) dst(%dma_wait3A_242 : memref<80x16xf32, #tpu.memory_space<vmem_shared>>)
      tpu.yield
    }) : () -> ()
    %add3A_24 = arith.constant 160 : i32
    %add3A_25 = arith.addi %mul3A_15, %add3A_24 : i32
    "tpu.region"() ({
      %run_scoped3A = tpu.sem_alloc : memref<!tpu.dma_semaphore, #tpu.memory_space<semaphore_mem>>
      %dma_start3A_235 = arith.constant 0 : i32
      %dma_start3A_236 = tpu.memref_slice %arg25[%add3A_25, %dma_start3A_235] : memref<10000x128xf32, #tpu.memory_space<vmem_shared>> -> memref<80x128xf32, #tpu.memory_space<vmem_shared>>
      %dma_start3A_237 = arith.constant 0 : i32
      %dma_start3A_238 = tpu.memref_slice %arg25[%add3A_25, %dma_start3A_237] : memref<10000x128xf32, #tpu.memory_space<vmem_shared>> -> memref<80x128xf32, #tpu.memory_space<vmem_shared>>
      tpu.enqueue_dma source(%arg17 : memref<80x128xf32, #tpu.memory_space<vmem>>) target(%dma_start3A_238 : memref<80x128xf32, #tpu.memory_space<vmem_shared>>) target_semaphore(%run_scoped3A : memref<!tpu.dma_semaphore, #tpu.memory_space<semaphore_mem>>)
      %dma_wait3A_239 = arith.constant 0 : i32
      %dma_wait3A_240 = tpu.memref_slice %arg25[%add3A_25, %dma_wait3A_239] : memref<10000x128xf32, #tpu.memory_space<vmem_shared>> -> memref<80x128xf32, #tpu.memory_space<vmem_shared>>
      %dma_wait3A_241 = arith.constant 0 : i32
      %dma_wait3A_242 = tpu.memref_slice %arg25[%add3A_25, %dma_wait3A_241] : memref<10000x128xf32, #tpu.memory_space<vmem_shared>> -> memref<80x128xf32, #tpu.memory_space<vmem_shared>>
      tpu.wait_dma2 semaphore(%run_scoped3A : memref<!tpu.dma_semaphore, #tpu.memory_space<semaphore_mem>>) src(%arg17 : memref<80x128xf32, #tpu.memory_space<vmem>>) dst(%dma_wait3A_242 : memref<80x128xf32, #tpu.memory_space<vmem_shared>>)
      tpu.yield
    }) : () -> ()
    %add3A_26 = arith.constant 160 : i32
    %add3A_27 = arith.addi %mul3A_15, %add3A_26 : i32
    "tpu.region"() ({
      %run_scoped3A = tpu.sem_alloc : memref<!tpu.dma_semaphore, #tpu.memory_space<semaphore_mem>>
      %dma_start3A_235 = arith.constant 0 : i32
      %dma_start3A_236 = tpu.memref_slice %arg26[%add3A_27, %dma_start3A_235] : memref<10000x16xf32, #tpu.memory_space<vmem_shared>> -> memref<80x16xf32, #tpu.memory_space<vmem_shared>>
      %dma_start3A_237 = arith.constant 0 : i32
      %dma_start3A_238 = tpu.memref_slice %arg26[%add3A_27, %dma_start3A_237] : memref<10000x16xf32, #tpu.memory_space<vmem_shared>> -> memref<80x16xf32, #tpu.memory_space<vmem_shared>>
      tpu.enqueue_dma source(%arg20 : memref<80x16xf32, #tpu.memory_space<vmem>>) target(%dma_start3A_238 : memref<80x16xf32, #tpu.memory_space<vmem_shared>>) target_semaphore(%run_scoped3A : memref<!tpu.dma_semaphore, #tpu.memory_space<semaphore_mem>>)
      %dma_wait3A_239 = arith.constant 0 : i32
      %dma_wait3A_240 = tpu.memref_slice %arg26[%add3A_27, %dma_wait3A_239] : memref<10000x16xf32, #tpu.memory_space<vmem_shared>> -> memref<80x16xf32, #tpu.memory_space<vmem_shared>>
      %dma_wait3A_241 = arith.constant 0 : i32
      %dma_wait3A_242 = tpu.memref_slice %arg26[%add3A_27, %dma_wait3A_241] : memref<10000x16xf32, #tpu.memory_space<vmem_shared>> -> memref<80x16xf32, #tpu.memory_space<vmem_shared>>
      tpu.wait_dma2 semaphore(%run_scoped3A : memref<!tpu.dma_semaphore, #tpu.memory_space<semaphore_mem>>) src(%arg20 : memref<80x16xf32, #tpu.memory_space<vmem>>) dst(%dma_wait3A_242 : memref<80x16xf32, #tpu.memory_space<vmem_shared>>)
      tpu.yield
    }) : () -> ()
    %add3A_28 = arith.constant 240 : i32
    %add3A_29 = arith.addi %mul3A_15, %add3A_28 : i32
    "tpu.region"() ({
      %run_scoped3A = tpu.sem_alloc : memref<!tpu.dma_semaphore, #tpu.memory_space<semaphore_mem>>
      %dma_start3A_235 = arith.constant 0 : i32
      %dma_start3A_236 = tpu.memref_slice %arg25[%add3A_29, %dma_start3A_235] : memref<10000x128xf32, #tpu.memory_space<vmem_shared>> -> memref<80x128xf32, #tpu.memory_space<vmem_shared>>
      %dma_start3A_237 = arith.constant 0 : i32
      %dma_start3A_238 = tpu.memref_slice %arg25[%add3A_29, %dma_start3A_237] : memref<10000x128xf32, #tpu.memory_space<vmem_shared>> -> memref<80x128xf32, #tpu.memory_space<vmem_shared>>
      tpu.enqueue_dma source(%arg17 : memref<80x128xf32, #tpu.memory_space<vmem>>) target(%dma_start3A_238 : memref<80x128xf32, #tpu.memory_space<vmem_shared>>) target_semaphore(%run_scoped3A : memref<!tpu.dma_semaphore, #tpu.memory_space<semaphore_mem>>)
      %dma_wait3A_239 = arith.constant 0 : i32
      %dma_wait3A_240 = tpu.memref_slice %arg25[%add3A_29, %dma_wait3A_239] : memref<10000x128xf32, #tpu.memory_space<vmem_shared>> -> memref<80x128xf32, #tpu.memory_space<vmem_shared>>
      %dma_wait3A_241 = arith.constant 0 : i32
      %dma_wait3A_242 = tpu.memref_slice %arg25[%add3A_29, %dma_wait3A_241] : memref<10000x128xf32, #tpu.memory_space<vmem_shared>> -> memref<80x128xf32, #tpu.memory_space<vmem_shared>>
      tpu.wait_dma2 semaphore(%run_scoped3A : memref<!tpu.dma_semaphore, #tpu.memory_space<semaphore_mem>>) src(%arg17 : memref<80x128xf32, #tpu.memory_space<vmem>>) dst(%dma_wait3A_242 : memref<80x128xf32, #tpu.memory_space<vmem_shared>>)
      tpu.yield
    }) : () -> ()
    %add3A_30 = arith.constant 240 : i32
    %add3A_31 = arith.addi %mul3A_15, %add3A_30 : i32
    "tpu.region"() ({
      %run_scoped3A = tpu.sem_alloc : memref<!tpu.dma_semaphore, #tpu.memory_space<semaphore_mem>>
      %dma_start3A_235 = arith.constant 0 : i32
      %dma_start3A_236 = tpu.memref_slice %arg26[%add3A_31, %dma_start3A_235] : memref<10000x16xf32, #tpu.memory_space<vmem_shared>> -> memref<80x16xf32, #tpu.memory_space<vmem_shared>>
      %dma_start3A_237 = arith.constant 0 : i32
      %dma_start3A_238 = tpu.memref_slice %arg26[%add3A_31, %dma_start3A_237] : memref<10000x16xf32, #tpu.memory_space<vmem_shared>> -> memref<80x16xf32, #tpu.memory_space<vmem_shared>>
      tpu.enqueue_dma source(%arg20 : memref<80x16xf32, #tpu.memory_space<vmem>>) target(%dma_start3A_238 : memref<80x16xf32, #tpu.memory_space<vmem_shared>>) target_semaphore(%run_scoped3A : memref<!tpu.dma_semaphore, #tpu.memory_space<semaphore_mem>>)
      %dma_wait3A_239 = arith.constant 0 : i32
      %dma_wait3A_240 = tpu.memref_slice %arg26[%add3A_31, %dma_wait3A_239] : memref<10000x16xf32, #tpu.memory_space<vmem_shared>> -> memref<80x16xf32, #tpu.memory_space<vmem_shared>>
      %dma_wait3A_241 = arith.constant 0 : i32
      %dma_wait3A_242 = tpu.memref_slice %arg26[%add3A_31, %dma_wait3A_241] : memref<10000x16xf32, #tpu.memory_space<vmem_shared>> -> memref<80x16xf32, #tpu.memory_space<vmem_shared>>
      tpu.wait_dma2 semaphore(%run_scoped3A : memref<!tpu.dma_semaphore, #tpu.memory_space<semaphore_mem>>) src(%arg20 : memref<80x16xf32, #tpu.memory_space<vmem>>) dst(%dma_wait3A_242 : memref<80x16xf32, #tpu.memory_space<vmem_shared>>)
      tpu.yield
    }) : () -> ()
    %add3A_32 = arith.constant 320 : i32
    %add3A_33 = arith.addi %mul3A_15, %add3A_32 : i32
    "tpu.region"() ({
      %run_scoped3A = tpu.sem_alloc : memref<!tpu.dma_semaphore, #tpu.memory_space<semaphore_mem>>
      %dma_start3A_235 = arith.constant 0 : i32
      %dma_start3A_236 = tpu.memref_slice %arg25[%add3A_33, %dma_start3A_235] : memref<10000x128xf32, #tpu.memory_space<vmem_shared>> -> memref<80x128xf32, #tpu.memory_space<vmem_shared>>
      %dma_start3A_237 = arith.constant 0 : i32
      %dma_start3A_238 = tpu.memref_slice %arg25[%add3A_33, %dma_start3A_237] : memref<10000x128xf32, #tpu.memory_space<vmem_shared>> -> memref<80x128xf32, #tpu.memory_space<vmem_shared>>
      tpu.enqueue_dma source(%arg17 : memref<80x128xf32, #tpu.memory_space<vmem>>) target(%dma_start3A_238 : memref<80x128xf32, #tpu.memory_space<vmem_shared>>) target_semaphore(%run_scoped3A : memref<!tpu.dma_semaphore, #tpu.memory_space<semaphore_mem>>)
      %dma_wait3A_239 = arith.constant 0 : i32
      %dma_wait3A_240 = tpu.memref_slice %arg25[%add3A_33, %dma_wait3A_239] : memref<10000x128xf32, #tpu.memory_space<vmem_shared>> -> memref<80x128xf32, #tpu.memory_space<vmem_shared>>
      %dma_wait3A_241 = arith.constant 0 : i32
      %dma_wait3A_242 = tpu.memref_slice %arg25[%add3A_33, %dma_wait3A_241] : memref<10000x128xf32, #tpu.memory_space<vmem_shared>> -> memref<80x128xf32, #tpu.memory_space<vmem_shared>>
      tpu.wait_dma2 semaphore(%run_scoped3A : memref<!tpu.dma_semaphore, #tpu.memory_space<semaphore_mem>>) src(%arg17 : memref<80x128xf32, #tpu.memory_space<vmem>>) dst(%dma_wait3A_242 : memref<80x128xf32, #tpu.memory_space<vmem_shared>>)
      tpu.yield
    }) : () -> ()
    %add3A_34 = arith.constant 320 : i32
    %add3A_35 = arith.addi %mul3A_15, %add3A_34 : i32
    "tpu.region"() ({
      %run_scoped3A = tpu.sem_alloc : memref<!tpu.dma_semaphore, #tpu.memory_space<semaphore_mem>>
      %dma_start3A_235 = arith.constant 0 : i32
      %dma_start3A_236 = tpu.memref_slice %arg26[%add3A_35, %dma_start3A_235] : memref<10000x16xf32, #tpu.memory_space<vmem_shared>> -> memref<80x16xf32, #tpu.memory_space<vmem_shared>>
      %dma_start3A_237 = arith.constant 0 : i32
      %dma_start3A_238 = tpu.memref_slice %arg26[%add3A_35, %dma_start3A_237] : memref<10000x16xf32, #tpu.memory_space<vmem_shared>> -> memref<80x16xf32, #tpu.memory_space<vmem_shared>>
      tpu.enqueue_dma source(%arg20 : memref<80x16xf32, #tpu.memory_space<vmem>>) target(%dma_start3A_238 : memref<80x16xf32, #tpu.memory_space<vmem_shared>>) target_semaphore(%run_scoped3A : memref<!tpu.dma_semaphore, #tpu.memory_space<semaphore_mem>>)
      %dma_wait3A_239 = arith.constant 0 : i32
      %dma_wait3A_240 = tpu.memref_slice %arg26[%add3A_35, %dma_wait3A_239] : memref<10000x16xf32, #tpu.memory_space<vmem_shared>> -> memref<80x16xf32, #tpu.memory_space<vmem_shared>>
      %dma_wait3A_241 = arith.constant 0 : i32
      %dma_wait3A_242 = tpu.memref_slice %arg26[%add3A_35, %dma_wait3A_241] : memref<10000x16xf32, #tpu.memory_space<vmem_shared>> -> memref<80x16xf32, #tpu.memory_space<vmem_shared>>
      tpu.wait_dma2 semaphore(%run_scoped3A : memref<!tpu.dma_semaphore, #tpu.memory_space<semaphore_mem>>) src(%arg20 : memref<80x16xf32, #tpu.memory_space<vmem>>) dst(%dma_wait3A_242 : memref<80x16xf32, #tpu.memory_space<vmem_shared>>)
      tpu.yield
    }) : () -> ()
    %add3A_36 = arith.constant 400 : i32
    %add3A_37 = arith.addi %mul3A_15, %add3A_36 : i32
    "tpu.region"() ({
      %run_scoped3A = tpu.sem_alloc : memref<!tpu.dma_semaphore, #tpu.memory_space<semaphore_mem>>
      %dma_start3A_235 = arith.constant 0 : i32
      %dma_start3A_236 = tpu.memref_slice %arg25[%add3A_37, %dma_start3A_235] : memref<10000x128xf32, #tpu.memory_space<vmem_shared>> -> memref<80x128xf32, #tpu.memory_space<vmem_shared>>
      %dma_start3A_237 = arith.constant 0 : i32
      %dma_start3A_238 = tpu.memref_slice %arg25[%add3A_37, %dma_start3A_237] : memref<10000x128xf32, #tpu.memory_space<vmem_shared>> -> memref<80x128xf32, #tpu.memory_space<vmem_shared>>
      tpu.enqueue_dma source(%arg17 : memref<80x128xf32, #tpu.memory_space<vmem>>) target(%dma_start3A_238 : memref<80x128xf32, #tpu.memory_space<vmem_shared>>) target_semaphore(%run_scoped3A : memref<!tpu.dma_semaphore, #tpu.memory_space<semaphore_mem>>)
      %dma_wait3A_239 = arith.constant 0 : i32
      %dma_wait3A_240 = tpu.memref_slice %arg25[%add3A_37, %dma_wait3A_239] : memref<10000x128xf32, #tpu.memory_space<vmem_shared>> -> memref<80x128xf32, #tpu.memory_space<vmem_shared>>
      %dma_wait3A_241 = arith.constant 0 : i32
      %dma_wait3A_242 = tpu.memref_slice %arg25[%add3A_37, %dma_wait3A_241] : memref<10000x128xf32, #tpu.memory_space<vmem_shared>> -> memref<80x128xf32, #tpu.memory_space<vmem_shared>>
      tpu.wait_dma2 semaphore(%run_scoped3A : memref<!tpu.dma_semaphore, #tpu.memory_space<semaphore_mem>>) src(%arg17 : memref<80x128xf32, #tpu.memory_space<vmem>>) dst(%dma_wait3A_242 : memref<80x128xf32, #tpu.memory_space<vmem_shared>>)
      tpu.yield
    }) : () -> ()
    %add3A_38 = arith.constant 400 : i32
    %add3A_39 = arith.addi %mul3A_15, %add3A_38 : i32
    "tpu.region"() ({
      %run_scoped3A = tpu.sem_alloc : memref<!tpu.dma_semaphore, #tpu.memory_space<semaphore_mem>>
      %dma_start3A_235 = arith.constant 0 : i32
      %dma_start3A_236 = tpu.memref_slice %arg26[%add3A_39, %dma_start3A_235] : memref<10000x16xf32, #tpu.memory_space<vmem_shared>> -> memref<80x16xf32, #tpu.memory_space<vmem_shared>>
      %dma_start3A_237 = arith.constant 0 : i32
      %dma_start3A_238 = tpu.memref_slice %arg26[%add3A_39, %dma_start3A_237] : memref<10000x16xf32, #tpu.memory_space<vmem_shared>> -> memref<80x16xf32, #tpu.memory_space<vmem_shared>>
      tpu.enqueue_dma source(%arg20 : memref<80x16xf32, #tpu.memory_space<vmem>>) target(%dma_start3A_238 : memref<80x16xf32, #tpu.memory_space<vmem_shared>>) target_semaphore(%run_scoped3A : memref<!tpu.dma_semaphore, #tpu.memory_space<semaphore_mem>>)
      %dma_wait3A_239 = arith.constant 0 : i32
      %dma_wait3A_240 = tpu.memref_slice %arg26[%add3A_39, %dma_wait3A_239] : memref<10000x16xf32, #tpu.memory_space<vmem_shared>> -> memref<80x16xf32, #tpu.memory_space<vmem_shared>>
      %dma_wait3A_241 = arith.constant 0 : i32
      %dma_wait3A_242 = tpu.memref_slice %arg26[%add3A_39, %dma_wait3A_241] : memref<10000x16xf32, #tpu.memory_space<vmem_shared>> -> memref<80x16xf32, #tpu.memory_space<vmem_shared>>
      tpu.wait_dma2 semaphore(%run_scoped3A : memref<!tpu.dma_semaphore, #tpu.memory_space<semaphore_mem>>) src(%arg20 : memref<80x16xf32, #tpu.memory_space<vmem>>) dst(%dma_wait3A_242 : memref<80x16xf32, #tpu.memory_space<vmem_shared>>)
      tpu.yield
    }) : () -> ()
    %add3A_40 = arith.constant 480 : i32
    %add3A_41 = arith.addi %mul3A_15, %add3A_40 : i32
    "tpu.region"() ({
      %run_scoped3A = tpu.sem_alloc : memref<!tpu.dma_semaphore, #tpu.memory_space<semaphore_mem>>
      %dma_start3A_235 = arith.constant 0 : i32
      %dma_start3A_236 = tpu.memref_slice %arg25[%add3A_41, %dma_start3A_235] : memref<10000x128xf32, #tpu.memory_space<vmem_shared>> -> memref<80x128xf32, #tpu.memory_space<vmem_shared>>
      %dma_start3A_237 = arith.constant 0 : i32
      %dma_start3A_238 = tpu.memref_slice %arg25[%add3A_41, %dma_start3A_237] : memref<10000x128xf32, #tpu.memory_space<vmem_shared>> -> memref<80x128xf32, #tpu.memory_space<vmem_shared>>
      tpu.enqueue_dma source(%arg17 : memref<80x128xf32, #tpu.memory_space<vmem>>) target(%dma_start3A_238 : memref<80x128xf32, #tpu.memory_space<vmem_shared>>) target_semaphore(%run_scoped3A : memref<!tpu.dma_semaphore, #tpu.memory_space<semaphore_mem>>)
      %dma_wait3A_239 = arith.constant 0 : i32
      %dma_wait3A_240 = tpu.memref_slice %arg25[%add3A_41, %dma_wait3A_239] : memref<10000x128xf32, #tpu.memory_space<vmem_shared>> -> memref<80x128xf32, #tpu.memory_space<vmem_shared>>
      %dma_wait3A_241 = arith.constant 0 : i32
      %dma_wait3A_242 = tpu.memref_slice %arg25[%add3A_41, %dma_wait3A_241] : memref<10000x128xf32, #tpu.memory_space<vmem_shared>> -> memref<80x128xf32, #tpu.memory_space<vmem_shared>>
      tpu.wait_dma2 semaphore(%run_scoped3A : memref<!tpu.dma_semaphore, #tpu.memory_space<semaphore_mem>>) src(%arg17 : memref<80x128xf32, #tpu.memory_space<vmem>>) dst(%dma_wait3A_242 : memref<80x128xf32, #tpu.memory_space<vmem_shared>>)
      tpu.yield
    }) : () -> ()
    %add3A_42 = arith.constant 480 : i32
    %add3A_43 = arith.addi %mul3A_15, %add3A_42 : i32
    "tpu.region"() ({
      %run_scoped3A = tpu.sem_alloc : memref<!tpu.dma_semaphore, #tpu.memory_space<semaphore_mem>>
      %dma_start3A_235 = arith.constant 0 : i32
      %dma_start3A_236 = tpu.memref_slice %arg26[%add3A_43, %dma_start3A_235] : memref<10000x16xf32, #tpu.memory_space<vmem_shared>> -> memref<80x16xf32, #tpu.memory_space<vmem_shared>>
      %dma_start3A_237 = arith.constant 0 : i32
      %dma_start3A_238 = tpu.memref_slice %arg26[%add3A_43, %dma_start3A_237] : memref<10000x16xf32, #tpu.memory_space<vmem_shared>> -> memref<80x16xf32, #tpu.memory_space<vmem_shared>>
      tpu.enqueue_dma source(%arg20 : memref<80x16xf32, #tpu.memory_space<vmem>>) target(%dma_start3A_238 : memref<80x16xf32, #tpu.memory_space<vmem_shared>>) target_semaphore(%run_scoped3A : memref<!tpu.dma_semaphore, #tpu.memory_space<semaphore_mem>>)
      %dma_wait3A_239 = arith.constant 0 : i32
      %dma_wait3A_240 = tpu.memref_slice %arg26[%add3A_43, %dma_wait3A_239] : memref<10000x16xf32, #tpu.memory_space<vmem_shared>> -> memref<80x16xf32, #tpu.memory_space<vmem_shared>>
      %dma_wait3A_241 = arith.constant 0 : i32
      %dma_wait3A_242 = tpu.memref_slice %arg26[%add3A_43, %dma_wait3A_241] : memref<10000x16xf32, #tpu.memory_space<vmem_shared>> -> memref<80x16xf32, #tpu.memory_space<vmem_shared>>
      tpu.wait_dma2 semaphore(%run_scoped3A : memref<!tpu.dma_semaphore, #tpu.memory_space<semaphore_mem>>) src(%arg20 : memref<80x16xf32, #tpu.memory_space<vmem>>) dst(%dma_wait3A_242 : memref<80x16xf32, #tpu.memory_space<vmem_shared>>)
      tpu.yield
    }) : () -> ()
    %add3A_44 = arith.constant 560 : i32
    %add3A_45 = arith.addi %mul3A_15, %add3A_44 : i32
    "tpu.region"() ({
      %run_scoped3A = tpu.sem_alloc : memref<!tpu.dma_semaphore, #tpu.memory_space<semaphore_mem>>
      %dma_start3A_235 = arith.constant 0 : i32
      %dma_start3A_236 = arith.constant 0 : i32
      %dma_start3A_237 = tpu.memref_slice %arg17[%dma_start3A_235, %dma_start3A_236] : memref<80x128xf32, #tpu.memory_space<vmem>> -> memref<64x128xf32, #tpu.memory_space<vmem>>
      %dma_start3A_238 = arith.constant 0 : i32
      %dma_start3A_239 = tpu.memref_slice %arg25[%add3A_45, %dma_start3A_238] : memref<10000x128xf32, #tpu.memory_space<vmem_shared>> -> memref<64x128xf32, #tpu.memory_space<vmem_shared>>
      %dma_start3A_240 = arith.constant 0 : i32
      %dma_start3A_241 = tpu.memref_slice %arg25[%add3A_45, %dma_start3A_240] : memref<10000x128xf32, #tpu.memory_space<vmem_shared>> -> memref<64x128xf32, #tpu.memory_space<vmem_shared>>
      %dma_start3A_242 = arith.constant 0 : i32
      %dma_start3A_243 = arith.constant 0 : i32
      %dma_start3A_244 = tpu.memref_slice %arg17[%dma_start3A_242, %dma_start3A_243] : memref<80x128xf32, #tpu.memory_space<vmem>> -> memref<64x128xf32, #tpu.memory_space<vmem>>
      tpu.enqueue_dma source(%dma_start3A_244 : memref<64x128xf32, #tpu.memory_space<vmem>>) target(%dma_start3A_241 : memref<64x128xf32, #tpu.memory_space<vmem_shared>>) target_semaphore(%run_scoped3A : memref<!tpu.dma_semaphore, #tpu.memory_space<semaphore_mem>>)
      %dma_wait3A_245 = arith.constant 0 : i32
      %dma_wait3A_246 = arith.constant 0 : i32
      %dma_wait3A_247 = tpu.memref_slice %arg17[%dma_wait3A_245, %dma_wait3A_246] : memref<80x128xf32, #tpu.memory_space<vmem>> -> memref<64x128xf32, #tpu.memory_space<vmem>>
      %dma_wait3A_248 = arith.constant 0 : i32
      %dma_wait3A_249 = tpu.memref_slice %arg25[%add3A_45, %dma_wait3A_248] : memref<10000x128xf32, #tpu.memory_space<vmem_shared>> -> memref<64x128xf32, #tpu.memory_space<vmem_shared>>
      %dma_wait3A_250 = arith.constant 0 : i32
      %dma_wait3A_251 = tpu.memref_slice %arg25[%add3A_45, %dma_wait3A_250] : memref<10000x128xf32, #tpu.memory_space<vmem_shared>> -> memref<64x128xf32, #tpu.memory_space<vmem_shared>>
      %dma_wait3A_252 = arith.constant 0 : i32
      %dma_wait3A_253 = arith.constant 0 : i32
      %dma_wait3A_254 = tpu.memref_slice %arg17[%dma_wait3A_252, %dma_wait3A_253] : memref<80x128xf32, #tpu.memory_space<vmem>> -> memref<64x128xf32, #tpu.memory_space<vmem>>
      tpu.wait_dma2 semaphore(%run_scoped3A : memref<!tpu.dma_semaphore, #tpu.memory_space<semaphore_mem>>) src(%dma_wait3A_254 : memref<64x128xf32, #tpu.memory_space<vmem>>) dst(%dma_wait3A_251 : memref<64x128xf32, #tpu.memory_space<vmem_shared>>)
      tpu.yield
    }) : () -> ()
    %add3A_46 = arith.constant 560 : i32
    %add3A_47 = arith.addi %mul3A_15, %add3A_46 : i32
    "tpu.region"() ({
      %run_scoped3A = tpu.sem_alloc : memref<!tpu.dma_semaphore, #tpu.memory_space<semaphore_mem>>
      %dma_start3A_235 = arith.constant 0 : i32
      %dma_start3A_236 = arith.constant 0 : i32
      %dma_start3A_237 = tpu.memref_slice %arg20[%dma_start3A_235, %dma_start3A_236] : memref<80x16xf32, #tpu.memory_space<vmem>> -> memref<64x16xf32, #tpu.memory_space<vmem>>
      %dma_start3A_238 = arith.constant 0 : i32
      %dma_start3A_239 = tpu.memref_slice %arg26[%add3A_47, %dma_start3A_238] : memref<10000x16xf32, #tpu.memory_space<vmem_shared>> -> memref<64x16xf32, #tpu.memory_space<vmem_shared>>
      %dma_start3A_240 = arith.constant 0 : i32
      %dma_start3A_241 = tpu.memref_slice %arg26[%add3A_47, %dma_start3A_240] : memref<10000x16xf32, #tpu.memory_space<vmem_shared>> -> memref<64x16xf32, #tpu.memory_space<vmem_shared>>
      %dma_start3A_242 = arith.constant 0 : i32
      %dma_start3A_243 = arith.constant 0 : i32
      %dma_start3A_244 = tpu.memref_slice %arg20[%dma_start3A_242, %dma_start3A_243] : memref<80x16xf32, #tpu.memory_space<vmem>> -> memref<64x16xf32, #tpu.memory_space<vmem>>
      tpu.enqueue_dma source(%dma_start3A_244 : memref<64x16xf32, #tpu.memory_space<vmem>>) target(%dma_start3A_241 : memref<64x16xf32, #tpu.memory_space<vmem_shared>>) target_semaphore(%run_scoped3A : memref<!tpu.dma_semaphore, #tpu.memory_space<semaphore_mem>>)
      %dma_wait3A_245 = arith.constant 0 : i32
      %dma_wait3A_246 = arith.constant 0 : i32
      %dma_wait3A_247 = tpu.memref_slice %arg20[%dma_wait3A_245, %dma_wait3A_246] : memref<80x16xf32, #tpu.memory_space<vmem>> -> memref<64x16xf32, #tpu.memory_space<vmem>>
      %dma_wait3A_248 = arith.constant 0 : i32
      %dma_wait3A_249 = tpu.memref_slice %arg26[%add3A_47, %dma_wait3A_248] : memref<10000x16xf32, #tpu.memory_space<vmem_shared>> -> memref<64x16xf32, #tpu.memory_space<vmem_shared>>
      %dma_wait3A_250 = arith.constant 0 : i32
      %dma_wait3A_251 = tpu.memref_slice %arg26[%add3A_47, %dma_wait3A_250] : memref<10000x16xf32, #tpu.memory_space<vmem_shared>> -> memref<64x16xf32, #tpu.memory_space<vmem_shared>>
      %dma_wait3A_252 = arith.constant 0 : i32
      %dma_wait3A_253 = arith.constant 0 : i32
      %dma_wait3A_254 = tpu.memref_slice %arg20[%dma_wait3A_252, %dma_wait3A_253] : memref<80x16xf32, #tpu.memory_space<vmem>> -> memref<64x16xf32, #tpu.memory_space<vmem>>
      tpu.wait_dma2 semaphore(%run_scoped3A : memref<!tpu.dma_semaphore, #tpu.memory_space<semaphore_mem>>) src(%dma_wait3A_254 : memref<64x16xf32, #tpu.memory_space<vmem>>) dst(%dma_wait3A_251 : memref<64x16xf32, #tpu.memory_space<vmem_shared>>)
      tpu.yield
    }) : () -> ()
    %eq3A_48 = arith.constant 0 : i32
    %eq3A_49 = arith.cmpi eq, %arg1, %eq3A_48 : i32
    %convert_element_type3A = arith.extui %eq3A_49 : i1 to i32
    %cond3A = arith.constant 0 : i32
    %cond3A_50 = arith.cmpi ne, %convert_element_type3A, %cond3A : i32
    scf.if %cond3A_50 {
      "tpu.region"() ({
        %run_scoped3A = tpu.sem_alloc : memref<!tpu.dma_semaphore, #tpu.memory_space<semaphore_mem>>
        %dma_start3A_235 = arith.constant 0 : i32
        %dma_start3A_236 = arith.constant 0 : i32
        %dma_start3A_237 = tpu.memref_slice %arg17[%dma_start3A_235, %dma_start3A_236] : memref<80x128xf32, #tpu.memory_space<vmem>> -> memref<16x128xf32, #tpu.memory_space<vmem>>
        %dma_start3A_238 = arith.constant 9984 : i32
        %dma_start3A_239 = arith.constant 0 : i32
        %dma_start3A_240 = tpu.memref_slice %arg25[%dma_start3A_238, %dma_start3A_239] : memref<10000x128xf32, #tpu.memory_space<vmem_shared>> -> memref<16x128xf32, #tpu.memory_space<vmem_shared>>
        %dma_start3A_241 = arith.constant 9984 : i32
        %dma_start3A_242 = arith.constant 0 : i32
        %dma_start3A_243 = tpu.memref_slice %arg25[%dma_start3A_241, %dma_start3A_242] : memref<10000x128xf32, #tpu.memory_space<vmem_shared>> -> memref<16x128xf32, #tpu.memory_space<vmem_shared>>
        %dma_start3A_244 = arith.constant 0 : i32
        %dma_start3A_245 = arith.constant 0 : i32
        %dma_start3A_246 = tpu.memref_slice %arg17[%dma_start3A_244, %dma_start3A_245] : memref<80x128xf32, #tpu.memory_space<vmem>> -> memref<16x128xf32, #tpu.memory_space<vmem>>
        tpu.enqueue_dma source(%dma_start3A_246 : memref<16x128xf32, #tpu.memory_space<vmem>>) target(%dma_start3A_243 : memref<16x128xf32, #tpu.memory_space<vmem_shared>>) target_semaphore(%run_scoped3A : memref<!tpu.dma_semaphore, #tpu.memory_space<semaphore_mem>>)
        %dma_wait3A_247 = arith.constant 0 : i32
        %dma_wait3A_248 = arith.constant 0 : i32
        %dma_wait3A_249 = tpu.memref_slice %arg17[%dma_wait3A_247, %dma_wait3A_248] : memref<80x128xf32, #tpu.memory_space<vmem>> -> memref<16x128xf32, #tpu.memory_space<vmem>>
        %dma_wait3A_250 = arith.constant 9984 : i32
        %dma_wait3A_251 = arith.constant 0 : i32
        %dma_wait3A_252 = tpu.memref_slice %arg25[%dma_wait3A_250, %dma_wait3A_251] : memref<10000x128xf32, #tpu.memory_space<vmem_shared>> -> memref<16x128xf32, #tpu.memory_space<vmem_shared>>
        %dma_wait3A_253 = arith.constant 9984 : i32
        %dma_wait3A_254 = arith.constant 0 : i32
        %dma_wait3A_255 = tpu.memref_slice %arg25[%dma_wait3A_253, %dma_wait3A_254] : memref<10000x128xf32, #tpu.memory_space<vmem_shared>> -> memref<16x128xf32, #tpu.memory_space<vmem_shared>>
        %dma_wait3A_256 = arith.constant 0 : i32
        %dma_wait3A_257 = arith.constant 0 : i32
        %dma_wait3A_258 = tpu.memref_slice %arg17[%dma_wait3A_256, %dma_wait3A_257] : memref<80x128xf32, #tpu.memory_space<vmem>> -> memref<16x128xf32, #tpu.memory_space<vmem>>
        tpu.wait_dma2 semaphore(%run_scoped3A : memref<!tpu.dma_semaphore, #tpu.memory_space<semaphore_mem>>) src(%dma_wait3A_258 : memref<16x128xf32, #tpu.memory_space<vmem>>) dst(%dma_wait3A_255 : memref<16x128xf32, #tpu.memory_space<vmem_shared>>)
        tpu.yield
      }) : () -> ()
      "tpu.region"() ({
        %run_scoped3A = tpu.sem_alloc : memref<!tpu.dma_semaphore, #tpu.memory_space<semaphore_mem>>
        %dma_start3A_235 = arith.constant 0 : i32
        %dma_start3A_236 = arith.constant 0 : i32
        %dma_start3A_237 = tpu.memref_slice %arg20[%dma_start3A_235, %dma_start3A_236] : memref<80x16xf32, #tpu.memory_space<vmem>> -> memref<16x16xf32, #tpu.memory_space<vmem>>
        %dma_start3A_238 = arith.constant 9984 : i32
        %dma_start3A_239 = arith.constant 0 : i32
        %dma_start3A_240 = tpu.memref_slice %arg26[%dma_start3A_238, %dma_start3A_239] : memref<10000x16xf32, #tpu.memory_space<vmem_shared>> -> memref<16x16xf32, #tpu.memory_space<vmem_shared>>
        %dma_start3A_241 = arith.constant 9984 : i32
        %dma_start3A_242 = arith.constant 0 : i32
        %dma_start3A_243 = tpu.memref_slice %arg26[%dma_start3A_241, %dma_start3A_242] : memref<10000x16xf32, #tpu.memory_space<vmem_shared>> -> memref<16x16xf32, #tpu.memory_space<vmem_shared>>
        %dma_start3A_244 = arith.constant 0 : i32
        %dma_start3A_245 = arith.constant 0 : i32
        %dma_start3A_246 = tpu.memref_slice %arg20[%dma_start3A_244, %dma_start3A_245] : memref<80x16xf32, #tpu.memory_space<vmem>> -> memref<16x16xf32, #tpu.memory_space<vmem>>
        tpu.enqueue_dma source(%dma_start3A_246 : memref<16x16xf32, #tpu.memory_space<vmem>>) target(%dma_start3A_243 : memref<16x16xf32, #tpu.memory_space<vmem_shared>>) target_semaphore(%run_scoped3A : memref<!tpu.dma_semaphore, #tpu.memory_space<semaphore_mem>>)
        %dma_wait3A_247 = arith.constant 0 : i32
        %dma_wait3A_248 = arith.constant 0 : i32
        %dma_wait3A_249 = tpu.memref_slice %arg20[%dma_wait3A_247, %dma_wait3A_248] : memref<80x16xf32, #tpu.memory_space<vmem>> -> memref<16x16xf32, #tpu.memory_space<vmem>>
        %dma_wait3A_250 = arith.constant 9984 : i32
        %dma_wait3A_251 = arith.constant 0 : i32
        %dma_wait3A_252 = tpu.memref_slice %arg26[%dma_wait3A_250, %dma_wait3A_251] : memref<10000x16xf32, #tpu.memory_space<vmem_shared>> -> memref<16x16xf32, #tpu.memory_space<vmem_shared>>
        %dma_wait3A_253 = arith.constant 9984 : i32
        %dma_wait3A_254 = arith.constant 0 : i32
        %dma_wait3A_255 = tpu.memref_slice %arg26[%dma_wait3A_253, %dma_wait3A_254] : memref<10000x16xf32, #tpu.memory_space<vmem_shared>> -> memref<16x16xf32, #tpu.memory_space<vmem_shared>>
        %dma_wait3A_256 = arith.constant 0 : i32
        %dma_wait3A_257 = arith.constant 0 : i32
        %dma_wait3A_258 = tpu.memref_slice %arg20[%dma_wait3A_256, %dma_wait3A_257] : memref<80x16xf32, #tpu.memory_space<vmem>> -> memref<16x16xf32, #tpu.memory_space<vmem>>
        tpu.wait_dma2 semaphore(%run_scoped3A : memref<!tpu.dma_semaphore, #tpu.memory_space<semaphore_mem>>) src(%dma_wait3A_258 : memref<16x16xf32, #tpu.memory_space<vmem>>) dst(%dma_wait3A_255 : memref<16x16xf32, #tpu.memory_space<vmem_shared>>)
        tpu.yield
      }) : () -> ()
    } else {
    }
    %barrier3A = arith.constant 0 : index
    tpu.barrier barrier_id(%barrier3A)
    %add3A_51 = arith.constant 0 : i32
    %add3A_52 = arith.addi %mul3A_2, %add3A_51 : i32
    %dma_start3A = arith.constant 0 : i32
    %dma_start3A_53 = arith.constant 0 : i32
    %dma_start3A_54 = tpu.memref_slice %arg4[%add3A_52, %dma_start3A, %dma_start3A_53] : memref<4001x3x80xi32, #tpu.memory_space<hbm>> -> memref<1x3x80xi32, #tpu.memory_space<hbm>>
    %dma_start3A_55 = tpu.memref_squeeze %dma_start3A_54 : memref<1x3x80xi32, #tpu.memory_space<hbm>> -> memref<3x80xi32, #tpu.memory_space<hbm>>
    %dma_start3A_56 = arith.constant 0 : i32
    %dma_start3A_57 = arith.constant 0 : i32
    %dma_start3A_58 = tpu.memref_slice %arg4[%add3A_52, %dma_start3A_56, %dma_start3A_57] : memref<4001x3x80xi32, #tpu.memory_space<hbm>> -> memref<1x3x80xi32, #tpu.memory_space<hbm>>
    %dma_start3A_59 = tpu.memref_squeeze %dma_start3A_58 : memref<1x3x80xi32, #tpu.memory_space<hbm>> -> memref<3x80xi32, #tpu.memory_space<hbm>>
    tpu.enqueue_dma source(%dma_start3A_59 : memref<3x80xi32, #tpu.memory_space<hbm>>) target(%arg7 : memref<3x80xi32, #tpu.memory_space<vmem>>) target_semaphore(%arg21 : memref<!tpu.dma_semaphore, #tpu.memory_space<semaphore_mem>>)
    %dma_wait3A = arith.constant 0 : i32
    %dma_wait3A_60 = arith.constant 0 : i32
    %dma_wait3A_61 = tpu.memref_slice %arg4[%add3A_52, %dma_wait3A, %dma_wait3A_60] : memref<4001x3x80xi32, #tpu.memory_space<hbm>> -> memref<1x3x80xi32, #tpu.memory_space<hbm>>
    %dma_wait3A_62 = tpu.memref_squeeze %dma_wait3A_61 : memref<1x3x80xi32, #tpu.memory_space<hbm>> -> memref<3x80xi32, #tpu.memory_space<hbm>>
    %dma_wait3A_63 = arith.constant 0 : i32
    %dma_wait3A_64 = arith.constant 0 : i32
    %dma_wait3A_65 = tpu.memref_slice %arg4[%add3A_52, %dma_wait3A_63, %dma_wait3A_64] : memref<4001x3x80xi32, #tpu.memory_space<hbm>> -> memref<1x3x80xi32, #tpu.memory_space<hbm>>
    %dma_wait3A_66 = tpu.memref_squeeze %dma_wait3A_65 : memref<1x3x80xi32, #tpu.memory_space<hbm>> -> memref<3x80xi32, #tpu.memory_space<hbm>>
    tpu.wait_dma2 semaphore(%arg21 : memref<!tpu.dma_semaphore, #tpu.memory_space<semaphore_mem>>) src(%dma_wait3A_66 : memref<3x80xi32, #tpu.memory_space<hbm>>) dst(%arg7 : memref<3x80xi32, #tpu.memory_space<vmem>>)
    %get3A = arith.constant 0 : i32
    %get3A_67 = arith.index_cast %get3A : i32 to index
    %get3A_68 = arith.constant 0 : index
    %get3A_69 = tpu.vector_load %arg7[%get3A_67, %get3A_68] {strides = array<i32>} : memref<3x80xi32, #tpu.memory_space<vmem>>, vector<16xi32>,
    %mul3A_70 = arith.constant 8 : i32
    %mul3A_71 = vector.broadcast %mul3A_70 : i32 to vector<16xi32>
    %mul3A_72 = arith.muli %get3A_69, %mul3A_71 : vector<16xi32>
    %get3A_73 = arith.constant 2 : i32
    %get3A_74 = arith.index_cast %get3A_73 : i32 to index
    %get3A_75 = arith.constant 0 : index
    %get3A_76 = tpu.vector_load %arg7[%get3A_74, %get3A_75] {strides = array<i32>} : memref<3x80xi32, #tpu.memory_space<vmem>>, vector<16xi32>,
    %add3A_77 = arith.addi %mul3A_72, %get3A_76 : vector<16xi32>
    %swap3A = arith.constant 0 : index
    %swap3A_78 = tpu.vector_load %arg9[%swap3A] {strides = array<i32>} : memref<80xi32, #tpu.memory_space<vmem>>, vector<16xi32>,
    tpu.vector_store %arg9[%swap3A], %add3A_77 {strides = array<i32>} : memref<80xi32, #tpu.memory_space<vmem>>, vector<16xi32>,
    %get3A_79 = arith.constant 1 : i32
    %get3A_80 = arith.index_cast %get3A_79 : i32 to index
    %get3A_81 = arith.constant 0 : index
    %get3A_82 = tpu.vector_load %arg7[%get3A_80, %get3A_81] {strides = array<i32>} : memref<3x80xi32, #tpu.memory_space<vmem>>, vector<16xi32>,
    %swap3A_83 = arith.constant 0 : index
    %swap3A_84 = tpu.vector_load %arg11[%swap3A_83] {strides = array<i32>} : memref<80xi32, #tpu.memory_space<vmem>>, vector<16xi32>,
    tpu.vector_store %arg11[%swap3A_83], %get3A_82 {strides = array<i32>} : memref<80xi32, #tpu.memory_space<vmem>>, vector<16xi32>,
    %get3A_85 = arith.constant 0 : i32
    %get3A_86 = arith.index_cast %get3A_85 : i32 to index
    %get3A_87 = arith.constant 16 : index
    %get3A_88 = tpu.vector_load %arg7[%get3A_86, %get3A_87] {strides = array<i32>} : memref<3x80xi32, #tpu.memory_space<vmem>>, vector<16xi32>,
    %mul3A_89 = arith.constant 8 : i32
    %mul3A_90 = vector.broadcast %mul3A_89 : i32 to vector<16xi32>
    %mul3A_91 = arith.muli %get3A_88, %mul3A_90 : vector<16xi32>
    %get3A_92 = arith.constant 2 : i32
    %get3A_93 = arith.index_cast %get3A_92 : i32 to index
    %get3A_94 = arith.constant 16 : index
    %get3A_95 = tpu.vector_load %arg7[%get3A_93, %get3A_94] {strides = array<i32>} : memref<3x80xi32, #tpu.memory_space<vmem>>, vector<16xi32>,
    %add3A_96 = arith.addi %mul3A_91, %get3A_95 : vector<16xi32>
    %swap3A_97 = arith.constant 16 : index
    %swap3A_98 = tpu.vector_load %arg9[%swap3A_97] {strides = array<i32>} : memref<80xi32, #tpu.memory_space<vmem>>, vector<16xi32>,
    tpu.vector_store %arg9[%swap3A_97], %add3A_96 {strides = array<i32>} : memref<80xi32, #tpu.memory_space<vmem>>, vector<16xi32>,
    %get3A_99 = arith.constant 1 : i32
    %get3A_100 = arith.index_cast %get3A_99 : i32 to index
    %get3A_101 = arith.constant 16 : index
    %get3A_102 = tpu.vector_load %arg7[%get3A_100, %get3A_101] {strides = array<i32>} : memref<3x80xi32, #tpu.memory_space<vmem>>, vector<16xi32>,
    %swap3A_103 = arith.constant 16 : index
    %swap3A_104 = tpu.vector_load %arg11[%swap3A_103] {strides = array<i32>} : memref<80xi32, #tpu.memory_space<vmem>>, vector<16xi32>,
    tpu.vector_store %arg11[%swap3A_103], %get3A_102 {strides = array<i32>} : memref<80xi32, #tpu.memory_space<vmem>>, vector<16xi32>,
    %get3A_105 = arith.constant 0 : i32
    %get3A_106 = arith.index_cast %get3A_105 : i32 to index
    %get3A_107 = arith.constant 32 : index
    %get3A_108 = tpu.vector_load %arg7[%get3A_106, %get3A_107] {strides = array<i32>} : memref<3x80xi32, #tpu.memory_space<vmem>>, vector<16xi32>,
    %mul3A_109 = arith.constant 8 : i32
    %mul3A_110 = vector.broadcast %mul3A_109 : i32 to vector<16xi32>
    %mul3A_111 = arith.muli %get3A_108, %mul3A_110 : vector<16xi32>
    %get3A_112 = arith.constant 2 : i32
    %get3A_113 = arith.index_cast %get3A_112 : i32 to index
    %get3A_114 = arith.constant 32 : index
    %get3A_115 = tpu.vector_load %arg7[%get3A_113, %get3A_114] {strides = array<i32>} : memref<3x80xi32, #tpu.memory_space<vmem>>, vector<16xi32>,
    %add3A_116 = arith.addi %mul3A_111, %get3A_115 : vector<16xi32>
    %swap3A_117 = arith.constant 32 : index
    %swap3A_118 = tpu.vector_load %arg9[%swap3A_117] {strides = array<i32>} : memref<80xi32, #tpu.memory_space<vmem>>, vector<16xi32>,
    tpu.vector_store %arg9[%swap3A_117], %add3A_116 {strides = array<i32>} : memref<80xi32, #tpu.memory_space<vmem>>, vector<16xi32>,
    %get3A_119 = arith.constant 1 : i32
    %get3A_120 = arith.index_cast %get3A_119 : i32 to index
    %get3A_121 = arith.constant 32 : index
    %get3A_122 = tpu.vector_load %arg7[%get3A_120, %get3A_121] {strides = array<i32>} : memref<3x80xi32, #tpu.memory_space<vmem>>, vector<16xi32>,
    %swap3A_123 = arith.constant 32 : index
    %swap3A_124 = tpu.vector_load %arg11[%swap3A_123] {strides = array<i32>} : memref<80xi32, #tpu.memory_space<vmem>>, vector<16xi32>,
    tpu.vector_store %arg11[%swap3A_123], %get3A_122 {strides = array<i32>} : memref<80xi32, #tpu.memory_space<vmem>>, vector<16xi32>,
    %get3A_125 = arith.constant 0 : i32
    %get3A_126 = arith.index_cast %get3A_125 : i32 to index
    %get3A_127 = arith.constant 48 : index
    %get3A_128 = tpu.vector_load %arg7[%get3A_126, %get3A_127] {strides = array<i32>} : memref<3x80xi32, #tpu.memory_space<vmem>>, vector<16xi32>,
    %mul3A_129 = arith.constant 8 : i32
    %mul3A_130 = vector.broadcast %mul3A_129 : i32 to vector<16xi32>
    %mul3A_131 = arith.muli %get3A_128, %mul3A_130 : vector<16xi32>
    %get3A_132 = arith.constant 2 : i32
    %get3A_133 = arith.index_cast %get3A_132 : i32 to index
    %get3A_134 = arith.constant 48 : index
    %get3A_135 = tpu.vector_load %arg7[%get3A_133, %get3A_134] {strides = array<i32>} : memref<3x80xi32, #tpu.memory_space<vmem>>, vector<16xi32>,
    %add3A_136 = arith.addi %mul3A_131, %get3A_135 : vector<16xi32>
    %swap3A_137 = arith.constant 48 : index
    %swap3A_138 = tpu.vector_load %arg9[%swap3A_137] {strides = array<i32>} : memref<80xi32, #tpu.memory_space<vmem>>, vector<16xi32>,
    tpu.vector_store %arg9[%swap3A_137], %add3A_136 {strides = array<i32>} : memref<80xi32, #tpu.memory_space<vmem>>, vector<16xi32>,
    %get3A_139 = arith.constant 1 : i32
    %get3A_140 = arith.index_cast %get3A_139 : i32 to index
    %get3A_141 = arith.constant 48 : index
    %get3A_142 = tpu.vector_load %arg7[%get3A_140, %get3A_141] {strides = array<i32>} : memref<3x80xi32, #tpu.memory_space<vmem>>, vector<16xi32>,
    %swap3A_143 = arith.constant 48 : index
    %swap3A_144 = tpu.vector_load %arg11[%swap3A_143] {strides = array<i32>} : memref<80xi32, #tpu.memory_space<vmem>>, vector<16xi32>,
    tpu.vector_store %arg11[%swap3A_143], %get3A_142 {strides = array<i32>} : memref<80xi32, #tpu.memory_space<vmem>>, vector<16xi32>,
    %get3A_145 = arith.constant 0 : i32
    %get3A_146 = arith.index_cast %get3A_145 : i32 to index
    %get3A_147 = arith.constant 64 : index
    %get3A_148 = tpu.vector_load %arg7[%get3A_146, %get3A_147] {strides = array<i32>} : memref<3x80xi32, #tpu.memory_space<vmem>>, vector<16xi32>,
    %mul3A_149 = arith.constant 8 : i32
    %mul3A_150 = vector.broadcast %mul3A_149 : i32 to vector<16xi32>
    %mul3A_151 = arith.muli %get3A_148, %mul3A_150 : vector<16xi32>
    %get3A_152 = arith.constant 2 : i32
    %get3A_153 = arith.index_cast %get3A_152 : i32 to index
    %get3A_154 = arith.constant 64 : index
    %get3A_155 = tpu.vector_load %arg7[%get3A_153, %get3A_154] {strides = array<i32>} : memref<3x80xi32, #tpu.memory_space<vmem>>, vector<16xi32>,
    %add3A_156 = arith.addi %mul3A_151, %get3A_155 : vector<16xi32>
    %swap3A_157 = arith.constant 64 : index
    %swap3A_158 = tpu.vector_load %arg9[%swap3A_157] {strides = array<i32>} : memref<80xi32, #tpu.memory_space<vmem>>, vector<16xi32>,
    tpu.vector_store %arg9[%swap3A_157], %add3A_156 {strides = array<i32>} : memref<80xi32, #tpu.memory_space<vmem>>, vector<16xi32>,
    %get3A_159 = arith.constant 1 : i32
    %get3A_160 = arith.index_cast %get3A_159 : i32 to index
    %get3A_161 = arith.constant 64 : index
    %get3A_162 = tpu.vector_load %arg7[%get3A_160, %get3A_161] {strides = array<i32>} : memref<3x80xi32, #tpu.memory_space<vmem>>, vector<16xi32>,
    %swap3A_163 = arith.constant 64 : index
    %swap3A_164 = tpu.vector_load %arg11[%swap3A_163] {strides = array<i32>} : memref<80xi32, #tpu.memory_space<vmem>>, vector<16xi32>,
    tpu.vector_store %arg11[%swap3A_163], %get3A_162 {strides = array<i32>} : memref<80xi32, #tpu.memory_space<vmem>>, vector<16xi32>,
    %dma_start3A_165 = arith.constant 0 : i32
    %dma_start3A_166 = arith.constant 0 : i32
    %dma_start3A_167 = tpu.memref_slice %arg2[%dma_start3A_165, %dma_start3A_166] : memref<80000x128xf32, #tpu.memory_space<hbm>> -> memref<80000x128xf32, #tpu.memory_space<hbm>>
    tpu.enqueue_indirect_dma source(%dma_start3A_167 : memref<80000x128xf32, #tpu.memory_space<hbm>>) target(%arg17 : memref<80x128xf32, #tpu.memory_space<vmem>>) offsets(%arg9 : memref<80xi32, #tpu.memory_space<vmem>>) semaphore(%arg23 : memref<!tpu.dma_semaphore, #tpu.memory_space<semaphore_mem>>)
    %dma_start3A_168 = arith.constant 0 : i32
    %dma_start3A_169 = arith.constant 0 : i32
    %dma_start3A_170 = tpu.memref_slice %arg7[%dma_start3A_168, %dma_start3A_169] : memref<3x80xi32, #tpu.memory_space<vmem>> -> memref<1x80xi32, #tpu.memory_space<vmem>>
    %dma_start3A_171 = tpu.memref_squeeze %dma_start3A_170 : memref<1x80xi32, #tpu.memory_space<vmem>> -> memref<80xi32, #tpu.memory_space<vmem>>
    %dma_start3A_172 = arith.constant 0 : i32
    %dma_start3A_173 = arith.constant 0 : i32
    %dma_start3A_174 = tpu.memref_slice %arg3[%dma_start3A_172, %dma_start3A_173] : memref<10000x16xf32, #tpu.memory_space<hbm>> -> memref<10000x16xf32, #tpu.memory_space<hbm>>
    tpu.enqueue_indirect_dma source(%dma_start3A_174 : memref<10000x16xf32, #tpu.memory_space<hbm>>) target(%arg13 : memref<80x16xf32, #tpu.memory_space<vmem>>) offsets(%dma_start3A_171 : memref<80xi32, #tpu.memory_space<vmem>>) semaphore(%arg23 : memref<!tpu.dma_semaphore, #tpu.memory_space<semaphore_mem>>)
    %dma_start3A_175 = arith.constant 1 : i32
    %dma_start3A_176 = arith.constant 0 : i32
    %dma_start3A_177 = tpu.memref_slice %arg7[%dma_start3A_175, %dma_start3A_176] : memref<3x80xi32, #tpu.memory_space<vmem>> -> memref<1x80xi32, #tpu.memory_space<vmem>>
    %dma_start3A_178 = tpu.memref_squeeze %dma_start3A_177 : memref<1x80xi32, #tpu.memory_space<vmem>> -> memref<80xi32, #tpu.memory_space<vmem>>
    %dma_start3A_179 = arith.constant 0 : i32
    %dma_start3A_180 = arith.constant 0 : i32
    %dma_start3A_181 = tpu.memref_slice %arg3[%dma_start3A_179, %dma_start3A_180] : memref<10000x16xf32, #tpu.memory_space<hbm>> -> memref<10000x16xf32, #tpu.memory_space<hbm>>
    tpu.enqueue_indirect_dma source(%dma_start3A_181 : memref<10000x16xf32, #tpu.memory_space<hbm>>) target(%arg15 : memref<80x16xf32, #tpu.memory_space<vmem>>) offsets(%dma_start3A_178 : memref<80xi32, #tpu.memory_space<vmem>>) semaphore(%arg23 : memref<!tpu.dma_semaphore, #tpu.memory_space<semaphore_mem>>)
    %add3A_182 = arith.constant 1 : i32
    %add3A_183 = arith.addi %mul3A_2, %add3A_182 : i32
    %dma_start3A_184 = arith.constant 0 : i32
    %dma_start3A_185 = arith.constant 0 : i32
    %dma_start3A_186 = tpu.memref_slice %arg4[%add3A_183, %dma_start3A_184, %dma_start3A_185] : memref<4001x3x80xi32, #tpu.memory_space<hbm>> -> memref<1x3x80xi32, #tpu.memory_space<hbm>>
    %dma_start3A_187 = tpu.memref_squeeze %dma_start3A_186 : memref<1x3x80xi32, #tpu.memory_space<hbm>> -> memref<3x80xi32, #tpu.memory_space<hbm>>
    %dma_start3A_188 = arith.constant 0 : i32
    %dma_start3A_189 = arith.constant 0 : i32
    %dma_start3A_190 = tpu.memref_slice %arg4[%add3A_183, %dma_start3A_188, %dma_start3A_189] : memref<4001x3x80xi32, #tpu.memory_space<hbm>> -> memref<1x3x80xi32, #tpu.memory_space<hbm>>
    %dma_start3A_191 = tpu.memref_squeeze %dma_start3A_190 : memref<1x3x80xi32, #tpu.memory_space<hbm>> -> memref<3x80xi32, #tpu.memory_space<hbm>>
    tpu.enqueue_dma source(%dma_start3A_191 : memref<3x80xi32, #tpu.memory_space<hbm>>) target(%arg8 : memref<3x80xi32, #tpu.memory_space<vmem>>) target_semaphore(%arg22 : memref<!tpu.dma_semaphore, #tpu.memory_space<semaphore_mem>>)
    %scan3A_192 = arith.constant 0 : i32
    %scan3A_193 = arith.constant 0 : i32
    %scan3A_194 = arith.constant 62 : i32
    %scan3A_195 = arith.addi %scan3A_193, %scan3A_194 : i32
    %scan3A_196 = arith.constant 1 : i32
    scf.for %scan3A_235 = %scan3A_193 to %scan3A_195 step %scan3A_196  : i32 {
      %mul3A_236 = arith.constant 2 : i32
      %mul3A_237 = arith.muli %scan3A_235, %mul3A_236 : i32
      %dma_wait3A_238 = arith.constant 0 : i32
      %dma_wait3A_239 = arith.constant 0 : i32
      %dma_wait3A_240 = arith.constant 0 : i32
      %dma_wait3A_241 = tpu.memref_slice %arg4[%dma_wait3A_238, %dma_wait3A_239, %dma_wait3A_240] : memref<4001x3x80xi32, #tpu.memory_space<hbm>> -> memref<1x3x80xi32, #tpu.memory_space<hbm>>
      %dma_wait3A_242 = tpu.memref_squeeze %dma_wait3A_241 : memref<1x3x80xi32, #tpu.memory_space<hbm>> -> memref<3x80xi32, #tpu.memory_space<hbm>>
      %dma_wait3A_243 = arith.constant 0 : i32
      %dma_wait3A_244 = arith.constant 0 : i32
      %dma_wait3A_245 = tpu.memref_slice %arg4[%dma_wait3A_238, %dma_wait3A_243, %dma_wait3A_244] : memref<4001x3x80xi32, #tpu.memory_space<hbm>> -> memref<1x3x80xi32, #tpu.memory_space<hbm>>
      %dma_wait3A_246 = tpu.memref_squeeze %dma_wait3A_245 : memref<1x3x80xi32, #tpu.memory_space<hbm>> -> memref<3x80xi32, #tpu.memory_space<hbm>>
      tpu.wait_dma2 semaphore(%arg22 : memref<!tpu.dma_semaphore, #tpu.memory_space<semaphore_mem>>) src(%dma_wait3A_246 : memref<3x80xi32, #tpu.memory_space<hbm>>) dst(%arg8 : memref<3x80xi32, #tpu.memory_space<vmem>>)
      %add3A_247 = arith.constant 1 : i32
      %add3A_248 = arith.addi %mul3A_237, %add3A_247 : i32
      %get3A_249 = arith.constant 0 : i32
      %get3A_250 = arith.index_cast %get3A_249 : i32 to index
      %get3A_251 = arith.constant 0 : index
      %get3A_252 = tpu.vector_load %arg8[%get3A_250, %get3A_251] {strides = array<i32>} : memref<3x80xi32, #tpu.memory_space<vmem>>, vector<16xi32>,
      %mul3A_253 = arith.constant 8 : i32
      %mul3A_254 = vector.broadcast %mul3A_253 : i32 to vector<16xi32>
      %mul3A_255 = arith.muli %get3A_252, %mul3A_254 : vector<16xi32>
      %get3A_256 = arith.constant 2 : i32
      %get3A_257 = arith.index_cast %get3A_256 : i32 to index
      %get3A_258 = arith.constant 0 : index
      %get3A_259 = tpu.vector_load %arg8[%get3A_257, %get3A_258] {strides = array<i32>} : memref<3x80xi32, #tpu.memory_space<vmem>>, vector<16xi32>,
      %add3A_260 = arith.addi %mul3A_255, %get3A_259 : vector<16xi32>
      %swap3A_261 = arith.constant 0 : index
      %swap3A_262 = tpu.vector_load %arg10[%swap3A_261] {strides = array<i32>} : memref<80xi32, #tpu.memory_space<vmem>>, vector<16xi32>,
      tpu.vector_store %arg10[%swap3A_261], %add3A_260 {strides = array<i32>} : memref<80xi32, #tpu.memory_space<vmem>>, vector<16xi32>,
      %get3A_263 = arith.constant 1 : i32
      %get3A_264 = arith.index_cast %get3A_263 : i32 to index
      %get3A_265 = arith.constant 0 : index
      %get3A_266 = tpu.vector_load %arg8[%get3A_264, %get3A_265] {strides = array<i32>} : memref<3x80xi32, #tpu.memory_space<vmem>>, vector<16xi32>,
      %swap3A_267 = arith.constant 0 : index
      %swap3A_268 = tpu.vector_load %arg12[%swap3A_267] {strides = array<i32>} : memref<80xi32, #tpu.memory_space<vmem>>, vector<16xi32>,
      tpu.vector_store %arg12[%swap3A_267], %get3A_266 {strides = array<i32>} : memref<80xi32, #tpu.memory_space<vmem>>, vector<16xi32>,
      %get3A_269 = arith.constant 0 : i32
      %get3A_270 = arith.index_cast %get3A_269 : i32 to index
      %get3A_271 = arith.constant 16 : index
      %get3A_272 = tpu.vector_load %arg8[%get3A_270, %get3A_271] {strides = array<i32>} : memref<3x80xi32, #tpu.memory_space<vmem>>, vector<16xi32>,
      %mul3A_273 = arith.constant 8 : i32
      %mul3A_274 = vector.broadcast %mul3A_273 : i32 to vector<16xi32>
      %mul3A_275 = arith.muli %get3A_272, %mul3A_274 : vector<16xi32>
      %get3A_276 = arith.constant 2 : i32
      %get3A_277 = arith.index_cast %get3A_276 : i32 to index
      %get3A_278 = arith.constant 16 : index
      %get3A_279 = tpu.vector_load %arg8[%get3A_277, %get3A_278] {strides = array<i32>} : memref<3x80xi32, #tpu.memory_space<vmem>>, vector<16xi32>,
      %add3A_280 = arith.addi %mul3A_275, %get3A_279 : vector<16xi32>
      %swap3A_281 = arith.constant 16 : index
      %swap3A_282 = tpu.vector_load %arg10[%swap3A_281] {strides = array<i32>} : memref<80xi32, #tpu.memory_space<vmem>>, vector<16xi32>,
      tpu.vector_store %arg10[%swap3A_281], %add3A_280 {strides = array<i32>} : memref<80xi32, #tpu.memory_space<vmem>>, vector<16xi32>,
      %get3A_283 = arith.constant 1 : i32
      %get3A_284 = arith.index_cast %get3A_283 : i32 to index
      %get3A_285 = arith.constant 16 : index
      %get3A_286 = tpu.vector_load %arg8[%get3A_284, %get3A_285] {strides = array<i32>} : memref<3x80xi32, #tpu.memory_space<vmem>>, vector<16xi32>,
      %swap3A_287 = arith.constant 16 : index
      %swap3A_288 = tpu.vector_load %arg12[%swap3A_287] {strides = array<i32>} : memref<80xi32, #tpu.memory_space<vmem>>, vector<16xi32>,
      tpu.vector_store %arg12[%swap3A_287], %get3A_286 {strides = array<i32>} : memref<80xi32, #tpu.memory_space<vmem>>, vector<16xi32>,
      %get3A_289 = arith.constant 0 : i32
      %get3A_290 = arith.index_cast %get3A_289 : i32 to index
      %get3A_291 = arith.constant 32 : index
      %get3A_292 = tpu.vector_load %arg8[%get3A_290, %get3A_291] {strides = array<i32>} : memref<3x80xi32, #tpu.memory_space<vmem>>, vector<16xi32>,
      %mul3A_293 = arith.constant 8 : i32
      %mul3A_294 = vector.broadcast %mul3A_293 : i32 to vector<16xi32>
      %mul3A_295 = arith.muli %get3A_292, %mul3A_294 : vector<16xi32>
      %get3A_296 = arith.constant 2 : i32
      %get3A_297 = arith.index_cast %get3A_296 : i32 to index
      %get3A_298 = arith.constant 32 : index
      %get3A_299 = tpu.vector_load %arg8[%get3A_297, %get3A_298] {strides = array<i32>} : memref<3x80xi32, #tpu.memory_space<vmem>>, vector<16xi32>,
      %add3A_300 = arith.addi %mul3A_295, %get3A_299 : vector<16xi32>
      %swap3A_301 = arith.constant 32 : index
      %swap3A_302 = tpu.vector_load %arg10[%swap3A_301] {strides = array<i32>} : memref<80xi32, #tpu.memory_space<vmem>>, vector<16xi32>,
      tpu.vector_store %arg10[%swap3A_301], %add3A_300 {strides = array<i32>} : memref<80xi32, #tpu.memory_space<vmem>>, vector<16xi32>,
      %get3A_303 = arith.constant 1 : i32
      %get3A_304 = arith.index_cast %get3A_303 : i32 to index
      %get3A_305 = arith.constant 32 : index
      %get3A_306 = tpu.vector_load %arg8[%get3A_304, %get3A_305] {strides = array<i32>} : memref<3x80xi32, #tpu.memory_space<vmem>>, vector<16xi32>,
      %swap3A_307 = arith.constant 32 : index
      %swap3A_308 = tpu.vector_load %arg12[%swap3A_307] {strides = array<i32>} : memref<80xi32, #tpu.memory_space<vmem>>, vector<16xi32>,
      tpu.vector_store %arg12[%swap3A_307], %get3A_306 {strides = array<i32>} : memref<80xi32, #tpu.memory_space<vmem>>, vector<16xi32>,
      %get3A_309 = arith.constant 0 : i32
      %get3A_310 = arith.index_cast %get3A_309 : i32 to index
      %get3A_311 = arith.constant 48 : index
      %get3A_312 = tpu.vector_load %arg8[%get3A_310, %get3A_311] {strides = array<i32>} : memref<3x80xi32, #tpu.memory_space<vmem>>, vector<16xi32>,
      %mul3A_313 = arith.constant 8 : i32
      %mul3A_314 = vector.broadcast %mul3A_313 : i32 to vector<16xi32>
      %mul3A_315 = arith.muli %get3A_312, %mul3A_314 : vector<16xi32>
      %get3A_316 = arith.constant 2 : i32
      %get3A_317 = arith.index_cast %get3A_316 : i32 to index
      %get3A_318 = arith.constant 48 : index
      %get3A_319 = tpu.vector_load %arg8[%get3A_317, %get3A_318] {strides = array<i32>} : memref<3x80xi32, #tpu.memory_space<vmem>>, vector<16xi32>,
      %add3A_320 = arith.addi %mul3A_315, %get3A_319 : vector<16xi32>
      %swap3A_321 = arith.constant 48 : index
      %swap3A_322 = tpu.vector_load %arg10[%swap3A_321] {strides = array<i32>} : memref<80xi32, #tpu.memory_space<vmem>>, vector<16xi32>,
      tpu.vector_store %arg10[%swap3A_321], %add3A_320 {strides = array<i32>} : memref<80xi32, #tpu.memory_space<vmem>>, vector<16xi32>,
      %get3A_323 = arith.constant 1 : i32
      %get3A_324 = arith.index_cast %get3A_323 : i32 to index
      %get3A_325 = arith.constant 48 : index
      %get3A_326 = tpu.vector_load %arg8[%get3A_324, %get3A_325] {strides = array<i32>} : memref<3x80xi32, #tpu.memory_space<vmem>>, vector<16xi32>,
      %swap3A_327 = arith.constant 48 : index
      %swap3A_328 = tpu.vector_load %arg12[%swap3A_327] {strides = array<i32>} : memref<80xi32, #tpu.memory_space<vmem>>, vector<16xi32>,
      tpu.vector_store %arg12[%swap3A_327], %get3A_326 {strides = array<i32>} : memref<80xi32, #tpu.memory_space<vmem>>, vector<16xi32>,
      %get3A_329 = arith.constant 0 : i32
      %get3A_330 = arith.index_cast %get3A_329 : i32 to index
      %get3A_331 = arith.constant 64 : index
      %get3A_332 = tpu.vector_load %arg8[%get3A_330, %get3A_331] {strides = array<i32>} : memref<3x80xi32, #tpu.memory_space<vmem>>, vector<16xi32>,
      %mul3A_333 = arith.constant 8 : i32
      %mul3A_334 = vector.broadcast %mul3A_333 : i32 to vector<16xi32>
      %mul3A_335 = arith.muli %get3A_332, %mul3A_334 : vector<16xi32>
      %get3A_336 = arith.constant 2 : i32
      %get3A_337 = arith.index_cast %get3A_336 : i32 to index
      %get3A_338 = arith.constant 64 : index
      %get3A_339 = tpu.vector_load %arg8[%get3A_337, %get3A_338] {strides = array<i32>} : memref<3x80xi32, #tpu.memory_space<vmem>>, vector<16xi32>,
      %add3A_340 = arith.addi %mul3A_335, %get3A_339 : vector<16xi32>
      %swap3A_341 = arith.constant 64 : index
      %swap3A_342 = tpu.vector_load %arg10[%swap3A_341] {strides = array<i32>} : memref<80xi32, #tpu.memory_space<vmem>>, vector<16xi32>,
      tpu.vector_store %arg10[%swap3A_341], %add3A_340 {strides = array<i32>} : memref<80xi32, #tpu.memory_space<vmem>>, vector<16xi32>,
      %get3A_343 = arith.constant 1 : i32
      %get3A_344 = arith.index_cast %get3A_343 : i32 to index
      %get3A_345 = arith.constant 64 : index
      %get3A_346 = tpu.vector_load %arg8[%get3A_344, %get3A_345] {strides = array<i32>} : memref<3x80xi32, #tpu.memory_space<vmem>>, vector<16xi32>,
      %swap3A_347 = arith.constant 64 : index
      %swap3A_348 = tpu.vector_load %arg12[%swap3A_347] {strides = array<i32>} : memref<80xi32, #tpu.memory_space<vmem>>, vector<16xi32>,
      tpu.vector_store %arg12[%swap3A_347], %get3A_346 {strides = array<i32>} : memref<80xi32, #tpu.memory_space<vmem>>, vector<16xi32>,
      %dma_start3A_349 = arith.constant 0 : i32
      %dma_start3A_350 = arith.constant 0 : i32
      %dma_start3A_351 = tpu.memref_slice %arg2[%dma_start3A_349, %dma_start3A_350] : memref<80000x128xf32, #tpu.memory_space<hbm>> -> memref<80000x128xf32, #tpu.memory_space<hbm>>
      tpu.enqueue_indirect_dma source(%dma_start3A_351 : memref<80000x128xf32, #tpu.memory_space<hbm>>) target(%arg18 : memref<80x128xf32, #tpu.memory_space<vmem>>) offsets(%arg10 : memref<80xi32, #tpu.memory_space<vmem>>) semaphore(%arg24 : memref<!tpu.dma_semaphore, #tpu.memory_space<semaphore_mem>>)
      %dma_start3A_352 = arith.constant 0 : i32
      %dma_start3A_353 = arith.constant 0 : i32
      %dma_start3A_354 = tpu.memref_slice %arg8[%dma_start3A_352, %dma_start3A_353] : memref<3x80xi32, #tpu.memory_space<vmem>> -> memref<1x80xi32, #tpu.memory_space<vmem>>
      %dma_start3A_355 = tpu.memref_squeeze %dma_start3A_354 : memref<1x80xi32, #tpu.memory_space<vmem>> -> memref<80xi32, #tpu.memory_space<vmem>>
      %dma_start3A_356 = arith.constant 0 : i32
      %dma_start3A_357 = arith.constant 0 : i32
      %dma_start3A_358 = tpu.memref_slice %arg3[%dma_start3A_356, %dma_start3A_357] : memref<10000x16xf32, #tpu.memory_space<hbm>> -> memref<10000x16xf32, #tpu.memory_space<hbm>>
      tpu.enqueue_indirect_dma source(%dma_start3A_358 : memref<10000x16xf32, #tpu.memory_space<hbm>>) target(%arg14 : memref<80x16xf32, #tpu.memory_space<vmem>>) offsets(%dma_start3A_355 : memref<80xi32, #tpu.memory_space<vmem>>) semaphore(%arg24 : memref<!tpu.dma_semaphore, #tpu.memory_space<semaphore_mem>>)
      %dma_start3A_359 = arith.constant 1 : i32
      %dma_start3A_360 = arith.constant 0 : i32
      %dma_start3A_361 = tpu.memref_slice %arg8[%dma_start3A_359, %dma_start3A_360] : memref<3x80xi32, #tpu.memory_space<vmem>> -> memref<1x80xi32, #tpu.memory_space<vmem>>
      %dma_start3A_362 = tpu.memref_squeeze %dma_start3A_361 : memref<1x80xi32, #tpu.memory_space<vmem>> -> memref<80xi32, #tpu.memory_space<vmem>>
      %dma_start3A_363 = arith.constant 0 : i32
      %dma_start3A_364 = arith.constant 0 : i32
      %dma_start3A_365 = tpu.memref_slice %arg3[%dma_start3A_363, %dma_start3A_364] : memref<10000x16xf32, #tpu.memory_space<hbm>> -> memref<10000x16xf32, #tpu.memory_space<hbm>>
      tpu.enqueue_indirect_dma source(%dma_start3A_365 : memref<10000x16xf32, #tpu.memory_space<hbm>>) target(%arg16 : memref<80x16xf32, #tpu.memory_space<vmem>>) offsets(%dma_start3A_362 : memref<80xi32, #tpu.memory_space<vmem>>) semaphore(%arg24 : memref<!tpu.dma_semaphore, #tpu.memory_space<semaphore_mem>>)
      %add3A_366 = arith.constant 2 : i32
      %add3A_367 = arith.addi %mul3A_237, %add3A_366 : i32
      %add3A_368 = arith.addi %mul3A_2, %add3A_367 : i32
      %dma_start3A_369 = arith.constant 0 : i32
      %dma_start3A_370 = arith.constant 0 : i32
      %dma_start3A_371 = tpu.memref_slice %arg4[%add3A_368, %dma_start3A_369, %dma_start3A_370] : memref<4001x3x80xi32, #tpu.memory_space<hbm>> -> memref<1x3x80xi32, #tpu.memory_space<hbm>>
      %dma_start3A_372 = tpu.memref_squeeze %dma_start3A_371 : memref<1x3x80xi32, #tpu.memory_space<hbm>> -> memref<3x80xi32, #tpu.memory_space<hbm>>
      %dma_start3A_373 = arith.constant 0 : i32
      %dma_start3A_374 = arith.constant 0 : i32
      %dma_start3A_375 = tpu.memref_slice %arg4[%add3A_368, %dma_start3A_373, %dma_start3A_374] : memref<4001x3x80xi32, #tpu.memory_space<hbm>> -> memref<1x3x80xi32, #tpu.memory_space<hbm>>
      %dma_start3A_376 = tpu.memref_squeeze %dma_start3A_375 : memref<1x3x80xi32, #tpu.memory_space<hbm>> -> memref<3x80xi32, #tpu.memory_space<hbm>>
      tpu.enqueue_dma source(%dma_start3A_376 : memref<3x80xi32, #tpu.memory_space<hbm>>) target(%arg7 : memref<3x80xi32, #tpu.memory_space<vmem>>) target_semaphore(%arg21 : memref<!tpu.dma_semaphore, #tpu.memory_space<semaphore_mem>>)
      %dma_wait3A_377 = arith.constant 0 : i32
      %dma_wait3A_378 = arith.constant 0 : i32
      %dma_wait3A_379 = tpu.memref_slice %arg2[%dma_wait3A_377, %dma_wait3A_378] : memref<80000x128xf32, #tpu.memory_space<hbm>> -> memref<80000x128xf32, #tpu.memory_space<hbm>>
      tpu.wait_indirect_dma semaphore(%arg23 : memref<!tpu.dma_semaphore, #tpu.memory_space<semaphore_mem>>) src(%dma_wait3A_379 : memref<80000x128xf32, #tpu.memory_space<hbm>>) dst(%arg17 : memref<80x128xf32, #tpu.memory_space<vmem>>)
      %dma_wait3A_380 = arith.constant 0 : i32
      %dma_wait3A_381 = arith.constant 0 : i32
      %dma_wait3A_382 = tpu.memref_slice %arg7[%dma_wait3A_380, %dma_wait3A_381] : memref<3x80xi32, #tpu.memory_space<vmem>> -> memref<1x80xi32, #tpu.memory_space<vmem>>
      %dma_wait3A_383 = tpu.memref_squeeze %dma_wait3A_382 : memref<1x80xi32, #tpu.memory_space<vmem>> -> memref<80xi32, #tpu.memory_space<vmem>>
      %dma_wait3A_384 = arith.constant 0 : i32
      %dma_wait3A_385 = arith.constant 0 : i32
      %dma_wait3A_386 = tpu.memref_slice %arg3[%dma_wait3A_384, %dma_wait3A_385] : memref<10000x16xf32, #tpu.memory_space<hbm>> -> memref<10000x16xf32, #tpu.memory_space<hbm>>
      tpu.wait_indirect_dma semaphore(%arg23 : memref<!tpu.dma_semaphore, #tpu.memory_space<semaphore_mem>>) src(%dma_wait3A_386 : memref<10000x16xf32, #tpu.memory_space<hbm>>) dst(%arg13 : memref<80x16xf32, #tpu.memory_space<vmem>>)
      %dma_wait3A_387 = arith.constant 1 : i32
      %dma_wait3A_388 = arith.constant 0 : i32
      %dma_wait3A_389 = tpu.memref_slice %arg7[%dma_wait3A_387, %dma_wait3A_388] : memref<3x80xi32, #tpu.memory_space<vmem>> -> memref<1x80xi32, #tpu.memory_space<vmem>>
      %dma_wait3A_390 = tpu.memref_squeeze %dma_wait3A_389 : memref<1x80xi32, #tpu.memory_space<vmem>> -> memref<80xi32, #tpu.memory_space<vmem>>
      %dma_wait3A_391 = arith.constant 0 : i32
      %dma_wait3A_392 = arith.constant 0 : i32
      %dma_wait3A_393 = tpu.memref_slice %arg3[%dma_wait3A_391, %dma_wait3A_392] : memref<10000x16xf32, #tpu.memory_space<hbm>> -> memref<10000x16xf32, #tpu.memory_space<hbm>>
      tpu.wait_indirect_dma semaphore(%arg23 : memref<!tpu.dma_semaphore, #tpu.memory_space<semaphore_mem>>) src(%dma_wait3A_393 : memref<10000x16xf32, #tpu.memory_space<hbm>>) dst(%arg15 : memref<80x16xf32, #tpu.memory_space<vmem>>)
      %parallel_loop3A_394 = arith.constant 0 : i32
      %parallel_loop3A_395 = arith.constant 5 : i32
      %parallel_loop3A_396 = arith.constant 1 : i32
      scf.for %parallel_loop3A_566 = %parallel_loop3A_394 to %parallel_loop3A_395 step %parallel_loop3A_396  : i32 {
        %parallel_loop3A_567 = arith.constant 16 : i32
        %parallel_loop3A_568 = arith.muli %parallel_loop3A_566, %parallel_loop3A_567 : i32
        %parallel_loop3A_569 = vector.broadcast %parallel_loop3A_568 : i32 to vector<16xi32>
        %parallel_loop3A_570 = arith.addi %parallel_loop3A_569, %iota3A : vector<16xi32>
        %parallel_loop3A_571 = arith.constant 0 : i32
        %parallel_loop3A_572 = vector.broadcast %parallel_loop3A_571 : i32 to vector<16xi32>
        %parallel_loop3A_573 = tpu.vector_load_idx %arg13[%parallel_loop3A_570, %parallel_loop3A_572] : memref<80x16xf32, #tpu.memory_space<vmem>>[vector<16xi32>, vector<16xi32>], vector<16xf32>,
        %parallel_loop3A_574 = arith.constant 1 : i32
        %parallel_loop3A_575 = vector.broadcast %parallel_loop3A_574 : i32 to vector<16xi32>
        %parallel_loop3A_576 = tpu.vector_load_idx %arg15[%parallel_loop3A_570, %parallel_loop3A_575] : memref<80x16xf32, #tpu.memory_space<vmem>>[vector<16xi32>, vector<16xi32>], vector<16xf32>,
        %parallel_loop3A_577 = arith.addf %parallel_loop3A_573, %parallel_loop3A_576 : vector<16xf32>
        %parallel_loop3A_578 = arith.constant 0.000000e+00 : f32
        %parallel_loop3A_579 = vector.broadcast %parallel_loop3A_578 : f32 to vector<16xf32>
        %parallel_loop3A_580 = arith.cmpf oge, %parallel_loop3A_577, %parallel_loop3A_579 : vector<16xf32>
        %parallel_loop3A_581 = arith.constant 0.00999999977 : f32
        %parallel_loop3A_582 = vector.broadcast %parallel_loop3A_581 : f32 to vector<16xf32>
        %parallel_loop3A_583 = arith.mulf %parallel_loop3A_577, %parallel_loop3A_582 : vector<16xf32>
        %parallel_loop3A_584 = arith.select %parallel_loop3A_580, %parallel_loop3A_577, %parallel_loop3A_583 : vector<16xi1>, vector<16xf32>
        %parallel_loop3A_585 = math.exp %parallel_loop3A_584 : vector<16xf32>
        %parallel_loop3A_586 = arith.constant 16 : i32
        %parallel_loop3A_587 = arith.muli %parallel_loop3A_566, %parallel_loop3A_586 : i32
        %parallel_loop3A_588 = arith.index_cast %parallel_loop3A_587 : i32 to index
        %parallel_loop3A_589 = tpu.vector_load %arg19[%parallel_loop3A_588] {strides = array<i32>} : memref<80xf32, #tpu.memory_space<vmem>>, vector<16xf32>,
        tpu.vector_store %arg19[%parallel_loop3A_588], %parallel_loop3A_585 {strides = array<i32>} : memref<80xf32, #tpu.memory_space<vmem>>, vector<16xf32>,
      } {sc.loop_unroll_factor = 5 : i64, sc.parallel_access}
      %parallel_loop3A_397 = arith.constant 0 : i32
      %parallel_loop3A_398 = arith.constant 80 : i32
      %parallel_loop3A_399 = arith.constant 1 : i32
      scf.for %parallel_loop3A_566 = %parallel_loop3A_397 to %parallel_loop3A_398 step %parallel_loop3A_399  : i32 {
        %parallel_loop3A_567 = vector.broadcast %parallel_loop3A_566 : i32 to vector<16xi32>
        %parallel_loop3A_568 = tpu.vector_load_idx %arg19[%parallel_loop3A_567] : memref<80xf32, #tpu.memory_space<vmem>>[vector<16xi32>], vector<16xf32>,
        %parallel_loop3A_569 = arith.index_cast %parallel_loop3A_566 : i32 to index
        %parallel_loop3A_570 = arith.constant 0 : index
        %parallel_loop3A_571 = tpu.vector_load %arg17[%parallel_loop3A_569, %parallel_loop3A_570] {strides = array<i32>} : memref<80x128xf32, #tpu.memory_space<vmem>>, vector<16xf32>,
        %parallel_loop3A_572 = arith.mulf %parallel_loop3A_571, %parallel_loop3A_568 : vector<16xf32>
        %parallel_loop3A_573 = arith.index_cast %parallel_loop3A_566 : i32 to index
        %parallel_loop3A_574 = arith.constant 0 : index
        %parallel_loop3A_575 = tpu.vector_load %arg17[%parallel_loop3A_573, %parallel_loop3A_574] {strides = array<i32>} : memref<80x128xf32, #tpu.memory_space<vmem>>, vector<16xf32>,
        tpu.vector_store %arg17[%parallel_loop3A_573, %parallel_loop3A_574], %parallel_loop3A_572 {strides = array<i32>} : memref<80x128xf32, #tpu.memory_space<vmem>>, vector<16xf32>,
        %parallel_loop3A_576 = arith.index_cast %parallel_loop3A_566 : i32 to index
        %parallel_loop3A_577 = arith.constant 16 : index
        %parallel_loop3A_578 = tpu.vector_load %arg17[%parallel_loop3A_576, %parallel_loop3A_577] {strides = array<i32>} : memref<80x128xf32, #tpu.memory_space<vmem>>, vector<16xf32>,
        %parallel_loop3A_579 = arith.mulf %parallel_loop3A_578, %parallel_loop3A_568 : vector<16xf32>
        %parallel_loop3A_580 = arith.index_cast %parallel_loop3A_566 : i32 to index
        %parallel_loop3A_581 = arith.constant 16 : index
        %parallel_loop3A_582 = tpu.vector_load %arg17[%parallel_loop3A_580, %parallel_loop3A_581] {strides = array<i32>} : memref<80x128xf32, #tpu.memory_space<vmem>>, vector<16xf32>,
        tpu.vector_store %arg17[%parallel_loop3A_580, %parallel_loop3A_581], %parallel_loop3A_579 {strides = array<i32>} : memref<80x128xf32, #tpu.memory_space<vmem>>, vector<16xf32>,
        %parallel_loop3A_583 = arith.index_cast %parallel_loop3A_566 : i32 to index
        %parallel_loop3A_584 = arith.constant 32 : index
        %parallel_loop3A_585 = tpu.vector_load %arg17[%parallel_loop3A_583, %parallel_loop3A_584] {strides = array<i32>} : memref<80x128xf32, #tpu.memory_space<vmem>>, vector<16xf32>,
        %parallel_loop3A_586 = arith.mulf %parallel_loop3A_585, %parallel_loop3A_568 : vector<16xf32>
        %parallel_loop3A_587 = arith.index_cast %parallel_loop3A_566 : i32 to index
        %parallel_loop3A_588 = arith.constant 32 : index
        %parallel_loop3A_589 = tpu.vector_load %arg17[%parallel_loop3A_587, %parallel_loop3A_588] {strides = array<i32>} : memref<80x128xf32, #tpu.memory_space<vmem>>, vector<16xf32>,
        tpu.vector_store %arg17[%parallel_loop3A_587, %parallel_loop3A_588], %parallel_loop3A_586 {strides = array<i32>} : memref<80x128xf32, #tpu.memory_space<vmem>>, vector<16xf32>,
        %parallel_loop3A_590 = arith.index_cast %parallel_loop3A_566 : i32 to index
        %parallel_loop3A_591 = arith.constant 48 : index
        %parallel_loop3A_592 = tpu.vector_load %arg17[%parallel_loop3A_590, %parallel_loop3A_591] {strides = array<i32>} : memref<80x128xf32, #tpu.memory_space<vmem>>, vector<16xf32>,
        %parallel_loop3A_593 = arith.mulf %parallel_loop3A_592, %parallel_loop3A_568 : vector<16xf32>
        %parallel_loop3A_594 = arith.index_cast %parallel_loop3A_566 : i32 to index
        %parallel_loop3A_595 = arith.constant 48 : index
        %parallel_loop3A_596 = tpu.vector_load %arg17[%parallel_loop3A_594, %parallel_loop3A_595] {strides = array<i32>} : memref<80x128xf32, #tpu.memory_space<vmem>>, vector<16xf32>,
        tpu.vector_store %arg17[%parallel_loop3A_594, %parallel_loop3A_595], %parallel_loop3A_593 {strides = array<i32>} : memref<80x128xf32, #tpu.memory_space<vmem>>, vector<16xf32>,
        %parallel_loop3A_597 = arith.index_cast %parallel_loop3A_566 : i32 to index
        %parallel_loop3A_598 = arith.constant 64 : index
        %parallel_loop3A_599 = tpu.vector_load %arg17[%parallel_loop3A_597, %parallel_loop3A_598] {strides = array<i32>} : memref<80x128xf32, #tpu.memory_space<vmem>>, vector<16xf32>,
        %parallel_loop3A_600 = arith.mulf %parallel_loop3A_599, %parallel_loop3A_568 : vector<16xf32>
        %parallel_loop3A_601 = arith.index_cast %parallel_loop3A_566 : i32 to index
        %parallel_loop3A_602 = arith.constant 64 : index
        %parallel_loop3A_603 = tpu.vector_load %arg17[%parallel_loop3A_601, %parallel_loop3A_602] {strides = array<i32>} : memref<80x128xf32, #tpu.memory_space<vmem>>, vector<16xf32>,
        tpu.vector_store %arg17[%parallel_loop3A_601, %parallel_loop3A_602], %parallel_loop3A_600 {strides = array<i32>} : memref<80x128xf32, #tpu.memory_space<vmem>>, vector<16xf32>,
        %parallel_loop3A_604 = arith.index_cast %parallel_loop3A_566 : i32 to index
        %parallel_loop3A_605 = arith.constant 80 : index
        %parallel_loop3A_606 = tpu.vector_load %arg17[%parallel_loop3A_604, %parallel_loop3A_605] {strides = array<i32>} : memref<80x128xf32, #tpu.memory_space<vmem>>, vector<16xf32>,
        %parallel_loop3A_607 = arith.mulf %parallel_loop3A_606, %parallel_loop3A_568 : vector<16xf32>
        %parallel_loop3A_608 = arith.index_cast %parallel_loop3A_566 : i32 to index
        %parallel_loop3A_609 = arith.constant 80 : index
        %parallel_loop3A_610 = tpu.vector_load %arg17[%parallel_loop3A_608, %parallel_loop3A_609] {strides = array<i32>} : memref<80x128xf32, #tpu.memory_space<vmem>>, vector<16xf32>,
        tpu.vector_store %arg17[%parallel_loop3A_608, %parallel_loop3A_609], %parallel_loop3A_607 {strides = array<i32>} : memref<80x128xf32, #tpu.memory_space<vmem>>, vector<16xf32>,
        %parallel_loop3A_611 = arith.index_cast %parallel_loop3A_566 : i32 to index
        %parallel_loop3A_612 = arith.constant 96 : index
        %parallel_loop3A_613 = tpu.vector_load %arg17[%parallel_loop3A_611, %parallel_loop3A_612] {strides = array<i32>} : memref<80x128xf32, #tpu.memory_space<vmem>>, vector<16xf32>,
        %parallel_loop3A_614 = arith.mulf %parallel_loop3A_613, %parallel_loop3A_568 : vector<16xf32>
        %parallel_loop3A_615 = arith.index_cast %parallel_loop3A_566 : i32 to index
        %parallel_loop3A_616 = arith.constant 96 : index
        %parallel_loop3A_617 = tpu.vector_load %arg17[%parallel_loop3A_615, %parallel_loop3A_616] {strides = array<i32>} : memref<80x128xf32, #tpu.memory_space<vmem>>, vector<16xf32>,
        tpu.vector_store %arg17[%parallel_loop3A_615, %parallel_loop3A_616], %parallel_loop3A_614 {strides = array<i32>} : memref<80x128xf32, #tpu.memory_space<vmem>>, vector<16xf32>,
        %parallel_loop3A_618 = arith.index_cast %parallel_loop3A_566 : i32 to index
        %parallel_loop3A_619 = arith.constant 112 : index
        %parallel_loop3A_620 = tpu.vector_load %arg17[%parallel_loop3A_618, %parallel_loop3A_619] {strides = array<i32>} : memref<80x128xf32, #tpu.memory_space<vmem>>, vector<16xf32>,
        %parallel_loop3A_621 = arith.mulf %parallel_loop3A_620, %parallel_loop3A_568 : vector<16xf32>
        %parallel_loop3A_622 = arith.index_cast %parallel_loop3A_566 : i32 to index
        %parallel_loop3A_623 = arith.constant 112 : index
        %parallel_loop3A_624 = tpu.vector_load %arg17[%parallel_loop3A_622, %parallel_loop3A_623] {strides = array<i32>} : memref<80x128xf32, #tpu.memory_space<vmem>>, vector<16xf32>,
        tpu.vector_store %arg17[%parallel_loop3A_622, %parallel_loop3A_623], %parallel_loop3A_621 {strides = array<i32>} : memref<80x128xf32, #tpu.memory_space<vmem>>, vector<16xf32>,
        %parallel_loop3A_625 = arith.mulf %parallel_loop3A_568, %select_n3A : vector<16xf32>
        %parallel_loop3A_626 = arith.index_cast %parallel_loop3A_566 : i32 to index
        %parallel_loop3A_627 = arith.constant 0 : index
        %parallel_loop3A_628 = tpu.vector_load %arg20[%parallel_loop3A_626, %parallel_loop3A_627] {strides = array<i32>} : memref<80x16xf32, #tpu.memory_space<vmem>>, vector<16xf32>,
        tpu.vector_store %arg20[%parallel_loop3A_626, %parallel_loop3A_627], %parallel_loop3A_625 {strides = array<i32>} : memref<80x16xf32, #tpu.memory_space<vmem>>, vector<16xf32>,
      } {sc.loop_unroll_factor = 8 : i64, sc.parallel_access}
      "tpu.region"() ({
        %run_scoped3A = tpu.sem_alloc : memref<!tpu.dma_semaphore, #tpu.memory_space<semaphore_mem>>
        %dma_start3A_566 = arith.constant 0 : i32
        %dma_start3A_567 = arith.constant 0 : i32
        %dma_start3A_568 = tpu.memref_slice %arg25[%dma_start3A_566, %dma_start3A_567] : memref<10000x128xf32, #tpu.memory_space<vmem_shared>> -> memref<10000x128xf32, #tpu.memory_space<vmem_shared>>
        tpu.enqueue_indirect_dma source(%arg17 : memref<80x128xf32, #tpu.memory_space<vmem>>) target(%dma_start3A_568 : memref<10000x128xf32, #tpu.memory_space<vmem_shared>>) offsets(%arg11 : memref<80xi32, #tpu.memory_space<vmem>>) semaphore(%run_scoped3A : memref<!tpu.dma_semaphore, #tpu.memory_space<semaphore_mem>>) {add = true}
        %dma_wait3A_569 = arith.constant 0 : i32
        %dma_wait3A_570 = arith.constant 0 : i32
        %dma_wait3A_571 = tpu.memref_slice %arg25[%dma_wait3A_569, %dma_wait3A_570] : memref<10000x128xf32, #tpu.memory_space<vmem_shared>> -> memref<10000x128xf32, #tpu.memory_space<vmem_shared>>
        tpu.wait_indirect_dma semaphore(%run_scoped3A : memref<!tpu.dma_semaphore, #tpu.memory_space<semaphore_mem>>) src(%arg17 : memref<80x128xf32, #tpu.memory_space<vmem>>) dst(%dma_wait3A_571 : memref<10000x128xf32, #tpu.memory_space<vmem_shared>>)
        tpu.yield
      }) : () -> ()
      "tpu.region"() ({
        %run_scoped3A = tpu.sem_alloc : memref<!tpu.dma_semaphore, #tpu.memory_space<semaphore_mem>>
        %dma_start3A_566 = arith.constant 0 : i32
        %dma_start3A_567 = arith.constant 0 : i32
        %dma_start3A_568 = tpu.memref_slice %arg26[%dma_start3A_566, %dma_start3A_567] : memref<10000x16xf32, #tpu.memory_space<vmem_shared>> -> memref<10000x16xf32, #tpu.memory_space<vmem_shared>>
        tpu.enqueue_indirect_dma source(%arg20 : memref<80x16xf32, #tpu.memory_space<vmem>>) target(%dma_start3A_568 : memref<10000x16xf32, #tpu.memory_space<vmem_shared>>) offsets(%arg11 : memref<80xi32, #tpu.memory_space<vmem>>) semaphore(%run_scoped3A : memref<!tpu.dma_semaphore, #tpu.memory_space<semaphore_mem>>) {add = true}
        %dma_wait3A_569 = arith.constant 0 : i32
        %dma_wait3A_570 = arith.constant 0 : i32
        %dma_wait3A_571 = tpu.memref_slice %arg26[%dma_wait3A_569, %dma_wait3A_570] : memref<10000x16xf32, #tpu.memory_space<vmem_shared>> -> memref<10000x16xf32, #tpu.memory_space<vmem_shared>>
        tpu.wait_indirect_dma semaphore(%run_scoped3A : memref<!tpu.dma_semaphore, #tpu.memory_space<semaphore_mem>>) src(%arg20 : memref<80x16xf32, #tpu.memory_space<vmem>>) dst(%dma_wait3A_571 : memref<10000x16xf32, #tpu.memory_space<vmem_shared>>)
        tpu.yield
      }) : () -> ()
      %add3A_400 = arith.constant 1 : i32
      %add3A_401 = arith.addi %mul3A_237, %add3A_400 : i32
      %dma_wait3A_402 = arith.constant 0 : i32
      %dma_wait3A_403 = arith.constant 0 : i32
      %dma_wait3A_404 = arith.constant 0 : i32
      %dma_wait3A_405 = tpu.memref_slice %arg4[%dma_wait3A_402, %dma_wait3A_403, %dma_wait3A_404] : memref<4001x3x80xi32, #tpu.memory_space<hbm>> -> memref<1x3x80xi32, #tpu.memory_space<hbm>>
      %dma_wait3A_406 = tpu.memref_squeeze %dma_wait3A_405 : memref<1x3x80xi32, #tpu.memory_space<hbm>> -> memref<3x80xi32, #tpu.memory_space<hbm>>
      %dma_wait3A_407 = arith.constant 0 : i32
      %dma_wait3A_408 = arith.constant 0 : i32
      %dma_wait3A_409 = tpu.memref_slice %arg4[%dma_wait3A_402, %dma_wait3A_407, %dma_wait3A_408] : memref<4001x3x80xi32, #tpu.memory_space<hbm>> -> memref<1x3x80xi32, #tpu.memory_space<hbm>>
      %dma_wait3A_410 = tpu.memref_squeeze %dma_wait3A_409 : memref<1x3x80xi32, #tpu.memory_space<hbm>> -> memref<3x80xi32, #tpu.memory_space<hbm>>
      tpu.wait_dma2 semaphore(%arg21 : memref<!tpu.dma_semaphore, #tpu.memory_space<semaphore_mem>>) src(%dma_wait3A_410 : memref<3x80xi32, #tpu.memory_space<hbm>>) dst(%arg7 : memref<3x80xi32, #tpu.memory_space<vmem>>)
      %add3A_411 = arith.constant 1 : i32
      %add3A_412 = arith.addi %add3A_401, %add3A_411 : i32
      %get3A_413 = arith.constant 0 : i32
      %get3A_414 = arith.index_cast %get3A_413 : i32 to index
      %get3A_415 = arith.constant 0 : index
      %get3A_416 = tpu.vector_load %arg7[%get3A_414, %get3A_415] {strides = array<i32>} : memref<3x80xi32, #tpu.memory_space<vmem>>, vector<16xi32>,
      %mul3A_417 = arith.constant 8 : i32
      %mul3A_418 = vector.broadcast %mul3A_417 : i32 to vector<16xi32>
      %mul3A_419 = arith.muli %get3A_416, %mul3A_418 : vector<16xi32>
      %get3A_420 = arith.constant 2 : i32
      %get3A_421 = arith.index_cast %get3A_420 : i32 to index
      %get3A_422 = arith.constant 0 : index
      %get3A_423 = tpu.vector_load %arg7[%get3A_421, %get3A_422] {strides = array<i32>} : memref<3x80xi32, #tpu.memory_space<vmem>>, vector<16xi32>,
      %add3A_424 = arith.addi %mul3A_419, %get3A_423 : vector<16xi32>
      %swap3A_425 = arith.constant 0 : index
      %swap3A_426 = tpu.vector_load %arg9[%swap3A_425] {strides = array<i32>} : memref<80xi32, #tpu.memory_space<vmem>>, vector<16xi32>,
      tpu.vector_store %arg9[%swap3A_425], %add3A_424 {strides = array<i32>} : memref<80xi32, #tpu.memory_space<vmem>>, vector<16xi32>,
      %get3A_427 = arith.constant 1 : i32
      %get3A_428 = arith.index_cast %get3A_427 : i32 to index
      %get3A_429 = arith.constant 0 : index
      %get3A_430 = tpu.vector_load %arg7[%get3A_428, %get3A_429] {strides = array<i32>} : memref<3x80xi32, #tpu.memory_space<vmem>>, vector<16xi32>,
      %swap3A_431 = arith.constant 0 : index
      %swap3A_432 = tpu.vector_load %arg11[%swap3A_431] {strides = array<i32>} : memref<80xi32, #tpu.memory_space<vmem>>, vector<16xi32>,
      tpu.vector_store %arg11[%swap3A_431], %get3A_430 {strides = array<i32>} : memref<80xi32, #tpu.memory_space<vmem>>, vector<16xi32>,
      %get3A_433 = arith.constant 0 : i32
      %get3A_434 = arith.index_cast %get3A_433 : i32 to index
      %get3A_435 = arith.constant 16 : index
      %get3A_436 = tpu.vector_load %arg7[%get3A_434, %get3A_435] {strides = array<i32>} : memref<3x80xi32, #tpu.memory_space<vmem>>, vector<16xi32>,
      %mul3A_437 = arith.constant 8 : i32
      %mul3A_438 = vector.broadcast %mul3A_437 : i32 to vector<16xi32>
      %mul3A_439 = arith.muli %get3A_436, %mul3A_438 : vector<16xi32>
      %get3A_440 = arith.constant 2 : i32
      %get3A_441 = arith.index_cast %get3A_440 : i32 to index
      %get3A_442 = arith.constant 16 : index
      %get3A_443 = tpu.vector_load %arg7[%get3A_441, %get3A_442] {strides = array<i32>} : memref<3x80xi32, #tpu.memory_space<vmem>>, vector<16xi32>,
      %add3A_444 = arith.addi %mul3A_439, %get3A_443 : vector<16xi32>
      %swap3A_445 = arith.constant 16 : index
      %swap3A_446 = tpu.vector_load %arg9[%swap3A_445] {strides = array<i32>} : memref<80xi32, #tpu.memory_space<vmem>>, vector<16xi32>,
      tpu.vector_store %arg9[%swap3A_445], %add3A_444 {strides = array<i32>} : memref<80xi32, #tpu.memory_space<vmem>>, vector<16xi32>,
      %get3A_447 = arith.constant 1 : i32
      %get3A_448 = arith.index_cast %get3A_447 : i32 to index
      %get3A_449 = arith.constant 16 : index
      %get3A_450 = tpu.vector_load %arg7[%get3A_448, %get3A_449] {strides = array<i32>} : memref<3x80xi32, #tpu.memory_space<vmem>>, vector<16xi32>,
      %swap3A_451 = arith.constant 16 : index
      %swap3A_452 = tpu.vector_load %arg11[%swap3A_451] {strides = array<i32>} : memref<80xi32, #tpu.memory_space<vmem>>, vector<16xi32>,
      tpu.vector_store %arg11[%swap3A_451], %get3A_450 {strides = array<i32>} : memref<80xi32, #tpu.memory_space<vmem>>, vector<16xi32>,
      %get3A_453 = arith.constant 0 : i32
      %get3A_454 = arith.index_cast %get3A_453 : i32 to index
      %get3A_455 = arith.constant 32 : index
      %get3A_456 = tpu.vector_load %arg7[%get3A_454, %get3A_455] {strides = array<i32>} : memref<3x80xi32, #tpu.memory_space<vmem>>, vector<16xi32>,
      %mul3A_457 = arith.constant 8 : i32
      %mul3A_458 = vector.broadcast %mul3A_457 : i32 to vector<16xi32>
      %mul3A_459 = arith.muli %get3A_456, %mul3A_458 : vector<16xi32>
      %get3A_460 = arith.constant 2 : i32
      %get3A_461 = arith.index_cast %get3A_460 : i32 to index
      %get3A_462 = arith.constant 32 : index
      %get3A_463 = tpu.vector_load %arg7[%get3A_461, %get3A_462] {strides = array<i32>} : memref<3x80xi32, #tpu.memory_space<vmem>>, vector<16xi32>,
      %add3A_464 = arith.addi %mul3A_459, %get3A_463 : vector<16xi32>
      %swap3A_465 = arith.constant 32 : index
      %swap3A_466 = tpu.vector_load %arg9[%swap3A_465] {strides = array<i32>} : memref<80xi32, #tpu.memory_space<vmem>>, vector<16xi32>,
      tpu.vector_store %arg9[%swap3A_465], %add3A_464 {strides = array<i32>} : memref<80xi32, #tpu.memory_space<vmem>>, vector<16xi32>,
      %get3A_467 = arith.constant 1 : i32
      %get3A_468 = arith.index_cast %get3A_467 : i32 to index
      %get3A_469 = arith.constant 32 : index
      %get3A_470 = tpu.vector_load %arg7[%get3A_468, %get3A_469] {strides = array<i32>} : memref<3x80xi32, #tpu.memory_space<vmem>>, vector<16xi32>,
      %swap3A_471 = arith.constant 32 : index
      %swap3A_472 = tpu.vector_load %arg11[%swap3A_471] {strides = array<i32>} : memref<80xi32, #tpu.memory_space<vmem>>, vector<16xi32>,
      tpu.vector_store %arg11[%swap3A_471], %get3A_470 {strides = array<i32>} : memref<80xi32, #tpu.memory_space<vmem>>, vector<16xi32>,
      %get3A_473 = arith.constant 0 : i32
      %get3A_474 = arith.index_cast %get3A_473 : i32 to index
      %get3A_475 = arith.constant 48 : index
      %get3A_476 = tpu.vector_load %arg7[%get3A_474, %get3A_475] {strides = array<i32>} : memref<3x80xi32, #tpu.memory_space<vmem>>, vector<16xi32>,
      %mul3A_477 = arith.constant 8 : i32
      %mul3A_478 = vector.broadcast %mul3A_477 : i32 to vector<16xi32>
      %mul3A_479 = arith.muli %get3A_476, %mul3A_478 : vector<16xi32>
      %get3A_480 = arith.constant 2 : i32
      %get3A_481 = arith.index_cast %get3A_480 : i32 to index
      %get3A_482 = arith.constant 48 : index
      %get3A_483 = tpu.vector_load %arg7[%get3A_481, %get3A_482] {strides = array<i32>} : memref<3x80xi32, #tpu.memory_space<vmem>>, vector<16xi32>,
      %add3A_484 = arith.addi %mul3A_479, %get3A_483 : vector<16xi32>
      %swap3A_485 = arith.constant 48 : index
      %swap3A_486 = tpu.vector_load %arg9[%swap3A_485] {strides = array<i32>} : memref<80xi32, #tpu.memory_space<vmem>>, vector<16xi32>,
      tpu.vector_store %arg9[%swap3A_485], %add3A_484 {strides = array<i32>} : memref<80xi32, #tpu.memory_space<vmem>>, vector<16xi32>,
      %get3A_487 = arith.constant 1 : i32
      %get3A_488 = arith.index_cast %get3A_487 : i32 to index
      %get3A_489 = arith.constant 48 : index
      %get3A_490 = tpu.vector_load %arg7[%get3A_488, %get3A_489] {strides = array<i32>} : memref<3x80xi32, #tpu.memory_space<vmem>>, vector<16xi32>,
      %swap3A_491 = arith.constant 48 : index
      %swap3A_492 = tpu.vector_load %arg11[%swap3A_491] {strides = array<i32>} : memref<80xi32, #tpu.memory_space<vmem>>, vector<16xi32>,
      tpu.vector_store %arg11[%swap3A_491], %get3A_490 {strides = array<i32>} : memref<80xi32, #tpu.memory_space<vmem>>, vector<16xi32>,
      %get3A_493 = arith.constant 0 : i32
      %get3A_494 = arith.index_cast %get3A_493 : i32 to index
      %get3A_495 = arith.constant 64 : index
      %get3A_496 = tpu.vector_load %arg7[%get3A_494, %get3A_495] {strides = array<i32>} : memref<3x80xi32, #tpu.memory_space<vmem>>, vector<16xi32>,
      %mul3A_497 = arith.constant 8 : i32
      %mul3A_498 = vector.broadcast %mul3A_497 : i32 to vector<16xi32>
      %mul3A_499 = arith.muli %get3A_496, %mul3A_498 : vector<16xi32>
      %get3A_500 = arith.constant 2 : i32
      %get3A_501 = arith.index_cast %get3A_500 : i32 to index
      %get3A_502 = arith.constant 64 : index
      %get3A_503 = tpu.vector_load %arg7[%get3A_501, %get3A_502] {strides = array<i32>} : memref<3x80xi32, #tpu.memory_space<vmem>>, vector<16xi32>,
      %add3A_504 = arith.addi %mul3A_499, %get3A_503 : vector<16xi32>
      %swap3A_505 = arith.constant 64 : index
      %swap3A_506 = tpu.vector_load %arg9[%swap3A_505] {strides = array<i32>} : memref<80xi32, #tpu.memory_space<vmem>>, vector<16xi32>,
      tpu.vector_store %arg9[%swap3A_505], %add3A_504 {strides = array<i32>} : memref<80xi32, #tpu.memory_space<vmem>>, vector<16xi32>,
      %get3A_507 = arith.constant 1 : i32
      %get3A_508 = arith.index_cast %get3A_507 : i32 to index
      %get3A_509 = arith.constant 64 : index
      %get3A_510 = tpu.vector_load %arg7[%get3A_508, %get3A_509] {strides = array<i32>} : memref<3x80xi32, #tpu.memory_space<vmem>>, vector<16xi32>,
      %swap3A_511 = arith.constant 64 : index
      %swap3A_512 = tpu.vector_load %arg11[%swap3A_511] {strides = array<i32>} : memref<80xi32, #tpu.memory_space<vmem>>, vector<16xi32>,
      tpu.vector_store %arg11[%swap3A_511], %get3A_510 {strides = array<i32>} : memref<80xi32, #tpu.memory_space<vmem>>, vector<16xi32>,
      %dma_start3A_513 = arith.constant 0 : i32
      %dma_start3A_514 = arith.constant 0 : i32
      %dma_start3A_515 = tpu.memref_slice %arg2[%dma_start3A_513, %dma_start3A_514] : memref<80000x128xf32, #tpu.memory_space<hbm>> -> memref<80000x128xf32, #tpu.memory_space<hbm>>
      tpu.enqueue_indirect_dma source(%dma_start3A_515 : memref<80000x128xf32, #tpu.memory_space<hbm>>) target(%arg17 : memref<80x128xf32, #tpu.memory_space<vmem>>) offsets(%arg9 : memref<80xi32, #tpu.memory_space<vmem>>) semaphore(%arg23 : memref<!tpu.dma_semaphore, #tpu.memory_space<semaphore_mem>>)
      %dma_start3A_516 = arith.constant 0 : i32
      %dma_start3A_517 = arith.constant 0 : i32
      %dma_start3A_518 = tpu.memref_slice %arg7[%dma_start3A_516, %dma_start3A_517] : memref<3x80xi32, #tpu.memory_space<vmem>> -> memref<1x80xi32, #tpu.memory_space<vmem>>
      %dma_start3A_519 = tpu.memref_squeeze %dma_start3A_518 : memref<1x80xi32, #tpu.memory_space<vmem>> -> memref<80xi32, #tpu.memory_space<vmem>>
      %dma_start3A_520 = arith.constant 0 : i32
      %dma_start3A_521 = arith.constant 0 : i32
      %dma_start3A_522 = tpu.memref_slice %arg3[%dma_start3A_520, %dma_start3A_521] : memref<10000x16xf32, #tpu.memory_space<hbm>> -> memref<10000x16xf32, #tpu.memory_space<hbm>>
      tpu.enqueue_indirect_dma source(%dma_start3A_522 : memref<10000x16xf32, #tpu.memory_space<hbm>>) target(%arg13 : memref<80x16xf32, #tpu.memory_space<vmem>>) offsets(%dma_start3A_519 : memref<80xi32, #tpu.memory_space<vmem>>) semaphore(%arg23 : memref<!tpu.dma_semaphore, #tpu.memory_space<semaphore_mem>>)
      %dma_start3A_523 = arith.constant 1 : i32
      %dma_start3A_524 = arith.constant 0 : i32
      %dma_start3A_525 = tpu.memref_slice %arg7[%dma_start3A_523, %dma_start3A_524] : memref<3x80xi32, #tpu.memory_space<vmem>> -> memref<1x80xi32, #tpu.memory_space<vmem>>
      %dma_start3A_526 = tpu.memref_squeeze %dma_start3A_525 : memref<1x80xi32, #tpu.memory_space<vmem>> -> memref<80xi32, #tpu.memory_space<vmem>>
      %dma_start3A_527 = arith.constant 0 : i32
      %dma_start3A_528 = arith.constant 0 : i32
      %dma_start3A_529 = tpu.memref_slice %arg3[%dma_start3A_527, %dma_start3A_528] : memref<10000x16xf32, #tpu.memory_space<hbm>> -> memref<10000x16xf32, #tpu.memory_space<hbm>>
      tpu.enqueue_indirect_dma source(%dma_start3A_529 : memref<10000x16xf32, #tpu.memory_space<hbm>>) target(%arg15 : memref<80x16xf32, #tpu.memory_space<vmem>>) offsets(%dma_start3A_526 : memref<80xi32, #tpu.memory_space<vmem>>) semaphore(%arg23 : memref<!tpu.dma_semaphore, #tpu.memory_space<semaphore_mem>>)
      %add3A_530 = arith.constant 2 : i32
      %add3A_531 = arith.addi %add3A_401, %add3A_530 : i32
      %add3A_532 = arith.addi %mul3A_2, %add3A_531 : i32
      %dma_start3A_533 = arith.constant 0 : i32
      %dma_start3A_534 = arith.constant 0 : i32
      %dma_start3A_535 = tpu.memref_slice %arg4[%add3A_532, %dma_start3A_533, %dma_start3A_534] : memref<4001x3x80xi32, #tpu.memory_space<hbm>> -> memref<1x3x80xi32, #tpu.memory_space<hbm>>
      %dma_start3A_536 = tpu.memref_squeeze %dma_start3A_535 : memref<1x3x80xi32, #tpu.memory_space<hbm>> -> memref<3x80xi32, #tpu.memory_space<hbm>>
      %dma_start3A_537 = arith.constant 0 : i32
      %dma_start3A_538 = arith.constant 0 : i32
      %dma_start3A_539 = tpu.memref_slice %arg4[%add3A_532, %dma_start3A_537, %dma_start3A_538] : memref<4001x3x80xi32, #tpu.memory_space<hbm>> -> memref<1x3x80xi32, #tpu.memory_space<hbm>>
      %dma_start3A_540 = tpu.memref_squeeze %dma_start3A_539 : memref<1x3x80xi32, #tpu.memory_space<hbm>> -> memref<3x80xi32, #tpu.memory_space<hbm>>
      tpu.enqueue_dma source(%dma_start3A_540 : memref<3x80xi32, #tpu.memory_space<hbm>>) target(%arg8 : memref<3x80xi32, #tpu.memory_space<vmem>>) target_semaphore(%arg22 : memref<!tpu.dma_semaphore, #tpu.memory_space<semaphore_mem>>)
      %dma_wait3A_541 = arith.constant 0 : i32
      %dma_wait3A_542 = arith.constant 0 : i32
      %dma_wait3A_543 = tpu.memref_slice %arg2[%dma_wait3A_541, %dma_wait3A_542] : memref<80000x128xf32, #tpu.memory_space<hbm>> -> memref<80000x128xf32, #tpu.memory_space<hbm>>
      tpu.wait_indirect_dma semaphore(%arg24 : memref<!tpu.dma_semaphore, #tpu.memory_space<semaphore_mem>>) src(%dma_wait3A_543 : memref<80000x128xf32, #tpu.memory_space<hbm>>) dst(%arg18 : memref<80x128xf32, #tpu.memory_space<vmem>>)
      %dma_wait3A_544 = arith.constant 0 : i32
      %dma_wait3A_545 = arith.constant 0 : i32
      %dma_wait3A_546 = tpu.memref_slice %arg8[%dma_wait3A_544, %dma_wait3A_545] : memref<3x80xi32, #tpu.memory_space<vmem>> -> memref<1x80xi32, #tpu.memory_space<vmem>>
      %dma_wait3A_547 = tpu.memref_squeeze %dma_wait3A_546 : memref<1x80xi32, #tpu.memory_space<vmem>> -> memref<80xi32, #tpu.memory_space<vmem>>
      %dma_wait3A_548 = arith.constant 0 : i32
      %dma_wait3A_549 = arith.constant 0 : i32
      %dma_wait3A_550 = tpu.memref_slice %arg3[%dma_wait3A_548, %dma_wait3A_549] : memref<10000x16xf32, #tpu.memory_space<hbm>> -> memref<10000x16xf32, #tpu.memory_space<hbm>>
      tpu.wait_indirect_dma semaphore(%arg24 : memref<!tpu.dma_semaphore, #tpu.memory_space<semaphore_mem>>) src(%dma_wait3A_550 : memref<10000x16xf32, #tpu.memory_space<hbm>>) dst(%arg14 : memref<80x16xf32, #tpu.memory_space<vmem>>)
      %dma_wait3A_551 = arith.constant 1 : i32
      %dma_wait3A_552 = arith.constant 0 : i32
      %dma_wait3A_553 = tpu.memref_slice %arg8[%dma_wait3A_551, %dma_wait3A_552] : memref<3x80xi32, #tpu.memory_space<vmem>> -> memref<1x80xi32, #tpu.memory_space<vmem>>
      %dma_wait3A_554 = tpu.memref_squeeze %dma_wait3A_553 : memref<1x80xi32, #tpu.memory_space<vmem>> -> memref<80xi32, #tpu.memory_space<vmem>>
      %dma_wait3A_555 = arith.constant 0 : i32
      %dma_wait3A_556 = arith.constant 0 : i32
      %dma_wait3A_557 = tpu.memref_slice %arg3[%dma_wait3A_555, %dma_wait3A_556] : memref<10000x16xf32, #tpu.memory_space<hbm>> -> memref<10000x16xf32, #tpu.memory_space<hbm>>
      tpu.wait_indirect_dma semaphore(%arg24 : memref<!tpu.dma_semaphore, #tpu.memory_space<semaphore_mem>>) src(%dma_wait3A_557 : memref<10000x16xf32, #tpu.memory_space<hbm>>) dst(%arg16 : memref<80x16xf32, #tpu.memory_space<vmem>>)
      %parallel_loop3A_558 = arith.constant 0 : i32
      %parallel_loop3A_559 = arith.constant 5 : i32
      %parallel_loop3A_560 = arith.constant 1 : i32
      scf.for %parallel_loop3A_566 = %parallel_loop3A_558 to %parallel_loop3A_559 step %parallel_loop3A_560  : i32 {
        %parallel_loop3A_567 = arith.constant 16 : i32
        %parallel_loop3A_568 = arith.muli %parallel_loop3A_566, %parallel_loop3A_567 : i32
        %parallel_loop3A_569 = vector.broadcast %parallel_loop3A_568 : i32 to vector<16xi32>
        %parallel_loop3A_570 = arith.addi %parallel_loop3A_569, %iota3A : vector<16xi32>
        %parallel_loop3A_571 = arith.constant 0 : i32
        %parallel_loop3A_572 = vector.broadcast %parallel_loop3A_571 : i32 to vector<16xi32>
        %parallel_loop3A_573 = tpu.vector_load_idx %arg14[%parallel_loop3A_570, %parallel_loop3A_572] : memref<80x16xf32, #tpu.memory_space<vmem>>[vector<16xi32>, vector<16xi32>], vector<16xf32>,
        %parallel_loop3A_574 = arith.constant 1 : i32
        %parallel_loop3A_575 = vector.broadcast %parallel_loop3A_574 : i32 to vector<16xi32>
        %parallel_loop3A_576 = tpu.vector_load_idx %arg16[%parallel_loop3A_570, %parallel_loop3A_575] : memref<80x16xf32, #tpu.memory_space<vmem>>[vector<16xi32>, vector<16xi32>], vector<16xf32>,
        %parallel_loop3A_577 = arith.addf %parallel_loop3A_573, %parallel_loop3A_576 : vector<16xf32>
        %parallel_loop3A_578 = arith.constant 0.000000e+00 : f32
        %parallel_loop3A_579 = vector.broadcast %parallel_loop3A_578 : f32 to vector<16xf32>
        %parallel_loop3A_580 = arith.cmpf oge, %parallel_loop3A_577, %parallel_loop3A_579 : vector<16xf32>
        %parallel_loop3A_581 = arith.constant 0.00999999977 : f32
        %parallel_loop3A_582 = vector.broadcast %parallel_loop3A_581 : f32 to vector<16xf32>
        %parallel_loop3A_583 = arith.mulf %parallel_loop3A_577, %parallel_loop3A_582 : vector<16xf32>
        %parallel_loop3A_584 = arith.select %parallel_loop3A_580, %parallel_loop3A_577, %parallel_loop3A_583 : vector<16xi1>, vector<16xf32>
        %parallel_loop3A_585 = math.exp %parallel_loop3A_584 : vector<16xf32>
        %parallel_loop3A_586 = arith.constant 16 : i32
        %parallel_loop3A_587 = arith.muli %parallel_loop3A_566, %parallel_loop3A_586 : i32
        %parallel_loop3A_588 = arith.index_cast %parallel_loop3A_587 : i32 to index
        %parallel_loop3A_589 = tpu.vector_load %arg19[%parallel_loop3A_588] {strides = array<i32>} : memref<80xf32, #tpu.memory_space<vmem>>, vector<16xf32>,
        tpu.vector_store %arg19[%parallel_loop3A_588], %parallel_loop3A_585 {strides = array<i32>} : memref<80xf32, #tpu.memory_space<vmem>>, vector<16xf32>,
      } {sc.loop_unroll_factor = 5 : i64, sc.parallel_access}
      %parallel_loop3A_561 = arith.constant 0 : i32
      %parallel_loop3A_562 = arith.constant 80 : i32
      %parallel_loop3A_563 = arith.constant 1 : i32
      scf.for %parallel_loop3A_566 = %parallel_loop3A_561 to %parallel_loop3A_562 step %parallel_loop3A_563  : i32 {
        %parallel_loop3A_567 = vector.broadcast %parallel_loop3A_566 : i32 to vector<16xi32>
        %parallel_loop3A_568 = tpu.vector_load_idx %arg19[%parallel_loop3A_567] : memref<80xf32, #tpu.memory_space<vmem>>[vector<16xi32>], vector<16xf32>,
        %parallel_loop3A_569 = arith.index_cast %parallel_loop3A_566 : i32 to index
        %parallel_loop3A_570 = arith.constant 0 : index
        %parallel_loop3A_571 = tpu.vector_load %arg18[%parallel_loop3A_569, %parallel_loop3A_570] {strides = array<i32>} : memref<80x128xf32, #tpu.memory_space<vmem>>, vector<16xf32>,
        %parallel_loop3A_572 = arith.mulf %parallel_loop3A_571, %parallel_loop3A_568 : vector<16xf32>
        %parallel_loop3A_573 = arith.index_cast %parallel_loop3A_566 : i32 to index
        %parallel_loop3A_574 = arith.constant 0 : index
        %parallel_loop3A_575 = tpu.vector_load %arg18[%parallel_loop3A_573, %parallel_loop3A_574] {strides = array<i32>} : memref<80x128xf32, #tpu.memory_space<vmem>>, vector<16xf32>,
        tpu.vector_store %arg18[%parallel_loop3A_573, %parallel_loop3A_574], %parallel_loop3A_572 {strides = array<i32>} : memref<80x128xf32, #tpu.memory_space<vmem>>, vector<16xf32>,
        %parallel_loop3A_576 = arith.index_cast %parallel_loop3A_566 : i32 to index
        %parallel_loop3A_577 = arith.constant 16 : index
        %parallel_loop3A_578 = tpu.vector_load %arg18[%parallel_loop3A_576, %parallel_loop3A_577] {strides = array<i32>} : memref<80x128xf32, #tpu.memory_space<vmem>>, vector<16xf32>,
        %parallel_loop3A_579 = arith.mulf %parallel_loop3A_578, %parallel_loop3A_568 : vector<16xf32>
        %parallel_loop3A_580 = arith.index_cast %parallel_loop3A_566 : i32 to index
        %parallel_loop3A_581 = arith.constant 16 : index
        %parallel_loop3A_582 = tpu.vector_load %arg18[%parallel_loop3A_580, %parallel_loop3A_581] {strides = array<i32>} : memref<80x128xf32, #tpu.memory_space<vmem>>, vector<16xf32>,
        tpu.vector_store %arg18[%parallel_loop3A_580, %parallel_loop3A_581], %parallel_loop3A_579 {strides = array<i32>} : memref<80x128xf32, #tpu.memory_space<vmem>>, vector<16xf32>,
        %parallel_loop3A_583 = arith.index_cast %parallel_loop3A_566 : i32 to index
        %parallel_loop3A_584 = arith.constant 32 : index
        %parallel_loop3A_585 = tpu.vector_load %arg18[%parallel_loop3A_583, %parallel_loop3A_584] {strides = array<i32>} : memref<80x128xf32, #tpu.memory_space<vmem>>, vector<16xf32>,
        %parallel_loop3A_586 = arith.mulf %parallel_loop3A_585, %parallel_loop3A_568 : vector<16xf32>
        %parallel_loop3A_587 = arith.index_cast %parallel_loop3A_566 : i32 to index
        %parallel_loop3A_588 = arith.constant 32 : index
        %parallel_loop3A_589 = tpu.vector_load %arg18[%parallel_loop3A_587, %parallel_loop3A_588] {strides = array<i32>} : memref<80x128xf32, #tpu.memory_space<vmem>>, vector<16xf32>,
        tpu.vector_store %arg18[%parallel_loop3A_587, %parallel_loop3A_588], %parallel_loop3A_586 {strides = array<i32>} : memref<80x128xf32, #tpu.memory_space<vmem>>, vector<16xf32>,
        %parallel_loop3A_590 = arith.index_cast %parallel_loop3A_566 : i32 to index
        %parallel_loop3A_591 = arith.constant 48 : index
        %parallel_loop3A_592 = tpu.vector_load %arg18[%parallel_loop3A_590, %parallel_loop3A_591] {strides = array<i32>} : memref<80x128xf32, #tpu.memory_space<vmem>>, vector<16xf32>,
        %parallel_loop3A_593 = arith.mulf %parallel_loop3A_592, %parallel_loop3A_568 : vector<16xf32>
        %parallel_loop3A_594 = arith.index_cast %parallel_loop3A_566 : i32 to index
        %parallel_loop3A_595 = arith.constant 48 : index
        %parallel_loop3A_596 = tpu.vector_load %arg18[%parallel_loop3A_594, %parallel_loop3A_595] {strides = array<i32>} : memref<80x128xf32, #tpu.memory_space<vmem>>, vector<16xf32>,
        tpu.vector_store %arg18[%parallel_loop3A_594, %parallel_loop3A_595], %parallel_loop3A_593 {strides = array<i32>} : memref<80x128xf32, #tpu.memory_space<vmem>>, vector<16xf32>,
        %parallel_loop3A_597 = arith.index_cast %parallel_loop3A_566 : i32 to index
        %parallel_loop3A_598 = arith.constant 64 : index
        %parallel_loop3A_599 = tpu.vector_load %arg18[%parallel_loop3A_597, %parallel_loop3A_598] {strides = array<i32>} : memref<80x128xf32, #tpu.memory_space<vmem>>, vector<16xf32>,
        %parallel_loop3A_600 = arith.mulf %parallel_loop3A_599, %parallel_loop3A_568 : vector<16xf32>
        %parallel_loop3A_601 = arith.index_cast %parallel_loop3A_566 : i32 to index
        %parallel_loop3A_602 = arith.constant 64 : index
        %parallel_loop3A_603 = tpu.vector_load %arg18[%parallel_loop3A_601, %parallel_loop3A_602] {strides = array<i32>} : memref<80x128xf32, #tpu.memory_space<vmem>>, vector<16xf32>,
        tpu.vector_store %arg18[%parallel_loop3A_601, %parallel_loop3A_602], %parallel_loop3A_600 {strides = array<i32>} : memref<80x128xf32, #tpu.memory_space<vmem>>, vector<16xf32>,
        %parallel_loop3A_604 = arith.index_cast %parallel_loop3A_566 : i32 to index
        %parallel_loop3A_605 = arith.constant 80 : index
        %parallel_loop3A_606 = tpu.vector_load %arg18[%parallel_loop3A_604, %parallel_loop3A_605] {strides = array<i32>} : memref<80x128xf32, #tpu.memory_space<vmem>>, vector<16xf32>,
        %parallel_loop3A_607 = arith.mulf %parallel_loop3A_606, %parallel_loop3A_568 : vector<16xf32>
        %parallel_loop3A_608 = arith.index_cast %parallel_loop3A_566 : i32 to index
        %parallel_loop3A_609 = arith.constant 80 : index
        %parallel_loop3A_610 = tpu.vector_load %arg18[%parallel_loop3A_608, %parallel_loop3A_609] {strides = array<i32>} : memref<80x128xf32, #tpu.memory_space<vmem>>, vector<16xf32>,
        tpu.vector_store %arg18[%parallel_loop3A_608, %parallel_loop3A_609], %parallel_loop3A_607 {strides = array<i32>} : memref<80x128xf32, #tpu.memory_space<vmem>>, vector<16xf32>,
        %parallel_loop3A_611 = arith.index_cast %parallel_loop3A_566 : i32 to index
        %parallel_loop3A_612 = arith.constant 96 : index
        %parallel_loop3A_613 = tpu.vector_load %arg18[%parallel_loop3A_611, %parallel_loop3A_612] {strides = array<i32>} : memref<80x128xf32, #tpu.memory_space<vmem>>, vector<16xf32>,
        %parallel_loop3A_614 = arith.mulf %parallel_loop3A_613, %parallel_loop3A_568 : vector<16xf32>
        %parallel_loop3A_615 = arith.index_cast %parallel_loop3A_566 : i32 to index
        %parallel_loop3A_616 = arith.constant 96 : index
        %parallel_loop3A_617 = tpu.vector_load %arg18[%parallel_loop3A_615, %parallel_loop3A_616] {strides = array<i32>} : memref<80x128xf32, #tpu.memory_space<vmem>>, vector<16xf32>,
        tpu.vector_store %arg18[%parallel_loop3A_615, %parallel_loop3A_616], %parallel_loop3A_614 {strides = array<i32>} : memref<80x128xf32, #tpu.memory_space<vmem>>, vector<16xf32>,
        %parallel_loop3A_618 = arith.index_cast %parallel_loop3A_566 : i32 to index
        %parallel_loop3A_619 = arith.constant 112 : index
        %parallel_loop3A_620 = tpu.vector_load %arg18[%parallel_loop3A_618, %parallel_loop3A_619] {strides = array<i32>} : memref<80x128xf32, #tpu.memory_space<vmem>>, vector<16xf32>,
        %parallel_loop3A_621 = arith.mulf %parallel_loop3A_620, %parallel_loop3A_568 : vector<16xf32>
        %parallel_loop3A_622 = arith.index_cast %parallel_loop3A_566 : i32 to index
        %parallel_loop3A_623 = arith.constant 112 : index
        %parallel_loop3A_624 = tpu.vector_load %arg18[%parallel_loop3A_622, %parallel_loop3A_623] {strides = array<i32>} : memref<80x128xf32, #tpu.memory_space<vmem>>, vector<16xf32>,
        tpu.vector_store %arg18[%parallel_loop3A_622, %parallel_loop3A_623], %parallel_loop3A_621 {strides = array<i32>} : memref<80x128xf32, #tpu.memory_space<vmem>>, vector<16xf32>,
        %parallel_loop3A_625 = arith.mulf %parallel_loop3A_568, %select_n3A : vector<16xf32>
        %parallel_loop3A_626 = arith.index_cast %parallel_loop3A_566 : i32 to index
        %parallel_loop3A_627 = arith.constant 0 : index
        %parallel_loop3A_628 = tpu.vector_load %arg20[%parallel_loop3A_626, %parallel_loop3A_627] {strides = array<i32>} : memref<80x16xf32, #tpu.memory_space<vmem>>, vector<16xf32>,
        tpu.vector_store %arg20[%parallel_loop3A_626, %parallel_loop3A_627], %parallel_loop3A_625 {strides = array<i32>} : memref<80x16xf32, #tpu.memory_space<vmem>>, vector<16xf32>,
      } {sc.loop_unroll_factor = 8 : i64, sc.parallel_access}
      "tpu.region"() ({
        %run_scoped3A = tpu.sem_alloc : memref<!tpu.dma_semaphore, #tpu.memory_space<semaphore_mem>>
        %dma_start3A_566 = arith.constant 0 : i32
        %dma_start3A_567 = arith.constant 0 : i32
        %dma_start3A_568 = tpu.memref_slice %arg25[%dma_start3A_566, %dma_start3A_567] : memref<10000x128xf32, #tpu.memory_space<vmem_shared>> -> memref<10000x128xf32, #tpu.memory_space<vmem_shared>>
        tpu.enqueue_indirect_dma source(%arg18 : memref<80x128xf32, #tpu.memory_space<vmem>>) target(%dma_start3A_568 : memref<10000x128xf32, #tpu.memory_space<vmem_shared>>) offsets(%arg12 : memref<80xi32, #tpu.memory_space<vmem>>) semaphore(%run_scoped3A : memref<!tpu.dma_semaphore, #tpu.memory_space<semaphore_mem>>) {add = true}
        %dma_wait3A_569 = arith.constant 0 : i32
        %dma_wait3A_570 = arith.constant 0 : i32
        %dma_wait3A_571 = tpu.memref_slice %arg25[%dma_wait3A_569, %dma_wait3A_570] : memref<10000x128xf32, #tpu.memory_space<vmem_shared>> -> memref<10000x128xf32, #tpu.memory_space<vmem_shared>>
        tpu.wait_indirect_dma semaphore(%run_scoped3A : memref<!tpu.dma_semaphore, #tpu.memory_space<semaphore_mem>>) src(%arg18 : memref<80x128xf32, #tpu.memory_space<vmem>>) dst(%dma_wait3A_571 : memref<10000x128xf32, #tpu.memory_space<vmem_shared>>)
        tpu.yield
      }) : () -> ()
      "tpu.region"() ({
        %run_scoped3A = tpu.sem_alloc : memref<!tpu.dma_semaphore, #tpu.memory_space<semaphore_mem>>
        %dma_start3A_566 = arith.constant 0 : i32
        %dma_start3A_567 = arith.constant 0 : i32
        %dma_start3A_568 = tpu.memref_slice %arg26[%dma_start3A_566, %dma_start3A_567] : memref<10000x16xf32, #tpu.memory_space<vmem_shared>> -> memref<10000x16xf32, #tpu.memory_space<vmem_shared>>
        tpu.enqueue_indirect_dma source(%arg20 : memref<80x16xf32, #tpu.memory_space<vmem>>) target(%dma_start3A_568 : memref<10000x16xf32, #tpu.memory_space<vmem_shared>>) offsets(%arg12 : memref<80xi32, #tpu.memory_space<vmem>>) semaphore(%run_scoped3A : memref<!tpu.dma_semaphore, #tpu.memory_space<semaphore_mem>>) {add = true}
        %dma_wait3A_569 = arith.constant 0 : i32
        %dma_wait3A_570 = arith.constant 0 : i32
        %dma_wait3A_571 = tpu.memref_slice %arg26[%dma_wait3A_569, %dma_wait3A_570] : memref<10000x16xf32, #tpu.memory_space<vmem_shared>> -> memref<10000x16xf32, #tpu.memory_space<vmem_shared>>
        tpu.wait_indirect_dma semaphore(%run_scoped3A : memref<!tpu.dma_semaphore, #tpu.memory_space<semaphore_mem>>) src(%arg20 : memref<80x16xf32, #tpu.memory_space<vmem>>) dst(%dma_wait3A_571 : memref<10000x16xf32, #tpu.memory_space<vmem_shared>>)
        tpu.yield
      }) : () -> ()
      %add3A_564 = arith.constant 1 : i32
      %add3A_565 = arith.addi %add3A_401, %add3A_564 : i32
    }
    %scan3A_197 = arith.constant 62 : i32
    %dma_wait3A_198 = arith.constant 0 : i32
    %dma_wait3A_199 = arith.constant 0 : i32
    %dma_wait3A_200 = arith.constant 0 : i32
    %dma_wait3A_201 = tpu.memref_slice %arg4[%dma_wait3A_198, %dma_wait3A_199, %dma_wait3A_200] : memref<4001x3x80xi32, #tpu.memory_space<hbm>> -> memref<1x3x80xi32, #tpu.memory_space<hbm>>
    %dma_wait3A_202 = tpu.memref_squeeze %dma_wait3A_201 : memref<1x3x80xi32, #tpu.memory_space<hbm>> -> memref<3x80xi32, #tpu.memory_space<hbm>>
    %dma_wait3A_203 = arith.constant 0 : i32
    %dma_wait3A_204 = arith.constant 0 : i32
    %dma_wait3A_205 = tpu.memref_slice %arg4[%dma_wait3A_198, %dma_wait3A_203, %dma_wait3A_204] : memref<4001x3x80xi32, #tpu.memory_space<hbm>> -> memref<1x3x80xi32, #tpu.memory_space<hbm>>
    %dma_wait3A_206 = tpu.memref_squeeze %dma_wait3A_205 : memref<1x3x80xi32, #tpu.memory_space<hbm>> -> memref<3x80xi32, #tpu.memory_space<hbm>>
    tpu.wait_dma2 semaphore(%arg22 : memref<!tpu.dma_semaphore, #tpu.memory_space<semaphore_mem>>) src(%dma_wait3A_206 : memref<3x80xi32, #tpu.memory_space<hbm>>) dst(%arg8 : memref<3x80xi32, #tpu.memory_space<vmem>>)
    %dma_wait3A_207 = arith.constant 0 : i32
    %dma_wait3A_208 = arith.constant 0 : i32
    %dma_wait3A_209 = tpu.memref_slice %arg2[%dma_wait3A_207, %dma_wait3A_208] : memref<80000x128xf32, #tpu.memory_space<hbm>> -> memref<80000x128xf32, #tpu.memory_space<hbm>>
    tpu.wait_indirect_dma semaphore(%arg23 : memref<!tpu.dma_semaphore, #tpu.memory_space<semaphore_mem>>) src(%dma_wait3A_209 : memref<80000x128xf32, #tpu.memory_space<hbm>>) dst(%arg17 : memref<80x128xf32, #tpu.memory_space<vmem>>)
    %dma_wait3A_210 = arith.constant 0 : i32
    %dma_wait3A_211 = arith.constant 0 : i32
    %dma_wait3A_212 = tpu.memref_slice %arg7[%dma_wait3A_210, %dma_wait3A_211] : memref<3x80xi32, #tpu.memory_space<vmem>> -> memref<1x80xi32, #tpu.memory_space<vmem>>
    %dma_wait3A_213 = tpu.memref_squeeze %dma_wait3A_212 : memref<1x80xi32, #tpu.memory_space<vmem>> -> memref<80xi32, #tpu.memory_space<vmem>>
    %dma_wait3A_214 = arith.constant 0 : i32
    %dma_wait3A_215 = arith.constant 0 : i32
    %dma_wait3A_216 = tpu.memref_slice %arg3[%dma_wait3A_214, %dma_wait3A_215] : memref<10000x16xf32, #tpu.memory_space<hbm>> -> memref<10000x16xf32, #tpu.memory_space<hbm>>
    tpu.wait_indirect_dma semaphore(%arg23 : memref<!tpu.dma_semaphore, #tpu.memory_space<semaphore_mem>>) src(%dma_wait3A_216 : memref<10000x16xf32, #tpu.memory_space<hbm>>) dst(%arg13 : memref<80x16xf32, #tpu.memory_space<vmem>>)
    %dma_wait3A_217 = arith.constant 1 : i32
    %dma_wait3A_218 = arith.constant 0 : i32
    %dma_wait3A_219 = tpu.memref_slice %arg7[%dma_wait3A_217, %dma_wait3A_218] : memref<3x80xi32, #tpu.memory_space<vmem>> -> memref<1x80xi32, #tpu.memory_space<vmem>>
    %dma_wait3A_220 = tpu.memref_squeeze %dma_wait3A_219 : memref<1x80xi32, #tpu.memory_space<vmem>> -> memref<80xi32, #tpu.memory_space<vmem>>
    %dma_wait3A_221 = arith.constant 0 : i32
    %dma_wait3A_222 = arith.constant 0 : i32
    %dma_wait3A_223 = tpu.memref_slice %arg3[%dma_wait3A_221, %dma_wait3A_222] : memref<10000x16xf32, #tpu.memory_space<hbm>> -> memref<10000x16xf32, #tpu.memory_space<hbm>>
    tpu.wait_indirect_dma semaphore(%arg23 : memref<!tpu.dma_semaphore, #tpu.memory_space<semaphore_mem>>) src(%dma_wait3A_223 : memref<10000x16xf32, #tpu.memory_space<hbm>>) dst(%arg15 : memref<80x16xf32, #tpu.memory_space<vmem>>)
    %parallel_loop3A = arith.constant 0 : i32
    %parallel_loop3A_224 = arith.constant 5 : i32
    %parallel_loop3A_225 = arith.constant 1 : i32
    scf.for %parallel_loop3A_235 = %parallel_loop3A to %parallel_loop3A_224 step %parallel_loop3A_225  : i32 {
      %parallel_loop3A_236 = arith.constant 16 : i32
      %parallel_loop3A_237 = arith.muli %parallel_loop3A_235, %parallel_loop3A_236 : i32
      %parallel_loop3A_238 = vector.broadcast %parallel_loop3A_237 : i32 to vector<16xi32>
      %parallel_loop3A_239 = arith.addi %parallel_loop3A_238, %iota3A : vector<16xi32>
      %parallel_loop3A_240 = arith.constant 0 : i32
      %parallel_loop3A_241 = vector.broadcast %parallel_loop3A_240 : i32 to vector<16xi32>
      %parallel_loop3A_242 = tpu.vector_load_idx %arg13[%parallel_loop3A_239, %parallel_loop3A_241] : memref<80x16xf32, #tpu.memory_space<vmem>>[vector<16xi32>, vector<16xi32>], vector<16xf32>,
      %parallel_loop3A_243 = arith.constant 1 : i32
      %parallel_loop3A_244 = vector.broadcast %parallel_loop3A_243 : i32 to vector<16xi32>
      %parallel_loop3A_245 = tpu.vector_load_idx %arg15[%parallel_loop3A_239, %parallel_loop3A_244] : memref<80x16xf32, #tpu.memory_space<vmem>>[vector<16xi32>, vector<16xi32>], vector<16xf32>,
      %parallel_loop3A_246 = arith.addf %parallel_loop3A_242, %parallel_loop3A_245 : vector<16xf32>
      %parallel_loop3A_247 = arith.constant 0.000000e+00 : f32
      %parallel_loop3A_248 = vector.broadcast %parallel_loop3A_247 : f32 to vector<16xf32>
      %parallel_loop3A_249 = arith.cmpf oge, %parallel_loop3A_246, %parallel_loop3A_248 : vector<16xf32>
      %parallel_loop3A_250 = arith.constant 0.00999999977 : f32
      %parallel_loop3A_251 = vector.broadcast %parallel_loop3A_250 : f32 to vector<16xf32>
      %parallel_loop3A_252 = arith.mulf %parallel_loop3A_246, %parallel_loop3A_251 : vector<16xf32>
      %parallel_loop3A_253 = arith.select %parallel_loop3A_249, %parallel_loop3A_246, %parallel_loop3A_252 : vector<16xi1>, vector<16xf32>
      %parallel_loop3A_254 = math.exp %parallel_loop3A_253 : vector<16xf32>
      %parallel_loop3A_255 = arith.constant 16 : i32
      %parallel_loop3A_256 = arith.muli %parallel_loop3A_235, %parallel_loop3A_255 : i32
      %parallel_loop3A_257 = arith.index_cast %parallel_loop3A_256 : i32 to index
      %parallel_loop3A_258 = tpu.vector_load %arg19[%parallel_loop3A_257] {strides = array<i32>} : memref<80xf32, #tpu.memory_space<vmem>>, vector<16xf32>,
      tpu.vector_store %arg19[%parallel_loop3A_257], %parallel_loop3A_254 {strides = array<i32>} : memref<80xf32, #tpu.memory_space<vmem>>, vector<16xf32>,
    } {sc.loop_unroll_factor = 5 : i64, sc.parallel_access}
    %parallel_loop3A_226 = arith.constant 0 : i32
    %parallel_loop3A_227 = arith.constant 80 : i32
    %parallel_loop3A_228 = arith.constant 1 : i32
    scf.for %parallel_loop3A_235 = %parallel_loop3A_226 to %parallel_loop3A_227 step %parallel_loop3A_228  : i32 {
      %parallel_loop3A_236 = vector.broadcast %parallel_loop3A_235 : i32 to vector<16xi32>
      %parallel_loop3A_237 = tpu.vector_load_idx %arg19[%parallel_loop3A_236] : memref<80xf32, #tpu.memory_space<vmem>>[vector<16xi32>], vector<16xf32>,
      %parallel_loop3A_238 = arith.index_cast %parallel_loop3A_235 : i32 to index
      %parallel_loop3A_239 = arith.constant 0 : index
      %parallel_loop3A_240 = tpu.vector_load %arg17[%parallel_loop3A_238, %parallel_loop3A_239] {strides = array<i32>} : memref<80x128xf32, #tpu.memory_space<vmem>>, vector<16xf32>,
      %parallel_loop3A_241 = arith.mulf %parallel_loop3A_240, %parallel_loop3A_237 : vector<16xf32>
      %parallel_loop3A_242 = arith.index_cast %parallel_loop3A_235 : i32 to index
      %parallel_loop3A_243 = arith.constant 0 : index
      %parallel_loop3A_244 = tpu.vector_load %arg17[%parallel_loop3A_242, %parallel_loop3A_243] {strides = array<i32>} : memref<80x128xf32, #tpu.memory_space<vmem>>, vector<16xf32>,
      tpu.vector_store %arg17[%parallel_loop3A_242, %parallel_loop3A_243], %parallel_loop3A_241 {strides = array<i32>} : memref<80x128xf32, #tpu.memory_space<vmem>>, vector<16xf32>,
      %parallel_loop3A_245 = arith.index_cast %parallel_loop3A_235 : i32 to index
      %parallel_loop3A_246 = arith.constant 16 : index
      %parallel_loop3A_247 = tpu.vector_load %arg17[%parallel_loop3A_245, %parallel_loop3A_246] {strides = array<i32>} : memref<80x128xf32, #tpu.memory_space<vmem>>, vector<16xf32>,
      %parallel_loop3A_248 = arith.mulf %parallel_loop3A_247, %parallel_loop3A_237 : vector<16xf32>
      %parallel_loop3A_249 = arith.index_cast %parallel_loop3A_235 : i32 to index
      %parallel_loop3A_250 = arith.constant 16 : index
      %parallel_loop3A_251 = tpu.vector_load %arg17[%parallel_loop3A_249, %parallel_loop3A_250] {strides = array<i32>} : memref<80x128xf32, #tpu.memory_space<vmem>>, vector<16xf32>,
      tpu.vector_store %arg17[%parallel_loop3A_249, %parallel_loop3A_250], %parallel_loop3A_248 {strides = array<i32>} : memref<80x128xf32, #tpu.memory_space<vmem>>, vector<16xf32>,
      %parallel_loop3A_252 = arith.index_cast %parallel_loop3A_235 : i32 to index
      %parallel_loop3A_253 = arith.constant 32 : index
      %parallel_loop3A_254 = tpu.vector_load %arg17[%parallel_loop3A_252, %parallel_loop3A_253] {strides = array<i32>} : memref<80x128xf32, #tpu.memory_space<vmem>>, vector<16xf32>,
      %parallel_loop3A_255 = arith.mulf %parallel_loop3A_254, %parallel_loop3A_237 : vector<16xf32>
      %parallel_loop3A_256 = arith.index_cast %parallel_loop3A_235 : i32 to index
      %parallel_loop3A_257 = arith.constant 32 : index
      %parallel_loop3A_258 = tpu.vector_load %arg17[%parallel_loop3A_256, %parallel_loop3A_257] {strides = array<i32>} : memref<80x128xf32, #tpu.memory_space<vmem>>, vector<16xf32>,
      tpu.vector_store %arg17[%parallel_loop3A_256, %parallel_loop3A_257], %parallel_loop3A_255 {strides = array<i32>} : memref<80x128xf32, #tpu.memory_space<vmem>>, vector<16xf32>,
      %parallel_loop3A_259 = arith.index_cast %parallel_loop3A_235 : i32 to index
      %parallel_loop3A_260 = arith.constant 48 : index
      %parallel_loop3A_261 = tpu.vector_load %arg17[%parallel_loop3A_259, %parallel_loop3A_260] {strides = array<i32>} : memref<80x128xf32, #tpu.memory_space<vmem>>, vector<16xf32>,
      %parallel_loop3A_262 = arith.mulf %parallel_loop3A_261, %parallel_loop3A_237 : vector<16xf32>
      %parallel_loop3A_263 = arith.index_cast %parallel_loop3A_235 : i32 to index
      %parallel_loop3A_264 = arith.constant 48 : index
      %parallel_loop3A_265 = tpu.vector_load %arg17[%parallel_loop3A_263, %parallel_loop3A_264] {strides = array<i32>} : memref<80x128xf32, #tpu.memory_space<vmem>>, vector<16xf32>,
      tpu.vector_store %arg17[%parallel_loop3A_263, %parallel_loop3A_264], %parallel_loop3A_262 {strides = array<i32>} : memref<80x128xf32, #tpu.memory_space<vmem>>, vector<16xf32>,
      %parallel_loop3A_266 = arith.index_cast %parallel_loop3A_235 : i32 to index
      %parallel_loop3A_267 = arith.constant 64 : index
      %parallel_loop3A_268 = tpu.vector_load %arg17[%parallel_loop3A_266, %parallel_loop3A_267] {strides = array<i32>} : memref<80x128xf32, #tpu.memory_space<vmem>>, vector<16xf32>,
      %parallel_loop3A_269 = arith.mulf %parallel_loop3A_268, %parallel_loop3A_237 : vector<16xf32>
      %parallel_loop3A_270 = arith.index_cast %parallel_loop3A_235 : i32 to index
      %parallel_loop3A_271 = arith.constant 64 : index
      %parallel_loop3A_272 = tpu.vector_load %arg17[%parallel_loop3A_270, %parallel_loop3A_271] {strides = array<i32>} : memref<80x128xf32, #tpu.memory_space<vmem>>, vector<16xf32>,
      tpu.vector_store %arg17[%parallel_loop3A_270, %parallel_loop3A_271], %parallel_loop3A_269 {strides = array<i32>} : memref<80x128xf32, #tpu.memory_space<vmem>>, vector<16xf32>,
      %parallel_loop3A_273 = arith.index_cast %parallel_loop3A_235 : i32 to index
      %parallel_loop3A_274 = arith.constant 80 : index
      %parallel_loop3A_275 = tpu.vector_load %arg17[%parallel_loop3A_273, %parallel_loop3A_274] {strides = array<i32>} : memref<80x128xf32, #tpu.memory_space<vmem>>, vector<16xf32>,
      %parallel_loop3A_276 = arith.mulf %parallel_loop3A_275, %parallel_loop3A_237 : vector<16xf32>
      %parallel_loop3A_277 = arith.index_cast %parallel_loop3A_235 : i32 to index
      %parallel_loop3A_278 = arith.constant 80 : index
      %parallel_loop3A_279 = tpu.vector_load %arg17[%parallel_loop3A_277, %parallel_loop3A_278] {strides = array<i32>} : memref<80x128xf32, #tpu.memory_space<vmem>>, vector<16xf32>,
      tpu.vector_store %arg17[%parallel_loop3A_277, %parallel_loop3A_278], %parallel_loop3A_276 {strides = array<i32>} : memref<80x128xf32, #tpu.memory_space<vmem>>, vector<16xf32>,
      %parallel_loop3A_280 = arith.index_cast %parallel_loop3A_235 : i32 to index
      %parallel_loop3A_281 = arith.constant 96 : index
      %parallel_loop3A_282 = tpu.vector_load %arg17[%parallel_loop3A_280, %parallel_loop3A_281] {strides = array<i32>} : memref<80x128xf32, #tpu.memory_space<vmem>>, vector<16xf32>,
      %parallel_loop3A_283 = arith.mulf %parallel_loop3A_282, %parallel_loop3A_237 : vector<16xf32>
      %parallel_loop3A_284 = arith.index_cast %parallel_loop3A_235 : i32 to index
      %parallel_loop3A_285 = arith.constant 96 : index
      %parallel_loop3A_286 = tpu.vector_load %arg17[%parallel_loop3A_284, %parallel_loop3A_285] {strides = array<i32>} : memref<80x128xf32, #tpu.memory_space<vmem>>, vector<16xf32>,
      tpu.vector_store %arg17[%parallel_loop3A_284, %parallel_loop3A_285], %parallel_loop3A_283 {strides = array<i32>} : memref<80x128xf32, #tpu.memory_space<vmem>>, vector<16xf32>,
      %parallel_loop3A_287 = arith.index_cast %parallel_loop3A_235 : i32 to index
      %parallel_loop3A_288 = arith.constant 112 : index
      %parallel_loop3A_289 = tpu.vector_load %arg17[%parallel_loop3A_287, %parallel_loop3A_288] {strides = array<i32>} : memref<80x128xf32, #tpu.memory_space<vmem>>, vector<16xf32>,
      %parallel_loop3A_290 = arith.mulf %parallel_loop3A_289, %parallel_loop3A_237 : vector<16xf32>
      %parallel_loop3A_291 = arith.index_cast %parallel_loop3A_235 : i32 to index
      %parallel_loop3A_292 = arith.constant 112 : index
      %parallel_loop3A_293 = tpu.vector_load %arg17[%parallel_loop3A_291, %parallel_loop3A_292] {strides = array<i32>} : memref<80x128xf32, #tpu.memory_space<vmem>>, vector<16xf32>,
      tpu.vector_store %arg17[%parallel_loop3A_291, %parallel_loop3A_292], %parallel_loop3A_290 {strides = array<i32>} : memref<80x128xf32, #tpu.memory_space<vmem>>, vector<16xf32>,
      %parallel_loop3A_294 = arith.mulf %parallel_loop3A_237, %select_n3A : vector<16xf32>
      %parallel_loop3A_295 = arith.index_cast %parallel_loop3A_235 : i32 to index
      %parallel_loop3A_296 = arith.constant 0 : index
      %parallel_loop3A_297 = tpu.vector_load %arg20[%parallel_loop3A_295, %parallel_loop3A_296] {strides = array<i32>} : memref<80x16xf32, #tpu.memory_space<vmem>>, vector<16xf32>,
      tpu.vector_store %arg20[%parallel_loop3A_295, %parallel_loop3A_296], %parallel_loop3A_294 {strides = array<i32>} : memref<80x16xf32, #tpu.memory_space<vmem>>, vector<16xf32>,
    } {sc.loop_unroll_factor = 8 : i64, sc.parallel_access}
    "tpu.region"() ({
      %run_scoped3A = tpu.sem_alloc : memref<!tpu.dma_semaphore, #tpu.memory_space<semaphore_mem>>
      %dma_start3A_235 = arith.constant 0 : i32
      %dma_start3A_236 = arith.constant 0 : i32
      %dma_start3A_237 = tpu.memref_slice %arg25[%dma_start3A_235, %dma_start3A_236] : memref<10000x128xf32, #tpu.memory_space<vmem_shared>> -> memref<10000x128xf32, #tpu.memory_space<vmem_shared>>
      tpu.enqueue_indirect_dma source(%arg17 : memref<80x128xf32, #tpu.memory_space<vmem>>) target(%dma_start3A_237 : memref<10000x128xf32, #tpu.memory_space<vmem_shared>>) offsets(%arg11 : memref<80xi32, #tpu.memory_space<vmem>>) semaphore(%run_scoped3A : memref<!tpu.dma_semaphore, #tpu.memory_space<semaphore_mem>>) {add = true}
      %dma_wait3A_238 = arith.constant 0 : i32
      %dma_wait3A_239 = arith.constant 0 : i32
      %dma_wait3A_240 = tpu.memref_slice %arg25[%dma_wait3A_238, %dma_wait3A_239] : memref<10000x128xf32, #tpu.memory_space<vmem_shared>> -> memref<10000x128xf32, #tpu.memory_space<vmem_shared>>
      tpu.wait_indirect_dma semaphore(%run_scoped3A : memref<!tpu.dma_semaphore, #tpu.memory_space<semaphore_mem>>) src(%arg17 : memref<80x128xf32, #tpu.memory_space<vmem>>) dst(%dma_wait3A_240 : memref<10000x128xf32, #tpu.memory_space<vmem_shared>>)
      tpu.yield
    }) : () -> ()
    "tpu.region"() ({
      %run_scoped3A = tpu.sem_alloc : memref<!tpu.dma_semaphore, #tpu.memory_space<semaphore_mem>>
      %dma_start3A_235 = arith.constant 0 : i32
      %dma_start3A_236 = arith.constant 0 : i32
      %dma_start3A_237 = tpu.memref_slice %arg26[%dma_start3A_235, %dma_start3A_236] : memref<10000x16xf32, #tpu.memory_space<vmem_shared>> -> memref<10000x16xf32, #tpu.memory_space<vmem_shared>>
      tpu.enqueue_indirect_dma source(%arg20 : memref<80x16xf32, #tpu.memory_space<vmem>>) target(%dma_start3A_237 : memref<10000x16xf32, #tpu.memory_space<vmem_shared>>) offsets(%arg11 : memref<80xi32, #tpu.memory_space<vmem>>) semaphore(%run_scoped3A : memref<!tpu.dma_semaphore, #tpu.memory_space<semaphore_mem>>) {add = true}
      %dma_wait3A_238 = arith.constant 0 : i32
      %dma_wait3A_239 = arith.constant 0 : i32
      %dma_wait3A_240 = tpu.memref_slice %arg26[%dma_wait3A_238, %dma_wait3A_239] : memref<10000x16xf32, #tpu.memory_space<vmem_shared>> -> memref<10000x16xf32, #tpu.memory_space<vmem_shared>>
      tpu.wait_indirect_dma semaphore(%run_scoped3A : memref<!tpu.dma_semaphore, #tpu.memory_space<semaphore_mem>>) src(%arg20 : memref<80x16xf32, #tpu.memory_space<vmem>>) dst(%dma_wait3A_240 : memref<10000x16xf32, #tpu.memory_space<vmem_shared>>)
      tpu.yield
    }) : () -> ()
    %barrier3A_229 = arith.constant 0 : index
    tpu.barrier barrier_id(%barrier3A_229)
    "tpu.region"() ({
      %run_scoped3A = tpu.sem_alloc : memref<!tpu.dma_semaphore, #tpu.memory_space<semaphore_mem>>
      %dma_start3A_235 = arith.constant 0 : i32
      %dma_start3A_236 = tpu.memref_slice %arg5[%arg0, %mul3A_15, %dma_start3A_235] : memref<2x10000x128xf32, #tpu.memory_space<hbm>> -> memref<1x624x128xf32, #tpu.memory_space<hbm>>
      %dma_start3A_237 = tpu.memref_squeeze %dma_start3A_236 : memref<1x624x128xf32, #tpu.memory_space<hbm>> -> memref<624x128xf32, #tpu.memory_space<hbm>>
      %dma_start3A_238 = arith.constant 0 : i32
      %dma_start3A_239 = tpu.memref_slice %arg25[%mul3A_15, %dma_start3A_238] : memref<10000x128xf32, #tpu.memory_space<vmem_shared>> -> memref<624x128xf32, #tpu.memory_space<vmem_shared>>
      tpu.enqueue_dma source(%dma_start3A_239 : memref<624x128xf32, #tpu.memory_space<vmem_shared>>) target(%dma_start3A_237 : memref<624x128xf32, #tpu.memory_space<hbm>>) target_semaphore(%run_scoped3A : memref<!tpu.dma_semaphore, #tpu.memory_space<semaphore_mem>>)
      %dma_wait3A_240 = arith.constant 0 : i32
      %dma_wait3A_241 = tpu.memref_slice %arg5[%arg0, %mul3A_15, %dma_wait3A_240] : memref<2x10000x128xf32, #tpu.memory_space<hbm>> -> memref<1x624x128xf32, #tpu.memory_space<hbm>>
      %dma_wait3A_242 = tpu.memref_squeeze %dma_wait3A_241 : memref<1x624x128xf32, #tpu.memory_space<hbm>> -> memref<624x128xf32, #tpu.memory_space<hbm>>
      %dma_wait3A_243 = arith.constant 0 : i32
      %dma_wait3A_244 = tpu.memref_slice %arg25[%mul3A_15, %dma_wait3A_243] : memref<10000x128xf32, #tpu.memory_space<vmem_shared>> -> memref<624x128xf32, #tpu.memory_space<vmem_shared>>
      tpu.wait_dma2 semaphore(%run_scoped3A : memref<!tpu.dma_semaphore, #tpu.memory_space<semaphore_mem>>) src(%dma_wait3A_244 : memref<624x128xf32, #tpu.memory_space<vmem_shared>>) dst(%dma_wait3A_242 : memref<624x128xf32, #tpu.memory_space<hbm>>)
      tpu.yield
    }) : () -> ()
    "tpu.region"() ({
      %run_scoped3A = tpu.sem_alloc : memref<!tpu.dma_semaphore, #tpu.memory_space<semaphore_mem>>
      %dma_start3A_235 = arith.constant 0 : i32
      %dma_start3A_236 = tpu.memref_slice %arg6[%arg0, %mul3A_15, %dma_start3A_235] : memref<2x10000x16xf32, #tpu.memory_space<hbm>> -> memref<1x624x16xf32, #tpu.memory_space<hbm>>
      %dma_start3A_237 = tpu.memref_squeeze %dma_start3A_236 : memref<1x624x16xf32, #tpu.memory_space<hbm>> -> memref<624x16xf32, #tpu.memory_space<hbm>>
      %dma_start3A_238 = arith.constant 0 : i32
      %dma_start3A_239 = tpu.memref_slice %arg26[%mul3A_15, %dma_start3A_238] : memref<10000x16xf32, #tpu.memory_space<vmem_shared>> -> memref<624x16xf32, #tpu.memory_space<vmem_shared>>
      tpu.enqueue_dma source(%dma_start3A_239 : memref<624x16xf32, #tpu.memory_space<vmem_shared>>) target(%dma_start3A_237 : memref<624x16xf32, #tpu.memory_space<hbm>>) target_semaphore(%run_scoped3A : memref<!tpu.dma_semaphore, #tpu.memory_space<semaphore_mem>>)
      %dma_wait3A_240 = arith.constant 0 : i32
      %dma_wait3A_241 = tpu.memref_slice %arg6[%arg0, %mul3A_15, %dma_wait3A_240] : memref<2x10000x16xf32, #tpu.memory_space<hbm>> -> memref<1x624x16xf32, #tpu.memory_space<hbm>>
      %dma_wait3A_242 = tpu.memref_squeeze %dma_wait3A_241 : memref<1x624x16xf32, #tpu.memory_space<hbm>> -> memref<624x16xf32, #tpu.memory_space<hbm>>
      %dma_wait3A_243 = arith.constant 0 : i32
      %dma_wait3A_244 = tpu.memref_slice %arg26[%mul3A_15, %dma_wait3A_243] : memref<10000x16xf32, #tpu.memory_space<vmem_shared>> -> memref<624x16xf32, #tpu.memory_space<vmem_shared>>
      tpu.wait_dma2 semaphore(%run_scoped3A : memref<!tpu.dma_semaphore, #tpu.memory_space<semaphore_mem>>) src(%dma_wait3A_244 : memref<624x16xf32, #tpu.memory_space<vmem_shared>>) dst(%dma_wait3A_242 : memref<624x16xf32, #tpu.memory_space<hbm>>)
      tpu.yield
    }) : () -> ()
    %eq3A_230 = arith.constant 0 : i32
    %eq3A_231 = arith.cmpi eq, %arg1, %eq3A_230 : i32
    %convert_element_type3A_232 = arith.extui %eq3A_231 : i1 to i32
    %cond3A_233 = arith.constant 0 : i32
    %cond3A_234 = arith.cmpi ne, %convert_element_type3A_232, %cond3A_233 : i32
    scf.if %cond3A_234 {
      "tpu.region"() ({
        %run_scoped3A = tpu.sem_alloc : memref<!tpu.dma_semaphore, #tpu.memory_space<semaphore_mem>>
        %dma_start3A_235 = arith.constant 9984 : i32
        %dma_start3A_236 = arith.constant 0 : i32
        %dma_start3A_237 = tpu.memref_slice %arg5[%arg0, %dma_start3A_235, %dma_start3A_236] : memref<2x10000x128xf32, #tpu.memory_space<hbm>> -> memref<1x16x128xf32, #tpu.memory_space<hbm>>
        %dma_start3A_238 = tpu.memref_squeeze %dma_start3A_237 : memref<1x16x128xf32, #tpu.memory_space<hbm>> -> memref<16x128xf32, #tpu.memory_space<hbm>>
        %dma_start3A_239 = arith.constant 9984 : i32
        %dma_start3A_240 = arith.constant 0 : i32
        %dma_start3A_241 = tpu.memref_slice %arg25[%dma_start3A_239, %dma_start3A_240] : memref<10000x128xf32, #tpu.memory_space<vmem_shared>> -> memref<16x128xf32, #tpu.memory_space<vmem_shared>>
        tpu.enqueue_dma source(%dma_start3A_241 : memref<16x128xf32, #tpu.memory_space<vmem_shared>>) target(%dma_start3A_238 : memref<16x128xf32, #tpu.memory_space<hbm>>) target_semaphore(%run_scoped3A : memref<!tpu.dma_semaphore, #tpu.memory_space<semaphore_mem>>)
        %dma_wait3A_242 = arith.constant 9984 : i32
        %dma_wait3A_243 = arith.constant 0 : i32
        %dma_wait3A_244 = tpu.memref_slice %arg5[%arg0, %dma_wait3A_242, %dma_wait3A_243] : memref<2x10000x128xf32, #tpu.memory_space<hbm>> -> memref<1x16x128xf32, #tpu.memory_space<hbm>>
        %dma_wait3A_245 = tpu.memref_squeeze %dma_wait3A_244 : memref<1x16x128xf32, #tpu.memory_space<hbm>> -> memref<16x128xf32, #tpu.memory_space<hbm>>
        %dma_wait3A_246 = arith.constant 9984 : i32
        %dma_wait3A_247 = arith.constant 0 : i32
        %dma_wait3A_248 = tpu.memref_slice %arg25[%dma_wait3A_246, %dma_wait3A_247] : memref<10000x128xf32, #tpu.memory_space<vmem_shared>> -> memref<16x128xf32, #tpu.memory_space<vmem_shared>>
        tpu.wait_dma2 semaphore(%run_scoped3A : memref<!tpu.dma_semaphore, #tpu.memory_space<semaphore_mem>>) src(%dma_wait3A_248 : memref<16x128xf32, #tpu.memory_space<vmem_shared>>) dst(%dma_wait3A_245 : memref<16x128xf32, #tpu.memory_space<hbm>>)
        tpu.yield
      }) : () -> ()
      "tpu.region"() ({
        %run_scoped3A = tpu.sem_alloc : memref<!tpu.dma_semaphore, #tpu.memory_space<semaphore_mem>>
        %dma_start3A_235 = arith.constant 9984 : i32
        %dma_start3A_236 = arith.constant 0 : i32
        %dma_start3A_237 = tpu.memref_slice %arg6[%arg0, %dma_start3A_235, %dma_start3A_236] : memref<2x10000x16xf32, #tpu.memory_space<hbm>> -> memref<1x16x16xf32, #tpu.memory_space<hbm>>
        %dma_start3A_238 = tpu.memref_squeeze %dma_start3A_237 : memref<1x16x16xf32, #tpu.memory_space<hbm>> -> memref<16x16xf32, #tpu.memory_space<hbm>>
        %dma_start3A_239 = arith.constant 9984 : i32
        %dma_start3A_240 = arith.constant 0 : i32
        %dma_start3A_241 = tpu.memref_slice %arg26[%dma_start3A_239, %dma_start3A_240] : memref<10000x16xf32, #tpu.memory_space<vmem_shared>> -> memref<16x16xf32, #tpu.memory_space<vmem_shared>>
        tpu.enqueue_dma source(%dma_start3A_241 : memref<16x16xf32, #tpu.memory_space<vmem_shared>>) target(%dma_start3A_238 : memref<16x16xf32, #tpu.memory_space<hbm>>) target_semaphore(%run_scoped3A : memref<!tpu.dma_semaphore, #tpu.memory_space<semaphore_mem>>)
        %dma_wait3A_242 = arith.constant 9984 : i32
        %dma_wait3A_243 = arith.constant 0 : i32
        %dma_wait3A_244 = tpu.memref_slice %arg6[%arg0, %dma_wait3A_242, %dma_wait3A_243] : memref<2x10000x16xf32, #tpu.memory_space<hbm>> -> memref<1x16x16xf32, #tpu.memory_space<hbm>>
        %dma_wait3A_245 = tpu.memref_squeeze %dma_wait3A_244 : memref<1x16x16xf32, #tpu.memory_space<hbm>> -> memref<16x16xf32, #tpu.memory_space<hbm>>
        %dma_wait3A_246 = arith.constant 9984 : i32
        %dma_wait3A_247 = arith.constant 0 : i32
        %dma_wait3A_248 = tpu.memref_slice %arg26[%dma_wait3A_246, %dma_wait3A_247] : memref<10000x16xf32, #tpu.memory_space<vmem_shared>> -> memref<16x16xf32, #tpu.memory_space<vmem_shared>>
        tpu.wait_dma2 semaphore(%run_scoped3A : memref<!tpu.dma_semaphore, #tpu.memory_space<semaphore_mem>>) src(%dma_wait3A_248 : memref<16x16xf32, #tpu.memory_space<vmem_shared>>) dst(%dma_wait3A_245 : memref<16x16xf32, #tpu.memory_space<hbm>>)
        tpu.yield
      }) : () -> ()
    } else {
    }
    return
  }
}

module attributes {stable_mosaic.version = 14 : i64} {
  func.func @_dense_body(%arg0: i32, %arg1: memref<400x128xf32, #tpu.memory_space<vmem>>, %arg2: memref<1024x128xf32, #tpu.memory_space<vmem>>, %arg3: memref<1024x128xf32, #tpu.memory_space<vmem>>, %arg4: memref<1024x1xf32, #tpu.memory_space<vmem>>, %arg5: memref<1024x1xf32, #tpu.memory_space<vmem>>, %arg6: memref<128x16xf32, #tpu.memory_space<vmem>>, %arg7: memref<400x1024xf32, #tpu.memory_space<vmem>>, %arg8: memref<400x16xf32, #tpu.memory_space<vmem>>) attributes {dimension_semantics = [#tpu.dimension_semantics<arbitrary>], iteration_bounds = array<i64: 25>, scalar_prefetch = 0 : i64, scratch_operands = 0 : i64, tpu.core_type = #tpu.core_type<tc>, window_params = [{transform_indices = @transform_0, window_bounds = array<i64: 400, 128>}, {pipeline_mode = #tpu.pipeline_mode<synchronous>, transform_indices = @transform_1, window_bounds = array<i64: 1024, 128>}, {pipeline_mode = #tpu.pipeline_mode<synchronous>, transform_indices = @transform_2, window_bounds = array<i64: 1024, 128>}, {pipeline_mode = #tpu.pipeline_mode<synchronous>, transform_indices = @transform_3, window_bounds = array<i64: 1024, 1>}, {pipeline_mode = #tpu.pipeline_mode<synchronous>, transform_indices = @transform_4, window_bounds = array<i64: 1024, 1>}, {pipeline_mode = #tpu.pipeline_mode<synchronous>, transform_indices = @transform_5, window_bounds = array<i64: 128, 16>}, {transform_indices = @transform_6, window_bounds = array<i64: 400, 1024>}, {transform_indices = @transform_7, window_bounds = array<i64: 400, 16>}]} {
    %get3A = arith.constant 0 : index
    %get3A_0 = arith.constant 0 : index
    %get3A_1 = vector.load %arg1[%get3A, %get3A_0] : memref<400x128xf32, #tpu.memory_space<vmem>>, vector<400x128xf32>
    %get3A_2 = arith.constant 0 : index
    %get3A_3 = arith.constant 0 : index
    %get3A_4 = vector.load %arg2[%get3A_2, %get3A_3] : memref<1024x128xf32, #tpu.memory_space<vmem>>, vector<1024x128xf32>
    %get3A_5 = arith.constant 0 : index
    %get3A_6 = arith.constant 0 : index
    %get3A_7 = vector.load %arg4[%get3A_5, %get3A_6] : memref<1024x1xf32, #tpu.memory_space<vmem>>, vector<1024x1xf32>
    %mul3A = vector.broadcast %get3A_7 : vector<1024x1xf32> to vector<1024x128xf32>
    %mul3A_8 = arith.mulf %get3A_4, %mul3A : vector<1024x128xf32>
    %get3A_9 = arith.constant 0 : index
    %get3A_10 = arith.constant 0 : index
    %get3A_11 = vector.load %arg3[%get3A_9, %get3A_10] : memref<1024x128xf32, #tpu.memory_space<vmem>>, vector<1024x128xf32>
    %get3A_12 = arith.constant 0 : index
    %get3A_13 = arith.constant 0 : index
    %get3A_14 = vector.load %arg5[%get3A_12, %get3A_13] : memref<1024x1xf32, #tpu.memory_space<vmem>>, vector<1024x1xf32>
    %mul3A_15 = vector.broadcast %get3A_14 : vector<1024x1xf32> to vector<1024x128xf32>
    %mul3A_16 = arith.mulf %get3A_11, %mul3A_15 : vector<1024x128xf32>
    %add3A = arith.addf %mul3A_8, %mul3A_16 : vector<1024x128xf32>
    %dot_general3A = arith.constant dense<0.000000e+00> : vector<400x1024xf32>
    %dot_general3A_17 = tpu.matmul %get3A_1, %add3A, %dot_general3A {dimension_numbers = #tpu.dot_dimension_numbers<[1], [1], [0], [0], [0, 0, 1, 0], [], []>, transpose_lhs_hint = false} : vector<400x128xf32>, vector<1024x128xf32>, vector<400x1024xf32> -> vector<400x1024xf32>
    %swap3A = arith.constant 0 : index
    %swap3A_18 = arith.constant 0 : index
    %swap3A_19 = vector.load %arg7[%swap3A, %swap3A_18] : memref<400x1024xf32, #tpu.memory_space<vmem>>, vector<400x1024xf32>
    tpu.vector_store %arg7[%swap3A, %swap3A_18], %dot_general3A_17 {strides = array<i32>} : memref<400x1024xf32, #tpu.memory_space<vmem>>, vector<400x1024xf32>,
    %get3A_20 = arith.constant 0 : index
    %get3A_21 = arith.constant 0 : index
    %get3A_22 = vector.load %arg6[%get3A_20, %get3A_21] : memref<128x16xf32, #tpu.memory_space<vmem>>, vector<128x16xf32>
    %dot_general3A_23 = arith.constant dense<0.000000e+00> : vector<400x16xf32>
    %dot_general3A_24 = tpu.matmul %get3A_1, %get3A_22, %dot_general3A_23 {dimension_numbers = #tpu.dot_dimension_numbers<[1], [0], [0], [1], [0, 0, 1, 1], [], []>, transpose_lhs_hint = false} : vector<400x128xf32>, vector<128x16xf32>, vector<400x16xf32> -> vector<400x16xf32>
    %swap3A_25 = arith.constant 0 : index
    %swap3A_26 = arith.constant 0 : index
    %swap3A_27 = vector.load %arg8[%swap3A_25, %swap3A_26] : memref<400x16xf32, #tpu.memory_space<vmem>>, vector<400x16xf32>
    tpu.vector_store %arg8[%swap3A_25, %swap3A_26], %dot_general3A_24 {strides = array<i32>} : memref<400x16xf32, #tpu.memory_space<vmem>>, vector<400x16xf32>,
    return
  }
  func.func @transform_0(%arg0: i32) -> (i32, i32) {
    %c0_i32 = arith.constant 0 : i32
    %c0_i32_0 = arith.constant 0 : i32
    return %arg0, %c0_i32 : i32, i32
  }
  func.func @transform_1(%arg0: i32) -> (i32, i32) {
    %c0_i32 = arith.constant 0 : i32
    %c0_i32_0 = arith.constant 0 : i32
    %c0_i32_1 = arith.constant 0 : i32
    return %c0_i32, %c0_i32_0 : i32, i32
  }
  func.func @transform_2(%arg0: i32) -> (i32, i32) {
    %c0_i32 = arith.constant 0 : i32
    %c0_i32_0 = arith.constant 0 : i32
    %c0_i32_1 = arith.constant 0 : i32
    return %c0_i32, %c0_i32_0 : i32, i32
  }
  func.func @transform_3(%arg0: i32) -> (i32, i32) {
    %c0_i32 = arith.constant 0 : i32
    %c0_i32_0 = arith.constant 0 : i32
    %c0_i32_1 = arith.constant 0 : i32
    return %c0_i32, %c0_i32_0 : i32, i32
  }
  func.func @transform_4(%arg0: i32) -> (i32, i32) {
    %c0_i32 = arith.constant 0 : i32
    %c0_i32_0 = arith.constant 0 : i32
    %c0_i32_1 = arith.constant 0 : i32
    return %c0_i32, %c0_i32_0 : i32, i32
  }
  func.func @transform_5(%arg0: i32) -> (i32, i32) {
    %c0_i32 = arith.constant 0 : i32
    %c0_i32_0 = arith.constant 0 : i32
    %c0_i32_1 = arith.constant 0 : i32
    return %c0_i32, %c0_i32_0 : i32, i32
  }
  func.func @transform_6(%arg0: i32) -> (i32, i32) {
    %c0_i32 = arith.constant 0 : i32
    %c0_i32_0 = arith.constant 0 : i32
    return %arg0, %c0_i32 : i32, i32
  }
  func.func @transform_7(%arg0: i32) -> (i32, i32) {
    %c0_i32 = arith.constant 0 : i32
    %c0_i32_0 = arith.constant 0 : i32
    return %arg0, %c0_i32 : i32, i32
  }
}

module attributes {stable_mosaic.version = 14 : i64} {
  func.func @_combine_body(%arg0: i32, %arg1: memref<2x400x128xf32, #tpu.memory_space<vmem>>, %arg2: memref<2x400x16xf32, #tpu.memory_space<vmem>>, %arg3: memref<400x128xf32, #tpu.memory_space<vmem>>) attributes {dimension_semantics = [#tpu.dimension_semantics<arbitrary>], iteration_bounds = array<i64: 25>, scalar_prefetch = 0 : i64, scratch_operands = 0 : i64, tpu.core_type = #tpu.core_type<tc>, window_params = [{transform_indices = @transform_0, window_bounds = array<i64: 2, 400, 128>}, {transform_indices = @transform_1, window_bounds = array<i64: 2, 400, 16>}, {transform_indices = @transform_2, window_bounds = array<i64: 400, 128>}]} {
    %get3A = arith.constant 0 : index
    %get3A_0 = arith.constant 0 : index
    %get3A_1 = arith.constant 0 : index
    %get3A_2 = vector.load %arg1[%get3A, %get3A_0, %get3A_1] : memref<2x400x128xf32, #tpu.memory_space<vmem>>, vector<1x400x128xf32>
    %get3A_3 = vector.shape_cast %get3A_2 : vector<1x400x128xf32> to vector<400x128xf32>
    %get3A_4 = arith.constant 1 : index
    %get3A_5 = arith.constant 0 : index
    %get3A_6 = arith.constant 0 : index
    %get3A_7 = vector.load %arg1[%get3A_4, %get3A_5, %get3A_6] : memref<2x400x128xf32, #tpu.memory_space<vmem>>, vector<1x400x128xf32>
    %get3A_8 = vector.shape_cast %get3A_7 : vector<1x400x128xf32> to vector<400x128xf32>
    %add3A = arith.addf %get3A_3, %get3A_8 : vector<400x128xf32>
    %get3A_9 = arith.constant 0 : index
    %get3A_10 = arith.constant 0 : index
    %get3A_11 = arith.constant 0 : index
    %get3A_12 = vector.load %arg2[%get3A_9, %get3A_10, %get3A_11] : memref<2x400x16xf32, #tpu.memory_space<vmem>>, vector<1x400x1xf32>
    %get3A_13 = vector.shape_cast %get3A_12 : vector<1x400x1xf32> to vector<400x1xf32>
    %get3A_14 = arith.constant 1 : index
    %get3A_15 = arith.constant 0 : index
    %get3A_16 = arith.constant 0 : index
    %get3A_17 = vector.load %arg2[%get3A_14, %get3A_15, %get3A_16] : memref<2x400x16xf32, #tpu.memory_space<vmem>>, vector<1x400x1xf32>
    %get3A_18 = vector.shape_cast %get3A_17 : vector<1x400x1xf32> to vector<400x1xf32>
    %add3A_19 = arith.addf %get3A_13, %get3A_18 : vector<400x1xf32>
    %max3A = arith.constant 1.000000e-30 : f32
    %max3A_20 = vector.broadcast %max3A : f32 to vector<400x1xf32>
    %max3A_21 = arith.maximumf %add3A_19, %max3A_20 : vector<400x1xf32>
    %div3A = vector.broadcast %max3A_21 : vector<400x1xf32> to vector<400x128xf32>
    %div3A_22 = arith.divf %add3A, %div3A : vector<400x128xf32>
    %swap3A = arith.constant 0 : index
    %swap3A_23 = arith.constant 0 : index
    %swap3A_24 = vector.load %arg3[%swap3A, %swap3A_23] : memref<400x128xf32, #tpu.memory_space<vmem>>, vector<400x128xf32>
    tpu.vector_store %arg3[%swap3A, %swap3A_23], %div3A_22 {strides = array<i32>} : memref<400x128xf32, #tpu.memory_space<vmem>>, vector<400x128xf32>,
    return
  }
  func.func @transform_0(%arg0: i32) -> (i32, i32, i32) {
    %c0_i32 = arith.constant 0 : i32
    %c0_i32_0 = arith.constant 0 : i32
    %c0_i32_1 = arith.constant 0 : i32
    return %c0_i32, %arg0, %c0_i32_0 : i32, i32, i32
  }
  func.func @transform_1(%arg0: i32) -> (i32, i32, i32) {
    %c0_i32 = arith.constant 0 : i32
    %c0_i32_0 = arith.constant 0 : i32
    %c0_i32_1 = arith.constant 0 : i32
    return %c0_i32, %arg0, %c0_i32_0 : i32, i32, i32
  }
  func.func @transform_2(%arg0: i32) -> (i32, i32) {
    %c0_i32 = arith.constant 0 : i32
    %c0_i32_0 = arith.constant 0 : i32
    return %arg0, %c0_i32 : i32, i32
  }
}

</mosaic_0001>

<sc_bundles>
// kernel: kernel.5.cloned.1.call-start
scs
__scs_entry_jumppad:
0x0: {  	(pc) =	sbr.rel $0x88, $3  }
0x1: {  	(tag) =	ssettag $0x0;
	lr =	simm.s32 $0x1  }
0x2: {  	[smem:$0x3F9B] =	sst lr;
	_ =	strace $0xD0000000  }
0x3: {  	_ = 	snop  }
0x4: {  	_ = 	snop  }
0x5: {  	_ = 	snop  }
0x6: {  	_ = 	snop  }
0x7: {  	_ = 	snop  }
__scs_overlays_trampoline_lowered:
0x8: {  	[smem:$0x3FAA] =	sst s0  }
0x9: {  	[smem:$0x3FAB] =	sst s1  }
0xa: {  	[smem:$0x3FAC] =	sst s2  }
0xb: {  	[smem:$0x3FAD] =	sst s3  }
0xc: {  	[smem:$0x3FAE] =	sst s4  }
0xd: {  	[smem:$0x3FAF] =	sst s5  }
0xe: {  	[smem:$0x3FB0] =	sst s6  }
0xf: {  	[smem:$0x3FB1] =	sst s7  }
0x10: {  	[smem:$0x3FB2] =	sst s8  }
0x11: {  	[smem:$0x3FB3] =	sst s9;
	s0 =	simm.s32 @!p0 $0x0  }
0x12: {  	s1 =	sld [smem:$0x3F99];
	s0 =	simm.s32 @p0 $0x1  }
0x13: {  	[smem:$0x3FB4] =	sst s0;
	s0 =	simm.s32 @!p1 $0x0  }
0x14: {  	s2 =	sld [smem:$0x3F98];
	s0 =	simm.s32 @p1 $0x1  }
0x15: {  	[smem:$0x3FB5] =	sst s0;
	s0 =	simm.s32 @!p2 $0x0  }
0x16: {  	s3 =	sld [smem:$0x3FDB];
	s0 =	simm.s32 @p2 $0x1  }
0x17: {  	s4 =	simm.s32 $0x1BF5;
	[smem:$0x3FB7] =	sst s0  }
0x18: {  	s0 =	sld [smem:$0x3F9A];
	_ =	swait.ge [sflag:s4], $0x0  }
0x19: {  	s7 =	sld [smem:$0x3F9B]  }
0x1a: {  	s8 =	sadd.s32 $0xFFFFE003, lr  }
0x1b: {  	s9 =	sadd.s32 $0xFFFFFEF7, lr;
	s5 =	simm.s32 $0xFFFFFFFF;
	p2 =	slt.u32 s8, $0xFFFFF086  }
0x1c: {  	p1 =	slt.u32 s9, $0xF7A;
	s5 =	simm.s32 @!p2 $0x0  }
0x1d: {  	s5 =	simm.s32 @p1 $0x1;
	p0 =	seq.s32 s7, s2  }
0x1e: {  	s7 =	smul.u32 @!p0 $0xF7A, s2;
	p2 =	seq.s32 @!p0 s5, $0x0  }
0x1f: {  	s9 =	smul.u32 $0xF7A, s1;
	s8 =	simm.s32 @!p0 $0x1BF5;
	p2 =	por !p2, p0  }
0x20: {  	[sflag:s8] =	ssyncset.s32 @!p0 $0xFFFFF086;
	s6 =	sadd.s32 @!p0 s3, s7;
	s7 =	simm.s32 @!p0 $0x108  }
0x21: {  	s3 =	sadd.s32 s3, s9;
	s6 =	sadd.s32 @!p0 $0x88, s6;
	s7 =	simm.s32 @p2 $0x1082  }
0x22: {  	[simem:s7], [sflag:s8] =	dma.local @!p0 [hbm:s6], $0xF7A  }
0x23: {  	s9 =	sor.u32 $0xD0000000, s2;
	s6 =	simm.s32 $0x108;
	_ =	swait.ge @!p0 [sflag:s8], $0x0  }
0x24: {  	s3 =	sadd.s32 $0x88, s3;
	s6 =	simm.s32 @!p1 $0x1082;
	[sflag:s4] =	ssyncset.s32 $0xFFFFF086  }
0x25: {  	[simem:s6], [sflag:s4] =	dma.local [hbm:s3], $0xF7A  }
0x26: {  	[smem:$0x3F9B] =	sst s1;
	(tag) =	ssettag s2;
	_ =	strace s9  }
0x27: {  	s1 =	sld [smem:$0x3FAB]  }
0x28: {  	s2 =	sld [smem:$0x3FAC]  }
0x29: {  	s4 =	sld [smem:$0x3FAE]  }
0x2a: {  	p0 =	seq.s32 s5, $0x0;
	s5 =	sld [smem:$0x3FAF]  }
0x2b: {  	s6 =	sld [smem:$0x3FB0]  }
0x2c: {  	s7 =	sld [smem:$0x3FB1]  }
0x2d: {  	s3 =	simm.s32 $0x108;
	s8 =	sld [smem:$0x3FB2]  }
0x2e: {  	s3 =	simm.s32 @!p0 $0x1082;
	s9 =	sld [smem:$0x3FB3]  }
0x2f: {  	lr =	sadd.s32 s0, s3;
	s0 =	sld [smem:$0x3FAA]  }
0x30: {  	s3 =	sld [smem:$0x3FAD]  }
0x31: {  	[smem:$0x3FB6] =	sst s10  }
0x32: {  	s10 =	sld [smem:$0x3FB4];
	_ =	sdelay $0x3  }
0x33: {  	p0 =	seq.s32 s10, $0x1;
	s10 =	sld [smem:$0x3FB6];
	_ =	sdelay $0x3  }
0x34: {  	[smem:$0x3FB6] =	sst s10  }
0x35: {  	s10 =	sld [smem:$0x3FB5];
	_ =	sdelay $0x3  }
0x36: {  	p1 =	seq.s32 s10, $0x1;
	s10 =	sld [smem:$0x3FB6];
	_ =	sdelay $0x3  }
0x37: {  	[smem:$0x3FB6] =	sst s10  }
0x38: {  	s10 =	sld [smem:$0x3FB7]  }
0x39: {  	_ = 	snop;
	(pc) =	sbr.ind lr, $3  }
0x3a: {  	_ = 	snop  }
0x3b: {  	_ = 	snop  }
0x3c: {  	p2 =	seq.s32 s10, $0x1;
	s10 =	sld [smem:$0x3FB6]  }
0x3d: {  	_ =	shalt  }
0x3e: {  	_ =	shalt  }
0x3f: {  	_ =	shalt  }
0x40: {  	_ =	shalt  }
0x41: {  	_ =	shalt  }
0x42: {  	_ =	shalt  }
0x43: {  	_ =	shalt  }
0x44: {  	_ =	shalt  }
0x45: {  	_ =	shalt  }
0x46: {  	_ =	shalt  }
0x47: {  	_ =	shalt  }
0x48: {  	_ =	shalt  }
0x49: {  	_ =	shalt  }
0x4a: {  	_ =	shalt  }
0x4b: {  	_ =	shalt  }
0x4c: {  	_ =	shalt  }
0x4d: {  	_ =	shalt  }
0x4e: {  	_ =	shalt  }
0x4f: {  	_ =	shalt  }
0x50: {  	_ =	shalt  }
0x51: {  	_ =	shalt  }
0x52: {  	_ =	shalt  }
0x53: {  	_ =	shalt  }
0x54: {  	_ =	shalt  }
0x55: {  	_ =	shalt  }
0x56: {  	_ =	shalt  }
0x57: {  	_ =	shalt  }
0x58: {  	_ =	shalt  }
0x59: {  	_ =	shalt  }
0x5a: {  	_ =	shalt  }
0x5b: {  	_ =	shalt  }
0x5c: {  	_ =	shalt  }
0x5d: {  	_ =	shalt  }
0x5e: {  	_ =	shalt  }
0x5f: {  	_ =	shalt  }
0x60: {  	_ =	shalt  }
0x61: {  	_ =	shalt  }
0x62: {  	_ =	shalt  }
0x63: {  	_ =	shalt  }
0x64: {  	_ =	shalt  }
0x65: {  	_ =	shalt  }
0x66: {  	_ =	shalt  }
0x67: {  	_ =	shalt  }
0x68: {  	_ =	shalt  }
0x69: {  	_ =	shalt  }
0x6a: {  	_ =	shalt  }
0x6b: {  	_ =	shalt  }
0x6c: {  	_ =	shalt  }
0x6d: {  	_ =	shalt  }
0x6e: {  	_ =	shalt  }
0x6f: {  	_ =	shalt  }
0x70: {  	_ =	shalt  }
0x71: {  	_ =	shalt  }
0x72: {  	_ =	shalt  }
0x73: {  	_ =	shalt  }
0x74: {  	_ =	shalt  }
0x75: {  	_ =	shalt  }
0x76: {  	_ =	shalt  }
0x77: {  	_ =	shalt  }
0x78: {  	_ =	shalt  }
0x79: {  	_ =	shalt  }
0x7a: {  	_ =	shalt  }
0x7b: {  	_ =	shalt  }
0x7c: {  	_ =	shalt  }
0x7d: {  	_ =	shalt  }
0x7e: {  	_ =	shalt  }
0x7f: {  	_ =	shalt  }
0x80: {  	_ =	shalt  }
0x81: {  	_ =	shalt  }
0x82: {  	_ =	shalt  }
0x83: {  	_ =	shalt  }
0x84: {  	_ =	shalt  }
0x85: {  	_ =	shalt  }
0x86: {  	_ =	shalt  }
0x87: {  	_ =	shalt  }
.Lfunc_end0:
.L_simem_size_0:
called_computation.1_lowered:
.L_overlay_start_0:
0x88: {  	s2 =	sld [smem:$0x3FD9]  }
0x89: {  	s3 =	sld [smem:$0x3FFE];
	_ =	sdelay $0x1  }
0x8a: {  	s1 =	srdreg.scid  }
0x8b: {  	s0 =	sand.u32 $0x1, s1  }
0x8c: {  	s17 =	sshll.u32 s0, $0xA;
	s2 =	sadd.s32 s3, s2  }
0x8d: {  	s2 =	sadd.s32 s2, s17  }
0x8e: {  	[smem:$0x3FC2] =	sst s2  }
0x8f: {  	_ = 	snop  }
0x90: {  	s2 =	sld [smem:$0x3FD0];
	(tm) =	ssettm $0x1  }
0x91: {  	s18 =	sld [smem:$0x3FFB];
	_ =	sdelay $0x3  }
0x92: {  	_ =	strace s18  }
0x93: {  	s3 =	sld [smem:$0x3FFC];
	_ =	sdelay $0x3  }
0x94: {  	_ =	strace s3  }
0x95: {  	s3 =	sld [smem:$0x3FFD];
	_ =	sdelay $0x3  }
0x96: {  	_ =	strace s3  }
0x97: {  	_ =	strace $0x8FFFFFFF  }
0x98: {  	s19 =	sld [smem:$0x3FDB];
	_ =	sdelay $0x1  }
0x99: {  	s4 =	simm.s32 $_scs_section_size  }
0x9a: {  	s5 =	simm.s32 $_size__tile_overlayer_lowered;
	s6 =	simm.s32 $_tile_overlayer_lowered  }
0x9b: {  	s22 =	simm.s32 $0x1BFF;
	s21 =	sshll.u32 s6, $0x1;
	s3 =	sadd.s32 s4, s19  }
0x9c: {  	s7 =	simm.s32 $0x0;
	s20 =	sshll.u32 s5, $0x1;
	s5 =	sadd.s32 s21, s3  }
0x9d: {  	[timem:s7], [sflag:s22] =	dma.local [hbm:s5], s20  }
0x9e: {  	_ =	swait.ge [sflag:s22], s20  }
0x9f: {  	s4 =	ssub.s32 $0x0, s20;
	[sflag:s22] =	ssyncset.done $0x0  }
0xa0: {  	[sflag:s22] =	ssyncadd.s32 s4;
	_ =	sdelay $0x1  }
0xa1: {  	s23 =	simm.s32 $0x1B8B  }
0xa2: {  	_ =	swait.ge [sflag:s23], $0x1  }
0xa3: {  	[sflag:s23] =	ssyncset.done $0x0  }
0xa4: {  	s25 =	simm.s32 $0x1B8E;
	s24 =	sld [smem:$0x3FFE];
	[sflag:s23] =	ssyncadd.s32 $0xFFFFFFFF  }
0xa5: {  	s26 =	simm.s32 $execute0_lowered;
	[smem:$0x3FD2] =	sst s25  }
0xa6: {  	s5 =	sshll.u32 s26, $0x1;
	_ =	strace $0x80000049;
	[dreg:$0x1] =	wrdreg $0xFFFFFFFF  }
0xa7: {  	s28 =	simm.s32 $_size_execute0_lowered;
	s3 =	sadd.s32 s3, s5;
	[dreg:$0x0] =	wrdreg $0x0  }
0xa8: {  	s5 =	sshll.u32 s28, $0x1;
	[dreg:$0x2] =	wrdreg s3  }
0xa9: {  	[dreg:$0x3] =	wrdreg s5  }
0xaa: {  	[dreg:$0x4] =	wrdreg $0xC0  }
0xab: {  	_ =	task [dreg:s7], $0x5FFFF  }
0xac: {  	[dreg:$0x1] =	wrdreg $0xFFFFFFFF  }
0xad: {  	[dreg:$0x0] =	wrdreg $0x60  }
0xae: {  	[dreg:$0x2] =	wrdreg s24  }
0xaf: {  	[dreg:$0x3] =	wrdreg s2  }
0xb0: {  	[dreg:$0x4] =	wrdreg $0x6C700  }
0xb1: {  	[dreg:$0x5] =	wrdreg $0x1A4F00  }
0xb2: {  	[dreg:$0x6] =	wrdreg $0x9  }
0xb3: {  	_ =	task.clear_ibuf [dreg:s7], $0x7FFFF;
	_ =	strace $0x90000049  }
0xb4: {  	s29 =	simm.s32 $0x9;
	_ =	strace $0x8000004B  }
0xb5: {  	_ =	swait.ge [sflag:s29], $0x1  }
0xb6: {  	[sflag:s29] =	ssyncadd.s32 $0xFFFFFFFF  }
0xb7: {  	_ =	strace $0x9000004B  }
0xb8: {  	_ =	sfence  }
0xb9: {  	s30 =	sld [smem:$0x0];
	_ =	sdelay $0x2  }
0xba: {  	s31 =	sshll.u32 s1, $0xD;
	s1 =	sshrl.u32 s1, $0x2  }
0xbb: {  	s3 =	sand.u32 $0x4000, s31;
	s1 =	sadd.s32 s1, s30  }
0xbc: {  	s0 =	sor.u32 s3, s0;
	s1 =	sshll.u32 s1, $0x11  }
0xbd: {  	s0 =	sor.u32 s1, s0  }
0xbe: {  	s0 =	sadd.s32 $0x8F2B, s0  }
0xbf: {  	[sflag:s0] =	ssyncadd.remote.s32 $0x1  }
0xc0: {  	_ =	sfence.sel $0xFFFF  }
0xc1: {  	[dreg:$0x0] =	wrdreg $0xFFFFFFFF;
	(pc) =	sbr.abs _section_cstart, $3  }
0xc2: {  	[dreg:$0x1] =	wrdreg $0xFFFFFFFF  }
0xc3: {  	_ =	task.clear_ibuf [dreg:s7], $0x2FFFF;
	_ =	strace $0x9FFFFFFF  }
0xc4: {  	(tm) =	ssettm $0x7FFFFFFF  }
0xc5: {  	_ =	shalt  }
tec
execute0_lowered:
.L_overlay_start_1:
0x0: {  	(tag) =	ssettag $0x1  }
0x1: {  	s0 =	rddreg [dreg:$0x0]  }
0x2: {  	s25 =	rddreg [dreg:$0x1]  }
0x3: {  	s1 =	rddreg [dreg:$0x2]  }
0x4: {  	s2 =	rddreg [dreg:$0x3];
	s3 =	simm.s32 $0x0;
	s4 =	srdreg.scid  }
0x5: {  	s17 =	stileid.u32;
	s28 =	simm.s32 $0x3;
	s31 =	simm.s32 $0x6720  }
0x6: {  	[smem:$0x7FF] =	sst s3;
	s5 =	sadd.s32 $0x139000, s0;
	s6 =	smul.u32 $0x270, s17  }
0x7: {  	s7 =	sadd.s32 $0x271800, s0;
	s4 =	sand.u32 $0x1, s4;
	s10 =	smul.u32 $0x13800, s17  }
0x8: {  	s8 =	sadd.s32 $0xA600, s0;
	s12 =	sshll.u32 s17, $0x1;
	s13 =	smul.u32 $0x2700, s17  }
0x9: {  	s0 =	sadd.s32 $0x800, s0;
	p0 =	sne.s32 s17, $0x0;
	s29 =	smov.u32 s1  }
0xa: {  	s30 =	smov.u32 s2;
	s17 =	sadd.s32 $0x27000, s2;
	s9 =	ssub.s32 $0x2, s4  }
0xb: {  	_ =	strace $0x8000004A;
	[smem:$0x7FD] =	sst s17;
	s11 =	sshrl.u32 s9, $0x1  }
0xc: {  	s22 =	sadd.s32 s10, s1;
	s16 =	sadd.s32 s13, s2;
	s18 =	sadd.s32 $0x50, s6  }
0xd: {  	s15 =	sadd.s32 $0xA0, s6;
	s21 =	sadd.s32 $0xF0, s6;
	s9 =	ssub.s32 s9, s11  }
0xe: {  	s11 =	sor.u32 s4, s12;
	[dreg:$0x7] =	wrdreg s16;
	s14 =	sshll.u32 s18, $0x7  }
0xf: {  	s12 =	sshll.u32 s18, $0x4;
	s19 =	sshll.u32 s15, $0x7;
	s20 =	sshll.u32 s15, $0x4  }
0x10: {  	s16 =	smul.u32 $0x138800, s4;
	s24 =	sshll.u32 s21, $0x7;
	s26 =	sshll.u32 s21, $0x4  }
0x11: {  	s4 =	smul.u32 $0x27100, s4;
	[dreg:$0x6] =	wrdreg s22;
	s14 =	sadd.s32 s14, s1  }
0x12: {  	s21 =	sadd.s32 $0x190, s6;
	s12 =	sadd.s32 s12, s2;
	[dreg:$0x8] =	wrdreg s14  }
0x13: {  	s23 =	sadd.s32 s20, s2;
	[dreg:$0x9] =	wrdreg s12;
	s12 =	sadd.s32 s19, s1  }
0x14: {  	[dreg:$0xb] =	wrdreg s23;
	s10 =	sadd.s32 s10, s16;
	s14 =	sadd.s32 $0x140, s6  }
0x15: {  	s15 =	sshrl.u32 s16, $0x3;
	s13 =	sadd.s32 s13, s4;
	s4 =	sshrl.u32 s4, $0x3  }
0x16: {  	s23 =	sadd.s32 $0x1E0, s6;
	s6 =	sadd.s32 $0x230, s6;
	[dreg:$0xa] =	wrdreg s12  }
0x17: {  	s12 =	sadd.s32 s24, s1;
	s10 =	sshrl.u32 s10, $0x3;
	s16 =	sshll.u32 s14, $0x7  }
0x18: {  	s18 =	sshll.u32 s14, $0x4;
	s19 =	sshrl.u32 s13, $0x3;
	s24 =	sshll.u32 s21, $0x7  }
0x19: {  	s13 =	simm.s32 $0x5;
	[dreg:$0xc] =	wrdreg s12;
	s12 =	sadd.s32 s26, s2  }
0x1a: {  	s10 =	sadd.s32 s8, s10;
	s8 =	sadd.s32 s8, s15;
	s20 =	sadd.s32 s0, s19  }
0x1b: {  	s0 =	sadd.s32 s0, s4;
	s4 =	sshll.u32 s21, $0x4;
	[dreg:$0xd] =	wrdreg s12  }
0x1c: {  	s26 =	sshll.u32 s23, $0x7;
	s15 =	sshll.u32 s23, $0x4;
	[dreg:$0xe] =	wrdreg s10  }
0x1d: {  	s19 =	sshll.u32 s6, $0x7;
	s10 =	sadd.s32 s16, s1;
	[dreg:$0x11] =	wrdreg s20  }
0x1e: {  	s6 =	sshll.u32 s6, $0x4;
	s12 =	sadd.s32 s24, s1;
	[dreg:$0xf] =	wrdreg s10  }
0x1f: {  	s4 =	sadd.s32 s4, s2;
	s14 =	sadd.s32 s26, s1;
	[dreg:$0x12] =	wrdreg s12  }
0x20: {  	s16 =	smul.u32 $0x7530, s11;
	s6 =	sadd.s32 s6, s2;
	[dreg:$0x13] =	wrdreg s4  }
0x21: {  	s24 =	sadd.s32 $0x27000, s8;
	s0 =	sadd.s32 $0x4E00, s0;
	[dreg:$0x14] =	wrdreg s14  }
0x22: {  	s26 =	smax.u32 s9, $0x1;
	s8 =	simm.s32 $0x2D0;
	[dreg:$0x17] =	wrdreg s6  }
0x23: {  	s10 =	sadd.s32 s18, s2;
	s18 =	smul.u32 $0x7D, s11;
	[dreg:$0x1c] =	wrdreg s24  }
0x24: {  	s4 =	sadd.s32 s15, s2;
	s11 =	smul.u32 $0xEA6, s11;
	[dreg:$0x1d] =	wrdreg s0  }
0x25: {  	s12 =	sadd.s32 s19, s1;
	[dreg:$0x1e] =	wrdreg s26;
	s14 =	simm.s32 $0x6770  }
0x26: {  	s15 =	simm.s32 $0x1;
	s19 =	simm.s32 $0xD20;
	[dreg:$0x10] =	wrdreg s10  }
0x27: {  	s24 =	simm.s32 $0x820;
	s26 =	simm.s32 $0x1220;
	[dreg:$0x15] =	wrdreg s4  }
0x28: {  	s0 =	simm.s32 $0x280;
	s10 =	sshrl.u32 s16, $0x3;
	[dreg:$0x16] =	wrdreg s12  }
0x29: {  	v0 =	vlaneseq.u32;
	v1 =	vimm.f32 $0.0e+00;
	s12 =	simm.s32 $0x1720;
	s16 =	simm.s32 $0x50;
	s21 =	sadd.s32 s25, s11  }
0x2a: {  	v11 =	vimm.s32 $0x0;
	vm0 =	vcmask $0x300;
	v0 =	vmul.u32 $0x10, v0;
	s20 =	sadd.s32 s25, s10;
	s23 =	sadd.s32 $0x2, s18;
	[dreg:$0x18] =	wrdreg s21  }
0x2b: {  	v11 =	vsel vm0, $0x3, v11;
	v12 =	vsel vm0, $0x3F800000, v1;
	s4 =	sadd.s32 $0x3, s18;
	s11 =	sadd.s32 $0x138000, s1;
	[dreg:$0x1a] =	wrdreg s23  }
0x2c: {  	v2 =	vor.u32 $0x1, v0;
	v3 =	vor.u32 $0x100, v0;
	v4 =	vor.u32 $0x101, v0;
	s18 =	simm.s32 $0x320;
	s6 =	sadd.s32 $0x1E, s20;
	[dreg:$0x1b] =	wrdreg s4  }
0x2d: {  	v5 =	vor.u32 $0x200, v0;
	v6 =	vor.u32 $0x201, v0;
	v7 =	vor.u32 $0x300, v0;
	s20 =	simm.s32 $0xF0;
	s21 =	simm.s32 $0x2;
	[dreg:$0x1f] =	wrdreg s11  }
0x2e: {  	v8 =	vor.u32 $0x301, v0;
	v9 =	vor.u32 $0x400, v0;
	v10 =	vor.u32 $0x401, v0;
	s23 =	simm.s32 $0x3F20;
	[dreg:$0x19] =	wrdreg s6;
	s6 =	simm.s32 $0x4  }
.LBB2_1:
0x2f: {  	s4 =	simm.s32 $0x1760  }
0x30: {  	[tilespmem:s4+$0xFFFFFFD0] =	vst v1  }
0x31: {  	[tilespmem:s4+$0xFFFFFFE0] =	vst v1  }
0x32: {  	[tilespmem:s4+$0xFFFFFFF0] =	vst v1  }
0x33: {  	[tilespmem:s4+$0x0] =	vst v1  }
0x34: {  	[tilespmem:s4+$0x10] =	vst v1  }
0x35: {  	[tilespmem:s4+$0x20] =	vst v1  }
0x36: {  	[tilespmem:s4+$0x30] =	vst v1  }
0x37: {  	[dreg:$0x5] =	wrdreg s3;
	s10 =	simm.s32 $0x0;
	s9 =	simm.s32 $0x40;
	[tilespmem:s4+$0xFFFFFFC0] =	vst v1  }
.LBB2_2:
0x38: {  	p1 =	sne.s32 s9, $0x13C0;
	[tilespmem:s10+$0x6770] =	vst v1;
	s4 =	sadd.s32 $0x80, s4  }
0x39: {  	[tilespmem:s4+$0xFFFFFFD0] =	vst v1  }
0x3a: {  	[tilespmem:s4+$0xFFFFFFE0] =	vst v1  }
0x3b: {  	[tilespmem:s4+$0xFFFFFFF0] =	vst v1  }
.Ltmp0:
0x3c: {  	[tilespmem:s4+$0x0] =	vst v1;
	(pc) =	sbr.rel @p1 .LBB2_2-.Ltmp0, $4  }
0x3d: {  	[tilespmem:s4+$0x10] =	vst v1  }
0x3e: {  	[tilespmem:s4+$0x20] =	vst v1  }
0x3f: {  	[tilespmem:s4+$0x30] =	vst v1  }
0x40: {  	s10 =	sshra.s32 s9, $0x2;
	s9 =	sadd.s32 $0x40, s9;
	[tilespmem:s4+$0xFFFFFFC0] =	vst v1  }
0x41: {  	[tilespmem:s10+$0x6770] =	vst v1  }
0x42: {  	[spmem:s22] =	stream.linear.scatter [tilespmem:s12], [sflag:$0x5], $0x2800, $0x38;
	[tilespmem:$0x1CC00] =	vst v63  }
0x43: {  	_ =	swait.ge [sflag:s13], $0x2800  }
0x44: {  	[sflag:s13] =	ssyncset.done $0x0  }
0x45: {  	s1 =	rddreg [dreg:$0x7];
	[sflag:s13] =	ssyncadd.s32 $0xFFFFD800  }
0x46: {  	[spmem:s1] =	stream.linear.scatter [tilespmem:s14], [sflag:$0x5], $0x500, $0x38;
	[tilespmem:$0x1CC00] =	vst v63  }
0x47: {  	_ =	swait.ge [sflag:s13], $0x500  }
0x48: {  	[sflag:s13] =	ssyncset.done $0x0  }
0x49: {  	s9 =	rddreg [dreg:$0x8];
	[sflag:s13] =	ssyncadd.s32 $0xFFFFFB00  }
0x4a: {  	[spmem:s9] =	stream.linear.scatter [tilespmem:s12], [sflag:$0x5], $0x2800, $0x38;
	[tilespmem:$0x1CC00] =	vst v63  }
0x4b: {  	_ =	swait.ge [sflag:s13], $0x2800  }
0x4c: {  	[sflag:s13] =	ssyncset.done $0x0  }
0x4d: {  	s10 =	rddreg [dreg:$0x9];
	[sflag:s13] =	ssyncadd.s32 $0xFFFFD800  }
0x4e: {  	[spmem:s10] =	stream.linear.scatter [tilespmem:s14], [sflag:$0x5], $0x500, $0x38;
	[tilespmem:$0x1CC00] =	vst v63  }
0x4f: {  	_ =	swait.ge [sflag:s13], $0x500  }
0x50: {  	[sflag:s13] =	ssyncset.done $0x0  }
0x51: {  	s22 =	rddreg [dreg:$0xa];
	[sflag:s13] =	ssyncadd.s32 $0xFFFFFB00  }
0x52: {  	[spmem:s22] =	stream.linear.scatter [tilespmem:s12], [sflag:$0x5], $0x2800, $0x38;
	[tilespmem:$0x1CC00] =	vst v63  }
0x53: {  	_ =	swait.ge [sflag:s13], $0x2800  }
0x54: {  	[sflag:s13] =	ssyncset.done $0x0  }
0x55: {  	s2 =	rddreg [dreg:$0xb];
	[sflag:s13] =	ssyncadd.s32 $0xFFFFD800  }
0x56: {  	[spmem:s2] =	stream.linear.scatter [tilespmem:s14], [sflag:$0x5], $0x500, $0x38;
	[tilespmem:$0x1CC00] =	vst v63  }
0x57: {  	_ =	swait.ge [sflag:s13], $0x500  }
0x58: {  	[sflag:s13] =	ssyncset.done $0x0  }
0x59: {  	s3 =	rddreg [dreg:$0xc];
	[sflag:s13] =	ssyncadd.s32 $0xFFFFFB00  }
0x5a: {  	[spmem:s3] =	stream.linear.scatter [tilespmem:s12], [sflag:$0x5], $0x2800, $0x38;
	[tilespmem:$0x1CC00] =	vst v63  }
0x5b: {  	_ =	swait.ge [sflag:s13], $0x2800  }
0x5c: {  	[sflag:s13] =	ssyncset.done $0x0  }
0x5d: {  	s4 =	rddreg [dreg:$0xd];
	[sflag:s13] =	ssyncadd.s32 $0xFFFFD800  }
0x5e: {  	[spmem:s4] =	stream.linear.scatter [tilespmem:s14], [sflag:$0x5], $0x500, $0x38;
	[tilespmem:$0x1CC00] =	vst v63  }
0x5f: {  	_ =	swait.ge [sflag:s13], $0x500  }
0x60: {  	[sflag:s13] =	ssyncset.done $0x0  }
0x61: {  	s9 =	rddreg [dreg:$0xf];
	[sflag:s13] =	ssyncadd.s32 $0xFFFFFB00  }
0x62: {  	[spmem:s9] =	stream.linear.scatter [tilespmem:s12], [sflag:$0x5], $0x2800, $0x38;
	[tilespmem:$0x1CC00] =	vst v63  }
0x63: {  	_ =	swait.ge [sflag:s13], $0x2800  }
0x64: {  	[sflag:s13] =	ssyncset.done $0x0  }
0x65: {  	s10 =	rddreg [dreg:$0x10];
	[sflag:s13] =	ssyncadd.s32 $0xFFFFD800  }
0x66: {  	[spmem:s10] =	stream.linear.scatter [tilespmem:s14], [sflag:$0x5], $0x500, $0x38;
	[tilespmem:$0x1CC00] =	vst v63  }
0x67: {  	_ =	swait.ge [sflag:s13], $0x500  }
0x68: {  	[sflag:s13] =	ssyncset.done $0x0  }
0x69: {  	s22 =	rddreg [dreg:$0x12];
	[sflag:s13] =	ssyncadd.s32 $0xFFFFFB00  }
0x6a: {  	[spmem:s22] =	stream.linear.scatter [tilespmem:s12], [sflag:$0x5], $0x2800, $0x38;
	[tilespmem:$0x1CC00] =	vst v63  }
0x6b: {  	_ =	swait.ge [sflag:s13], $0x2800  }
0x6c: {  	[sflag:s13] =	ssyncset.done $0x0  }
0x6d: {  	s2 =	rddreg [dreg:$0x13];
	[sflag:s13] =	ssyncadd.s32 $0xFFFFD800  }
0x6e: {  	[spmem:s2] =	stream.linear.scatter [tilespmem:s14], [sflag:$0x5], $0x500, $0x38;
	[tilespmem:$0x1CC00] =	vst v63  }
0x6f: {  	_ =	swait.ge [sflag:s13], $0x500  }
0x70: {  	[sflag:s13] =	ssyncset.done $0x0  }
0x71: {  	s3 =	rddreg [dreg:$0x14];
	[sflag:s13] =	ssyncadd.s32 $0xFFFFFB00  }
0x72: {  	[spmem:s3] =	stream.linear.scatter [tilespmem:s12], [sflag:$0x5], $0x2800, $0x38;
	[tilespmem:$0x1CC00] =	vst v63  }
0x73: {  	_ =	swait.ge [sflag:s13], $0x2800  }
0x74: {  	[sflag:s13] =	ssyncset.done $0x0  }
0x75: {  	s4 =	rddreg [dreg:$0x15];
	[sflag:s13] =	ssyncadd.s32 $0xFFFFD800  }
0x76: {  	[spmem:s4] =	stream.linear.scatter [tilespmem:s14], [sflag:$0x5], $0x500, $0x38;
	[tilespmem:$0x1CC00] =	vst v63  }
0x77: {  	_ =	swait.ge [sflag:s13], $0x500  }
0x78: {  	[sflag:s13] =	ssyncset.done $0x0  }
0x79: {  	s9 =	rddreg [dreg:$0x16];
	[sflag:s13] =	ssyncadd.s32 $0xFFFFFB00  }
0x7a: {  	[spmem:s9] =	stream.linear.scatter [tilespmem:s12], [sflag:$0x5], $0x2000, $0x38;
	[tilespmem:$0x1CC00] =	vst v63  }
0x7b: {  	_ =	swait.ge [sflag:s13], $0x2000  }
0x7c: {  	[sflag:s13] =	ssyncset.done $0x0  }
0x7d: {  	s10 =	rddreg [dreg:$0x17];
	[sflag:s13] =	ssyncadd.s32 $0xFFFFE000  }
0x7e: {  	[spmem:s10] =	stream.linear.scatter [tilespmem:s14], [sflag:$0x5], $0x400, $0x38;
	[tilespmem:$0x1CC00] =	vst v63  }
0x7f: {  	_ =	swait.ge [sflag:s13], $0x400  }
0x80: {  	[sflag:s13] =	ssyncset.done $0x0  }
0x81: {  	s4 =	simm.s32 @!p0 $0x1720;
	[sflag:s13] =	ssyncadd.s32 $0xFFFFFC00  }
0x82: {  	[spmem:s11] =	stream.linear.scatter @!p0 [tilespmem:s4], [sflag:$0x5], $0x800, $0x38;
	[tilespmem:$0x1CC00] =	vst v63  }
0x83: {  	s4 =	simm.s32 @!p0 $0x5  }
0x84: {  	_ =	swait.ge @!p0 [sflag:s4], $0x800  }
0x85: {  	[sflag:s4] =	ssyncset.done @!p0 $0x0  }
0x86: {  	s9 =	simm.s32 @!p0 $0x6770;
	[sflag:s4] =	ssyncadd.s32 @!p0 $0xFFFFF800  }
0x87: {  	[spmem:s17] =	stream.linear.scatter @!p0 [tilespmem:s9], [sflag:$0x5], $0x100, $0x38;
	[tilespmem:$0x1CC00] =	vst v63  }
0x88: {  	_ =	swait.ge @!p0 [sflag:s4], $0x100  }
0x89: {  	[sflag:s4] =	ssyncset.done @!p0 $0x0  }
0x8a: {  	[sflag:s4] =	ssyncadd.s32 @!p0 $0xFFFFFF00  }
0x8b: {  	[bflag:$0x0] =	sbarrier.arrive $0xFFFF  }
0x8c: {  	s9 =	simm.s32 $0x0;
	s11 =	rddreg [dreg:$0x18]  }
0x8d: {  	[tilespmem:s9], [sflag:$0x1] =	stream.linear.gather [hbm4b:s11+s9], $0xF0, $0x38;
	[tilespmem:$0x1CC00] =	vst v63  }
0x8e: {  	_ =	swait.ge [sflag:s15], $0xF0  }
0x8f: {  	[sflag:s15] =	ssyncset.done $0x0  }
0x90: {  	[sflag:s15] =	ssyncadd.s32 $0xFFFFFF10  }
0x91: {  	v13 =	vld [tilespmem:$0x0]  }
0x92: {  	v14 =	vld [tilespmem:$0xA0]  }
0x93: {  	v15 =	vld [tilespmem:$0x50]  }
0x94: {  	v16 =	vld [tilespmem:$0x10]  }
0x95: {  	v17 =	vld [tilespmem:$0xB0]  }
0x96: {  	v18 =	vld [tilespmem:$0x60]  }
0x97: {  	v19 =	vld [tilespmem:$0x20]  }
0x98: {  	v20 =	vld [tilespmem:$0xC0]  }
0x99: {  	v21 =	vld [tilespmem:$0x70]  }
0x9a: {  	v22 =	vld [tilespmem:$0x30]  }
0x9b: {  	v61 =	vld [tilespmem:$0x80];
	v13 =	vshll.u32 v13, $0x3  }
0x9c: {  	v62 =	vld [tilespmem:$0xE0];
	[tilespmem:$0x280] =	vst v15;
	v13 =	vadd.s32 v14, v13  }
0x9d: {  	v14 =	vld [tilespmem:$0xD0];
	[tilespmem:$0x1E0] =	vst v13;
	v13 =	vshll.u32 v16, $0x3  }
0x9e: {  	v15 =	vld [tilespmem:$0x40];
	[tilespmem:$0x290] =	vst v18;
	v13 =	vadd.s32 v17, v13  }
0x9f: {  	v63 =	vld [tilespmem:$0x90];
	[tilespmem:$0x1F0] =	vst v13;
	v13 =	vshll.u32 v19, $0x3  }
0xa0: {  	[tilespmem:$0x2A0] =	vst v21;
	v13 =	vadd.s32 v20, v13  }
0xa1: {  	[tilespmem:$0x200] =	vst v13;
	v13 =	vshll.u32 v22, $0x3  }
0xa2: {  	[tilespmem:$0x2B0] =	vst v61;
	v13 =	vadd.s32 v14, v13  }
0xa3: {  	[tilespmem:$0x210] =	vst v13;
	v13 =	vshll.u32 v15, $0x3  }
0xa4: {  	[tilespmem:$0x2C0] =	vst v63;
	v13 =	vadd.s32 v62, v13  }
0xa5: {  	s17 =	simm.s32 $0x1E0;
	[tilespmem:$0x220] =	vst v13  }
0xa6: {  	[tilespmem:s12], [sflag:$0x3] =	stream.indirect.gather [hbm4b:s5+s16], $0x80, s17, s16, $0xb8;
	[tilespmem:$0x1CC00] =	vst v63  }
0xa7: {  	_ = 	snop  }
0xa8: {  	[tilespmem:s18], [sflag:$0x3] =	stream.indirect.gather [hbm4b:s7+s16], $0x10, s9, s16, $0xb8;
	[tilespmem:$0x1CC00] =	vst v63  }
0xa9: {  	_ = 	snop  }
0xaa: {  	[tilespmem:s19], [sflag:$0x3] =	stream.indirect.gather [hbm4b:s7+s16], $0x10, s16, s16, $0xb8;
	[tilespmem:$0x1CC00] =	vst v63  }
0xab: {  	s10 =	simm.s32 $0x0;
	s22 =	rddreg [dreg:$0x19]  }
0xac: {  	[tilespmem:s20], [sflag:$0x2] =	stream.linear.gather [hbm4b:s22+s9], $0xF0, $0x38;
	[tilespmem:$0x1CC00] =	vst v63  }
.LBB2_4:
0xad: {  	_ =	swait.ge [sflag:s21], $0xF0  }
0xae: {  	[sflag:s21] =	ssyncset.done $0x0  }
0xaf: {  	[sflag:s21] =	ssyncadd.s32 $0xFFFFFF10  }
0xb0: {  	v13 =	vld [tilespmem:$0xF0]  }
0xb1: {  	v14 =	vld [tilespmem:$0x190]  }
0xb2: {  	v15 =	vld [tilespmem:$0x140]  }
0xb3: {  	v16 =	vld [tilespmem:$0x100]  }
0xb4: {  	v17 =	vld [tilespmem:$0x1A0]  }
0xb5: {  	v18 =	vld [tilespmem:$0x150]  }
0xb6: {  	v19 =	vld [tilespmem:$0x110]  }
0xb7: {  	v20 =	vld [tilespmem:$0x1B0]  }
0xb8: {  	v21 =	vld [tilespmem:$0x160]  }
0xb9: {  	v22 =	vld [tilespmem:$0x120]  }
0xba: {  	v13 =	vshll.u32 v13, $0x3;
	[tilespmem:$0x2D0] =	vst v15;
	v15 =	vld [tilespmem:$0x130]  }
0xbb: {  	[tilespmem:$0x2E0] =	vst v18;
	v18 =	vld [tilespmem:$0x180];
	v13 =	vadd.s32 v14, v13  }
0xbc: {  	v14 =	vld [tilespmem:$0x1C0];
	[tilespmem:$0x230] =	vst v13;
	v13 =	vshll.u32 v16, $0x3  }
0xbd: {  	v16 =	vld [tilespmem:$0x170];
	v13 =	vadd.s32 v17, v13  }
0xbe: {  	v17 =	vld [tilespmem:$0x1D0];
	[tilespmem:$0x240] =	vst v13;
	v13 =	vshll.u32 v19, $0x3  }
0xbf: {  	[tilespmem:$0x2F0] =	vst v21;
	v13 =	vadd.s32 v20, v13  }
0xc0: {  	[tilespmem:$0x250] =	vst v13;
	v13 =	vshll.u32 v22, $0x3  }
0xc1: {  	[tilespmem:$0x310] =	vst v18;
	v13 =	vadd.s32 v14, v13  }
0xc2: {  	[tilespmem:$0x260] =	vst v13;
	v13 =	vshll.u32 v15, $0x3  }
0xc3: {  	[tilespmem:$0x300] =	vst v16;
	v13 =	vadd.s32 v17, v13  }
0xc4: {  	s1 =	simm.s32 $0x230;
	s11 =	sshll.u32 s10, $0x1;
	s17 =	rddreg [dreg:$0x1a];
	[tilespmem:$0x270] =	vst v13  }
0xc5: {  	[tilespmem:s23], [sflag:$0x4] =	stream.indirect.gather [hbm4b:s5+s16], $0x80, s1, s16, $0xb8;
	[tilespmem:$0x1CC00] =	vst v63  }
0xc6: {  	s4 =	sadd.s32 s11, s17  }
0xc7: {  	[tilespmem:s24], [sflag:$0x4] =	stream.indirect.gather [hbm4b:s7+s16], $0x10, s20, s16, $0xb8;
	[tilespmem:$0x1CC00] =	vst v63  }
0xc8: {  	s22 =	simm.s32 $0x140;
	s4 =	smul.u32 $0x1E, s4  }
0xc9: {  	[tilespmem:s26], [sflag:$0x4] =	stream.indirect.gather [hbm4b:s7+s16], $0x10, s22, s16, $0xb8;
	[tilespmem:$0x1CC00] =	vst v63  }
0xca: {  	s4 =	sadd.s32 s25, s4  }
0xcb: {  	[tilespmem:s9], [sflag:$0x1] =	stream.linear.gather [hbm4b:s4+s9], $0xF0, $0x38;
	[tilespmem:$0x1CC00] =	vst v63  }
0xcc: {  	_ =	swait.ge [sflag:s28], $0x2800  }
0xcd: {  	[sflag:s28] =	ssyncset.done $0x0  }
0xce: {  	[sflag:s28] =	ssyncadd.s32 $0xFFFFD800  }
0xcf: {  	_ =	swait.ge [sflag:s28], $0x500  }
0xd0: {  	[sflag:s28] =	ssyncset.done $0x0  }
0xd1: {  	[sflag:s28] =	ssyncadd.s32 $0xFFFFFB00  }
0xd2: {  	_ =	swait.ge [sflag:s28], $0x500  }
0xd3: {  	[sflag:s28] =	ssyncset.done $0x0  }
0xd4: {  	[sflag:s28] =	ssyncadd.s32 $0xFFFFFB00  }
0xd5: {  	v13 =	vld.idx.msk [tilespmem:v0+s18+$0x0], $0xffff  }
0xd6: {  	v14 =	vld.idx.msk [tilespmem:v2+s19+$0x0], $0xffff  }
0xd7: {  	v15 =	vld.idx.msk [tilespmem:v3+s18+$0x0], $0xffff  }
0xd8: {  	v16 =	vld.idx.msk [tilespmem:v4+s19+$0x0], $0xffff  }
0xd9: {  	v17 =	vld.idx.msk [tilespmem:v5+s18+$0x0], $0xffff  }
0xda: {  	v18 =	vld.idx.msk [tilespmem:v6+s19+$0x0], $0xffff  }
0xdb: {  	v19 =	vld.idx.msk [tilespmem:v8+s19+$0x0], $0xffff;
	v13 =	vadd.f32 v14, v13  }
0xdc: {  	v21 =	vld.idx.msk [tilespmem:v9+s18+$0x0], $0xffff  }
0xdd: {  	v14 =	vld.idx.msk [tilespmem:v7+s18+$0x0], $0xffff;
	v20 =	vmul.f32 $9.999999770e-03, v13  }
0xde: {  	v22 =	vld.idx.msk [tilespmem:v10+s19+$0x0], $0xffff;
	vm0 =	vge.f32 v13, $0.0e+00  }
0xdf: {  	v15 =	vadd.f32 v16, v15;
	v13 =	vsel vm0, v13, v20  }
0xe0: {  	v13 =	vmul.f32 $1.442695020e+00, v13  }
0xe1: {  	v17 =	vadd.f32 v18, v17;
	v16 =	vmul.f32 $9.999999770e-03, v15  }
0xe2: {  	vm12 =	vge.f32 v15, $0.0e+00;
	(erf) = vpow2.f32 v13;
	v13 =	vadd.f32 v19, v14  }
0xe3: {  	v14 =	vsel vm12, v15, v16;
	v15 =	vmul.f32 $9.999999770e-03, v17;
	v16 =	vadd.f32 v22, v21  }
0xe4: {  	vm13 =	vge.f32 v17, $0.0e+00;
	v14 =	vmul.f32 $1.442695020e+00, v14;
	v18 =	vmul.f32 $9.999999770e-03, v13  }
0xe5: {  	v15 =	vsel vm13, v17, v15;
	vm14 =	vge.f32 v13, $0.0e+00;
	v17 =	vmul.f32 $9.999999770e-03, v16  }
0xe6: {  	vm15 =	vge.f32 v16, $0.0e+00;
	v15 =	vmul.f32 $1.442695020e+00, v15;
	v13 =	vsel vm14, v13, v18  }
0xe7: {  	(erf) = vpow2.f32 v14;
	v14 =	vsel vm15, v16, v17;
	v13 =	vmul.f32 $1.442695020e+00, v13  }
0xe8: {  	(erf) = vpow2.f32 v15;
	v14 =	vmul.f32 $1.442695020e+00, v14  }
0xe9: {  	(erf) = vpow2.f32 v13  }
0xea: {  	s2 =	simm.s32 $0x4;
	s17 =	simm.s32 $0x2;
	s22 =	simm.s32 $0x3;
	(erf) = vpow2.f32 v14  }
0xeb: {  	s1 =	simm.s32 $0x1;
	v16 =	vmov s22;
	v17 =	vmov s2;
	v15 =	vmov s17  }
0xec: {  	v16 =	vshrl.u32 v16, $0x3;
	v13 =	vmov s9;
	v14 =	vmov s1  }
0xed: {  	v17 =	vshrl.u32 v17, $0x3;
	v13 =	vshrl.u32 v13, $0x3;
	v14 =	vshrl.u32 v14, $0x3  }
0xee: {  	v15 =	vshrl.u32 v15, $0x3;
	v13 =	vshll.u32 v13, v11;
	v14 =	vshll.u32 v14, v11  }
0xef: {  	v15 =	vshll.u32 v15, v11;
	v18 =	vpop (erf);
	v13 =	vbroadcast v13, $0x0;
	v14 =	vadd.s32 $0x1, v14  }
0xf0: {  	v16 =	vshll.u32 v16, v11;
	v15 =	vadd.s32 $0x2, v15;
	[tilespmem:$0x6720] =	vst v18;
	v19 =	vpop (erf);
	v14 =	vbroadcast v14, $0x0  }
0xf1: {  	s17 =	simm.s32 $0x7;
	v17 =	vshll.u32 v17, v11;
	v16 =	vadd.s32 $0x3, v16;
	v15 =	vbroadcast v15, $0x0;
	[tilespmem:$0x6730] =	vst v19;
	v20 =	vpop (erf)  }
0xf2: {  	v17 =	vadd.s32 $0x4, v17;
	v16 =	vbroadcast v16, $0x0;
	v18 =	vmov s17;
	[tilespmem:$0x6740] =	vst v20;
	v19 =	vpop (erf)  }
0xf3: {  	v17 =	vbroadcast v17, $0x0;
	v18 =	vshrl.u32 v18, $0x3;
	[tilespmem:$0x6750] =	vst v19;
	v19 =	vpop (erf)  }
0xf4: {  	v18 =	vshll.u32 v18, v11;
	[tilespmem:$0x6760] =	vst v19  }
0xf5: {  	v18 =	vadd.s32 $0x7, v18;
	v13 =	vld.idx.msk [tilespmem:v13+s31+$0x0], $0xffff  }
0xf6: {  	v19 =	vbroadcast v18, $0x0;
	v20 =	vld.idx.msk [tilespmem:v14+s31+$0x0], $0xffff  }
0xf7: {  	s22 =	simm.s32 $0x5;
	v21 =	vld.idx.msk [tilespmem:v15+s31+$0x0], $0xffff  }
0xf8: {  	v14 =	vmov s22;
	v18 =	vld.idx.msk [tilespmem:v16+s31+$0x0], $0xffff  }
0xf9: {  	v17 =	vld.idx.msk [tilespmem:v17+s31+$0x0], $0xffff;
	s22 =	simm.s32 $0x1920;
	v14 =	vshrl.u32 v14, $0x3  }
0xfa: {  	v15 =	vld [tilespmem:s22+$0x180];
	v14 =	vshll.u32 v14, v11  }
0xfb: {  	v22 =	vld [tilespmem:s22+$0x1A0];
	v14 =	vadd.s32 $0x5, v14  }
0xfc: {  	v14 =	vbroadcast v14, $0x0;
	v16 =	vld.idx.msk [tilespmem:v19+s31+$0x0], $0xffff  }
0xfd: {  	v19 =	vld [tilespmem:s22+$0x190]  }
0xfe: {  	v23 =	vld [tilespmem:s22+$0x1B0]  }
0xff: {  	v24 =	vld [tilespmem:s22+$0x1C0]  }
0x100: {  	v26 =	vld [tilespmem:s22+$0x1D0]  }
0x101: {  	v27 =	vld [tilespmem:s22+$0x1E0];
	v25 =	vmul.f32 v15, v16  }
0x102: {  	v15 =	vld.idx.msk [tilespmem:v14+s31+$0x0], $0xffff;
	v14 =	vmul.f32 v19, v16  }
0x103: {  	v19 =	vld [tilespmem:s22+$0x1F0];
	v22 =	vmul.f32 v22, v16;
	[tilespmem:s22+$0x180] =	vst v25  }
0x104: {  	v29 =	vld [tilespmem:s22+$0xFFFFFE70];
	[tilespmem:s22+$0x190] =	vst v14;
	v14 =	vmul.f32 v23, v16  }
0x105: {  	v25 =	vld [tilespmem:s22+$0xFFFFFE00];
	[tilespmem:s22+$0x1A0] =	vst v22;
	v22 =	vmul.f32 v24, v16  }
0x106: {  	v23 =	vld [tilespmem:s22+$0xFFFFFE10];
	[tilespmem:s22+$0x1B0] =	vst v14;
	v14 =	vmul.f32 v26, v16  }
0x107: {  	v24 =	vld [tilespmem:s22+$0xFFFFFE20];
	[tilespmem:s22+$0x1C0] =	vst v22;
	v22 =	vmul.f32 v27, v16  }
0x108: {  	v26 =	vld [tilespmem:s22+$0xFFFFFE30];
	[tilespmem:s22+$0x1D0] =	vst v14;
	v14 =	vmul.f32 v19, v16  }
0x109: {  	v27 =	vld [tilespmem:s22+$0xFFFFFE40];
	[tilespmem:s22+$0x1E0] =	vst v22;
	v16 =	vmul.f32 v12, v16  }
0x10a: {  	s4 =	simm.s32 $0x67B0;
	v19 =	vld [tilespmem:s22+$0xFFFFFE50];
	v25 =	vmul.f32 v25, v13;
	[tilespmem:s22+$0x1F0] =	vst v14  }
0x10b: {  	v22 =	vld [tilespmem:s22+$0xFFFFFE60];
	v23 =	vmul.f32 v23, v13;
	[tilespmem:s4+$0x30] =	vst v16  }
0x10c: {  	v24 =	vmul.f32 v24, v13;
	v16 =	vld [tilespmem:s22+$0xFFFFFE80];
	[tilespmem:s22+$0xFFFFFE00] =	vst v25  }
0x10d: {  	v25 =	vld [tilespmem:s22+$0xFFFFFE90];
	v26 =	vmul.f32 v26, v13;
	[tilespmem:s22+$0xFFFFFE10] =	vst v23  }
0x10e: {  	v23 =	vld [tilespmem:s22+$0xFFFFFEA0];
	v27 =	vmul.f32 v27, v13;
	[tilespmem:s22+$0xFFFFFE20] =	vst v24  }
0x10f: {  	v24 =	vld [tilespmem:s22+$0xFFFFFEB0];
	v19 =	vmul.f32 v19, v13;
	[tilespmem:s22+$0xFFFFFE30] =	vst v26  }
0x110: {  	v26 =	vld [tilespmem:s22+$0xFFFFFEC0];
	[tilespmem:s22+$0xFFFFFE40] =	vst v27;
	v22 =	vmul.f32 v22, v13  }
0x111: {  	v27 =	vld [tilespmem:s22+$0xFFFFFED0];
	[tilespmem:s22+$0xFFFFFE50] =	vst v19;
	v16 =	vmul.f32 v16, v20  }
0x112: {  	[tilespmem:s22+$0xFFFFFE60] =	vst v22;
	v22 =	vld [tilespmem:s22+$0xFFFFFEF0];
	v25 =	vmul.f32 v25, v20  }
0x113: {  	v19 =	vld [tilespmem:s22+$0xFFFFFEE0];
	[tilespmem:s22+$0xFFFFFE80] =	vst v16;
	v16 =	vmul.f32 v23, v20  }
0x114: {  	s3 =	smov.u32 s25;
	s25 =	simm.s32 $0x6;
	[tilespmem:s22+$0xFFFFFE90] =	vst v25;
	v23 =	vmul.f32 v24, v20;
	v24 =	vld [tilespmem:s22+$0xFFFFFF00]  }
0x115: {  	v28 =	vmov s25;
	v25 =	vld [tilespmem:s22+$0xFFFFFF10];
	[tilespmem:s22+$0xFFFFFEA0] =	vst v16;
	v16 =	vmul.f32 v26, v20  }
0x116: {  	v28 =	vshrl.u32 v28, $0x3;
	v63 =	vld [tilespmem:s22+$0x150];
	[tilespmem:s22+$0xFFFFFEB0] =	vst v23;
	v23 =	vmul.f32 v27, v20  }
0x117: {  	v28 =	vshll.u32 v28, v11;
	v26 =	vld [tilespmem:s22+$0xFFFFFF20];
	v22 =	vmul.f32 v22, v20;
	[tilespmem:s22+$0xFFFFFEC0] =	vst v16  }
0x118: {  	v14 =	vadd.s32 $0x6, v28;
	v27 =	vld [tilespmem:s22+$0xFFFFFFF0];
	v16 =	vmul.f32 v19, v20;
	[tilespmem:s22+$0xFFFFFED0] =	vst v23  }
0x119: {  	v14 =	vbroadcast v14, $0x0;
	v19 =	vld [tilespmem:s22+$0xFFFFFF30];
	[tilespmem:s22+$0xFFFFFEF0] =	vst v22;
	v24 =	vmul.f32 v24, v21  }
0x11a: {  	v23 =	vld [tilespmem:s22+$0xFFFFFF40];
	v25 =	vmul.f32 v25, v21;
	[tilespmem:s22+$0xFFFFFEE0] =	vst v16  }
0x11b: {  	v22 =	vld [tilespmem:s22+$0xFFFFFF60];
	v16 =	vmul.f32 v12, v20;
	[tilespmem:s22+$0xFFFFFF00] =	vst v24  }
0x11c: {  	v20 =	vld [tilespmem:s22+$0xFFFFFF50];
	v26 =	vmul.f32 v26, v21;
	[tilespmem:s22+$0xFFFFFF10] =	vst v25  }
0x11d: {  	v24 =	vld [tilespmem:s22+$0xFFFFFF80];
	v27 =	vmul.f32 v27, v18;
	[tilespmem:s4+$0xFFFFFFD0] =	vst v16  }
0x11e: {  	v16 =	vld [tilespmem:s22+$0xFFFFFF70];
	v19 =	vmul.f32 v19, v21;
	[tilespmem:s22+$0xFFFFFF20] =	vst v26  }
0x11f: {  	v14 =	vld.idx.msk [tilespmem:v14+s31+$0x0], $0xffff;
	v23 =	vmul.f32 v23, v21;
	[tilespmem:s22+$0xFFFFFFF0] =	vst v27  }
0x120: {  	v22 =	vmul.f32 v22, v21;
	v27 =	vld [tilespmem:s22+$0x80];
	[tilespmem:s22+$0xFFFFFF30] =	vst v19  }
0x121: {  	v25 =	vld [tilespmem:s22+$0xFFFFFF90];
	v20 =	vmul.f32 v20, v21;
	[tilespmem:s22+$0xFFFFFF40] =	vst v23  }
0x122: {  	v26 =	vld [tilespmem:s22+$0xFFFFFFA0];
	[tilespmem:s22+$0xFFFFFF60] =	vst v22;
	v24 =	vmul.f32 v24, v18  }
0x123: {  	v19 =	vld [tilespmem:s22+$0xFFFFFFB0];
	v16 =	vmul.f32 v16, v21;
	[tilespmem:s22+$0xFFFFFF50] =	vst v20  }
0x124: {  	v23 =	vld [tilespmem:s22+$0xFFFFFFC0];
	v21 =	vmul.f32 v12, v21;
	[tilespmem:s22+$0xFFFFFF80] =	vst v24  }
0x125: {  	v22 =	vld [tilespmem:s22+$0xFFFFFFE0];
	v27 =	vmul.f32 v27, v15;
	[tilespmem:s22+$0xFFFFFF70] =	vst v16  }
0x126: {  	s25 =	simm.s32 $0xA;
	v20 =	vld [tilespmem:s22+$0xFFFFFFD0];
	v16 =	vmul.f32 v25, v18;
	[tilespmem:s4+$0xFFFFFFE0] =	vst v21  }
0x127: {  	v30 =	vmov s25;
	v24 =	vld [tilespmem:s22+$0x10];
	v25 =	vmul.f32 v26, v18;
	[tilespmem:s22+$0x80] =	vst v27  }
0x128: {  	v30 =	vshrl.u32 v30, $0x3;
	v26 =	vld [tilespmem:s22+$0x20];
	v19 =	vmul.f32 v19, v18;
	[tilespmem:s22+$0xFFFFFF90] =	vst v16  }
0x129: {  	v30 =	vshll.u32 v30, v11;
	v21 =	vld [tilespmem:s22+$0x0];
	v23 =	vmul.f32 v23, v18;
	[tilespmem:s22+$0xFFFFFFA0] =	vst v25  }
0x12a: {  	v30 =	vadd.s32 $0x2, v30;
	s1 =	simm.s32 $0x8;
	v22 =	vmul.f32 v22, v18;
	v25 =	vld [tilespmem:s22+$0x30];
	[tilespmem:s22+$0xFFFFFFB0] =	vst v19  }
0x12b: {  	v35 =	vbroadcast v30, $0x0;
	v28 =	vmov s1;
	s1 =	simm.s32 $0xB;
	v20 =	vmul.f32 v20, v18;
	v19 =	vld [tilespmem:s22+$0x40];
	[tilespmem:s22+$0xFFFFFFC0] =	vst v23  }
0x12c: {  	v28 =	vshrl.u32 v28, $0x3;
	v31 =	vmov s1;
	s1 =	simm.s32 $0xD;
	v23 =	vld [tilespmem:s22+$0x50];
	[tilespmem:s22+$0xFFFFFFE0] =	vst v22;
	v18 =	vmul.f32 v12, v18  }
0x12d: {  	v33 =	vmov s1;
	v28 =	vshll.u32 v28, v11;
	v22 =	vld [tilespmem:s22+$0x70];
	v24 =	vmul.f32 v24, v17;
	[tilespmem:s22+$0xFFFFFFD0] =	vst v20  }
0x12e: {  	v31 =	vshrl.u32 v31, $0x3;
	v33 =	vshrl.u32 v33, $0x3;
	v20 =	vld [tilespmem:s22+$0x60];
	v26 =	vmul.f32 v26, v17;
	[tilespmem:s4+$0xFFFFFFF0] =	vst v18  }
0x12f: {  	v28 =	vbroadcast v28, $0x0;
	v31 =	vshll.u32 v31, v11;
	v21 =	vmul.f32 v21, v17;
	v18 =	vld [tilespmem:s22+$0x90];
	[tilespmem:s22+$0x10] =	vst v24  }
0x130: {  	v33 =	vshll.u32 v33, v11;
	v31 =	vadd.s32 $0x3, v31;
	v24 =	vld [tilespmem:s22+$0xB0];
	v25 =	vmul.f32 v25, v17;
	[tilespmem:s22+$0x20] =	vst v26  }
0x131: {  	s2 =	simm.s32 $0x9;
	v30 =	vadd.s32 $0x5, v33;
	v31 =	vbroadcast v31, $0x0;
	v26 =	vld [tilespmem:s22+$0xC0];
	[tilespmem:s22+$0x0] =	vst v21;
	v19 =	vmul.f32 v19, v17  }
0x132: {  	v16 =	vmul.f32 v29, v13;
	v29 =	vmov s2;
	s2 =	simm.s32 $0xC;
	v21 =	vld [tilespmem:s22+$0xA0];
	v23 =	vmul.f32 v23, v17;
	[tilespmem:s22+$0x30] =	vst v25  }
0x133: {  	v32 =	vmov s2;
	s2 =	simm.s32 $0xE;
	v29 =	vshrl.u32 v29, $0x3;
	v22 =	vmul.f32 v22, v17;
	v25 =	vld [tilespmem:s22+$0xD0];
	[tilespmem:s22+$0x40] =	vst v19  }
0x134: {  	v34 =	vmov s2;
	v32 =	vshrl.u32 v32, $0x3;
	v20 =	vmul.f32 v20, v17;
	v19 =	vld [tilespmem:s22+$0xE0];
	[tilespmem:s22+$0x50] =	vst v23  }
0x135: {  	v29 =	vshll.u32 v29, v11;
	v34 =	vshrl.u32 v34, $0x3;
	v23 =	vld [tilespmem:s22+$0xF0];
	v17 =	vmul.f32 v12, v17;
	[tilespmem:s22+$0x70] =	vst v22  }
0x136: {  	v32 =	vshll.u32 v32, v11;
	v29 =	vadd.s32 $0x1, v29;
	v18 =	vmul.f32 v18, v15;
	[tilespmem:s22+$0x60] =	vst v20;
	v20 =	vld [tilespmem:s22+$0x100]  }
0x137: {  	v29 =	vbroadcast v29, $0x0;
	v32 =	vadd.s32 $0x4, v32;
	v22 =	vld [tilespmem:s22+$0x110];
	v24 =	vmul.f32 v24, v15;
	[tilespmem:s4+$0x0] =	vst v17  }
0x138: {  	v34 =	vshll.u32 v34, v11;
	v32 =	vbroadcast v32, $0x0;
	v21 =	vmul.f32 v21, v15;
	v17 =	vld [tilespmem:s22+$0x120];
	[tilespmem:s22+$0x90] =	vst v18  }
0x139: {  	s25 =	simm.s32 $0xF;
	v37 =	vld [tilespmem:s22+$0x160];
	v62 =	vadd.s32 $0x6, v34;
	v26 =	vmul.f32 v26, v15;
	[tilespmem:s22+$0xB0] =	vst v24;
	v25 =	vmul.f32 v25, v15  }
0x13a: {  	v27 =	vld [tilespmem:s22+$0x130];
	v19 =	vmul.f32 v19, v15;
	[tilespmem:s22+$0xA0] =	vst v21;
	v36 =	vmul.f32 v23, v15;
	v21 =	vmov s25  }
0x13b: {  	v18 =	vld [tilespmem:s22+$0x140];
	[tilespmem:s22+$0xC0] =	vst v26;
	v23 =	vbroadcast v30, $0x0;
	v38 =	vmul.f32 v20, v14;
	v20 =	vshrl.u32 v21, $0x3  }
0x13c: {  	v39 =	vld [tilespmem:s22+$0x170];
	v24 =	vmul.f32 v22, v14;
	v22 =	vbroadcast v62, $0x0;
	[tilespmem:s22+$0xD0] =	vst v25;
	v21 =	vshll.u32 v20, v11  }
0x13d: {  	v15 =	vmul.f32 v12, v15;
	[tilespmem:s22+$0xE0] =	vst v19;
	v19 =	vld.idx.msk [tilespmem:v35+s31+$0x0], $0xffff;
	v25 =	vmul.f32 v17, v14;
	v17 =	vadd.s32 $0x7, v21  }
0x13e: {  	[tilespmem:s22+$0xF0] =	vst v36;
	v20 =	vld.idx.msk [tilespmem:v28+s31+$0x0], $0xffff;
	v30 =	vbroadcast v17, $0x0  }
0x13f: {  	v26 =	vmul.f32 v27, v14;
	[tilespmem:s4+$0x10] =	vst v15;
	v15 =	vld.idx.msk [tilespmem:v32+s31+$0x0], $0xffff  }
0x140: {  	v27 =	vmul.f32 v18, v14;
	v28 =	vmul.f32 v63, v14;
	v21 =	vld.idx.msk [tilespmem:v29+s31+$0x0], $0xffff  }
0x141: {  	s17 =	simm.s32 $0x10;
	s25 =	simm.s32 $0x1920;
	v29 =	vmul.f32 v37, v14;
	[tilespmem:s22+$0x100] =	vst v38;
	v17 =	vld.idx.msk [tilespmem:v31+s31+$0x0], $0xffff;
	v31 =	vmul.f32 v39, v14  }
.LBB2_5:
0x142: {  	p1 =	slt.u32 s17, $0x48;
	v18 =	vld.idx.msk [tilespmem:v23+s31+$0x0], $0xffff;
	[tilespmem:s22+$0x110] =	vst v24  }
0x143: {  	v22 =	vld.idx.msk [tilespmem:v22+s31+$0x0], $0xffff;
	[tilespmem:s22+$0x120] =	vst v25  }
0x144: {  	s22 =	sadd.s32 $0x400, s22;
	v23 =	vld.idx.msk [tilespmem:v30+s31+$0x0], $0xffff;
	[tilespmem:s25+$0x130] =	vst v26  }
0x145: {  	v24 =	vld [tilespmem:s22+$0x180];
	[tilespmem:s25+$0x140] =	vst v27  }
0x146: {  	v25 =	vld [tilespmem:s22+$0x190];
	[tilespmem:s25+$0x150] =	vst v28  }
0x147: {  	v30 =	vmul.f32 v12, v14;
	v26 =	vld [tilespmem:s22+$0x1A0];
	[tilespmem:s25+$0x160] =	vst v29  }
0x148: {  	v27 =	vld [tilespmem:s22+$0x1B0];
	[tilespmem:s25+$0x170] =	vst v31  }
0x149: {  	v29 =	vmul.f32 v12, v13;
	v13 =	vmov v20;
	v14 =	vmov v22;
	v28 =	vld [tilespmem:s22+$0x1C0];
	[tilespmem:s4+$0x20] =	vst v30  }
0x14a: {  	v20 =	vmul.f32 v24, v23;
	v22 =	vld [tilespmem:s22+$0x1D0];
	[tilespmem:s25+$0xFFFFFE70] =	vst v16;
	s25 =	smov.u32 s22  }
0x14b: {  	v16 =	vmul.f32 v25, v23;
	v24 =	vld [tilespmem:s22+$0x1E0];
	[tilespmem:s4+$0xFFFFFFC0] =	vst v29  }
0x14c: {  	[tilespmem:s22+$0x180] =	vst v20;
	v20 =	vmul.f32 v26, v23;
	v25 =	vld [tilespmem:s22+$0x1F0]  }
0x14d: {  	v26 =	vld [tilespmem:s22+$0xFFFFFE00];
	[tilespmem:s22+$0x190] =	vst v16;
	v16 =	vmul.f32 v27, v23  }
0x14e: {  	v27 =	vld [tilespmem:s22+$0xFFFFFE10];
	[tilespmem:s22+$0x1A0] =	vst v20;
	v20 =	vmul.f32 v28, v23  }
0x14f: {  	v28 =	vld [tilespmem:s22+$0xFFFFFE20];
	[tilespmem:s22+$0x1B0] =	vst v16;
	v16 =	vmul.f32 v22, v23  }
0x150: {  	v22 =	vld [tilespmem:s22+$0xFFFFFE30];
	[tilespmem:s22+$0x1C0] =	vst v20;
	v20 =	vmul.f32 v24, v23  }
0x151: {  	v24 =	vld [tilespmem:s22+$0xFFFFFE40];
	[tilespmem:s22+$0x1D0] =	vst v16;
	v16 =	vmul.f32 v25, v23  }
0x152: {  	v25 =	vmul.f32 v26, v13;
	v26 =	vld [tilespmem:s22+$0xFFFFFE50];
	[tilespmem:s22+$0x1E0] =	vst v20;
	v20 =	vmul.f32 v12, v23  }
0x153: {  	s4 =	sadd.s32 $0x80, s4;
	v23 =	vmul.f32 v27, v13;
	v27 =	vld [tilespmem:s22+$0xFFFFFE60];
	[tilespmem:s22+$0x1F0] =	vst v16  }
0x154: {  	v16 =	vmul.f32 v28, v13;
	v28 =	vld [tilespmem:s22+$0xFFFFFE70];
	[tilespmem:s4+$0x30] =	vst v20  }
0x155: {  	[tilespmem:s22+$0xFFFFFE00] =	vst v25;
	v20 =	vmul.f32 v22, v13;
	v22 =	vld [tilespmem:s22+$0xFFFFFE80]  }
0x156: {  	[tilespmem:s22+$0xFFFFFE10] =	vst v23;
	v23 =	vmul.f32 v24, v13;
	v24 =	vld [tilespmem:s22+$0xFFFFFE90]  }
0x157: {  	[tilespmem:s22+$0xFFFFFE20] =	vst v16;
	v25 =	vmul.f32 v26, v13;
	v26 =	vld [tilespmem:s22+$0xFFFFFEA0]  }
0x158: {  	[tilespmem:s22+$0xFFFFFE30] =	vst v20;
	v20 =	vmul.f32 v27, v13;
	v27 =	vld [tilespmem:s22+$0xFFFFFEB0]  }
0x159: {  	[tilespmem:s22+$0xFFFFFE40] =	vst v23;
	v16 =	vmul.f32 v28, v13;
	v23 =	vld [tilespmem:s22+$0xFFFFFEC0]  }
0x15a: {  	[tilespmem:s22+$0xFFFFFE50] =	vst v25;
	v22 =	vmul.f32 v22, v21;
	v25 =	vld [tilespmem:s22+$0xFFFFFED0]  }
0x15b: {  	[tilespmem:s22+$0xFFFFFE60] =	vst v20;
	v20 =	vmul.f32 v24, v21;
	v24 =	vld [tilespmem:s22+$0xFFFFFEE0]  }
0x15c: {  	[tilespmem:s22+$0xFFFFFE80] =	vst v22;
	v22 =	vmul.f32 v26, v21;
	v26 =	vld [tilespmem:s22+$0xFFFFFEF0]  }
0x15d: {  	[tilespmem:s22+$0xFFFFFE90] =	vst v20;
	v20 =	vmul.f32 v27, v21;
	v27 =	vld [tilespmem:s22+$0xFFFFFF00]  }
0x15e: {  	[tilespmem:s22+$0xFFFFFEA0] =	vst v22;
	v22 =	vmul.f32 v23, v21;
	v23 =	vld [tilespmem:s22+$0xFFFFFF10]  }
0x15f: {  	[tilespmem:s22+$0xFFFFFEB0] =	vst v20;
	v20 =	vmul.f32 v25, v21;
	v25 =	vld [tilespmem:s22+$0xFFFFFF20]  }
0x160: {  	[tilespmem:s22+$0xFFFFFEC0] =	vst v22;
	v22 =	vmul.f32 v24, v21;
	v24 =	vld [tilespmem:s22+$0xFFFFFF30]  }
0x161: {  	[tilespmem:s22+$0xFFFFFED0] =	vst v20;
	v20 =	vmul.f32 v26, v21;
	v26 =	vld [tilespmem:s22+$0xFFFFFF40]  }
0x162: {  	v21 =	vmul.f32 v12, v21;
	[tilespmem:s22+$0xFFFFFEE0] =	vst v22;
	v22 =	vmul.f32 v27, v19;
	v27 =	vld [tilespmem:s22+$0xFFFFFF50]  }
0x163: {  	[tilespmem:s22+$0xFFFFFEF0] =	vst v20;
	v20 =	vmul.f32 v23, v19;
	v23 =	vld [tilespmem:s22+$0xFFFFFF60]  }
0x164: {  	[tilespmem:s4+$0xFFFFFFD0] =	vst v21;
	v21 =	vmul.f32 v25, v19;
	v25 =	vld [tilespmem:s22+$0xFFFFFF70]  }
0x165: {  	[tilespmem:s22+$0xFFFFFF00] =	vst v22;
	v22 =	vmul.f32 v24, v19;
	v24 =	vld [tilespmem:s22+$0xFFFFFF80]  }
0x166: {  	[tilespmem:s22+$0xFFFFFF10] =	vst v20;
	v20 =	vmul.f32 v26, v19;
	v26 =	vld [tilespmem:s22+$0xFFFFFF90]  }
0x167: {  	[tilespmem:s22+$0xFFFFFF20] =	vst v21;
	v21 =	vmul.f32 v27, v19;
	v27 =	vld [tilespmem:s22+$0xFFFFFFA0]  }
0x168: {  	[tilespmem:s22+$0xFFFFFF30] =	vst v22;
	v22 =	vmul.f32 v23, v19;
	v23 =	vld [tilespmem:s22+$0xFFFFFFB0]  }
0x169: {  	[tilespmem:s22+$0xFFFFFF40] =	vst v20;
	v20 =	vmul.f32 v25, v19;
	v25 =	vld [tilespmem:s22+$0xFFFFFFC0]  }
0x16a: {  	[tilespmem:s22+$0xFFFFFF50] =	vst v21;
	v21 =	vmul.f32 v24, v17;
	v24 =	vld [tilespmem:s22+$0xFFFFFFD0]  }
0x16b: {  	v19 =	vmul.f32 v12, v19;
	[tilespmem:s22+$0xFFFFFF60] =	vst v22;
	v22 =	vmul.f32 v26, v17;
	v26 =	vld [tilespmem:s22+$0xFFFFFFE0]  }
0x16c: {  	[tilespmem:s22+$0xFFFFFF70] =	vst v20;
	v20 =	vmul.f32 v27, v17;
	v27 =	vld [tilespmem:s22+$0xFFFFFFF0]  }
0x16d: {  	[tilespmem:s4+$0xFFFFFFE0] =	vst v19;
	v19 =	vmul.f32 v23, v17;
	v23 =	vld [tilespmem:s22+$0x0]  }
0x16e: {  	[tilespmem:s22+$0xFFFFFF80] =	vst v21;
	v21 =	vmul.f32 v25, v17;
	v25 =	vld [tilespmem:s22+$0x10]  }
0x16f: {  	[tilespmem:s22+$0xFFFFFF90] =	vst v22;
	v22 =	vmul.f32 v24, v17;
	v24 =	vld [tilespmem:s22+$0x20]  }
0x170: {  	[tilespmem:s22+$0xFFFFFFA0] =	vst v20;
	v20 =	vmul.f32 v26, v17;
	v26 =	vld [tilespmem:s22+$0x30]  }
0x171: {  	s1 =	sadd.s32 $0x1, s17;
	v28 =	vmov s17;
	[tilespmem:s22+$0xFFFFFFB0] =	vst v19;
	v19 =	vmul.f32 v27, v17;
	v27 =	vld [tilespmem:s22+$0x40]  }
0x172: {  	s2 =	sadd.s32 $0x3, s17;
	v29 =	vmov s1;
	s1 =	sadd.s32 $0x2, s17;
	v28 =	vshrl.u32 v28, $0x3;
	[tilespmem:s22+$0xFFFFFFC0] =	vst v21;
	v21 =	vmul.f32 v23, v15;
	v23 =	vld [tilespmem:s22+$0x50]  }
0x173: {  	v31 =	vmov s2;
	v30 =	vmov s1;
	s1 =	sadd.s32 $0x4, s17;
	[tilespmem:s22+$0xFFFFFFD0] =	vst v22;
	v22 =	vmul.f32 v25, v15;
	v25 =	vld [tilespmem:s22+$0x60]  }
0x174: {  	s2 =	sadd.s32 $0x6, s17;
	v32 =	vmov s1;
	s1 =	sadd.s32 $0x5, s17;
	v17 =	vmul.f32 v12, v17;
	[tilespmem:s22+$0xFFFFFFE0] =	vst v20;
	v20 =	vmul.f32 v24, v15;
	v24 =	vld [tilespmem:s22+$0x70]  }
0x175: {  	v34 =	vmov s2;
	v33 =	vmov s1;
	[tilespmem:s22+$0xFFFFFFF0] =	vst v19;
	v19 =	vmul.f32 v26, v15;
	v26 =	vld [tilespmem:s22+$0x80]  }
0x176: {  	v29 =	vshrl.u32 v29, $0x3;
	v28 =	vshll.u32 v28, v11;
	[tilespmem:s4+$0xFFFFFFF0] =	vst v17;
	v17 =	vmul.f32 v27, v15;
	v27 =	vld [tilespmem:s22+$0x90]  }
0x177: {  	v31 =	vshrl.u32 v31, $0x3;
	v30 =	vshrl.u32 v30, $0x3;
	[tilespmem:s22+$0x0] =	vst v21;
	v21 =	vmul.f32 v23, v15;
	v23 =	vld [tilespmem:s22+$0xA0]  }
0x178: {  	v32 =	vshrl.u32 v32, $0x3;
	v33 =	vshrl.u32 v33, $0x3;
	[tilespmem:s22+$0x10] =	vst v22;
	v22 =	vmul.f32 v25, v15;
	v25 =	vld [tilespmem:s22+$0xB0]  }
0x179: {  	v34 =	vshrl.u32 v34, $0x3;
	v28 =	vbroadcast v28, $0x0;
	[tilespmem:s22+$0x20] =	vst v20;
	v20 =	vmul.f32 v24, v15;
	v24 =	vld [tilespmem:s22+$0xC0]  }
0x17a: {  	v29 =	vshll.u32 v29, v11;
	v30 =	vshll.u32 v30, v11;
	[tilespmem:s22+$0x30] =	vst v19;
	v19 =	vmul.f32 v26, v18;
	v26 =	vld [tilespmem:s22+$0xD0]  }
0x17b: {  	v31 =	vshll.u32 v31, v11;
	v32 =	vshll.u32 v32, v11;
	[tilespmem:s22+$0x40] =	vst v17;
	v17 =	vmul.f32 v27, v18;
	v27 =	vld [tilespmem:s22+$0xE0]  }
0x17c: {  	v34 =	vshll.u32 v34, v11;
	v33 =	vshll.u32 v33, v11;
	[tilespmem:s22+$0x50] =	vst v21;
	v21 =	vmul.f32 v23, v18;
	v23 =	vld [tilespmem:s22+$0xF0]  }
0x17d: {  	v29 =	vadd.s32 $0x1, v29;
	v15 =	vmul.f32 v12, v15;
	[tilespmem:s22+$0x60] =	vst v22;
	v22 =	vmul.f32 v25, v18;
	v25 =	vld [tilespmem:s22+$0x100]  }
0x17e: {  	v31 =	vadd.s32 $0x3, v31;
	v30 =	vadd.s32 $0x2, v30;
	[tilespmem:s22+$0x70] =	vst v20;
	v20 =	vmul.f32 v24, v18;
	v24 =	vld [tilespmem:s22+$0x110]  }
0x17f: {  	v29 =	vbroadcast v29, $0x0;
	v32 =	vadd.s32 $0x4, v32;
	[tilespmem:s4+$0x0] =	vst v15;
	v15 =	vmul.f32 v26, v18;
	v26 =	vld [tilespmem:s22+$0x120]  }
0x180: {  	v35 =	vbroadcast v30, $0x0;
	v30 =	vadd.s32 $0x5, v33;
	[tilespmem:s22+$0x80] =	vst v19;
	v19 =	vmul.f32 v27, v18;
	v27 =	vld [tilespmem:s22+$0x130]  }
0x181: {  	v31 =	vbroadcast v31, $0x0;
	s1 =	sadd.s32 $0x7, s17;
	v33 =	vadd.s32 $0x6, v34;
	[tilespmem:s22+$0x90] =	vst v17;
	v17 =	vmul.f32 v23, v18;
	v34 =	vld [tilespmem:s22+$0x140]  }
0x182: {  	v36 =	vmov s1;
	v32 =	vbroadcast v32, $0x0;
	[tilespmem:s22+$0xA0] =	vst v21;
	v37 =	vmul.f32 v25, v14;
	v38 =	vld [tilespmem:s22+$0x150]  }
0x183: {  	v23 =	vbroadcast v30, $0x0;
	v21 =	vshrl.u32 v36, $0x3;
	[tilespmem:s22+$0xB0] =	vst v22;
	v24 =	vmul.f32 v24, v14;
	v36 =	vld [tilespmem:s22+$0x160]  }
0x184: {  	v22 =	vbroadcast v33, $0x0;
	v21 =	vshll.u32 v21, v11;
	[tilespmem:s22+$0xC0] =	vst v20;
	v25 =	vmul.f32 v26, v14;
	v33 =	vld [tilespmem:s22+$0x170]  }
.Ltmp1:
0x185: {  	v20 =	vld.idx.msk [tilespmem:v28+s31+$0x0], $0xffff;
	v28 =	vadd.s32 $0x7, v21;
	[tilespmem:s22+$0xD0] =	vst v15;
	v15 =	vmul.f32 v12, v18;
	v26 =	vmul.f32 v27, v14;
	(pc) =	sbr.rel @p1 .LBB2_5-.Ltmp1, $4  }
0x186: {  	v21 =	vld.idx.msk [tilespmem:v29+s31+$0x0], $0xffff;
	v30 =	vbroadcast v28, $0x0;
	[tilespmem:s22+$0xE0] =	vst v19;
	v27 =	vmul.f32 v34, v14  }
0x187: {  	v19 =	vld.idx.msk [tilespmem:v35+s31+$0x0], $0xffff;
	[tilespmem:s22+$0xF0] =	vst v17;
	v28 =	vmul.f32 v38, v14  }
0x188: {  	v17 =	vld.idx.msk [tilespmem:v31+s31+$0x0], $0xffff;
	[tilespmem:s4+$0x10] =	vst v15;
	v29 =	vmul.f32 v36, v14  }
0x189: {  	s17 =	sadd.s32 $0x8, s17;
	v15 =	vld.idx.msk [tilespmem:v32+s31+$0x0], $0xffff;
	[tilespmem:s22+$0x100] =	vst v37;
	v31 =	vmul.f32 v33, v14  }
0x18a: {  	_ =	sdelay $0x1  }
0x18b: {  	[tilespmem:s22+$0x110] =	vst v24  }
0x18c: {  	[tilespmem:s22+$0x120] =	vst v25  }
0x18d: {  	v18 =	vld.idx.msk [tilespmem:v30+s31+$0x0], $0xffff;
	s17 =	sadd.s32 $0x400, s22;
	[tilespmem:s25+$0xFFFFFE70] =	vst v16  }
0x18e: {  	[tilespmem:s25+$0x130] =	vst v26;
	v24 =	vld [tilespmem:s17+$0x180]  }
0x18f: {  	[tilespmem:s25+$0x140] =	vst v27;
	v25 =	vld [tilespmem:s17+$0x190]  }
0x190: {  	[tilespmem:s25+$0x150] =	vst v28;
	v26 =	vld [tilespmem:s17+$0x1A0]  }
0x191: {  	v14 =	vmul.f32 v12, v14;
	[tilespmem:s25+$0x160] =	vst v29;
	v27 =	vld [tilespmem:s17+$0x1B0]  }
0x192: {  	v13 =	vmul.f32 v12, v13;
	[tilespmem:s25+$0x170] =	vst v31;
	v28 =	vld [tilespmem:s17+$0x1C0]  }
0x193: {  	[tilespmem:s4+$0x20] =	vst v14;
	v14 =	vmul.f32 v24, v18;
	v24 =	vld [tilespmem:s17+$0x1D0]  }
0x194: {  	[tilespmem:s4+$0xFFFFFFC0] =	vst v13;
	v16 =	vmul.f32 v25, v18;
	v25 =	vld [tilespmem:s17+$0x1E0]  }
0x195: {  	v13 =	vmul.f32 v26, v18;
	[tilespmem:s17+$0x180] =	vst v14;
	v14 =	vld [tilespmem:s17+$0x1F0]  }
0x196: {  	v26 =	vld [tilespmem:s17+$0xFFFFFE00];
	[tilespmem:s17+$0x190] =	vst v16;
	v16 =	vmul.f32 v27, v18  }
0x197: {  	[tilespmem:s17+$0x1A0] =	vst v13;
	v13 =	vmul.f32 v28, v18  }
0x198: {  	v27 =	vld [tilespmem:s17+$0xFFFFFE10];
	[tilespmem:s17+$0x1B0] =	vst v16;
	v16 =	vmul.f32 v24, v18  }
0x199: {  	[tilespmem:s17+$0x1C0] =	vst v13;
	v24 =	vld [tilespmem:s17+$0xFFFFFE20];
	v13 =	vmul.f32 v25, v18  }
0x19a: {  	v25 =	vld [tilespmem:s17+$0xFFFFFE30];
	[tilespmem:s17+$0x1D0] =	vst v16;
	v14 =	vmul.f32 v14, v18  }
0x19b: {  	v16 =	vld [tilespmem:s17+$0xFFFFFE40];
	[tilespmem:s17+$0x1E0] =	vst v13;
	v13 =	vmul.f32 v12, v18;
	v18 =	vmul.f32 v26, v20  }
0x19c: {  	v26 =	vld [tilespmem:s17+$0xFFFFFE50];
	[tilespmem:s17+$0x1F0] =	vst v14  }
0x19d: {  	s2 =	sadd.s32 $0x80, s4;
	v14 =	vmul.f32 v27, v20;
	v27 =	vld [tilespmem:s17+$0xFFFFFE60];
	[tilespmem:s17+$0xFFFFFE00] =	vst v18  }
0x19e: {  	v18 =	vld [tilespmem:s17+$0xFFFFFE80];
	[tilespmem:s2+$0x30] =	vst v13;
	v13 =	vmul.f32 v24, v20  }
0x19f: {  	v24 =	vmul.f32 v25, v20;
	[tilespmem:s17+$0xFFFFFE10] =	vst v14;
	v14 =	vld [tilespmem:s17+$0xFFFFFE90]  }
0x1a0: {  	v16 =	vmul.f32 v16, v20;
	[tilespmem:s17+$0xFFFFFE20] =	vst v13;
	v13 =	vld [tilespmem:s17+$0xFFFFFEA0]  }
0x1a1: {  	v25 =	vmul.f32 v26, v20;
	[tilespmem:s17+$0xFFFFFE30] =	vst v24;
	v24 =	vld [tilespmem:s17+$0xFFFFFEB0]  }
0x1a2: {  	v26 =	vmul.f32 v27, v20;
	[tilespmem:s17+$0xFFFFFE40] =	vst v16;
	v16 =	vld [tilespmem:s17+$0xFFFFFEC0]  }
0x1a3: {  	[tilespmem:s17+$0xFFFFFE50] =	vst v25;
	v18 =	vmul.f32 v18, v21;
	v25 =	vld [tilespmem:s17+$0xFFFFFED0]  }
0x1a4: {  	[tilespmem:s17+$0xFFFFFE60] =	vst v26;
	v14 =	vmul.f32 v14, v21;
	v26 =	vld [tilespmem:s17+$0xFFFFFEE0]  }
0x1a5: {  	[tilespmem:s17+$0xFFFFFE80] =	vst v18;
	v18 =	vld [tilespmem:s17+$0xFFFFFEF0];
	v13 =	vmul.f32 v13, v21  }
0x1a6: {  	[tilespmem:s17+$0xFFFFFE90] =	vst v14;
	v14 =	vmul.f32 v24, v21  }
0x1a7: {  	v24 =	vld [tilespmem:s17+$0xFFFFFF00];
	[tilespmem:s17+$0xFFFFFEA0] =	vst v13;
	v13 =	vmul.f32 v16, v21  }
0x1a8: {  	v16 =	vld [tilespmem:s17+$0xFFFFFF10];
	[tilespmem:s17+$0xFFFFFEB0] =	vst v14;
	v14 =	vmul.f32 v25, v21  }
0x1a9: {  	v25 =	vld [tilespmem:s17+$0xFFFFFF20];
	[tilespmem:s17+$0xFFFFFEC0] =	vst v13;
	v13 =	vmul.f32 v26, v21  }
0x1aa: {  	v26 =	vld [tilespmem:s17+$0xFFFFFF30];
	[tilespmem:s17+$0xFFFFFED0] =	vst v14;
	v14 =	vmul.f32 v18, v21  }
0x1ab: {  	v18 =	vld [tilespmem:s17+$0xFFFFFF40];
	[tilespmem:s17+$0xFFFFFEE0] =	vst v13;
	v13 =	vmul.f32 v12, v21  }
0x1ac: {  	v21 =	vmul.f32 v24, v19;
	v24 =	vld [tilespmem:s17+$0xFFFFFF50];
	[tilespmem:s17+$0xFFFFFEF0] =	vst v14  }
0x1ad: {  	v14 =	vmul.f32 v16, v19;
	v16 =	vld [tilespmem:s17+$0xFFFFFF60];
	[tilespmem:s2+$0xFFFFFFD0] =	vst v13  }
0x1ae: {  	v13 =	vmul.f32 v25, v19;
	v25 =	vld [tilespmem:s17+$0xFFFFFF70];
	[tilespmem:s17+$0xFFFFFF00] =	vst v21  }
0x1af: {  	v21 =	vmul.f32 v26, v19;
	[tilespmem:s17+$0xFFFFFF10] =	vst v14  }
0x1b0: {  	v14 =	vld [tilespmem:s17+$0xFFFFFF80];
	v18 =	vmul.f32 v18, v19;
	[tilespmem:s17+$0xFFFFFF20] =	vst v13  }
0x1b1: {  	v13 =	vld [tilespmem:s17+$0xFFFFFF90];
	v24 =	vmul.f32 v24, v19;
	[tilespmem:s17+$0xFFFFFF30] =	vst v21  }
0x1b2: {  	v21 =	vld [tilespmem:s17+$0xFFFFFFA0];
	v16 =	vmul.f32 v16, v19;
	[tilespmem:s17+$0xFFFFFF40] =	vst v18  }
0x1b3: {  	v18 =	vld [tilespmem:s17+$0xFFFFFFB0];
	v25 =	vmul.f32 v25, v19;
	[tilespmem:s17+$0xFFFFFF50] =	vst v24  }
0x1b4: {  	v24 =	vld [tilespmem:s17+$0xFFFFFFC0];
	[tilespmem:s17+$0xFFFFFF60] =	vst v16;
	v16 =	vmul.f32 v12, v19  }
0x1b5: {  	v14 =	vmul.f32 v14, v17;
	v19 =	vld [tilespmem:s17+$0xFFFFFFD0];
	[tilespmem:s17+$0xFFFFFF70] =	vst v25  }
0x1b6: {  	v13 =	vmul.f32 v13, v17;
	v25 =	vld [tilespmem:s17+$0xFFFFFFE0];
	[tilespmem:s2+$0xFFFFFFE0] =	vst v16  }
0x1b7: {  	v16 =	vmul.f32 v21, v17;
	v21 =	vld [tilespmem:s17+$0xFFFFFFF0];
	[tilespmem:s17+$0xFFFFFF80] =	vst v14  }
0x1b8: {  	v14 =	vmul.f32 v18, v17;
	[tilespmem:s17+$0xFFFFFF90] =	vst v13  }
0x1b9: {  	v13 =	vld [tilespmem:s17+$0x0];
	v18 =	vmul.f32 v24, v17;
	[tilespmem:s17+$0xFFFFFFA0] =	vst v16  }
0x1ba: {  	v16 =	vld [tilespmem:s17+$0x10];
	v19 =	vmul.f32 v19, v17;
	[tilespmem:s17+$0xFFFFFFB0] =	vst v14  }
0x1bb: {  	v14 =	vld [tilespmem:s17+$0x20];
	v24 =	vmul.f32 v25, v17;
	[tilespmem:s17+$0xFFFFFFC0] =	vst v18  }
0x1bc: {  	v18 =	vld [tilespmem:s17+$0x30];
	v21 =	vmul.f32 v21, v17;
	[tilespmem:s17+$0xFFFFFFD0] =	vst v19  }
0x1bd: {  	v19 =	vld [tilespmem:s17+$0x40];
	v17 =	vmul.f32 v12, v17;
	[tilespmem:s17+$0xFFFFFFE0] =	vst v24  }
0x1be: {  	v13 =	vmul.f32 v13, v15;
	v24 =	vld [tilespmem:s17+$0x50];
	[tilespmem:s17+$0xFFFFFFF0] =	vst v21  }
0x1bf: {  	v16 =	vmul.f32 v16, v15;
	v21 =	vld [tilespmem:s17+$0x60];
	[tilespmem:s2+$0xFFFFFFF0] =	vst v17  }
0x1c0: {  	v14 =	vmul.f32 v14, v15;
	v17 =	vld [tilespmem:s17+$0x70];
	[tilespmem:s17+$0x0] =	vst v13  }
0x1c1: {  	v13 =	vld.idx.msk [tilespmem:v23+s31+$0x0], $0xffff;
	v18 =	vmul.f32 v18, v15;
	[tilespmem:s17+$0x10] =	vst v16  }
0x1c2: {  	v16 =	vld [tilespmem:s17+$0x80];
	v19 =	vmul.f32 v19, v15;
	[tilespmem:s17+$0x20] =	vst v14  }
0x1c3: {  	v14 =	vld [tilespmem:s17+$0x90];
	v23 =	vmul.f32 v24, v15;
	[tilespmem:s17+$0x30] =	vst v18  }
0x1c4: {  	v18 =	vld [tilespmem:s17+$0xA0];
	v21 =	vmul.f32 v21, v15;
	[tilespmem:s17+$0x40] =	vst v19  }
0x1c5: {  	v19 =	vld [tilespmem:s17+$0xB0];
	v17 =	vmul.f32 v17, v15;
	[tilespmem:s17+$0x50] =	vst v23  }
0x1c6: {  	v23 =	vld [tilespmem:s17+$0xC0];
	v15 =	vmul.f32 v12, v15;
	[tilespmem:s17+$0x60] =	vst v21  }
0x1c7: {  	v16 =	vmul.f32 v16, v13;
	v21 =	vld [tilespmem:s17+$0xD0];
	[tilespmem:s17+$0x70] =	vst v17  }
0x1c8: {  	v14 =	vmul.f32 v14, v13;
	v17 =	vld [tilespmem:s17+$0xE0];
	[tilespmem:s2+$0x0] =	vst v15  }
0x1c9: {  	v15 =	vmul.f32 v18, v13;
	v18 =	vld [tilespmem:s17+$0xF0];
	[tilespmem:s17+$0x80] =	vst v16  }
0x1ca: {  	v16 =	vld.idx.msk [tilespmem:v22+s31+$0x0], $0xffff;
	v19 =	vmul.f32 v19, v13;
	[tilespmem:s17+$0x90] =	vst v14  }
0x1cb: {  	v14 =	vld [tilespmem:s17+$0x100];
	v22 =	vmul.f32 v23, v13;
	[tilespmem:s17+$0xA0] =	vst v15  }
0x1cc: {  	v15 =	vld [tilespmem:s17+$0x110];
	v21 =	vmul.f32 v21, v13;
	[tilespmem:s17+$0xB0] =	vst v19  }
0x1cd: {  	v19 =	vld [tilespmem:s17+$0x120];
	v17 =	vmul.f32 v17, v13;
	[tilespmem:s17+$0xC0] =	vst v22  }
0x1ce: {  	v22 =	vld [tilespmem:s17+$0x130];
	v18 =	vmul.f32 v18, v13;
	[tilespmem:s17+$0xD0] =	vst v21  }
0x1cf: {  	v21 =	vld [tilespmem:s17+$0x140];
	v13 =	vmul.f32 v12, v13;
	[tilespmem:s17+$0xE0] =	vst v17  }
0x1d0: {  	v14 =	vmul.f32 v14, v16;
	v17 =	vld [tilespmem:s17+$0x150];
	[tilespmem:s17+$0xF0] =	vst v18  }
0x1d1: {  	v15 =	vmul.f32 v15, v16;
	v18 =	vld [tilespmem:s17+$0x160];
	[tilespmem:s2+$0x10] =	vst v13  }
0x1d2: {  	v13 =	vmul.f32 v19, v16;
	v19 =	vld [tilespmem:s17+$0x170];
	[tilespmem:s17+$0x100] =	vst v14  }
0x1d3: {  	v14 =	vmul.f32 v22, v16;
	[tilespmem:s17+$0x110] =	vst v15  }
0x1d4: {  	v15 =	vld [tilespmem:s17+$0xFFFFFE70];
	v21 =	vmul.f32 v21, v16;
	[tilespmem:s17+$0x120] =	vst v13  }
0x1d5: {  	v13 =	vmul.f32 v17, v16;
	[tilespmem:s17+$0x130] =	vst v14  }
0x1d6: {  	v14 =	vmul.f32 v18, v16;
	[tilespmem:s17+$0x140] =	vst v21  }
0x1d7: {  	v17 =	vmul.f32 v19, v16;
	[tilespmem:s17+$0x150] =	vst v13  }
0x1d8: {  	v13 =	vmul.f32 v12, v16;
	[tilespmem:s17+$0x160] =	vst v14  }
0x1d9: {  	v14 =	vmul.f32 v15, v20;
	[tilespmem:s17+$0x170] =	vst v17  }
0x1da: {  	v15 =	vmul.f32 v12, v20;
	[tilespmem:s2+$0x20] =	vst v13  }
0x1db: {  	[tilespmem:s17+$0xFFFFFE70] =	vst v14  }
0x1dc: {  	[tilespmem:s2+$0xFFFFFFC0] =	vst v15  }
0x1dd: {  	[spmem:s29] =	stream.indirect.scatter.add.f32 [tilespmem:s12], [sflag:$0x5], $0x80, s0, s16, $0xb8;
	[tilespmem:$0x1CC00] =	vst v63  }
0x1de: {  	_ =	swait.ge [sflag:s13], $0x2800  }
0x1df: {  	[sflag:s13] =	ssyncset.done $0x0  }
0x1e0: {  	[sflag:s13] =	ssyncadd.s32 $0xFFFFD800  }
0x1e1: {  	[spmem:s30] =	stream.indirect.scatter.add.f32 [tilespmem:s14], [sflag:$0x5], $0x10, s0, s16, $0xb8;
	[tilespmem:$0x1CC00] =	vst v63  }
0x1e2: {  	_ =	swait.ge [sflag:s13], $0x500  }
0x1e3: {  	[sflag:s13] =	ssyncset.done $0x0  }
0x1e4: {  	[sflag:s13] =	ssyncadd.s32 $0xFFFFFB00  }
0x1e5: {  	_ =	swait.ge [sflag:s15], $0xF0  }
0x1e6: {  	[sflag:s15] =	ssyncset.done $0x0  }
0x1e7: {  	[sflag:s15] =	ssyncadd.s32 $0xFFFFFF10  }
0x1e8: {  	v13 =	vld [tilespmem:$0x0]  }
0x1e9: {  	v14 =	vld [tilespmem:$0xA0]  }
0x1ea: {  	v15 =	vld [tilespmem:$0x50]  }
0x1eb: {  	v16 =	vld [tilespmem:$0x10]  }
0x1ec: {  	v17 =	vld [tilespmem:$0xB0]  }
0x1ed: {  	v18 =	vld [tilespmem:$0x60]  }
0x1ee: {  	v19 =	vld [tilespmem:$0x20]  }
0x1ef: {  	v20 =	vld [tilespmem:$0xC0]  }
0x1f0: {  	v21 =	vld [tilespmem:$0x70]  }
0x1f1: {  	v22 =	vld [tilespmem:$0x30]  }
0x1f2: {  	v13 =	vshll.u32 v13, $0x3;
	[tilespmem:$0x280] =	vst v15;
	v15 =	vld [tilespmem:$0x40]  }
0x1f3: {  	[tilespmem:$0x290] =	vst v18;
	v18 =	vld [tilespmem:$0x90];
	v13 =	vadd.s32 v14, v13  }
0x1f4: {  	v14 =	vld [tilespmem:$0xD0];
	[tilespmem:$0x1E0] =	vst v13;
	v13 =	vshll.u32 v16, $0x3  }
0x1f5: {  	v16 =	vld [tilespmem:$0x80];
	v13 =	vadd.s32 v17, v13  }
0x1f6: {  	v17 =	vld [tilespmem:$0xE0];
	[tilespmem:$0x1F0] =	vst v13;
	v13 =	vshll.u32 v19, $0x3  }
0x1f7: {  	[tilespmem:$0x2A0] =	vst v21;
	v13 =	vadd.s32 v20, v13  }
0x1f8: {  	[tilespmem:$0x200] =	vst v13;
	v13 =	vshll.u32 v22, $0x3  }
0x1f9: {  	[tilespmem:$0x2C0] =	vst v18;
	v13 =	vadd.s32 v14, v13  }
0x1fa: {  	[tilespmem:$0x210] =	vst v13;
	v13 =	vshll.u32 v15, $0x3  }
0x1fb: {  	[tilespmem:$0x2B0] =	vst v16;
	v13 =	vadd.s32 v17, v13  }
0x1fc: {  	s1 =	simm.s32 $0x1E0;
	s2 =	rddreg [dreg:$0x1b];
	[tilespmem:$0x220] =	vst v13  }
0x1fd: {  	[tilespmem:s12], [sflag:$0x3] =	stream.indirect.gather [hbm4b:s5+s16], $0x80, s1, s16, $0xb8;
	[tilespmem:$0x1CC00] =	vst v63  }
0x1fe: {  	s4 =	simm.s32 $0x0;
	s2 =	sadd.s32 s11, s2  }
0x1ff: {  	[tilespmem:s18], [sflag:$0x3] =	stream.indirect.gather [hbm4b:s7+s16], $0x10, s4, s16, $0xb8;
	[tilespmem:$0x1CC00] =	vst v63  }
0x200: {  	s2 =	smul.u32 $0x1E, s2  }
0x201: {  	[tilespmem:s19], [sflag:$0x3] =	stream.indirect.gather [hbm4b:s7+s16], $0x10, s16, s16, $0xb8;
	[tilespmem:$0x1CC00] =	vst v63  }
0x202: {  	s2 =	sadd.s32 s3, s2  }
0x203: {  	[tilespmem:s20], [sflag:$0x2] =	stream.linear.gather [hbm4b:s2+s4], $0xF0, $0x38;
	[tilespmem:$0x1CC00] =	vst v63  }
0x204: {  	_ =	swait.ge [sflag:s6], $0x2800  }
0x205: {  	[sflag:s6] =	ssyncset.done $0x0  }
0x206: {  	[sflag:s6] =	ssyncadd.s32 $0xFFFFD800  }
0x207: {  	_ =	swait.ge [sflag:s6], $0x500  }
0x208: {  	[sflag:s6] =	ssyncset.done $0x0  }
0x209: {  	[sflag:s6] =	ssyncadd.s32 $0xFFFFFB00  }
0x20a: {  	_ =	swait.ge [sflag:s6], $0x500  }
0x20b: {  	[sflag:s6] =	ssyncset.done $0x0  }
0x20c: {  	[sflag:s6] =	ssyncadd.s32 $0xFFFFFB00  }
0x20d: {  	v13 =	vld.idx.msk [tilespmem:v0+s24+$0x0], $0xffff  }
0x20e: {  	v14 =	vld.idx.msk [tilespmem:v2+s26+$0x0], $0xffff  }
0x20f: {  	v15 =	vld.idx.msk [tilespmem:v3+s24+$0x0], $0xffff  }
0x210: {  	v16 =	vld.idx.msk [tilespmem:v4+s26+$0x0], $0xffff  }
0x211: {  	v17 =	vld.idx.msk [tilespmem:v5+s24+$0x0], $0xffff  }
0x212: {  	v18 =	vld.idx.msk [tilespmem:v6+s26+$0x0], $0xffff  }
0x213: {  	v19 =	vld.idx.msk [tilespmem:v8+s26+$0x0], $0xffff;
	v13 =	vadd.f32 v14, v13  }
0x214: {  	v21 =	vld.idx.msk [tilespmem:v9+s24+$0x0], $0xffff  }
0x215: {  	v14 =	vld.idx.msk [tilespmem:v7+s24+$0x0], $0xffff;
	v20 =	vmul.f32 $9.999999770e-03, v13  }
0x216: {  	v22 =	vld.idx.msk [tilespmem:v10+s26+$0x0], $0xffff;
	vm0 =	vge.f32 v13, $0.0e+00  }
0x217: {  	v15 =	vadd.f32 v16, v15;
	v13 =	vsel vm0, v13, v20  }
0x218: {  	v13 =	vmul.f32 $1.442695020e+00, v13  }
0x219: {  	v17 =	vadd.f32 v18, v17;
	v16 =	vmul.f32 $9.999999770e-03, v15  }
0x21a: {  	vm12 =	vge.f32 v15, $0.0e+00;
	(erf) = vpow2.f32 v13;
	v13 =	vadd.f32 v19, v14  }
0x21b: {  	v14 =	vsel vm12, v15, v16;
	v15 =	vmul.f32 $9.999999770e-03, v17;
	v16 =	vadd.f32 v22, v21  }
0x21c: {  	vm13 =	vge.f32 v17, $0.0e+00;
	v14 =	vmul.f32 $1.442695020e+00, v14;
	v18 =	vmul.f32 $9.999999770e-03, v13  }
0x21d: {  	v15 =	vsel vm13, v17, v15;
	vm14 =	vge.f32 v13, $0.0e+00;
	v17 =	vmul.f32 $9.999999770e-03, v16  }
0x21e: {  	vm15 =	vge.f32 v16, $0.0e+00;
	v15 =	vmul.f32 $1.442695020e+00, v15;
	v13 =	vsel vm14, v13, v18  }
0x21f: {  	(erf) = vpow2.f32 v14;
	v14 =	vsel vm15, v16, v17;
	v13 =	vmul.f32 $1.442695020e+00, v13  }
0x220: {  	(erf) = vpow2.f32 v15;
	v14 =	vmul.f32 $1.442695020e+00, v14  }
0x221: {  	s22 =	simm.s32 $0x3;
	(erf) = vpow2.f32 v13  }
0x222: {  	s25 =	smov.u32 s3;
	s17 =	simm.s32 $0x2;
	s3 =	simm.s32 $0x4;
	(erf) = vpow2.f32 v14  }
0x223: {  	s11 =	simm.s32 $0x1;
	v16 =	vmov s22;
	v17 =	vmov s3;
	v15 =	vmov s17  }
0x224: {  	v16 =	vshrl.u32 v16, $0x3;
	v13 =	vmov s4;
	v14 =	vmov s11  }
0x225: {  	v17 =	vshrl.u32 v17, $0x3;
	v13 =	vshrl.u32 v13, $0x3;
	v14 =	vshrl.u32 v14, $0x3  }
0x226: {  	v15 =	vshrl.u32 v15, $0x3;
	v13 =	vshll.u32 v13, v11;
	v14 =	vshll.u32 v14, v11  }
0x227: {  	v15 =	vshll.u32 v15, v11;
	v18 =	vpop (erf);
	v13 =	vbroadcast v13, $0x0;
	v14 =	vadd.s32 $0x1, v14  }
0x228: {  	v16 =	vshll.u32 v16, v11;
	v15 =	vadd.s32 $0x2, v15;
	[tilespmem:$0x6720] =	vst v18;
	v19 =	vpop (erf);
	v14 =	vbroadcast v14, $0x0  }
0x229: {  	v17 =	vshll.u32 v17, v11;
	s4 =	simm.s32 $0x7;
	v16 =	vadd.s32 $0x3, v16;
	v15 =	vbroadcast v15, $0x0;
	[tilespmem:$0x6730] =	vst v19;
	v20 =	vpop (erf)  }
0x22a: {  	v17 =	vadd.s32 $0x4, v17;
	v16 =	vbroadcast v16, $0x0;
	v18 =	vmov s4;
	[tilespmem:$0x6740] =	vst v20;
	v19 =	vpop (erf)  }
0x22b: {  	v17 =	vbroadcast v17, $0x0;
	v18 =	vshrl.u32 v18, $0x3;
	[tilespmem:$0x6750] =	vst v19;
	v19 =	vpop (erf)  }
0x22c: {  	v18 =	vshll.u32 v18, v11;
	[tilespmem:$0x6760] =	vst v19  }
0x22d: {  	v18 =	vadd.s32 $0x7, v18;
	v13 =	vld.idx.msk [tilespmem:v13+s31+$0x0], $0xffff  }
0x22e: {  	v19 =	vbroadcast v18, $0x0;
	v20 =	vld.idx.msk [tilespmem:v14+s31+$0x0], $0xffff  }
0x22f: {  	s11 =	simm.s32 $0x5;
	v21 =	vld.idx.msk [tilespmem:v15+s31+$0x0], $0xffff  }
0x230: {  	v14 =	vmov s11;
	v18 =	vld.idx.msk [tilespmem:v16+s31+$0x0], $0xffff  }
0x231: {  	v17 =	vld.idx.msk [tilespmem:v17+s31+$0x0], $0xffff;
	s11 =	simm.s32 $0x4120;
	v14 =	vshrl.u32 v14, $0x3  }
0x232: {  	v15 =	vld [tilespmem:s11+$0x180];
	v14 =	vshll.u32 v14, v11  }
0x233: {  	v22 =	vld [tilespmem:s11+$0x1A0];
	v14 =	vadd.s32 $0x5, v14  }
0x234: {  	v14 =	vbroadcast v14, $0x0;
	v16 =	vld.idx.msk [tilespmem:v19+s31+$0x0], $0xffff  }
0x235: {  	v19 =	vld [tilespmem:s11+$0x190]  }
0x236: {  	v23 =	vld [tilespmem:s11+$0x1B0]  }
0x237: {  	v24 =	vld [tilespmem:s11+$0x1C0]  }
0x238: {  	v26 =	vld [tilespmem:s11+$0x1D0]  }
0x239: {  	v27 =	vld [tilespmem:s11+$0x1E0];
	v25 =	vmul.f32 v15, v16  }
0x23a: {  	v15 =	vld.idx.msk [tilespmem:v14+s31+$0x0], $0xffff;
	v14 =	vmul.f32 v19, v16  }
0x23b: {  	v19 =	vld [tilespmem:s11+$0x1F0];
	v22 =	vmul.f32 v22, v16;
	[tilespmem:s11+$0x180] =	vst v25  }
0x23c: {  	v29 =	vld [tilespmem:s11+$0xFFFFFE70];
	[tilespmem:s11+$0x190] =	vst v14;
	v14 =	vmul.f32 v23, v16  }
0x23d: {  	v25 =	vld [tilespmem:s11+$0xFFFFFE00];
	[tilespmem:s11+$0x1A0] =	vst v22;
	v22 =	vmul.f32 v24, v16  }
0x23e: {  	v23 =	vld [tilespmem:s11+$0xFFFFFE10];
	[tilespmem:s11+$0x1B0] =	vst v14;
	v14 =	vmul.f32 v26, v16  }
0x23f: {  	v24 =	vld [tilespmem:s11+$0xFFFFFE20];
	[tilespmem:s11+$0x1C0] =	vst v22;
	v22 =	vmul.f32 v27, v16  }
0x240: {  	v26 =	vld [tilespmem:s11+$0xFFFFFE30];
	[tilespmem:s11+$0x1D0] =	vst v14;
	v14 =	vmul.f32 v19, v16  }
0x241: {  	v27 =	vld [tilespmem:s11+$0xFFFFFE40];
	[tilespmem:s11+$0x1E0] =	vst v22;
	v16 =	vmul.f32 v12, v16  }
0x242: {  	s4 =	simm.s32 $0x67B0;
	v19 =	vld [tilespmem:s11+$0xFFFFFE50];
	v25 =	vmul.f32 v25, v13;
	[tilespmem:s11+$0x1F0] =	vst v14  }
0x243: {  	v22 =	vld [tilespmem:s11+$0xFFFFFE60];
	v23 =	vmul.f32 v23, v13;
	[tilespmem:s4+$0x30] =	vst v16  }
0x244: {  	v24 =	vmul.f32 v24, v13;
	v16 =	vld [tilespmem:s11+$0xFFFFFE80];
	[tilespmem:s11+$0xFFFFFE00] =	vst v25  }
0x245: {  	v25 =	vld [tilespmem:s11+$0xFFFFFE90];
	v26 =	vmul.f32 v26, v13;
	[tilespmem:s11+$0xFFFFFE10] =	vst v23  }
0x246: {  	v23 =	vld [tilespmem:s11+$0xFFFFFEA0];
	v27 =	vmul.f32 v27, v13;
	[tilespmem:s11+$0xFFFFFE20] =	vst v24  }
0x247: {  	v24 =	vld [tilespmem:s11+$0xFFFFFEB0];
	v19 =	vmul.f32 v19, v13;
	[tilespmem:s11+$0xFFFFFE30] =	vst v26  }
0x248: {  	v26 =	vld [tilespmem:s11+$0xFFFFFEC0];
	[tilespmem:s11+$0xFFFFFE40] =	vst v27;
	v22 =	vmul.f32 v22, v13  }
0x249: {  	v27 =	vld [tilespmem:s11+$0xFFFFFED0];
	[tilespmem:s11+$0xFFFFFE50] =	vst v19;
	v16 =	vmul.f32 v16, v20  }
0x24a: {  	[tilespmem:s11+$0xFFFFFE60] =	vst v22;
	v22 =	vld [tilespmem:s11+$0xFFFFFEF0];
	v25 =	vmul.f32 v25, v20  }
0x24b: {  	v19 =	vld [tilespmem:s11+$0xFFFFFEE0];
	[tilespmem:s11+$0xFFFFFE80] =	vst v16;
	v16 =	vmul.f32 v23, v20  }
0x24c: {  	s17 =	simm.s32 $0x6;
	[tilespmem:s11+$0xFFFFFE90] =	vst v25;
	v23 =	vmul.f32 v24, v20;
	v24 =	vld [tilespmem:s11+$0xFFFFFF00]  }
0x24d: {  	v28 =	vmov s17;
	v25 =	vld [tilespmem:s11+$0xFFFFFF10];
	[tilespmem:s11+$0xFFFFFEA0] =	vst v16;
	v16 =	vmul.f32 v26, v20  }
0x24e: {  	v28 =	vshrl.u32 v28, $0x3;
	v63 =	vld [tilespmem:s11+$0x150];
	[tilespmem:s11+$0xFFFFFEB0] =	vst v23;
	v23 =	vmul.f32 v27, v20  }
0x24f: {  	v28 =	vshll.u32 v28, v11;
	v26 =	vld [tilespmem:s11+$0xFFFFFF20];
	v22 =	vmul.f32 v22, v20;
	[tilespmem:s11+$0xFFFFFEC0] =	vst v16  }
0x250: {  	v14 =	vadd.s32 $0x6, v28;
	v27 =	vld [tilespmem:s11+$0xFFFFFFF0];
	v16 =	vmul.f32 v19, v20;
	[tilespmem:s11+$0xFFFFFED0] =	vst v23  }
0x251: {  	v14 =	vbroadcast v14, $0x0;
	v19 =	vld [tilespmem:s11+$0xFFFFFF30];
	[tilespmem:s11+$0xFFFFFEF0] =	vst v22;
	v24 =	vmul.f32 v24, v21  }
0x252: {  	v23 =	vld [tilespmem:s11+$0xFFFFFF40];
	v25 =	vmul.f32 v25, v21;
	[tilespmem:s11+$0xFFFFFEE0] =	vst v16  }
0x253: {  	v22 =	vld [tilespmem:s11+$0xFFFFFF60];
	v16 =	vmul.f32 v12, v20;
	[tilespmem:s11+$0xFFFFFF00] =	vst v24  }
0x254: {  	v20 =	vld [tilespmem:s11+$0xFFFFFF50];
	v26 =	vmul.f32 v26, v21;
	[tilespmem:s11+$0xFFFFFF10] =	vst v25  }
0x255: {  	v24 =	vld [tilespmem:s11+$0xFFFFFF80];
	v27 =	vmul.f32 v27, v18;
	[tilespmem:s4+$0xFFFFFFD0] =	vst v16  }
0x256: {  	v16 =	vld [tilespmem:s11+$0xFFFFFF70];
	v19 =	vmul.f32 v19, v21;
	[tilespmem:s11+$0xFFFFFF20] =	vst v26  }
0x257: {  	v14 =	vld.idx.msk [tilespmem:v14+s31+$0x0], $0xffff;
	v23 =	vmul.f32 v23, v21;
	[tilespmem:s11+$0xFFFFFFF0] =	vst v27  }
0x258: {  	v22 =	vmul.f32 v22, v21;
	v27 =	vld [tilespmem:s11+$0x80];
	[tilespmem:s11+$0xFFFFFF30] =	vst v19  }
0x259: {  	v25 =	vld [tilespmem:s11+$0xFFFFFF90];
	v20 =	vmul.f32 v20, v21;
	[tilespmem:s11+$0xFFFFFF40] =	vst v23  }
0x25a: {  	v26 =	vld [tilespmem:s11+$0xFFFFFFA0];
	[tilespmem:s11+$0xFFFFFF60] =	vst v22;
	v24 =	vmul.f32 v24, v18  }
0x25b: {  	v19 =	vld [tilespmem:s11+$0xFFFFFFB0];
	v16 =	vmul.f32 v16, v21;
	[tilespmem:s11+$0xFFFFFF50] =	vst v20  }
0x25c: {  	v23 =	vld [tilespmem:s11+$0xFFFFFFC0];
	v21 =	vmul.f32 v12, v21;
	[tilespmem:s11+$0xFFFFFF80] =	vst v24  }
0x25d: {  	v22 =	vld [tilespmem:s11+$0xFFFFFFE0];
	v27 =	vmul.f32 v27, v15;
	[tilespmem:s11+$0xFFFFFF70] =	vst v16  }
0x25e: {  	v20 =	vld [tilespmem:s11+$0xFFFFFFD0];
	v16 =	vmul.f32 v25, v18;
	[tilespmem:s4+$0xFFFFFFE0] =	vst v21  }
0x25f: {  	s3 =	simm.s32 $0xA;
	v24 =	vld [tilespmem:s11+$0x10];
	v25 =	vmul.f32 v26, v18;
	[tilespmem:s11+$0x80] =	vst v27  }
0x260: {  	v30 =	vmov s3;
	s3 =	simm.s32 $0xD;
	v26 =	vld [tilespmem:s11+$0x20];
	v19 =	vmul.f32 v19, v18;
	[tilespmem:s11+$0xFFFFFF90] =	vst v16  }
0x261: {  	s17 =	simm.s32 $0xB;
	v33 =	vmov s3;
	v21 =	vld [tilespmem:s11+$0x0];
	v23 =	vmul.f32 v23, v18;
	[tilespmem:s11+$0xFFFFFFA0] =	vst v25  }
0x262: {  	v30 =	vshrl.u32 v30, $0x3;
	v31 =	vmov s17;
	v22 =	vmul.f32 v22, v18;
	v25 =	vld [tilespmem:s11+$0x30];
	[tilespmem:s11+$0xFFFFFFB0] =	vst v19  }
0x263: {  	s17 =	simm.s32 $0xE;
	v33 =	vshrl.u32 v33, $0x3;
	v30 =	vshll.u32 v30, v11;
	v20 =	vmul.f32 v20, v18;
	v19 =	vld [tilespmem:s11+$0x40];
	[tilespmem:s11+$0xFFFFFFC0] =	vst v23  }
0x264: {  	v34 =	vmov s17;
	v31 =	vshrl.u32 v31, $0x3;
	v23 =	vld [tilespmem:s11+$0x50];
	[tilespmem:s11+$0xFFFFFFE0] =	vst v22;
	v18 =	vmul.f32 v12, v18  }
0x265: {  	v33 =	vshll.u32 v33, v11;
	v30 =	vadd.s32 $0x2, v30;
	v22 =	vld [tilespmem:s11+$0x70];
	v24 =	vmul.f32 v24, v17;
	[tilespmem:s11+$0xFFFFFFD0] =	vst v20  }
0x266: {  	v34 =	vshrl.u32 v34, $0x3;
	v31 =	vshll.u32 v31, v11;
	v20 =	vld [tilespmem:s11+$0x60];
	v26 =	vmul.f32 v26, v17;
	[tilespmem:s4+$0xFFFFFFF0] =	vst v18  }
0x267: {  	s22 =	simm.s32 $0x8;
	v35 =	vbroadcast v30, $0x0;
	v30 =	vadd.s32 $0x5, v33;
	v21 =	vmul.f32 v21, v17;
	v18 =	vld [tilespmem:s11+$0x90];
	[tilespmem:s11+$0x10] =	vst v24  }
0x268: {  	v31 =	vadd.s32 $0x3, v31;
	v28 =	vmov s22;
	v24 =	vld [tilespmem:s11+$0xB0];
	v25 =	vmul.f32 v25, v17;
	[tilespmem:s11+$0x20] =	vst v26  }
0x269: {  	v31 =	vbroadcast v31, $0x0;
	s22 =	simm.s32 $0xC;
	v28 =	vshrl.u32 v28, $0x3;
	v26 =	vld [tilespmem:s11+$0xC0];
	[tilespmem:s11+$0x0] =	vst v21;
	v19 =	vmul.f32 v19, v17  }
0x26a: {  	v32 =	vmov s22;
	v28 =	vshll.u32 v28, v11;
	v21 =	vld [tilespmem:s11+$0xA0];
	v23 =	vmul.f32 v23, v17;
	[tilespmem:s11+$0x30] =	vst v25  }
0x26b: {  	s2 =	simm.s32 $0x9;
	v32 =	vshrl.u32 v32, $0x3;
	v28 =	vbroadcast v28, $0x0;
	v22 =	vmul.f32 v22, v17;
	v25 =	vld [tilespmem:s11+$0xD0];
	[tilespmem:s11+$0x40] =	vst v19  }
0x26c: {  	v16 =	vmul.f32 v29, v13;
	v29 =	vmov s2;
	v20 =	vmul.f32 v20, v17;
	v19 =	vld [tilespmem:s11+$0xE0];
	[tilespmem:s11+$0x50] =	vst v23  }
0x26d: {  	v32 =	vshll.u32 v32, v11;
	v29 =	vshrl.u32 v29, $0x3;
	v23 =	vld [tilespmem:s11+$0xF0];
	v17 =	vmul.f32 v12, v17;
	[tilespmem:s11+$0x70] =	vst v22  }
0x26e: {  	v32 =	vadd.s32 $0x4, v32;
	v29 =	vshll.u32 v29, v11;
	v18 =	vmul.f32 v18, v15;
	[tilespmem:s11+$0x60] =	vst v20;
	v20 =	vld [tilespmem:s11+$0x100]  }
0x26f: {  	v32 =	vbroadcast v32, $0x0;
	v29 =	vadd.s32 $0x1, v29;
	v22 =	vld [tilespmem:s11+$0x110];
	v24 =	vmul.f32 v24, v15;
	[tilespmem:s4+$0x0] =	vst v17  }
0x270: {  	v34 =	vshll.u32 v34, v11;
	v29 =	vbroadcast v29, $0x0;
	v21 =	vmul.f32 v21, v15;
	v17 =	vld [tilespmem:s11+$0x120];
	[tilespmem:s11+$0x90] =	vst v18  }
0x271: {  	v62 =	vadd.s32 $0x6, v34;
	v37 =	vld [tilespmem:s11+$0x160];
	s22 =	simm.s32 $0xF;
	v26 =	vmul.f32 v26, v15;
	[tilespmem:s11+$0xB0] =	vst v24;
	v25 =	vmul.f32 v25, v15  }
0x272: {  	v27 =	vld [tilespmem:s11+$0x130];
	v19 =	vmul.f32 v19, v15;
	[tilespmem:s11+$0xA0] =	vst v21;
	v36 =	vmul.f32 v23, v15;
	v21 =	vmov s22  }
0x273: {  	v18 =	vld [tilespmem:s11+$0x140];
	[tilespmem:s11+$0xC0] =	vst v26;
	v23 =	vbroadcast v30, $0x0;
	v38 =	vmul.f32 v20, v14;
	v20 =	vshrl.u32 v21, $0x3  }
0x274: {  	v39 =	vld [tilespmem:s11+$0x170];
	v24 =	vmul.f32 v22, v14;
	v22 =	vbroadcast v62, $0x0;
	[tilespmem:s11+$0xD0] =	vst v25;
	v21 =	vshll.u32 v20, v11  }
0x275: {  	v15 =	vmul.f32 v12, v15;
	[tilespmem:s11+$0xE0] =	vst v19;
	v19 =	vld.idx.msk [tilespmem:v35+s31+$0x0], $0xffff;
	v25 =	vmul.f32 v17, v14;
	v17 =	vadd.s32 $0x7, v21  }
0x276: {  	[tilespmem:s11+$0xF0] =	vst v36;
	v20 =	vld.idx.msk [tilespmem:v28+s31+$0x0], $0xffff;
	v30 =	vbroadcast v17, $0x0  }
0x277: {  	v26 =	vmul.f32 v27, v14;
	[tilespmem:s4+$0x10] =	vst v15;
	v15 =	vld.idx.msk [tilespmem:v32+s31+$0x0], $0xffff  }
0x278: {  	v27 =	vmul.f32 v18, v14;
	v28 =	vmul.f32 v63, v14;
	v21 =	vld.idx.msk [tilespmem:v29+s31+$0x0], $0xffff  }
0x279: {  	s17 =	simm.s32 $0x10;
	s22 =	simm.s32 $0x4120;
	v29 =	vmul.f32 v37, v14;
	[tilespmem:s11+$0x100] =	vst v38;
	v17 =	vld.idx.msk [tilespmem:v31+s31+$0x0], $0xffff;
	v31 =	vmul.f32 v39, v14  }
.LBB2_7:
0x27a: {  	p1 =	slt.u32 s17, $0x48;
	v18 =	vld.idx.msk [tilespmem:v23+s31+$0x0], $0xffff;
	[tilespmem:s11+$0x110] =	vst v24  }
0x27b: {  	v22 =	vld.idx.msk [tilespmem:v22+s31+$0x0], $0xffff;
	[tilespmem:s11+$0x120] =	vst v25  }
0x27c: {  	s11 =	sadd.s32 $0x400, s11;
	v23 =	vld.idx.msk [tilespmem:v30+s31+$0x0], $0xffff;
	[tilespmem:s22+$0x130] =	vst v26  }
0x27d: {  	v24 =	vld [tilespmem:s11+$0x180];
	[tilespmem:s22+$0x140] =	vst v27  }
0x27e: {  	v25 =	vld [tilespmem:s11+$0x190];
	[tilespmem:s22+$0x150] =	vst v28  }
0x27f: {  	v30 =	vmul.f32 v12, v14;
	v26 =	vld [tilespmem:s11+$0x1A0];
	[tilespmem:s22+$0x160] =	vst v29  }
0x280: {  	v27 =	vld [tilespmem:s11+$0x1B0];
	[tilespmem:s22+$0x170] =	vst v31  }
0x281: {  	v29 =	vmul.f32 v12, v13;
	v13 =	vmov v20;
	v14 =	vmov v22;
	v28 =	vld [tilespmem:s11+$0x1C0];
	[tilespmem:s4+$0x20] =	vst v30  }
0x282: {  	v20 =	vmul.f32 v24, v23;
	v22 =	vld [tilespmem:s11+$0x1D0];
	[tilespmem:s22+$0xFFFFFE70] =	vst v16;
	s22 =	smov.u32 s11  }
0x283: {  	v16 =	vmul.f32 v25, v23;
	v24 =	vld [tilespmem:s11+$0x1E0];
	[tilespmem:s4+$0xFFFFFFC0] =	vst v29  }
0x284: {  	[tilespmem:s11+$0x180] =	vst v20;
	v20 =	vmul.f32 v26, v23;
	v25 =	vld [tilespmem:s11+$0x1F0]  }
0x285: {  	v26 =	vld [tilespmem:s11+$0xFFFFFE00];
	[tilespmem:s11+$0x190] =	vst v16;
	v16 =	vmul.f32 v27, v23  }
0x286: {  	v27 =	vld [tilespmem:s11+$0xFFFFFE10];
	[tilespmem:s11+$0x1A0] =	vst v20;
	v20 =	vmul.f32 v28, v23  }
0x287: {  	v28 =	vld [tilespmem:s11+$0xFFFFFE20];
	[tilespmem:s11+$0x1B0] =	vst v16;
	v16 =	vmul.f32 v22, v23  }
0x288: {  	v22 =	vld [tilespmem:s11+$0xFFFFFE30];
	[tilespmem:s11+$0x1C0] =	vst v20;
	v20 =	vmul.f32 v24, v23  }
0x289: {  	v24 =	vld [tilespmem:s11+$0xFFFFFE40];
	[tilespmem:s11+$0x1D0] =	vst v16;
	v16 =	vmul.f32 v25, v23  }
0x28a: {  	v25 =	vmul.f32 v26, v13;
	v26 =	vld [tilespmem:s11+$0xFFFFFE50];
	[tilespmem:s11+$0x1E0] =	vst v20;
	v20 =	vmul.f32 v12, v23  }
0x28b: {  	s4 =	sadd.s32 $0x80, s4;
	v23 =	vmul.f32 v27, v13;
	v27 =	vld [tilespmem:s11+$0xFFFFFE60];
	[tilespmem:s11+$0x1F0] =	vst v16  }
0x28c: {  	v16 =	vmul.f32 v28, v13;
	v28 =	vld [tilespmem:s11+$0xFFFFFE70];
	[tilespmem:s4+$0x30] =	vst v20  }
0x28d: {  	[tilespmem:s11+$0xFFFFFE00] =	vst v25;
	v20 =	vmul.f32 v22, v13;
	v22 =	vld [tilespmem:s11+$0xFFFFFE80]  }
0x28e: {  	[tilespmem:s11+$0xFFFFFE10] =	vst v23;
	v23 =	vmul.f32 v24, v13;
	v24 =	vld [tilespmem:s11+$0xFFFFFE90]  }
0x28f: {  	[tilespmem:s11+$0xFFFFFE20] =	vst v16;
	v25 =	vmul.f32 v26, v13;
	v26 =	vld [tilespmem:s11+$0xFFFFFEA0]  }
0x290: {  	[tilespmem:s11+$0xFFFFFE30] =	vst v20;
	v20 =	vmul.f32 v27, v13;
	v27 =	vld [tilespmem:s11+$0xFFFFFEB0]  }
0x291: {  	[tilespmem:s11+$0xFFFFFE40] =	vst v23;
	v16 =	vmul.f32 v28, v13;
	v23 =	vld [tilespmem:s11+$0xFFFFFEC0]  }
0x292: {  	[tilespmem:s11+$0xFFFFFE50] =	vst v25;
	v22 =	vmul.f32 v22, v21;
	v25 =	vld [tilespmem:s11+$0xFFFFFED0]  }
0x293: {  	[tilespmem:s11+$0xFFFFFE60] =	vst v20;
	v20 =	vmul.f32 v24, v21;
	v24 =	vld [tilespmem:s11+$0xFFFFFEE0]  }
0x294: {  	[tilespmem:s11+$0xFFFFFE80] =	vst v22;
	v22 =	vmul.f32 v26, v21;
	v26 =	vld [tilespmem:s11+$0xFFFFFEF0]  }
0x295: {  	[tilespmem:s11+$0xFFFFFE90] =	vst v20;
	v20 =	vmul.f32 v27, v21;
	v27 =	vld [tilespmem:s11+$0xFFFFFF00]  }
0x296: {  	[tilespmem:s11+$0xFFFFFEA0] =	vst v22;
	v22 =	vmul.f32 v23, v21;
	v23 =	vld [tilespmem:s11+$0xFFFFFF10]  }
0x297: {  	[tilespmem:s11+$0xFFFFFEB0] =	vst v20;
	v20 =	vmul.f32 v25, v21;
	v25 =	vld [tilespmem:s11+$0xFFFFFF20]  }
0x298: {  	[tilespmem:s11+$0xFFFFFEC0] =	vst v22;
	v22 =	vmul.f32 v24, v21;
	v24 =	vld [tilespmem:s11+$0xFFFFFF30]  }
0x299: {  	[tilespmem:s11+$0xFFFFFED0] =	vst v20;
	v20 =	vmul.f32 v26, v21;
	v26 =	vld [tilespmem:s11+$0xFFFFFF40]  }
0x29a: {  	v21 =	vmul.f32 v12, v21;
	[tilespmem:s11+$0xFFFFFEE0] =	vst v22;
	v22 =	vmul.f32 v27, v19;
	v27 =	vld [tilespmem:s11+$0xFFFFFF50]  }
0x29b: {  	[tilespmem:s11+$0xFFFFFEF0] =	vst v20;
	v20 =	vmul.f32 v23, v19;
	v23 =	vld [tilespmem:s11+$0xFFFFFF60]  }
0x29c: {  	[tilespmem:s4+$0xFFFFFFD0] =	vst v21;
	v21 =	vmul.f32 v25, v19;
	v25 =	vld [tilespmem:s11+$0xFFFFFF70]  }
0x29d: {  	[tilespmem:s11+$0xFFFFFF00] =	vst v22;
	v22 =	vmul.f32 v24, v19;
	v24 =	vld [tilespmem:s11+$0xFFFFFF80]  }
0x29e: {  	[tilespmem:s11+$0xFFFFFF10] =	vst v20;
	v20 =	vmul.f32 v26, v19;
	v26 =	vld [tilespmem:s11+$0xFFFFFF90]  }
0x29f: {  	[tilespmem:s11+$0xFFFFFF20] =	vst v21;
	v21 =	vmul.f32 v27, v19;
	v27 =	vld [tilespmem:s11+$0xFFFFFFA0]  }
0x2a0: {  	[tilespmem:s11+$0xFFFFFF30] =	vst v22;
	v22 =	vmul.f32 v23, v19;
	v23 =	vld [tilespmem:s11+$0xFFFFFFB0]  }
0x2a1: {  	[tilespmem:s11+$0xFFFFFF40] =	vst v20;
	v20 =	vmul.f32 v25, v19;
	v25 =	vld [tilespmem:s11+$0xFFFFFFC0]  }
0x2a2: {  	[tilespmem:s11+$0xFFFFFF50] =	vst v21;
	v21 =	vmul.f32 v24, v17;
	v24 =	vld [tilespmem:s11+$0xFFFFFFD0]  }
0x2a3: {  	v19 =	vmul.f32 v12, v19;
	[tilespmem:s11+$0xFFFFFF60] =	vst v22;
	v22 =	vmul.f32 v26, v17;
	v26 =	vld [tilespmem:s11+$0xFFFFFFE0]  }
0x2a4: {  	[tilespmem:s11+$0xFFFFFF70] =	vst v20;
	v20 =	vmul.f32 v27, v17;
	v27 =	vld [tilespmem:s11+$0xFFFFFFF0]  }
0x2a5: {  	[tilespmem:s4+$0xFFFFFFE0] =	vst v19;
	v19 =	vmul.f32 v23, v17;
	v23 =	vld [tilespmem:s11+$0x0]  }
0x2a6: {  	[tilespmem:s11+$0xFFFFFF80] =	vst v21;
	v21 =	vmul.f32 v25, v17;
	v25 =	vld [tilespmem:s11+$0x10]  }
0x2a7: {  	[tilespmem:s11+$0xFFFFFF90] =	vst v22;
	v22 =	vmul.f32 v24, v17;
	v24 =	vld [tilespmem:s11+$0x20]  }
0x2a8: {  	[tilespmem:s11+$0xFFFFFFA0] =	vst v20;
	v20 =	vmul.f32 v26, v17;
	v26 =	vld [tilespmem:s11+$0x30]  }
0x2a9: {  	s1 =	sadd.s32 $0x1, s17;
	v28 =	vmov s17;
	[tilespmem:s11+$0xFFFFFFB0] =	vst v19;
	v19 =	vmul.f32 v27, v17;
	v27 =	vld [tilespmem:s11+$0x40]  }
0x2aa: {  	s2 =	sadd.s32 $0x3, s17;
	v29 =	vmov s1;
	s1 =	sadd.s32 $0x2, s17;
	v28 =	vshrl.u32 v28, $0x3;
	[tilespmem:s11+$0xFFFFFFC0] =	vst v21;
	v21 =	vmul.f32 v23, v15;
	v23 =	vld [tilespmem:s11+$0x50]  }
0x2ab: {  	v31 =	vmov s2;
	v30 =	vmov s1;
	s1 =	sadd.s32 $0x4, s17;
	[tilespmem:s11+$0xFFFFFFD0] =	vst v22;
	v22 =	vmul.f32 v25, v15;
	v25 =	vld [tilespmem:s11+$0x60]  }
0x2ac: {  	s2 =	sadd.s32 $0x6, s17;
	v32 =	vmov s1;
	s1 =	sadd.s32 $0x5, s17;
	v17 =	vmul.f32 v12, v17;
	[tilespmem:s11+$0xFFFFFFE0] =	vst v20;
	v20 =	vmul.f32 v24, v15;
	v24 =	vld [tilespmem:s11+$0x70]  }
0x2ad: {  	v34 =	vmov s2;
	v33 =	vmov s1;
	[tilespmem:s11+$0xFFFFFFF0] =	vst v19;
	v19 =	vmul.f32 v26, v15;
	v26 =	vld [tilespmem:s11+$0x80]  }
0x2ae: {  	v29 =	vshrl.u32 v29, $0x3;
	v28 =	vshll.u32 v28, v11;
	[tilespmem:s4+$0xFFFFFFF0] =	vst v17;
	v17 =	vmul.f32 v27, v15;
	v27 =	vld [tilespmem:s11+$0x90]  }
0x2af: {  	v31 =	vshrl.u32 v31, $0x3;
	v30 =	vshrl.u32 v30, $0x3;
	[tilespmem:s11+$0x0] =	vst v21;
	v21 =	vmul.f32 v23, v15;
	v23 =	vld [tilespmem:s11+$0xA0]  }
0x2b0: {  	v32 =	vshrl.u32 v32, $0x3;
	v33 =	vshrl.u32 v33, $0x3;
	[tilespmem:s11+$0x10] =	vst v22;
	v22 =	vmul.f32 v25, v15;
	v25 =	vld [tilespmem:s11+$0xB0]  }
0x2b1: {  	v34 =	vshrl.u32 v34, $0x3;
	v28 =	vbroadcast v28, $0x0;
	[tilespmem:s11+$0x20] =	vst v20;
	v20 =	vmul.f32 v24, v15;
	v24 =	vld [tilespmem:s11+$0xC0]  }
0x2b2: {  	v29 =	vshll.u32 v29, v11;
	v30 =	vshll.u32 v30, v11;
	[tilespmem:s11+$0x30] =	vst v19;
	v19 =	vmul.f32 v26, v18;
	v26 =	vld [tilespmem:s11+$0xD0]  }
0x2b3: {  	v31 =	vshll.u32 v31, v11;
	v32 =	vshll.u32 v32, v11;
	[tilespmem:s11+$0x40] =	vst v17;
	v17 =	vmul.f32 v27, v18;
	v27 =	vld [tilespmem:s11+$0xE0]  }
0x2b4: {  	v34 =	vshll.u32 v34, v11;
	v33 =	vshll.u32 v33, v11;
	[tilespmem:s11+$0x50] =	vst v21;
	v21 =	vmul.f32 v23, v18;
	v23 =	vld [tilespmem:s11+$0xF0]  }
0x2b5: {  	v29 =	vadd.s32 $0x1, v29;
	v15 =	vmul.f32 v12, v15;
	[tilespmem:s11+$0x60] =	vst v22;
	v22 =	vmul.f32 v25, v18;
	v25 =	vld [tilespmem:s11+$0x100]  }
0x2b6: {  	v31 =	vadd.s32 $0x3, v31;
	v30 =	vadd.s32 $0x2, v30;
	[tilespmem:s11+$0x70] =	vst v20;
	v20 =	vmul.f32 v24, v18;
	v24 =	vld [tilespmem:s11+$0x110]  }
0x2b7: {  	v29 =	vbroadcast v29, $0x0;
	v32 =	vadd.s32 $0x4, v32;
	[tilespmem:s4+$0x0] =	vst v15;
	v15 =	vmul.f32 v26, v18;
	v26 =	vld [tilespmem:s11+$0x120]  }
0x2b8: {  	v35 =	vbroadcast v30, $0x0;
	v30 =	vadd.s32 $0x5, v33;
	[tilespmem:s11+$0x80] =	vst v19;
	v19 =	vmul.f32 v27, v18;
	v27 =	vld [tilespmem:s11+$0x130]  }
0x2b9: {  	v31 =	vbroadcast v31, $0x0;
	s1 =	sadd.s32 $0x7, s17;
	v33 =	vadd.s32 $0x6, v34;
	[tilespmem:s11+$0x90] =	vst v17;
	v17 =	vmul.f32 v23, v18;
	v34 =	vld [tilespmem:s11+$0x140]  }
0x2ba: {  	v36 =	vmov s1;
	v32 =	vbroadcast v32, $0x0;
	[tilespmem:s11+$0xA0] =	vst v21;
	v37 =	vmul.f32 v25, v14;
	v38 =	vld [tilespmem:s11+$0x150]  }
0x2bb: {  	v23 =	vbroadcast v30, $0x0;
	v21 =	vshrl.u32 v36, $0x3;
	[tilespmem:s11+$0xB0] =	vst v22;
	v24 =	vmul.f32 v24, v14;
	v36 =	vld [tilespmem:s11+$0x160]  }
0x2bc: {  	v22 =	vbroadcast v33, $0x0;
	v21 =	vshll.u32 v21, v11;
	[tilespmem:s11+$0xC0] =	vst v20;
	v25 =	vmul.f32 v26, v14;
	v33 =	vld [tilespmem:s11+$0x170]  }
.Ltmp2:
0x2bd: {  	v20 =	vld.idx.msk [tilespmem:v28+s31+$0x0], $0xffff;
	v28 =	vadd.s32 $0x7, v21;
	[tilespmem:s11+$0xD0] =	vst v15;
	v15 =	vmul.f32 v12, v18;
	v26 =	vmul.f32 v27, v14;
	(pc) =	sbr.rel @p1 .LBB2_7-.Ltmp2, $4  }
0x2be: {  	v21 =	vld.idx.msk [tilespmem:v29+s31+$0x0], $0xffff;
	v30 =	vbroadcast v28, $0x0;
	[tilespmem:s11+$0xE0] =	vst v19;
	v27 =	vmul.f32 v34, v14  }
0x2bf: {  	v19 =	vld.idx.msk [tilespmem:v35+s31+$0x0], $0xffff;
	[tilespmem:s11+$0xF0] =	vst v17;
	v28 =	vmul.f32 v38, v14  }
0x2c0: {  	v17 =	vld.idx.msk [tilespmem:v31+s31+$0x0], $0xffff;
	[tilespmem:s4+$0x10] =	vst v15;
	v29 =	vmul.f32 v36, v14  }
0x2c1: {  	s17 =	sadd.s32 $0x8, s17;
	v15 =	vld.idx.msk [tilespmem:v32+s31+$0x0], $0xffff;
	[tilespmem:s11+$0x100] =	vst v37;
	v31 =	vmul.f32 v33, v14  }
0x2c2: {  	_ =	sdelay $0x1  }
0x2c3: {  	[tilespmem:s11+$0x110] =	vst v24  }
0x2c4: {  	[tilespmem:s11+$0x120] =	vst v25  }
0x2c5: {  	v18 =	vld.idx.msk [tilespmem:v30+s31+$0x0], $0xffff;
	s17 =	sadd.s32 $0x400, s11;
	[tilespmem:s22+$0xFFFFFE70] =	vst v16  }
0x2c6: {  	[tilespmem:s22+$0x130] =	vst v26;
	v61 =	vld [tilespmem:s17+$0x180]  }
0x2c7: {  	[tilespmem:s22+$0x140] =	vst v27;
	v62 =	vld [tilespmem:s17+$0x190]  }
0x2c8: {  	[tilespmem:s22+$0x150] =	vst v28;
	v63 =	vld [tilespmem:s17+$0x1A0]  }
0x2c9: {  	v14 =	vmul.f32 v12, v14;
	[tilespmem:s22+$0x160] =	vst v29;
	v32 =	vld [tilespmem:s17+$0x1B0]  }
0x2ca: {  	v13 =	vmul.f32 v12, v13;
	[tilespmem:s22+$0x170] =	vst v31;
	v34 =	vld [tilespmem:s17+$0x1D0]  }
0x2cb: {  	v38 =	vld [tilespmem:s17+$0xFFFFFE00];
	[tilespmem:s4+$0x20] =	vst v14;
	v14 =	vmul.f32 v61, v18  }
0x2cc: {  	v42 =	vld [tilespmem:s17+$0xFFFFFE30];
	[tilespmem:s4+$0xFFFFFFC0] =	vst v13;
	v35 =	vmul.f32 v62, v18  }
0x2cd: {  	v43 =	vld [tilespmem:s17+$0xFFFFFE40];
	v13 =	vmul.f32 v63, v18;
	[tilespmem:s17+$0x180] =	vst v14  }
0x2ce: {  	v45 =	vld [tilespmem:s17+$0xFFFFFE50];
	v37 =	vmul.f32 v32, v18;
	[tilespmem:s17+$0x190] =	vst v35  }
0x2cf: {  	v46 =	vld [tilespmem:s17+$0xFFFFFE60];
	v40 =	vmul.f32 v34, v18;
	[tilespmem:s17+$0x1A0] =	vst v13  }
0x2d0: {  	v56 =	vld [tilespmem:s17+$0xFFFFFF00];
	v44 =	vmul.f32 v38, v20;
	[tilespmem:s17+$0x1B0] =	vst v37  }
0x2d1: {  	v33 =	vld [tilespmem:s17+$0x1C0];
	v48 =	vmul.f32 v42, v20;
	[tilespmem:s17+$0x1D0] =	vst v40  }
0x2d2: {  	v59 =	vld [tilespmem:s17+$0xFFFFFF30];
	v16 =	vmul.f32 v43, v20;
	[tilespmem:s17+$0xFFFFFE00] =	vst v44  }
0x2d3: {  	v36 =	vld [tilespmem:s17+$0x1E0];
	v49 =	vmul.f32 v45, v20;
	[tilespmem:s17+$0xFFFFFE30] =	vst v48  }
0x2d4: {  	v51 =	vmul.f32 v46, v20;
	v14 =	vld [tilespmem:s17+$0x1F0];
	[tilespmem:s17+$0xFFFFFE40] =	vst v16  }
0x2d5: {  	v61 =	vmul.f32 v56, v19;
	[tilespmem:s17+$0xFFFFFE50] =	vst v49  }
0x2d6: {  	v39 =	vld [tilespmem:s17+$0xFFFFFE10];
	v13 =	vmul.f32 v33, v18;
	[tilespmem:s17+$0xFFFFFE60] =	vst v51  }
0x2d7: {  	v41 =	vld [tilespmem:s17+$0xFFFFFE20];
	v29 =	vmul.f32 v59, v19;
	[tilespmem:s17+$0xFFFFFF00] =	vst v61  }
0x2d8: {  	v28 =	vld [tilespmem:s17+$0xFFFFFF70];
	[tilespmem:s17+$0x1C0] =	vst v13;
	v13 =	vmul.f32 v36, v18  }
0x2d9: {  	v30 =	vld [tilespmem:s17+$0xFFFFFFA0];
	[tilespmem:s17+$0xFFFFFF30] =	vst v29;
	v14 =	vmul.f32 v14, v18  }
0x2da: {  	v62 =	vld [tilespmem:s17+$0xFFFFFF50];
	[tilespmem:s17+$0x1E0] =	vst v13;
	v13 =	vmul.f32 v12, v18  }
0x2db: {  	s22 =	sadd.s32 $0x80, s4;
	v63 =	vld [tilespmem:s17+$0xFFFFFF60];
	[tilespmem:s17+$0x1F0] =	vst v14;
	v14 =	vmul.f32 v39, v20  }
0x2dc: {  	v47 =	vld [tilespmem:s17+$0xFFFFFE80];
	[tilespmem:s22+$0x30] =	vst v13;
	v13 =	vmul.f32 v41, v20  }
0x2dd: {  	v25 =	vmul.f32 v28, v19;
	[tilespmem:s17+$0xFFFFFE10] =	vst v14;
	v14 =	vld [tilespmem:s17+$0xFFFFFE90]  }
0x2de: {  	v36 =	vmul.f32 v30, v17;
	[tilespmem:s17+$0xFFFFFE20] =	vst v13;
	v13 =	vld [tilespmem:s17+$0xFFFFFEA0]  }
0x2df: {  	v50 =	vld [tilespmem:s17+$0xFFFFFEB0];
	[tilespmem:s17+$0xFFFFFF70] =	vst v25;
	v24 =	vmul.f32 v62, v19  }
0x2e0: {  	v52 =	vld [tilespmem:s17+$0xFFFFFEC0];
	v16 =	vmul.f32 v63, v19;
	[tilespmem:s17+$0xFFFFFFA0] =	vst v36  }
0x2e1: {  	v53 =	vld [tilespmem:s17+$0xFFFFFED0];
	v18 =	vmul.f32 v47, v21;
	[tilespmem:s17+$0xFFFFFF50] =	vst v24  }
0x2e2: {  	v54 =	vld [tilespmem:s17+$0xFFFFFEE0];
	[tilespmem:s17+$0xFFFFFF60] =	vst v16;
	v14 =	vmul.f32 v14, v21  }
0x2e3: {  	v55 =	vld [tilespmem:s17+$0xFFFFFEF0];
	[tilespmem:s17+$0xFFFFFE80] =	vst v18;
	v13 =	vmul.f32 v13, v21  }
0x2e4: {  	[tilespmem:s17+$0xFFFFFE90] =	vst v14;
	v14 =	vmul.f32 v50, v21  }
0x2e5: {  	v32 =	vld [tilespmem:s17+$0xFFFFFFC0];
	[tilespmem:s17+$0xFFFFFEA0] =	vst v13;
	v13 =	vmul.f32 v52, v21  }
0x2e6: {  	v58 =	vld [tilespmem:s17+$0xFFFFFF20];
	[tilespmem:s17+$0xFFFFFEB0] =	vst v14;
	v14 =	vmul.f32 v53, v21  }
0x2e7: {  	v35 =	vld [tilespmem:s17+$0xFFFFFFE0];
	[tilespmem:s17+$0xFFFFFEC0] =	vst v13;
	v13 =	vmul.f32 v54, v21  }
0x2e8: {  	v57 =	vld [tilespmem:s17+$0xFFFFFF10];
	[tilespmem:s17+$0xFFFFFED0] =	vst v14;
	v14 =	vmul.f32 v55, v21  }
0x2e9: {  	v44 =	vld [tilespmem:s17+$0x50];
	[tilespmem:s17+$0xFFFFFEE0] =	vst v13;
	v13 =	vmul.f32 v12, v21  }
0x2ea: {  	v60 =	vld [tilespmem:s17+$0xFFFFFF40];
	v38 =	vmul.f32 v32, v17;
	[tilespmem:s17+$0xFFFFFEF0] =	vst v14  }
0x2eb: {  	v39 =	vld [tilespmem:s17+$0x10];
	[tilespmem:s22+$0xFFFFFFD0] =	vst v13;
	v13 =	vmul.f32 v58, v19  }
0x2ec: {  	v40 =	vmul.f32 v35, v17;
	[tilespmem:s17+$0xFFFFFFC0] =	vst v38;
	v41 =	vld [tilespmem:s17+$0x30]  }
0x2ed: {  	v14 =	vmul.f32 v57, v19;
	[tilespmem:s17+$0xFFFFFF20] =	vst v13;
	v13 =	vld [tilespmem:s17+$0xFFFFFF90]  }
0x2ee: {  	v37 =	vld [tilespmem:s17+$0xFFFFFFF0];
	v48 =	vmul.f32 v44, v15;
	[tilespmem:s17+$0xFFFFFFE0] =	vst v40  }
0x2ef: {  	v18 =	vmul.f32 v60, v19;
	[tilespmem:s17+$0xFFFFFF10] =	vst v14;
	v14 =	vld [tilespmem:s17+$0xFFFFFF80]  }
0x2f0: {  	v34 =	vld [tilespmem:s17+$0xFFFFFFD0];
	[tilespmem:s17+$0x50] =	vst v48;
	v16 =	vmul.f32 v39, v15  }
0x2f1: {  	v31 =	vld [tilespmem:s17+$0xFFFFFFB0];
	[tilespmem:s17+$0xFFFFFF40] =	vst v18;
	v18 =	vmul.f32 v41, v15  }
0x2f2: {  	v45 =	vld [tilespmem:s17+$0x60];
	[tilespmem:s17+$0x10] =	vst v16;
	v13 =	vmul.f32 v13, v17  }
0x2f3: {  	v42 =	vld [tilespmem:s17+$0x40];
	[tilespmem:s17+$0x30] =	vst v18;
	v21 =	vmul.f32 v37, v17  }
0x2f4: {  	v14 =	vmul.f32 v14, v17;
	[tilespmem:s17+$0xFFFFFF90] =	vst v13;
	v13 =	vld [tilespmem:s17+$0x0]  }
0x2f5: {  	v33 =	vmul.f32 v12, v19;
	v62 =	vld [tilespmem:s17+$0x170];
	v19 =	vmul.f32 v34, v17;
	[tilespmem:s17+$0xFFFFFFF0] =	vst v21  }
0x2f6: {  	v55 =	vld.idx.msk [tilespmem:v22+s31+$0x0], $0xffff;
	[tilespmem:s17+$0xFFFFFF80] =	vst v14;
	v14 =	vmul.f32 v31, v17  }
0x2f7: {  	v46 =	vld [tilespmem:s17+$0x70];
	v21 =	vmul.f32 v45, v15;
	[tilespmem:s17+$0xFFFFFFD0] =	vst v19  }
0x2f8: {  	[tilespmem:s17+$0xFFFFFFB0] =	vst v14;
	v14 =	vld [tilespmem:s17+$0x20]  }
0x2f9: {  	[tilespmem:s17+$0x60] =	vst v21;
	v13 =	vmul.f32 v13, v15  }
0x2fa: {  	v47 =	vld [tilespmem:s17+$0x80];
	v19 =	vmul.f32 v42, v15;
	[tilespmem:s22+$0xFFFFFFE0] =	vst v33  }
0x2fb: {  	v63 =	vmul.f32 v62, v55;
	[tilespmem:s17+$0x0] =	vst v13;
	v13 =	vld.idx.msk [tilespmem:v23+s31+$0x0], $0xffff  }
0x2fc: {  	v43 =	vmul.f32 v12, v17;
	v49 =	vld [tilespmem:s17+$0xA0];
	[tilespmem:s17+$0x40] =	vst v19;
	v17 =	vmul.f32 v46, v15  }
0x2fd: {  	v50 =	vld [tilespmem:s17+$0xB0];
	[tilespmem:s17+$0x170] =	vst v63;
	v14 =	vmul.f32 v14, v15  }
0x2fe: {  	v51 =	vld [tilespmem:s17+$0xC0];
	[tilespmem:s17+$0x70] =	vst v17  }
0x2ff: {  	v15 =	vmul.f32 v12, v15;
	[tilespmem:s17+$0x20] =	vst v14;
	v14 =	vld [tilespmem:s17+$0x90]  }
0x300: {  	v52 =	vld [tilespmem:s17+$0xD0];
	[tilespmem:s22+$0xFFFFFFF0] =	vst v43;
	v16 =	vmul.f32 v47, v13  }
0x301: {  	v53 =	vld [tilespmem:s17+$0xE0];
	[tilespmem:s22+$0x0] =	vst v15;
	v15 =	vmul.f32 v49, v13  }
0x302: {  	v54 =	vld [tilespmem:s17+$0xF0];
	v19 =	vmul.f32 v50, v13;
	[tilespmem:s17+$0x80] =	vst v16  }
0x303: {  	v56 =	vmul.f32 v51, v13;
	[tilespmem:s17+$0xA0] =	vst v15  }
0x304: {  	v59 =	vld [tilespmem:s17+$0x140];
	v14 =	vmul.f32 v14, v13;
	[tilespmem:s17+$0xB0] =	vst v19  }
0x305: {  	v21 =	vmul.f32 v52, v13;
	v15 =	vld [tilespmem:s17+$0x110];
	[tilespmem:s17+$0xC0] =	vst v56  }
0x306: {  	v17 =	vmul.f32 v53, v13;
	[tilespmem:s17+$0x90] =	vst v14;
	v14 =	vld [tilespmem:s17+$0x100]  }
0x307: {  	v57 =	vld [tilespmem:s17+$0x120];
	v18 =	vmul.f32 v54, v13;
	[tilespmem:s17+$0xD0] =	vst v21  }
0x308: {  	v58 =	vld [tilespmem:s17+$0x130];
	v13 =	vmul.f32 v12, v13;
	[tilespmem:s17+$0xE0] =	vst v17  }
0x309: {  	v60 =	vld [tilespmem:s17+$0x150];
	[tilespmem:s17+$0xF0] =	vst v18;
	v21 =	vmul.f32 v59, v55  }
0x30a: {  	v61 =	vld [tilespmem:s17+$0x160];
	[tilespmem:s22+$0x10] =	vst v13;
	v15 =	vmul.f32 v15, v55  }
0x30b: {  	[tilespmem:s17+$0x140] =	vst v21;
	v14 =	vmul.f32 v14, v55  }
0x30c: {  	v13 =	vmul.f32 v57, v55;
	[tilespmem:s17+$0x110] =	vst v15;
	v15 =	vld [tilespmem:s17+$0xFFFFFE70]  }
0x30d: {  	[tilespmem:s17+$0x100] =	vst v14;
	v14 =	vmul.f32 v58, v55  }
0x30e: {  	[tilespmem:s17+$0x120] =	vst v13;
	v13 =	vmul.f32 v60, v55  }
0x30f: {  	[tilespmem:s17+$0x130] =	vst v14;
	v14 =	vmul.f32 v61, v55  }
0x310: {  	[tilespmem:s17+$0x150] =	vst v13;
	v13 =	vmul.f32 v12, v55  }
0x311: {  	[tilespmem:s17+$0x160] =	vst v14;
	v14 =	vmul.f32 v15, v20  }
0x312: {  	v15 =	vmul.f32 v12, v20;
	[tilespmem:s22+$0x20] =	vst v13  }
0x313: {  	[tilespmem:s17+$0xFFFFFE70] =	vst v14  }
0x314: {  	[tilespmem:s22+$0xFFFFFFC0] =	vst v15  }
0x315: {  	[spmem:s29] =	stream.indirect.scatter.add.f32 [tilespmem:s23], [sflag:$0x5], $0x80, s8, s16, $0xb8;
	[tilespmem:$0x1CC00] =	vst v63  }
0x316: {  	s10 =	sadd.s32 $0x1, s10;
	_ =	swait.ge [sflag:s13], $0x2800  }
0x317: {  	p1 =	sne.s32 s10, $0x3E;
	[sflag:s13] =	ssyncset.done $0x0  }
.Ltmp3:
0x318: {  	[sflag:s13] =	ssyncadd.s32 $0xFFFFD800;
	(pc) =	sbr.rel @p1 .LBB2_4-.Ltmp3, $4  }
0x319: {  	[spmem:s30] =	stream.indirect.scatter.add.f32 [tilespmem:s14], [sflag:$0x5], $0x10, s8, s16, $0xb8;
	[tilespmem:$0x1CC00] =	vst v63  }
0x31a: {  	_ =	swait.ge [sflag:s13], $0x500  }
0x31b: {  	[sflag:s13] =	ssyncset.done $0x0  }
0x31c: {  	[sflag:s13] =	ssyncadd.s32 $0xFFFFFB00  }
0x31d: {  	_ =	swait.ge [sflag:s21], $0xF0  }
0x31e: {  	[sflag:s21] =	ssyncset.done $0x0  }
0x31f: {  	[sflag:s21] =	ssyncadd.s32 $0xFFFFFF10  }
0x320: {  	_ =	swait.ge [sflag:s28], $0x2800  }
0x321: {  	[sflag:s28] =	ssyncset.done $0x0  }
0x322: {  	[sflag:s28] =	ssyncadd.s32 $0xFFFFD800  }
0x323: {  	_ =	swait.ge [sflag:s28], $0x500  }
0x324: {  	[sflag:s28] =	ssyncset.done $0x0  }
0x325: {  	[sflag:s28] =	ssyncadd.s32 $0xFFFFFB00  }
0x326: {  	_ =	swait.ge [sflag:s28], $0x500  }
0x327: {  	[sflag:s28] =	ssyncset.done $0x0  }
0x328: {  	[sflag:s28] =	ssyncadd.s32 $0xFFFFFB00  }
0x329: {  	v13 =	vld.idx.msk [tilespmem:v0+s18+$0x0], $0xffff  }
0x32a: {  	v14 =	vld.idx.msk [tilespmem:v2+s19+$0x0], $0xffff  }
0x32b: {  	v15 =	vld.idx.msk [tilespmem:v3+s18+$0x0], $0xffff  }
0x32c: {  	v16 =	vld.idx.msk [tilespmem:v4+s19+$0x0], $0xffff  }
0x32d: {  	v17 =	vld.idx.msk [tilespmem:v5+s18+$0x0], $0xffff  }
0x32e: {  	v18 =	vld.idx.msk [tilespmem:v6+s19+$0x0], $0xffff  }
0x32f: {  	v19 =	vld.idx.msk [tilespmem:v8+s19+$0x0], $0xffff;
	v13 =	vadd.f32 v14, v13  }
0x330: {  	v21 =	vld.idx.msk [tilespmem:v9+s18+$0x0], $0xffff  }
0x331: {  	v14 =	vld.idx.msk [tilespmem:v7+s18+$0x0], $0xffff;
	v20 =	vmul.f32 $9.999999770e-03, v13  }
0x332: {  	v22 =	vld.idx.msk [tilespmem:v10+s19+$0x0], $0xffff;
	vm0 =	vge.f32 v13, $0.0e+00  }
0x333: {  	v15 =	vadd.f32 v16, v15;
	v13 =	vsel vm0, v13, v20  }
0x334: {  	v13 =	vmul.f32 $1.442695020e+00, v13  }
0x335: {  	v17 =	vadd.f32 v18, v17;
	v16 =	vmul.f32 $9.999999770e-03, v15  }
0x336: {  	vm12 =	vge.f32 v15, $0.0e+00;
	(erf) = vpow2.f32 v13;
	v13 =	vadd.f32 v19, v14  }
0x337: {  	v14 =	vsel vm12, v15, v16;
	v15 =	vmul.f32 $9.999999770e-03, v17;
	v16 =	vadd.f32 v22, v21  }
0x338: {  	vm13 =	vge.f32 v17, $0.0e+00;
	v14 =	vmul.f32 $1.442695020e+00, v14;
	v18 =	vmul.f32 $9.999999770e-03, v13  }
0x339: {  	v15 =	vsel vm13, v17, v15;
	vm14 =	vge.f32 v13, $0.0e+00;
	v17 =	vmul.f32 $9.999999770e-03, v16  }
0x33a: {  	vm15 =	vge.f32 v16, $0.0e+00;
	v15 =	vmul.f32 $1.442695020e+00, v15;
	v13 =	vsel vm14, v13, v18  }
0x33b: {  	(erf) = vpow2.f32 v14;
	v14 =	vsel vm15, v16, v17;
	v13 =	vmul.f32 $1.442695020e+00, v13  }
0x33c: {  	(erf) = vpow2.f32 v15;
	v14 =	vmul.f32 $1.442695020e+00, v14  }
0x33d: {  	s4 =	simm.s32 $0x3;
	(erf) = vpow2.f32 v13  }
0x33e: {  	s2 =	simm.s32 $0x2;
	v16 =	vmov s4;
	s4 =	simm.s32 $0x4;
	(erf) = vpow2.f32 v14  }
0x33f: {  	s1 =	simm.s32 $0x0;
	s3 =	simm.s32 $0x1;
	v15 =	vmov s2;
	v17 =	vmov s4  }
0x340: {  	v16 =	vshrl.u32 v16, $0x3;
	v13 =	vmov s1;
	v14 =	vmov s3  }
0x341: {  	v15 =	vshrl.u32 v15, $0x3;
	v13 =	vshrl.u32 v13, $0x3;
	v14 =	vshrl.u32 v14, $0x3  }
0x342: {  	v17 =	vshrl.u32 v17, $0x3;
	v13 =	vshll.u32 v13, v11;
	v14 =	vshll.u32 v14, v11  }
0x343: {  	v15 =	vshll.u32 v15, v11;
	v18 =	vpop (erf);
	v13 =	vbroadcast v13, $0x0;
	v14 =	vadd.s32 $0x1, v14  }
0x344: {  	v16 =	vshll.u32 v16, v11;
	v15 =	vadd.s32 $0x2, v15;
	[tilespmem:$0x6720] =	vst v18;
	v19 =	vpop (erf);
	v14 =	vbroadcast v14, $0x0  }
0x345: {  	s9 =	simm.s32 $0x7;
	v17 =	vshll.u32 v17, v11;
	v16 =	vadd.s32 $0x3, v16;
	v15 =	vbroadcast v15, $0x0;
	[tilespmem:$0x6730] =	vst v19;
	v20 =	vpop (erf)  }
0x346: {  	v17 =	vadd.s32 $0x4, v17;
	v16 =	vbroadcast v16, $0x0;
	v18 =	vmov s9;
	[tilespmem:$0x6740] =	vst v20;
	v19 =	vpop (erf)  }
0x347: {  	v17 =	vbroadcast v17, $0x0;
	v18 =	vshrl.u32 v18, $0x3;
	[tilespmem:$0x6750] =	vst v19;
	v19 =	vpop (erf)  }
0x348: {  	v18 =	vshll.u32 v18, v11;
	[tilespmem:$0x6760] =	vst v19  }
0x349: {  	v18 =	vadd.s32 $0x7, v18;
	v13 =	vld.idx.msk [tilespmem:v13+s31+$0x0], $0xffff  }
0x34a: {  	v19 =	vbroadcast v18, $0x0;
	v20 =	vld.idx.msk [tilespmem:v14+s31+$0x0], $0xffff  }
0x34b: {  	s10 =	simm.s32 $0x5;
	v21 =	vld.idx.msk [tilespmem:v15+s31+$0x0], $0xffff  }
0x34c: {  	v14 =	vmov s10;
	v18 =	vld.idx.msk [tilespmem:v16+s31+$0x0], $0xffff  }
0x34d: {  	s9 =	simm.s32 $0x1920;
	v17 =	vld.idx.msk [tilespmem:v17+s31+$0x0], $0xffff;
	v14 =	vshrl.u32 v14, $0x3  }
0x34e: {  	v15 =	vld [tilespmem:s9+$0x180];
	v14 =	vshll.u32 v14, v11  }
0x34f: {  	v22 =	vld [tilespmem:s9+$0x1A0];
	v14 =	vadd.s32 $0x5, v14  }
0x350: {  	v14 =	vbroadcast v14, $0x0;
	v16 =	vld.idx.msk [tilespmem:v19+s31+$0x0], $0xffff  }
0x351: {  	v19 =	vld [tilespmem:s9+$0x190]  }
0x352: {  	v23 =	vld [tilespmem:s9+$0x1B0]  }
0x353: {  	v24 =	vld [tilespmem:s9+$0x1C0]  }
0x354: {  	v26 =	vld [tilespmem:s9+$0x1D0]  }
0x355: {  	v27 =	vld [tilespmem:s9+$0x1E0];
	v25 =	vmul.f32 v15, v16  }
0x356: {  	v15 =	vld.idx.msk [tilespmem:v14+s31+$0x0], $0xffff;
	v14 =	vmul.f32 v19, v16  }
0x357: {  	v19 =	vld [tilespmem:s9+$0x1F0];
	v22 =	vmul.f32 v22, v16;
	[tilespmem:s9+$0x180] =	vst v25  }
0x358: {  	v29 =	vld [tilespmem:s9+$0xFFFFFE70];
	[tilespmem:s9+$0x190] =	vst v14;
	v14 =	vmul.f32 v23, v16  }
0x359: {  	v25 =	vld [tilespmem:s9+$0xFFFFFE00];
	[tilespmem:s9+$0x1A0] =	vst v22;
	v22 =	vmul.f32 v24, v16  }
0x35a: {  	v23 =	vld [tilespmem:s9+$0xFFFFFE10];
	[tilespmem:s9+$0x1B0] =	vst v14;
	v14 =	vmul.f32 v26, v16  }
0x35b: {  	v24 =	vld [tilespmem:s9+$0xFFFFFE20];
	[tilespmem:s9+$0x1C0] =	vst v22;
	v22 =	vmul.f32 v27, v16  }
0x35c: {  	v26 =	vld [tilespmem:s9+$0xFFFFFE30];
	[tilespmem:s9+$0x1D0] =	vst v14;
	v14 =	vmul.f32 v19, v16  }
0x35d: {  	v27 =	vld [tilespmem:s9+$0xFFFFFE40];
	[tilespmem:s9+$0x1E0] =	vst v22;
	v16 =	vmul.f32 v12, v16  }
0x35e: {  	s4 =	simm.s32 $0x67B0;
	v19 =	vld [tilespmem:s9+$0xFFFFFE50];
	v25 =	vmul.f32 v25, v13;
	[tilespmem:s9+$0x1F0] =	vst v14  }
0x35f: {  	v22 =	vld [tilespmem:s9+$0xFFFFFE60];
	v23 =	vmul.f32 v23, v13;
	[tilespmem:s4+$0x30] =	vst v16  }
0x360: {  	v24 =	vmul.f32 v24, v13;
	v16 =	vld [tilespmem:s9+$0xFFFFFE80];
	[tilespmem:s9+$0xFFFFFE00] =	vst v25  }
0x361: {  	v25 =	vld [tilespmem:s9+$0xFFFFFE90];
	v26 =	vmul.f32 v26, v13;
	[tilespmem:s9+$0xFFFFFE10] =	vst v23  }
0x362: {  	v23 =	vld [tilespmem:s9+$0xFFFFFEA0];
	v27 =	vmul.f32 v27, v13;
	[tilespmem:s9+$0xFFFFFE20] =	vst v24  }
0x363: {  	v24 =	vld [tilespmem:s9+$0xFFFFFEB0];
	v19 =	vmul.f32 v19, v13;
	[tilespmem:s9+$0xFFFFFE30] =	vst v26  }
0x364: {  	v26 =	vld [tilespmem:s9+$0xFFFFFEC0];
	[tilespmem:s9+$0xFFFFFE40] =	vst v27;
	v22 =	vmul.f32 v22, v13  }
0x365: {  	v27 =	vld [tilespmem:s9+$0xFFFFFED0];
	[tilespmem:s9+$0xFFFFFE50] =	vst v19;
	v16 =	vmul.f32 v16, v20  }
0x366: {  	[tilespmem:s9+$0xFFFFFE60] =	vst v22;
	v22 =	vld [tilespmem:s9+$0xFFFFFEF0];
	v25 =	vmul.f32 v25, v20  }
0x367: {  	v19 =	vld [tilespmem:s9+$0xFFFFFEE0];
	[tilespmem:s9+$0xFFFFFE80] =	vst v16;
	v16 =	vmul.f32 v23, v20  }
0x368: {  	s11 =	simm.s32 $0x6;
	[tilespmem:s9+$0xFFFFFE90] =	vst v25;
	v23 =	vmul.f32 v24, v20;
	v24 =	vld [tilespmem:s9+$0xFFFFFF00]  }
0x369: {  	v28 =	vmov s11;
	v25 =	vld [tilespmem:s9+$0xFFFFFF10];
	[tilespmem:s9+$0xFFFFFEA0] =	vst v16;
	v16 =	vmul.f32 v26, v20  }
0x36a: {  	v28 =	vshrl.u32 v28, $0x3;
	v63 =	vld [tilespmem:s9+$0x150];
	[tilespmem:s9+$0xFFFFFEB0] =	vst v23;
	v23 =	vmul.f32 v27, v20  }
0x36b: {  	v28 =	vshll.u32 v28, v11;
	v26 =	vld [tilespmem:s9+$0xFFFFFF20];
	v22 =	vmul.f32 v22, v20;
	[tilespmem:s9+$0xFFFFFEC0] =	vst v16  }
0x36c: {  	v14 =	vadd.s32 $0x6, v28;
	v27 =	vld [tilespmem:s9+$0xFFFFFFF0];
	v16 =	vmul.f32 v19, v20;
	[tilespmem:s9+$0xFFFFFED0] =	vst v23  }
0x36d: {  	v14 =	vbroadcast v14, $0x0;
	v19 =	vld [tilespmem:s9+$0xFFFFFF30];
	[tilespmem:s9+$0xFFFFFEF0] =	vst v22;
	v24 =	vmul.f32 v24, v21  }
0x36e: {  	v23 =	vld [tilespmem:s9+$0xFFFFFF40];
	v25 =	vmul.f32 v25, v21;
	[tilespmem:s9+$0xFFFFFEE0] =	vst v16  }
0x36f: {  	v22 =	vld [tilespmem:s9+$0xFFFFFF60];
	v16 =	vmul.f32 v12, v20;
	[tilespmem:s9+$0xFFFFFF00] =	vst v24  }
0x370: {  	v20 =	vld [tilespmem:s9+$0xFFFFFF50];
	v26 =	vmul.f32 v26, v21;
	[tilespmem:s9+$0xFFFFFF10] =	vst v25  }
0x371: {  	v24 =	vld [tilespmem:s9+$0xFFFFFF80];
	v27 =	vmul.f32 v27, v18;
	[tilespmem:s4+$0xFFFFFFD0] =	vst v16  }
0x372: {  	v16 =	vld [tilespmem:s9+$0xFFFFFF70];
	v19 =	vmul.f32 v19, v21;
	[tilespmem:s9+$0xFFFFFF20] =	vst v26  }
0x373: {  	v14 =	vld.idx.msk [tilespmem:v14+s31+$0x0], $0xffff;
	v23 =	vmul.f32 v23, v21;
	[tilespmem:s9+$0xFFFFFFF0] =	vst v27  }
0x374: {  	v22 =	vmul.f32 v22, v21;
	v27 =	vld [tilespmem:s9+$0x80];
	[tilespmem:s9+$0xFFFFFF30] =	vst v19  }
0x375: {  	v25 =	vld [tilespmem:s9+$0xFFFFFF90];
	v20 =	vmul.f32 v20, v21;
	[tilespmem:s9+$0xFFFFFF40] =	vst v23  }
0x376: {  	v26 =	vld [tilespmem:s9+$0xFFFFFFA0];
	[tilespmem:s9+$0xFFFFFF60] =	vst v22;
	v24 =	vmul.f32 v24, v18  }
0x377: {  	v19 =	vld [tilespmem:s9+$0xFFFFFFB0];
	v16 =	vmul.f32 v16, v21;
	[tilespmem:s9+$0xFFFFFF50] =	vst v20  }
0x378: {  	v23 =	vld [tilespmem:s9+$0xFFFFFFC0];
	v21 =	vmul.f32 v12, v21;
	[tilespmem:s9+$0xFFFFFF80] =	vst v24  }
0x379: {  	v22 =	vld [tilespmem:s9+$0xFFFFFFE0];
	v27 =	vmul.f32 v27, v15;
	[tilespmem:s9+$0xFFFFFF70] =	vst v16  }
0x37a: {  	v20 =	vld [tilespmem:s9+$0xFFFFFFD0];
	v16 =	vmul.f32 v25, v18;
	[tilespmem:s4+$0xFFFFFFE0] =	vst v21  }
0x37b: {  	v24 =	vld [tilespmem:s9+$0x10];
	v25 =	vmul.f32 v26, v18;
	[tilespmem:s9+$0x80] =	vst v27  }
0x37c: {  	s11 =	simm.s32 $0xD;
	s2 =	simm.s32 $0xA;
	v26 =	vld [tilespmem:s9+$0x20];
	v19 =	vmul.f32 v19, v18;
	[tilespmem:s9+$0xFFFFFF90] =	vst v16  }
0x37d: {  	v33 =	vmov s11;
	v30 =	vmov s2;
	v21 =	vld [tilespmem:s9+$0x0];
	v23 =	vmul.f32 v23, v18;
	[tilespmem:s9+$0xFFFFFFA0] =	vst v25  }
0x37e: {  	v33 =	vshrl.u32 v33, $0x3;
	v30 =	vshrl.u32 v30, $0x3;
	v22 =	vmul.f32 v22, v18;
	v25 =	vld [tilespmem:s9+$0x30];
	[tilespmem:s9+$0xFFFFFFB0] =	vst v19  }
0x37f: {  	v33 =	vshll.u32 v33, v11;
	s3 =	simm.s32 $0xB;
	v30 =	vshll.u32 v30, v11;
	v20 =	vmul.f32 v20, v18;
	v19 =	vld [tilespmem:s9+$0x40];
	[tilespmem:s9+$0xFFFFFFC0] =	vst v23  }
0x380: {  	v31 =	vmov s3;
	v30 =	vadd.s32 $0x2, v30;
	v23 =	vld [tilespmem:s9+$0x50];
	[tilespmem:s9+$0xFFFFFFE0] =	vst v22;
	v18 =	vmul.f32 v12, v18  }
0x381: {  	v31 =	vshrl.u32 v31, $0x3;
	v35 =	vbroadcast v30, $0x0;
	s10 =	simm.s32 $0xC;
	v22 =	vld [tilespmem:s9+$0x70];
	v24 =	vmul.f32 v24, v17;
	[tilespmem:s9+$0xFFFFFFD0] =	vst v20  }
0x382: {  	v30 =	vadd.s32 $0x5, v33;
	v32 =	vmov s10;
	v20 =	vld [tilespmem:s9+$0x60];
	v26 =	vmul.f32 v26, v17;
	[tilespmem:s4+$0xFFFFFFF0] =	vst v18  }
0x383: {  	v31 =	vshll.u32 v31, v11;
	v32 =	vshrl.u32 v32, $0x3;
	v21 =	vmul.f32 v21, v17;
	v18 =	vld [tilespmem:s9+$0x90];
	[tilespmem:s9+$0x10] =	vst v24  }
0x384: {  	v31 =	vadd.s32 $0x3, v31;
	v32 =	vshll.u32 v32, v11;
	v24 =	vld [tilespmem:s9+$0xB0];
	v25 =	vmul.f32 v25, v17;
	[tilespmem:s9+$0x20] =	vst v26  }
0x385: {  	s17 =	simm.s32 $0x8;
	v31 =	vbroadcast v31, $0x0;
	v32 =	vadd.s32 $0x4, v32;
	v26 =	vld [tilespmem:s9+$0xC0];
	[tilespmem:s9+$0x0] =	vst v21;
	v19 =	vmul.f32 v19, v17  }
0x386: {  	v32 =	vbroadcast v32, $0x0;
	v28 =	vmov s17;
	s17 =	simm.s32 $0xE;
	v21 =	vld [tilespmem:s9+$0xA0];
	v23 =	vmul.f32 v23, v17;
	[tilespmem:s9+$0x30] =	vst v25  }
0x387: {  	s22 =	simm.s32 $0x9;
	v28 =	vshrl.u32 v28, $0x3;
	v34 =	vmov s17;
	v22 =	vmul.f32 v22, v17;
	v25 =	vld [tilespmem:s9+$0xD0];
	[tilespmem:s9+$0x40] =	vst v19  }
0x388: {  	v16 =	vmul.f32 v29, v13;
	v29 =	vmov s22;
	v20 =	vmul.f32 v20, v17;
	v19 =	vld [tilespmem:s9+$0xE0];
	[tilespmem:s9+$0x50] =	vst v23  }
0x389: {  	v28 =	vshll.u32 v28, v11;
	v29 =	vshrl.u32 v29, $0x3;
	v23 =	vld [tilespmem:s9+$0xF0];
	v17 =	vmul.f32 v12, v17;
	[tilespmem:s9+$0x70] =	vst v22  }
0x38a: {  	v34 =	vshrl.u32 v34, $0x3;
	v29 =	vshll.u32 v29, v11;
	v18 =	vmul.f32 v18, v15;
	[tilespmem:s9+$0x60] =	vst v20;
	v20 =	vld [tilespmem:s9+$0x100]  }
0x38b: {  	v28 =	vbroadcast v28, $0x0;
	v29 =	vadd.s32 $0x1, v29;
	v22 =	vld [tilespmem:s9+$0x110];
	v24 =	vmul.f32 v24, v15;
	[tilespmem:s4+$0x0] =	vst v17  }
0x38c: {  	v34 =	vshll.u32 v34, v11;
	v29 =	vbroadcast v29, $0x0;
	v21 =	vmul.f32 v21, v15;
	v17 =	vld [tilespmem:s9+$0x120];
	[tilespmem:s9+$0x90] =	vst v18  }
0x38d: {  	v37 =	vld [tilespmem:s9+$0x160];
	v62 =	vadd.s32 $0x6, v34;
	s22 =	simm.s32 $0xF;
	v26 =	vmul.f32 v26, v15;
	[tilespmem:s9+$0xB0] =	vst v24;
	v25 =	vmul.f32 v25, v15  }
0x38e: {  	v27 =	vld [tilespmem:s9+$0x130];
	v19 =	vmul.f32 v19, v15;
	[tilespmem:s9+$0xA0] =	vst v21;
	v36 =	vmul.f32 v23, v15;
	v21 =	vmov s22  }
0x38f: {  	v18 =	vld [tilespmem:s9+$0x140];
	[tilespmem:s9+$0xC0] =	vst v26;
	v23 =	vbroadcast v30, $0x0;
	v38 =	vmul.f32 v20, v14;
	v20 =	vshrl.u32 v21, $0x3  }
0x390: {  	v39 =	vld [tilespmem:s9+$0x170];
	v24 =	vmul.f32 v22, v14;
	v22 =	vbroadcast v62, $0x0;
	[tilespmem:s9+$0xD0] =	vst v25;
	v21 =	vshll.u32 v20, v11  }
0x391: {  	v15 =	vmul.f32 v12, v15;
	[tilespmem:s9+$0xE0] =	vst v19;
	v19 =	vld.idx.msk [tilespmem:v35+s31+$0x0], $0xffff;
	v25 =	vmul.f32 v17, v14;
	v17 =	vadd.s32 $0x7, v21  }
0x392: {  	[tilespmem:s9+$0xF0] =	vst v36;
	v20 =	vld.idx.msk [tilespmem:v28+s31+$0x0], $0xffff;
	v30 =	vbroadcast v17, $0x0  }
0x393: {  	v26 =	vmul.f32 v27, v14;
	[tilespmem:s4+$0x10] =	vst v15;
	v15 =	vld.idx.msk [tilespmem:v32+s31+$0x0], $0xffff  }
0x394: {  	v27 =	vmul.f32 v18, v14;
	v28 =	vmul.f32 v63, v14;
	v21 =	vld.idx.msk [tilespmem:v29+s31+$0x0], $0xffff  }
0x395: {  	s11 =	simm.s32 $0x10;
	s10 =	simm.s32 $0x1920;
	v29 =	vmul.f32 v37, v14;
	[tilespmem:s9+$0x100] =	vst v38;
	v17 =	vld.idx.msk [tilespmem:v31+s31+$0x0], $0xffff;
	v31 =	vmul.f32 v39, v14  }
.LBB2_10:
0x396: {  	p1 =	slt.u32 s11, $0x48;
	v18 =	vld.idx.msk [tilespmem:v23+s31+$0x0], $0xffff;
	[tilespmem:s9+$0x110] =	vst v24  }
0x397: {  	v22 =	vld.idx.msk [tilespmem:v22+s31+$0x0], $0xffff;
	[tilespmem:s9+$0x120] =	vst v25  }
0x398: {  	s9 =	sadd.s32 $0x400, s9;
	v23 =	vld.idx.msk [tilespmem:v30+s31+$0x0], $0xffff;
	[tilespmem:s10+$0x130] =	vst v26  }
0x399: {  	v24 =	vld [tilespmem:s9+$0x180];
	[tilespmem:s10+$0x140] =	vst v27  }
0x39a: {  	v25 =	vld [tilespmem:s9+$0x190];
	[tilespmem:s10+$0x150] =	vst v28  }
0x39b: {  	v30 =	vmul.f32 v12, v14;
	v26 =	vld [tilespmem:s9+$0x1A0];
	[tilespmem:s10+$0x160] =	vst v29  }
0x39c: {  	v27 =	vld [tilespmem:s9+$0x1B0];
	[tilespmem:s10+$0x170] =	vst v31  }
0x39d: {  	v29 =	vmul.f32 v12, v13;
	v13 =	vmov v20;
	v14 =	vmov v22;
	v28 =	vld [tilespmem:s9+$0x1C0];
	[tilespmem:s4+$0x20] =	vst v30  }
0x39e: {  	v20 =	vmul.f32 v24, v23;
	v22 =	vld [tilespmem:s9+$0x1D0];
	[tilespmem:s10+$0xFFFFFE70] =	vst v16;
	s10 =	smov.u32 s9  }
0x39f: {  	v16 =	vmul.f32 v25, v23;
	v24 =	vld [tilespmem:s9+$0x1E0];
	[tilespmem:s4+$0xFFFFFFC0] =	vst v29  }
0x3a0: {  	[tilespmem:s9+$0x180] =	vst v20;
	v20 =	vmul.f32 v26, v23;
	v25 =	vld [tilespmem:s9+$0x1F0]  }
0x3a1: {  	v26 =	vld [tilespmem:s9+$0xFFFFFE00];
	[tilespmem:s9+$0x190] =	vst v16;
	v16 =	vmul.f32 v27, v23  }
0x3a2: {  	v27 =	vld [tilespmem:s9+$0xFFFFFE10];
	[tilespmem:s9+$0x1A0] =	vst v20;
	v20 =	vmul.f32 v28, v23  }
0x3a3: {  	v28 =	vld [tilespmem:s9+$0xFFFFFE20];
	[tilespmem:s9+$0x1B0] =	vst v16;
	v16 =	vmul.f32 v22, v23  }
0x3a4: {  	v22 =	vld [tilespmem:s9+$0xFFFFFE30];
	[tilespmem:s9+$0x1C0] =	vst v20;
	v20 =	vmul.f32 v24, v23  }
0x3a5: {  	v24 =	vld [tilespmem:s9+$0xFFFFFE40];
	[tilespmem:s9+$0x1D0] =	vst v16;
	v16 =	vmul.f32 v25, v23  }
0x3a6: {  	v25 =	vmul.f32 v26, v13;
	v26 =	vld [tilespmem:s9+$0xFFFFFE50];
	[tilespmem:s9+$0x1E0] =	vst v20;
	v20 =	vmul.f32 v12, v23  }
0x3a7: {  	s4 =	sadd.s32 $0x80, s4;
	v23 =	vmul.f32 v27, v13;
	v27 =	vld [tilespmem:s9+$0xFFFFFE60];
	[tilespmem:s9+$0x1F0] =	vst v16  }
0x3a8: {  	v16 =	vmul.f32 v28, v13;
	v28 =	vld [tilespmem:s9+$0xFFFFFE70];
	[tilespmem:s4+$0x30] =	vst v20  }
0x3a9: {  	[tilespmem:s9+$0xFFFFFE00] =	vst v25;
	v20 =	vmul.f32 v22, v13;
	v22 =	vld [tilespmem:s9+$0xFFFFFE80]  }
0x3aa: {  	[tilespmem:s9+$0xFFFFFE10] =	vst v23;
	v23 =	vmul.f32 v24, v13;
	v24 =	vld [tilespmem:s9+$0xFFFFFE90]  }
0x3ab: {  	[tilespmem:s9+$0xFFFFFE20] =	vst v16;
	v25 =	vmul.f32 v26, v13;
	v26 =	vld [tilespmem:s9+$0xFFFFFEA0]  }
0x3ac: {  	[tilespmem:s9+$0xFFFFFE30] =	vst v20;
	v20 =	vmul.f32 v27, v13;
	v27 =	vld [tilespmem:s9+$0xFFFFFEB0]  }
0x3ad: {  	[tilespmem:s9+$0xFFFFFE40] =	vst v23;
	v16 =	vmul.f32 v28, v13;
	v23 =	vld [tilespmem:s9+$0xFFFFFEC0]  }
0x3ae: {  	[tilespmem:s9+$0xFFFFFE50] =	vst v25;
	v22 =	vmul.f32 v22, v21;
	v25 =	vld [tilespmem:s9+$0xFFFFFED0]  }
0x3af: {  	[tilespmem:s9+$0xFFFFFE60] =	vst v20;
	v20 =	vmul.f32 v24, v21;
	v24 =	vld [tilespmem:s9+$0xFFFFFEE0]  }
0x3b0: {  	[tilespmem:s9+$0xFFFFFE80] =	vst v22;
	v22 =	vmul.f32 v26, v21;
	v26 =	vld [tilespmem:s9+$0xFFFFFEF0]  }
0x3b1: {  	[tilespmem:s9+$0xFFFFFE90] =	vst v20;
	v20 =	vmul.f32 v27, v21;
	v27 =	vld [tilespmem:s9+$0xFFFFFF00]  }
0x3b2: {  	[tilespmem:s9+$0xFFFFFEA0] =	vst v22;
	v22 =	vmul.f32 v23, v21;
	v23 =	vld [tilespmem:s9+$0xFFFFFF10]  }
0x3b3: {  	[tilespmem:s9+$0xFFFFFEB0] =	vst v20;
	v20 =	vmul.f32 v25, v21;
	v25 =	vld [tilespmem:s9+$0xFFFFFF20]  }
0x3b4: {  	[tilespmem:s9+$0xFFFFFEC0] =	vst v22;
	v22 =	vmul.f32 v24, v21;
	v24 =	vld [tilespmem:s9+$0xFFFFFF30]  }
0x3b5: {  	[tilespmem:s9+$0xFFFFFED0] =	vst v20;
	v20 =	vmul.f32 v26, v21;
	v26 =	vld [tilespmem:s9+$0xFFFFFF40]  }
0x3b6: {  	v21 =	vmul.f32 v12, v21;
	[tilespmem:s9+$0xFFFFFEE0] =	vst v22;
	v22 =	vmul.f32 v27, v19;
	v27 =	vld [tilespmem:s9+$0xFFFFFF50]  }
0x3b7: {  	[tilespmem:s9+$0xFFFFFEF0] =	vst v20;
	v20 =	vmul.f32 v23, v19;
	v23 =	vld [tilespmem:s9+$0xFFFFFF60]  }
0x3b8: {  	[tilespmem:s4+$0xFFFFFFD0] =	vst v21;
	v21 =	vmul.f32 v25, v19;
	v25 =	vld [tilespmem:s9+$0xFFFFFF70]  }
0x3b9: {  	[tilespmem:s9+$0xFFFFFF00] =	vst v22;
	v22 =	vmul.f32 v24, v19;
	v24 =	vld [tilespmem:s9+$0xFFFFFF80]  }
0x3ba: {  	[tilespmem:s9+$0xFFFFFF10] =	vst v20;
	v20 =	vmul.f32 v26, v19;
	v26 =	vld [tilespmem:s9+$0xFFFFFF90]  }
0x3bb: {  	[tilespmem:s9+$0xFFFFFF20] =	vst v21;
	v21 =	vmul.f32 v27, v19;
	v27 =	vld [tilespmem:s9+$0xFFFFFFA0]  }
0x3bc: {  	[tilespmem:s9+$0xFFFFFF30] =	vst v22;
	v22 =	vmul.f32 v23, v19;
	v23 =	vld [tilespmem:s9+$0xFFFFFFB0]  }
0x3bd: {  	[tilespmem:s9+$0xFFFFFF40] =	vst v20;
	v20 =	vmul.f32 v25, v19;
	v25 =	vld [tilespmem:s9+$0xFFFFFFC0]  }
0x3be: {  	[tilespmem:s9+$0xFFFFFF50] =	vst v21;
	v21 =	vmul.f32 v24, v17;
	v24 =	vld [tilespmem:s9+$0xFFFFFFD0]  }
0x3bf: {  	v19 =	vmul.f32 v12, v19;
	[tilespmem:s9+$0xFFFFFF60] =	vst v22;
	v22 =	vmul.f32 v26, v17;
	v26 =	vld [tilespmem:s9+$0xFFFFFFE0]  }
0x3c0: {  	[tilespmem:s9+$0xFFFFFF70] =	vst v20;
	v20 =	vmul.f32 v27, v17;
	v27 =	vld [tilespmem:s9+$0xFFFFFFF0]  }
0x3c1: {  	[tilespmem:s4+$0xFFFFFFE0] =	vst v19;
	v19 =	vmul.f32 v23, v17;
	v23 =	vld [tilespmem:s9+$0x0]  }
0x3c2: {  	[tilespmem:s9+$0xFFFFFF80] =	vst v21;
	v21 =	vmul.f32 v25, v17;
	v25 =	vld [tilespmem:s9+$0x10]  }
0x3c3: {  	[tilespmem:s9+$0xFFFFFF90] =	vst v22;
	v22 =	vmul.f32 v24, v17;
	v24 =	vld [tilespmem:s9+$0x20]  }
0x3c4: {  	[tilespmem:s9+$0xFFFFFFA0] =	vst v20;
	v20 =	vmul.f32 v26, v17;
	v26 =	vld [tilespmem:s9+$0x30]  }
0x3c5: {  	s1 =	sadd.s32 $0x1, s11;
	v28 =	vmov s11;
	[tilespmem:s9+$0xFFFFFFB0] =	vst v19;
	v19 =	vmul.f32 v27, v17;
	v27 =	vld [tilespmem:s9+$0x40]  }
0x3c6: {  	s2 =	sadd.s32 $0x3, s11;
	v29 =	vmov s1;
	s1 =	sadd.s32 $0x2, s11;
	v28 =	vshrl.u32 v28, $0x3;
	[tilespmem:s9+$0xFFFFFFC0] =	vst v21;
	v21 =	vmul.f32 v23, v15;
	v23 =	vld [tilespmem:s9+$0x50]  }
0x3c7: {  	v31 =	vmov s2;
	v30 =	vmov s1;
	s1 =	sadd.s32 $0x4, s11;
	[tilespmem:s9+$0xFFFFFFD0] =	vst v22;
	v22 =	vmul.f32 v25, v15;
	v25 =	vld [tilespmem:s9+$0x60]  }
0x3c8: {  	s2 =	sadd.s32 $0x6, s11;
	v32 =	vmov s1;
	s1 =	sadd.s32 $0x5, s11;
	v17 =	vmul.f32 v12, v17;
	[tilespmem:s9+$0xFFFFFFE0] =	vst v20;
	v20 =	vmul.f32 v24, v15;
	v24 =	vld [tilespmem:s9+$0x70]  }
0x3c9: {  	v34 =	vmov s2;
	v33 =	vmov s1;
	[tilespmem:s9+$0xFFFFFFF0] =	vst v19;
	v19 =	vmul.f32 v26, v15;
	v26 =	vld [tilespmem:s9+$0x80]  }
0x3ca: {  	v29 =	vshrl.u32 v29, $0x3;
	v28 =	vshll.u32 v28, v11;
	[tilespmem:s4+$0xFFFFFFF0] =	vst v17;
	v17 =	vmul.f32 v27, v15;
	v27 =	vld [tilespmem:s9+$0x90]  }
0x3cb: {  	v31 =	vshrl.u32 v31, $0x3;
	v30 =	vshrl.u32 v30, $0x3;
	[tilespmem:s9+$0x0] =	vst v21;
	v21 =	vmul.f32 v23, v15;
	v23 =	vld [tilespmem:s9+$0xA0]  }
0x3cc: {  	v32 =	vshrl.u32 v32, $0x3;
	v33 =	vshrl.u32 v33, $0x3;
	[tilespmem:s9+$0x10] =	vst v22;
	v22 =	vmul.f32 v25, v15;
	v25 =	vld [tilespmem:s9+$0xB0]  }
0x3cd: {  	v34 =	vshrl.u32 v34, $0x3;
	v28 =	vbroadcast v28, $0x0;
	[tilespmem:s9+$0x20] =	vst v20;
	v20 =	vmul.f32 v24, v15;
	v24 =	vld [tilespmem:s9+$0xC0]  }
0x3ce: {  	v29 =	vshll.u32 v29, v11;
	v30 =	vshll.u32 v30, v11;
	[tilespmem:s9+$0x30] =	vst v19;
	v19 =	vmul.f32 v26, v18;
	v26 =	vld [tilespmem:s9+$0xD0]  }
0x3cf: {  	v31 =	vshll.u32 v31, v11;
	v32 =	vshll.u32 v32, v11;
	[tilespmem:s9+$0x40] =	vst v17;
	v17 =	vmul.f32 v27, v18;
	v27 =	vld [tilespmem:s9+$0xE0]  }
0x3d0: {  	v34 =	vshll.u32 v34, v11;
	v33 =	vshll.u32 v33, v11;
	[tilespmem:s9+$0x50] =	vst v21;
	v21 =	vmul.f32 v23, v18;
	v23 =	vld [tilespmem:s9+$0xF0]  }
0x3d1: {  	v29 =	vadd.s32 $0x1, v29;
	v15 =	vmul.f32 v12, v15;
	[tilespmem:s9+$0x60] =	vst v22;
	v22 =	vmul.f32 v25, v18;
	v25 =	vld [tilespmem:s9+$0x100]  }
0x3d2: {  	v31 =	vadd.s32 $0x3, v31;
	v30 =	vadd.s32 $0x2, v30;
	[tilespmem:s9+$0x70] =	vst v20;
	v20 =	vmul.f32 v24, v18;
	v24 =	vld [tilespmem:s9+$0x110]  }
0x3d3: {  	v29 =	vbroadcast v29, $0x0;
	v32 =	vadd.s32 $0x4, v32;
	[tilespmem:s4+$0x0] =	vst v15;
	v15 =	vmul.f32 v26, v18;
	v26 =	vld [tilespmem:s9+$0x120]  }
0x3d4: {  	v35 =	vbroadcast v30, $0x0;
	v30 =	vadd.s32 $0x5, v33;
	[tilespmem:s9+$0x80] =	vst v19;
	v19 =	vmul.f32 v27, v18;
	v27 =	vld [tilespmem:s9+$0x130]  }
0x3d5: {  	v31 =	vbroadcast v31, $0x0;
	s1 =	sadd.s32 $0x7, s11;
	v33 =	vadd.s32 $0x6, v34;
	[tilespmem:s9+$0x90] =	vst v17;
	v17 =	vmul.f32 v23, v18;
	v34 =	vld [tilespmem:s9+$0x140]  }
0x3d6: {  	v36 =	vmov s1;
	v32 =	vbroadcast v32, $0x0;
	[tilespmem:s9+$0xA0] =	vst v21;
	v37 =	vmul.f32 v25, v14;
	v38 =	vld [tilespmem:s9+$0x150]  }
0x3d7: {  	v23 =	vbroadcast v30, $0x0;
	v21 =	vshrl.u32 v36, $0x3;
	[tilespmem:s9+$0xB0] =	vst v22;
	v24 =	vmul.f32 v24, v14;
	v36 =	vld [tilespmem:s9+$0x160]  }
0x3d8: {  	v22 =	vbroadcast v33, $0x0;
	v21 =	vshll.u32 v21, v11;
	[tilespmem:s9+$0xC0] =	vst v20;
	v25 =	vmul.f32 v26, v14;
	v33 =	vld [tilespmem:s9+$0x170]  }
.Ltmp4:
0x3d9: {  	v20 =	vld.idx.msk [tilespmem:v28+s31+$0x0], $0xffff;
	v28 =	vadd.s32 $0x7, v21;
	[tilespmem:s9+$0xD0] =	vst v15;
	v15 =	vmul.f32 v12, v18;
	v26 =	vmul.f32 v27, v14;
	(pc) =	sbr.rel @p1 .LBB2_10-.Ltmp4, $4  }
0x3da: {  	v21 =	vld.idx.msk [tilespmem:v29+s31+$0x0], $0xffff;
	v30 =	vbroadcast v28, $0x0;
	[tilespmem:s9+$0xE0] =	vst v19;
	v27 =	vmul.f32 v34, v14  }
0x3db: {  	v19 =	vld.idx.msk [tilespmem:v35+s31+$0x0], $0xffff;
	[tilespmem:s9+$0xF0] =	vst v17;
	v28 =	vmul.f32 v38, v14  }
0x3dc: {  	v17 =	vld.idx.msk [tilespmem:v31+s31+$0x0], $0xffff;
	[tilespmem:s4+$0x10] =	vst v15;
	v29 =	vmul.f32 v36, v14  }
0x3dd: {  	s11 =	sadd.s32 $0x8, s11;
	v15 =	vld.idx.msk [tilespmem:v32+s31+$0x0], $0xffff;
	[tilespmem:s9+$0x100] =	vst v37;
	v31 =	vmul.f32 v33, v14  }
0x3de: {  	_ =	sdelay $0x1  }
0x3df: {  	[tilespmem:s9+$0x110] =	vst v24  }
0x3e0: {  	[tilespmem:s9+$0x120] =	vst v25  }
0x3e1: {  	v18 =	vld.idx.msk [tilespmem:v30+s31+$0x0], $0xffff;
	s1 =	sadd.s32 $0x400, s9;
	[tilespmem:s10+$0xFFFFFE70] =	vst v16  }
0x3e2: {  	[tilespmem:s10+$0x130] =	vst v26;
	v61 =	vld [tilespmem:s1+$0x180]  }
0x3e3: {  	[tilespmem:s10+$0x140] =	vst v27;
	v62 =	vld [tilespmem:s1+$0x190]  }
0x3e4: {  	[tilespmem:s10+$0x150] =	vst v28;
	v63 =	vld [tilespmem:s1+$0x1A0]  }
0x3e5: {  	v14 =	vmul.f32 v12, v14;
	[tilespmem:s10+$0x160] =	vst v29;
	v32 =	vld [tilespmem:s1+$0x1B0]  }
0x3e6: {  	v13 =	vmul.f32 v12, v13;
	[tilespmem:s10+$0x170] =	vst v31;
	v34 =	vld [tilespmem:s1+$0x1D0]  }
0x3e7: {  	v38 =	vld [tilespmem:s1+$0xFFFFFE00];
	[tilespmem:s4+$0x20] =	vst v14;
	v14 =	vmul.f32 v61, v18  }
0x3e8: {  	v42 =	vld [tilespmem:s1+$0xFFFFFE30];
	[tilespmem:s4+$0xFFFFFFC0] =	vst v13;
	v35 =	vmul.f32 v62, v18  }
0x3e9: {  	v43 =	vld [tilespmem:s1+$0xFFFFFE40];
	v13 =	vmul.f32 v63, v18;
	[tilespmem:s1+$0x180] =	vst v14  }
0x3ea: {  	v45 =	vld [tilespmem:s1+$0xFFFFFE50];
	v37 =	vmul.f32 v32, v18;
	[tilespmem:s1+$0x190] =	vst v35  }
0x3eb: {  	v46 =	vld [tilespmem:s1+$0xFFFFFE60];
	v40 =	vmul.f32 v34, v18;
	[tilespmem:s1+$0x1A0] =	vst v13  }
0x3ec: {  	v56 =	vld [tilespmem:s1+$0xFFFFFF00];
	v44 =	vmul.f32 v38, v20;
	[tilespmem:s1+$0x1B0] =	vst v37  }
0x3ed: {  	v33 =	vld [tilespmem:s1+$0x1C0];
	v48 =	vmul.f32 v42, v20;
	[tilespmem:s1+$0x1D0] =	vst v40  }
0x3ee: {  	v59 =	vld [tilespmem:s1+$0xFFFFFF30];
	v16 =	vmul.f32 v43, v20;
	[tilespmem:s1+$0xFFFFFE00] =	vst v44  }
0x3ef: {  	v36 =	vld [tilespmem:s1+$0x1E0];
	v49 =	vmul.f32 v45, v20;
	[tilespmem:s1+$0xFFFFFE30] =	vst v48  }
0x3f0: {  	v51 =	vmul.f32 v46, v20;
	v14 =	vld [tilespmem:s1+$0x1F0];
	[tilespmem:s1+$0xFFFFFE40] =	vst v16  }
0x3f1: {  	v61 =	vmul.f32 v56, v19;
	[tilespmem:s1+$0xFFFFFE50] =	vst v49  }
0x3f2: {  	v39 =	vld [tilespmem:s1+$0xFFFFFE10];
	v13 =	vmul.f32 v33, v18;
	[tilespmem:s1+$0xFFFFFE60] =	vst v51  }
0x3f3: {  	v41 =	vld [tilespmem:s1+$0xFFFFFE20];
	v29 =	vmul.f32 v59, v19;
	[tilespmem:s1+$0xFFFFFF00] =	vst v61  }
0x3f4: {  	v28 =	vld [tilespmem:s1+$0xFFFFFF70];
	[tilespmem:s1+$0x1C0] =	vst v13;
	v13 =	vmul.f32 v36, v18  }
0x3f5: {  	v30 =	vld [tilespmem:s1+$0xFFFFFFA0];
	[tilespmem:s1+$0xFFFFFF30] =	vst v29;
	v14 =	vmul.f32 v14, v18  }
0x3f6: {  	v62 =	vld [tilespmem:s1+$0xFFFFFF50];
	[tilespmem:s1+$0x1E0] =	vst v13;
	v13 =	vmul.f32 v12, v18  }
0x3f7: {  	s2 =	sadd.s32 $0x80, s4;
	v63 =	vld [tilespmem:s1+$0xFFFFFF60];
	[tilespmem:s1+$0x1F0] =	vst v14;
	v14 =	vmul.f32 v39, v20  }
0x3f8: {  	v47 =	vld [tilespmem:s1+$0xFFFFFE80];
	[tilespmem:s2+$0x30] =	vst v13;
	v13 =	vmul.f32 v41, v20  }
0x3f9: {  	v25 =	vmul.f32 v28, v19;
	[tilespmem:s1+$0xFFFFFE10] =	vst v14;
	v14 =	vld [tilespmem:s1+$0xFFFFFE90]  }
0x3fa: {  	v36 =	vmul.f32 v30, v17;
	[tilespmem:s1+$0xFFFFFE20] =	vst v13;
	v13 =	vld [tilespmem:s1+$0xFFFFFEA0]  }
0x3fb: {  	v50 =	vld [tilespmem:s1+$0xFFFFFEB0];
	[tilespmem:s1+$0xFFFFFF70] =	vst v25;
	v24 =	vmul.f32 v62, v19  }
0x3fc: {  	v52 =	vld [tilespmem:s1+$0xFFFFFEC0];
	v16 =	vmul.f32 v63, v19;
	[tilespmem:s1+$0xFFFFFFA0] =	vst v36  }
0x3fd: {  	v53 =	vld [tilespmem:s1+$0xFFFFFED0];
	v18 =	vmul.f32 v47, v21;
	[tilespmem:s1+$0xFFFFFF50] =	vst v24  }
0x3fe: {  	v54 =	vld [tilespmem:s1+$0xFFFFFEE0];
	[tilespmem:s1+$0xFFFFFF60] =	vst v16;
	v14 =	vmul.f32 v14, v21  }
0x3ff: {  	v55 =	vld [tilespmem:s1+$0xFFFFFEF0];
	[tilespmem:s1+$0xFFFFFE80] =	vst v18;
	v13 =	vmul.f32 v13, v21  }
0x400: {  	[tilespmem:s1+$0xFFFFFE90] =	vst v14;
	v14 =	vmul.f32 v50, v21  }
0x401: {  	v32 =	vld [tilespmem:s1+$0xFFFFFFC0];
	[tilespmem:s1+$0xFFFFFEA0] =	vst v13;
	v13 =	vmul.f32 v52, v21  }
0x402: {  	v58 =	vld [tilespmem:s1+$0xFFFFFF20];
	[tilespmem:s1+$0xFFFFFEB0] =	vst v14;
	v14 =	vmul.f32 v53, v21  }
0x403: {  	v35 =	vld [tilespmem:s1+$0xFFFFFFE0];
	[tilespmem:s1+$0xFFFFFEC0] =	vst v13;
	v13 =	vmul.f32 v54, v21  }
0x404: {  	v57 =	vld [tilespmem:s1+$0xFFFFFF10];
	[tilespmem:s1+$0xFFFFFED0] =	vst v14;
	v14 =	vmul.f32 v55, v21  }
0x405: {  	v44 =	vld [tilespmem:s1+$0x50];
	[tilespmem:s1+$0xFFFFFEE0] =	vst v13;
	v13 =	vmul.f32 v12, v21  }
0x406: {  	v60 =	vld [tilespmem:s1+$0xFFFFFF40];
	v38 =	vmul.f32 v32, v17;
	[tilespmem:s1+$0xFFFFFEF0] =	vst v14  }
0x407: {  	v39 =	vld [tilespmem:s1+$0x10];
	[tilespmem:s2+$0xFFFFFFD0] =	vst v13;
	v13 =	vmul.f32 v58, v19  }
0x408: {  	v40 =	vmul.f32 v35, v17;
	[tilespmem:s1+$0xFFFFFFC0] =	vst v38;
	v41 =	vld [tilespmem:s1+$0x30]  }
0x409: {  	v14 =	vmul.f32 v57, v19;
	[tilespmem:s1+$0xFFFFFF20] =	vst v13;
	v13 =	vld [tilespmem:s1+$0xFFFFFF90]  }
0x40a: {  	v37 =	vld [tilespmem:s1+$0xFFFFFFF0];
	v48 =	vmul.f32 v44, v15;
	[tilespmem:s1+$0xFFFFFFE0] =	vst v40  }
0x40b: {  	v18 =	vmul.f32 v60, v19;
	[tilespmem:s1+$0xFFFFFF10] =	vst v14;
	v14 =	vld [tilespmem:s1+$0xFFFFFF80]  }
0x40c: {  	v34 =	vld [tilespmem:s1+$0xFFFFFFD0];
	[tilespmem:s1+$0x50] =	vst v48;
	v16 =	vmul.f32 v39, v15  }
0x40d: {  	v31 =	vld [tilespmem:s1+$0xFFFFFFB0];
	[tilespmem:s1+$0xFFFFFF40] =	vst v18;
	v18 =	vmul.f32 v41, v15  }
0x40e: {  	v45 =	vld [tilespmem:s1+$0x60];
	[tilespmem:s1+$0x10] =	vst v16;
	v13 =	vmul.f32 v13, v17  }
0x40f: {  	v42 =	vld [tilespmem:s1+$0x40];
	[tilespmem:s1+$0x30] =	vst v18;
	v21 =	vmul.f32 v37, v17  }
0x410: {  	v14 =	vmul.f32 v14, v17;
	[tilespmem:s1+$0xFFFFFF90] =	vst v13;
	v13 =	vld [tilespmem:s1+$0x0]  }
0x411: {  	v33 =	vmul.f32 v12, v19;
	v62 =	vld [tilespmem:s1+$0x170];
	v19 =	vmul.f32 v34, v17;
	[tilespmem:s1+$0xFFFFFFF0] =	vst v21  }
0x412: {  	v55 =	vld.idx.msk [tilespmem:v22+s31+$0x0], $0xffff;
	[tilespmem:s1+$0xFFFFFF80] =	vst v14;
	v14 =	vmul.f32 v31, v17  }
0x413: {  	v46 =	vld [tilespmem:s1+$0x70];
	v21 =	vmul.f32 v45, v15;
	[tilespmem:s1+$0xFFFFFFD0] =	vst v19  }
0x414: {  	[tilespmem:s1+$0xFFFFFFB0] =	vst v14;
	v14 =	vld [tilespmem:s1+$0x20]  }
0x415: {  	[tilespmem:s1+$0x60] =	vst v21;
	v13 =	vmul.f32 v13, v15  }
0x416: {  	v47 =	vld [tilespmem:s1+$0x80];
	v19 =	vmul.f32 v42, v15;
	[tilespmem:s2+$0xFFFFFFE0] =	vst v33  }
0x417: {  	v63 =	vmul.f32 v62, v55;
	[tilespmem:s1+$0x0] =	vst v13;
	v13 =	vld.idx.msk [tilespmem:v23+s31+$0x0], $0xffff  }
0x418: {  	v43 =	vmul.f32 v12, v17;
	v49 =	vld [tilespmem:s1+$0xA0];
	[tilespmem:s1+$0x40] =	vst v19;
	v17 =	vmul.f32 v46, v15  }
0x419: {  	v50 =	vld [tilespmem:s1+$0xB0];
	[tilespmem:s1+$0x170] =	vst v63;
	v14 =	vmul.f32 v14, v15  }
0x41a: {  	v51 =	vld [tilespmem:s1+$0xC0];
	[tilespmem:s1+$0x70] =	vst v17  }
0x41b: {  	v15 =	vmul.f32 v12, v15;
	[tilespmem:s1+$0x20] =	vst v14;
	v14 =	vld [tilespmem:s1+$0x90]  }
0x41c: {  	v52 =	vld [tilespmem:s1+$0xD0];
	[tilespmem:s2+$0xFFFFFFF0] =	vst v43;
	v16 =	vmul.f32 v47, v13  }
0x41d: {  	v53 =	vld [tilespmem:s1+$0xE0];
	[tilespmem:s2+$0x0] =	vst v15;
	v15 =	vmul.f32 v49, v13  }
0x41e: {  	v54 =	vld [tilespmem:s1+$0xF0];
	v19 =	vmul.f32 v50, v13;
	[tilespmem:s1+$0x80] =	vst v16  }
0x41f: {  	v56 =	vmul.f32 v51, v13;
	[tilespmem:s1+$0xA0] =	vst v15  }
0x420: {  	v59 =	vld [tilespmem:s1+$0x140];
	v14 =	vmul.f32 v14, v13;
	[tilespmem:s1+$0xB0] =	vst v19  }
0x421: {  	v21 =	vmul.f32 v52, v13;
	v15 =	vld [tilespmem:s1+$0x110];
	[tilespmem:s1+$0xC0] =	vst v56  }
0x422: {  	v17 =	vmul.f32 v53, v13;
	[tilespmem:s1+$0x90] =	vst v14;
	v14 =	vld [tilespmem:s1+$0x100]  }
0x423: {  	v57 =	vld [tilespmem:s1+$0x120];
	v18 =	vmul.f32 v54, v13;
	[tilespmem:s1+$0xD0] =	vst v21  }
0x424: {  	v58 =	vld [tilespmem:s1+$0x130];
	v13 =	vmul.f32 v12, v13;
	[tilespmem:s1+$0xE0] =	vst v17  }
0x425: {  	v60 =	vld [tilespmem:s1+$0x150];
	[tilespmem:s1+$0xF0] =	vst v18;
	v21 =	vmul.f32 v59, v55  }
0x426: {  	v61 =	vld [tilespmem:s1+$0x160];
	[tilespmem:s2+$0x10] =	vst v13;
	v15 =	vmul.f32 v15, v55  }
0x427: {  	[tilespmem:s1+$0x140] =	vst v21;
	v14 =	vmul.f32 v14, v55  }
0x428: {  	v13 =	vmul.f32 v57, v55;
	[tilespmem:s1+$0x110] =	vst v15;
	v15 =	vld [tilespmem:s1+$0xFFFFFE70]  }
0x429: {  	[tilespmem:s1+$0x100] =	vst v14;
	v14 =	vmul.f32 v58, v55  }
0x42a: {  	[tilespmem:s1+$0x120] =	vst v13;
	v13 =	vmul.f32 v60, v55  }
0x42b: {  	[tilespmem:s1+$0x130] =	vst v14;
	v14 =	vmul.f32 v61, v55  }
0x42c: {  	[tilespmem:s1+$0x150] =	vst v13;
	v13 =	vmul.f32 v12, v55  }
0x42d: {  	[tilespmem:s1+$0x160] =	vst v14;
	v14 =	vmul.f32 v15, v20  }
0x42e: {  	v15 =	vmul.f32 v12, v20;
	[tilespmem:s2+$0x20] =	vst v13  }
0x42f: {  	[tilespmem:s1+$0xFFFFFE70] =	vst v14  }
0x430: {  	[tilespmem:s2+$0xFFFFFFC0] =	vst v15  }
0x431: {  	[spmem:s29] =	stream.indirect.scatter.add.f32 [tilespmem:s12], [sflag:$0x5], $0x80, s0, s16, $0xb8;
	[tilespmem:$0x1CC00] =	vst v63  }
0x432: {  	_ =	swait.ge [sflag:s13], $0x2800  }
0x433: {  	[sflag:s13] =	ssyncset.done $0x0  }
0x434: {  	[sflag:s13] =	ssyncadd.s32 $0xFFFFD800  }
0x435: {  	[spmem:s30] =	stream.indirect.scatter.add.f32 [tilespmem:s14], [sflag:$0x5], $0x10, s0, s16, $0xb8;
	[tilespmem:$0x1CC00] =	vst v63  }
0x436: {  	_ =	swait.ge [sflag:s13], $0x500  }
0x437: {  	[sflag:s13] =	ssyncset.done $0x0  }
0x438: {  	[sflag:s13] =	ssyncadd.s32 $0xFFFFFB00  }
0x439: {  	s1 =	stileid.u32;
	[bflag:$0x0] =	sbarrier.arrive $0xFFFF  }
0x43a: {  	s1 =	sshll.u32 s1, $0x6;
	s22 =	rddreg [dreg:$0x6]  }
0x43b: {  	s1 =	sor.u32 $0x1C05, s1;
	s3 =	rddreg [dreg:$0xe];
	s2 =	sshrl.u32 s22, $0x3  }
0x43c: {  	[hbm:s3], [sflag:s1] =	dma.local [spmem:s2], $0x2700  }
0x43d: {  	_ =	swait.ge [sflag:s13], $0x2700  }
0x43e: {  	[sflag:s13] =	ssyncset.done $0x0;
	s3 =	rddreg [dreg:$0x7]  }
0x43f: {  	s4 =	rddreg [dreg:$0x11];
	[sflag:s13] =	ssyncadd.s32 $0xFFFFD900;
	s2 =	sshrl.u32 s3, $0x3  }
0x440: {  	[hbm:s4], [sflag:s1] =	dma.local [spmem:s2], $0x4E0  }
0x441: {  	_ =	swait.ge [sflag:s13], $0x4E0  }
0x442: {  	[sflag:s13] =	ssyncset.done $0x0;
	s11 =	rddreg [dreg:$0x1f]  }
0x443: {  	s3 =	rddreg [dreg:$0x1c];
	[sflag:s13] =	ssyncadd.s32 $0xFFFFFB20;
	s2 =	sshrl.u32 @!p0 s11, $0x3  }
0x444: {  	[hbm:s3], [sflag:s1] =	dma.local @!p0 [spmem:s2], $0x100  }
0x445: {  	s2 =	simm.s32 @!p0 $0x5  }
0x446: {  	_ =	swait.ge @!p0 [sflag:s2], $0x100  }
0x447: {  	s17 =	sld [smem:$0x7FD];
	_ =	sdelay $0x1  }
0x448: {  	[sflag:s2] =	ssyncset.done @!p0 $0x0  }
0x449: {  	s3 =	rddreg [dreg:$0x1d];
	[sflag:s2] =	ssyncadd.s32 @!p0 $0xFFFFFF00;
	s4 =	sshrl.u32 @!p0 s17, $0x3  }
0x44a: {  	[hbm:s3], [sflag:s1] =	dma.local @!p0 [spmem:s4], $0x20  }
0x44b: {  	_ =	swait.ge @!p0 [sflag:s2], $0x20  }
0x44c: {  	s9 =	rddreg [dreg:$0x5]  }
0x44d: {  	s10 =	rddreg [dreg:$0x1e];
	s3 =	sadd.s32 $0x1, s9  }
0x44e: {  	p1 =	sne.s32 s3, s10  }
.Ltmp5:
0x44f: {  	_ = 	snop;
	(pc) =	sbr.rel @p1 .LBB2_1-.Ltmp5, $3  }
0x450: {  	_ =	sdelay $0x1  }
0x451: {  	[sflag:s2] =	ssyncset.done @!p0 $0x0  }
0x452: {  	[sflag:s2] =	ssyncadd.s32 @!p0 $0xFFFFFFE0  }
0x453: {  	_ =	sfence.sel $0x180000  }
0x454: {  	[bflag:$0x0] =	sbarrier.arrive $0xFFFF  }
0x455: {  	_ =	strace $0x9000004A  }
0x456: {  	[bflag:$0x2] =	sbarrier.arrive $0xFFFF  }
0x457: {  	s0 =	rddreg [dreg:$0x4]  }
0x458: {  	s0 =	sadd.s32 @!p0 $0x100000, s0  }
0x459: {  	[sflag:s0] =	ssyncadd.tile.s32 @!p0 $0x1;
	_ =	shalt  }
.Lfunc_end2:
_tile_overlayer_lowered:
.L_overlay_start_2:
0x45a: {  	(tag) =	ssettag $0x2  }
0x45b: {  	s0 =	rddreg [dreg:$0x0];
	s2 =	stileid.u32  }
0x45c: {  	s1 =	rddreg [dreg:$0x1];
	p0 =	sne.s32 s2, $0x0  }
0x45d: {  	s3 =	rddreg [dreg:$0x2];
	[bflag:$0x3] =	sbarrier.arrive $0xFFFF;
	s2 =	simm.s32 @!p0 $0x1C05  }
0x45e: {  	[timem:s3], [sflag:s2] =	dma.local @!p0 [hbm:s0], s1  }
0x45f: {  	s0 =	simm.s32 @!p0 $0x5  }
0x460: {  	_ =	swait.ge @!p0 [sflag:s0], s1  }
0x461: {  	s1 =	ssub.s32 @!p0 $0x0, s1;
	[sflag:s0] =	ssyncset.done @!p0 $0x0  }
0x462: {  	[sflag:s0] =	ssyncadd.s32 @!p0 s1  }
0x463: {  	[bflag:$0x3] =	sbarrier.arrive $0xFFFF  }
0x464: {  	_ =	shalt  }

// kernel: sparse-core-data-format-call.cloned.1.call-start
scs
called_computation_lowered:
.L_overlay_start_0:
0x0: {  	s1 =	sld [smem:$0x3FD9]  }
0x1: {  	s2 =	sld [smem:$0x3FFE];
	_ =	sdelay $0x1  }
0x2: {  	s3 =	srdreg.scid  }
0x3: {  	s0 =	sand.u32 $0x1, s3  }
0x4: {  	s17 =	sshll.u32 s0, $0xA;
	s1 =	sadd.s32 s2, s1  }
0x5: {  	s1 =	sadd.s32 s1, s17  }
0x6: {  	[smem:$0x3FC2] =	sst s1  }
0x7: {  	_ = 	snop  }
0x8: {  	(tm) =	ssettm $0x1  }
0x9: {  	s18 =	sld [smem:$0x3FFB];
	_ =	sdelay $0x3  }
0xa: {  	_ =	strace s18  }
0xb: {  	s1 =	sld [smem:$0x3FFC];
	_ =	sdelay $0x3  }
0xc: {  	_ =	strace s1  }
0xd: {  	s1 =	sld [smem:$0x3FFD];
	_ =	sdelay $0x3  }
0xe: {  	_ =	strace s1  }
0xf: {  	_ =	strace $0x8FFFFFFF  }
0x10: {  	s19 =	sld [smem:$0x3FDB];
	_ =	sdelay $0x1  }
0x11: {  	s20 =	simm.s32 $_scs_section_size  }
0x12: {  	s4 =	simm.s32 $_size__tile_overlayer_lowered;
	s5 =	simm.s32 $_tile_overlayer_lowered  }
0x13: {  	s23 =	simm.s32 $0x1BFF;
	s22 =	sshll.u32 s5, $0x1;
	s1 =	sadd.s32 s20, s19  }
0x14: {  	s6 =	simm.s32 $0x0;
	s21 =	sshll.u32 s4, $0x1;
	s4 =	sadd.s32 s22, s1  }
0x15: {  	[timem:s6], [sflag:s23] =	dma.local [hbm:s4], s21  }
0x16: {  	_ =	swait.ge [sflag:s23], s21  }
0x17: {  	s2 =	ssub.s32 $0x0, s21;
	[sflag:s23] =	ssyncset.done $0x0  }
0x18: {  	[sflag:s23] =	ssyncadd.s32 s2;
	_ =	sdelay $0x1  }
0x19: {  	s24 =	simm.s32 $0x1B8B  }
0x1a: {  	_ =	swait.ge [sflag:s24], $0x1  }
0x1b: {  	[sflag:s24] =	ssyncset.done $0x0  }
0x1c: {  	s26 =	simm.s32 $0x1B8E;
	s25 =	sld [smem:$0x3FFE];
	[sflag:s24] =	ssyncadd.s32 $0xFFFFFFFF  }
0x1d: {  	s27 =	simm.s32 $execute0_lowered;
	[smem:$0x3FD2] =	sst s26  }
0x1e: {  	s4 =	sshll.u32 s27, $0x1;
	_ =	strace $0x80000046;
	[dreg:$0x1] =	wrdreg $0xFFFFFFFF  }
0x1f: {  	s28 =	simm.s32 $_size_execute0_lowered;
	s1 =	sadd.s32 s1, s4;
	[dreg:$0x0] =	wrdreg $0x0  }
0x20: {  	s4 =	sshll.u32 s28, $0x1;
	[dreg:$0x2] =	wrdreg s1  }
0x21: {  	[dreg:$0x3] =	wrdreg s4  }
0x22: {  	[dreg:$0x4] =	wrdreg $0xC0  }
0x23: {  	_ =	task [dreg:s6], $0x5FFFF  }
0x24: {  	[dreg:$0x1] =	wrdreg $0xFFFFFFFF  }
0x25: {  	[dreg:$0x0] =	wrdreg $0x60  }
0x26: {  	[dreg:$0x2] =	wrdreg s25  }
0x27: {  	[dreg:$0x3] =	wrdreg $0x9  }
0x28: {  	_ =	task.clear_ibuf [dreg:s6], $0x4FFFF;
	_ =	strace $0x90000046  }
0x29: {  	s29 =	simm.s32 $0x9;
	_ =	strace $0x80000048  }
0x2a: {  	_ =	swait.ge [sflag:s29], $0x1  }
0x2b: {  	[sflag:s29] =	ssyncadd.s32 $0xFFFFFFFF  }
0x2c: {  	_ =	strace $0x90000048  }
0x2d: {  	_ =	sfence  }
0x2e: {  	s30 =	sld [smem:$0x0];
	_ =	sdelay $0x2  }
0x2f: {  	s31 =	sshll.u32 s3, $0xD;
	s3 =	sshrl.u32 s3, $0x2  }
0x30: {  	s2 =	sand.u32 $0x4000, s31;
	s1 =	sadd.s32 s3, s30  }
0x31: {  	s0 =	sor.u32 s2, s0;
	s1 =	sshll.u32 s1, $0x11  }
0x32: {  	s0 =	sor.u32 s1, s0  }
0x33: {  	s0 =	sadd.s32 $0x8F2B, s0  }
0x34: {  	[sflag:s0] =	ssyncadd.remote.s32 $0x1  }
0x35: {  	_ =	sfence.sel $0xFFFF  }
0x36: {  	[dreg:$0x0] =	wrdreg $0xFFFFFFFF;
	(pc) =	sbr.abs _section_cstart, $3  }
0x37: {  	[dreg:$0x1] =	wrdreg $0xFFFFFFFF  }
0x38: {  	_ =	task.clear_ibuf [dreg:s6], $0x2FFFF;
	_ =	strace $0x9FFFFFFF  }
0x39: {  	(tm) =	ssettm $0x7FFFFFFF  }
tec
execute0_lowered:
.L_overlay_start_1:
0x0: {  	(tag) =	ssettag $0x1  }
0x1: {  	s0 =	srdreg.scid  }
0x2: {  	s1 =	sshll.u32 s0, $0x4  }
0x3: {  	s4 =	rddreg [dreg:$0x0];
	s0 =	stileid.u32;
	s1 =	sand.u32 $0x10, s1  }
0x4: {  	s7 =	simm.s32 $0x1;
	s8 =	simm.s32 $0x2;
	s1 =	sor.u32 s0, s1  }
0x5: {  	s9 =	simm.s32 $0x0;
	s12 =	simm.s32 $0x0;
	s2 =	sshll.u32 s1, $0x1  }
0x6: {  	s11 =	simm.s32 $0x0;
	s3 =	sadd.s32 $0x800, s4;
	s6 =	ssub.s32 $0x4E2, s2  }
.Ltmp0:
0x7: {  	s4 =	sadd.s32 $0x139000, s4;
	s5 =	sand.u32 $0x3E, s6;
	(pc) =	sbr.rel .LBB1_1-.Ltmp0, $4  }
0x8: {  	s1 =	rddreg [dreg:$0x1];
	_ =	strace $0x80000047;
	p0 =	sne.s32 s5, $0x0  }
0x9: {  	s6 =	sshrl.u32 s6, $0x6;
	s5 =	simm.s32 $0x1;
	s7 =	simm.s32 @!p0 $0x0  }
0xa: {  	s10 =	smov.u32 s2;
	[sflag:s5] =	ssyncpa.u1 $0x0;
	s6 =	sadd.s32 s7, s6  }
0xb: {  	[sflag:s8] =	ssyncpa.u1 $0x0;
	s8 =	simm.s32 $0x0;
	s7 =	sadd.s32 $0x1, s6  }
.LBB1_9:
0xc: {  	s14 =	sadd.s32 $0x40, s10  }
0xd: {  	p1 =	sgt.s32 s14, $0x4E1  }
0xe: {  	s14 =	smov.u32 @p1 s2;
	p1 =	sne.s32 s11, s7  }
.Ltmp1:
0xf: {  	p0 =	slt.u32 s11, $0x2;
	(pc) =	sbr.rel @!p1 .LBB1_10-.Ltmp1, $4  }
0x10: {  	s13 =	simm.s32 @!p0 $0x2  }
0x11: {  	s15 =	sadd.s32 $0x1, s11;
	_ =	swait.ge @!p0 [sflag:s13], $0x4000  }
0x12: {  	s12 =	smov.u32 s10;
	s9 =	sadd.s32 $0x4000, s9;
	[sflag:s13] =	ssyncset.done @!p0 $0x0  }
0x13: {  	s11 =	smov.u32 s15;
	s10 =	smov.u32 s14;
	[sflag:s13] =	ssyncadd.s32 @!p0 $0xFFFFC000  }
.LBB1_1:
0x14: {  	p0 =	sge.u32 s11, s6  }
0x15: {  	s13 =	sxor.u32 @!p0 $0xFFFFFFFF, s11  }
0x16: {  	s31 =	sadd.s32 $0xFFFFFFFF, s11;
	s14 =	sshll.u32 @!p0 s10, $0xA;
	s13 =	sshll.u32 @!p0 s13, $0xE  }
0x17: {  	s15 =	simm.s32 @!p0 $0x0;
	s14 =	sadd.s32 @!p0 s3, s14;
	s13 =	sand.u32 @!p0 $0x4000, s13  }
0x18: {  	[tilespmem:s13], [sflag:$0x1] =	stream.linear.gather @!p0 [hbm4b:s14+s15], $0x4000, $0x38;
	[tilespmem:$0x10000] =	vst v63  }
0x19: {  	p0 =	sge.u32 s31, s6  }
.Ltmp2:
0x1a: {  	_ = 	snop;
	(pc) =	sbr.rel @p0 .LBB1_9-.Ltmp2, $1  }
0x1b: {  	_ =	sdelay $0x3  }
0x1c: {  	s13 =	sshll.u32 s9, $0x2  }
0x1d: {  	_ =	swait.ge [sflag:s5], $0x4000;
	s14 =	sshll.u32 s11, $0xE;
	s16 =	simm.s32 $0x0  }
0x1e: {  	p1 =	por $0x1, $0x1;
	s13 =	sand.u32 $0x10000, s13;
	[sflag:s5] =	ssyncset.done $0x0  }
0x1f: {  	s14 =	sand.u32 $0x4000, s14;
	s15 =	sshrl.u32 s13, $0x2;
	[sflag:s5] =	ssyncadd.s32 $0xFFFFC000  }
0x20: {  	s13 =	sor.u32 $0x8000, s14;
	s14 =	sadd.s32 $0x8040, s15;
	s15 =	sadd.s32 $0x40, s15  }
.LBB1_3:
0x21: {  	s16 =	sshll.u32 s16, $0x2  }
0x22: {  	p0 =	por p1, p1;
	s17 =	sshra.s32 s16, $0x2  }
0x23: {  	s18 =	simm.s32 $0x0;
	s16 =	sadd.s32 s17, s14;
	s17 =	sadd.s32 s17, s15  }
.LBB1_4:
0x24: {  	v0 =	vmov s17;
	_ =	sdelay $0x3  }
0x25: {  	s20 =	simm.s32 $0x0  }
0x26: {  	v6 =	vld.idx.msk [tilespmem:v0+s20+$0x30 ss:$0x1], $0xffff  }
0x27: {  	v7 =	vld.idx.msk [tilespmem:v0+s20+$0xFFFFFFC0 ss:$0x1], $0xffff  }
0x28: {  	v5 =	vld.idx.msk [tilespmem:v0+s20+$0xFFFFFFD0 ss:$0x1], $0xffff  }
0x29: {  	v4 =	vld.idx.msk [tilespmem:v0+s20+$0xFFFFFFE0 ss:$0x1], $0xffff  }
0x2a: {  	v3 =	vld.idx.msk [tilespmem:v0+s20+$0xFFFFFFF0 ss:$0x1], $0xffff  }
0x2b: {  	v1 =	vld.idx.msk [tilespmem:v0+s20+$0x0 ss:$0x1], $0xffff  }
0x2c: {  	v2 =	vld.idx.msk [tilespmem:v0+s20+$0x10 ss:$0x1], $0xffff;
	[tilespmem:s16+$0x30] =	vst v6  }
0x2d: {  	s19 =	simm.s32 $0x80;
	s21 =	simm.s32 $0x400;
	[tilespmem:s16+$0xFFFFFFC0] =	vst v7;
	v6 =	vld.idx.msk [tilespmem:v0+s20+$0x20 ss:$0x1], $0xffff;
	s20 =	smov.u32 s16  }
.LBB1_5:
0x2e: {  	p1 =	sne.s32 s21, $0xE00;
	v7 =	vld.idx.msk [tilespmem:v0+s19+$0x30 ss:$0x1], $0xffff;
	[tilespmem:s20+$0xFFFFFFD0] =	vst v5  }
0x2f: {  	v8 =	vld.idx.msk [tilespmem:v0+s19+$0xFFFFFFC0 ss:$0x1], $0xffff;
	[tilespmem:s20+$0xFFFFFFE0] =	vst v4  }
0x30: {  	v5 =	vld.idx.msk [tilespmem:v0+s19+$0xFFFFFFD0 ss:$0x1], $0xffff;
	[tilespmem:s20+$0xFFFFFFF0] =	vst v3  }
.Ltmp3:
0x31: {  	v4 =	vld.idx.msk [tilespmem:v0+s19+$0xFFFFFFE0 ss:$0x1], $0xffff;
	[tilespmem:s20+$0x0] =	vst v1;
	(pc) =	sbr.rel @p1 .LBB1_5-.Ltmp3, $4  }
0x32: {  	v3 =	vld.idx.msk [tilespmem:v0+s19+$0xFFFFFFF0 ss:$0x1], $0xffff;
	[tilespmem:s20+$0x10] =	vst v2  }
0x33: {  	v1 =	vld.idx.msk [tilespmem:v0+s19+$0x0 ss:$0x1], $0xffff;
	[tilespmem:s20+$0x20] =	vst v6;
	s20 =	sadd.s32 $0x400, s20  }
0x34: {  	v2 =	vld.idx.msk [tilespmem:v0+s19+$0x10 ss:$0x1], $0xffff;
	[tilespmem:s20+$0x30] =	vst v7  }
0x35: {  	[tilespmem:s20+$0xFFFFFFC0] =	vst v8;
	v6 =	vld.idx.msk [tilespmem:v0+s19+$0x20 ss:$0x1], $0xffff;
	s19 =	sshra.s32 s21, $0x2;
	s21 =	sadd.s32 $0x200, s21  }
0x36: {  	_ =	sdelay $0x2  }
0x37: {  	[tilespmem:s20+$0xFFFFFFD0] =	vst v5  }
0x38: {  	v56 =	vld.idx.msk [tilespmem:v0+s19+$0x30 ss:$0x1], $0xffff;
	[tilespmem:s20+$0xFFFFFFE0] =	vst v4  }
0x39: {  	v57 =	vld.idx.msk [tilespmem:v0+s19+$0xFFFFFFC0 ss:$0x1], $0xffff;
	[tilespmem:s20+$0xFFFFFFF0] =	vst v3  }
0x3a: {  	v58 =	vld.idx.msk [tilespmem:v0+s19+$0xFFFFFFD0 ss:$0x1], $0xffff;
	[tilespmem:s20+$0x0] =	vst v1  }
0x3b: {  	v59 =	vld.idx.msk [tilespmem:v0+s19+$0xFFFFFFE0 ss:$0x1], $0xffff;
	[tilespmem:s20+$0x10] =	vst v2  }
0x3c: {  	v60 =	vld.idx.msk [tilespmem:v0+s19+$0xFFFFFFF0 ss:$0x1], $0xffff;
	s31 =	sadd.s32 $0x400, s20;
	[tilespmem:s20+$0x20] =	vst v6  }
0x3d: {  	v61 =	vld.idx.msk [tilespmem:v0+s19+$0x0 ss:$0x1], $0xffff;
	[tilespmem:s31+$0x30] =	vst v56  }
0x3e: {  	v62 =	vld.idx.msk [tilespmem:v0+s19+$0x10 ss:$0x1], $0xffff;
	s18 =	sadd.s32 $0x1, s18;
	[tilespmem:s31+$0xFFFFFFC0] =	vst v57  }
0x3f: {  	v63 =	vld.idx.msk [tilespmem:v0+s19+$0x20 ss:$0x1], $0xffff;
	p1 =	sne.s32 s18, $0x8;
	[tilespmem:s31+$0xFFFFFFD0] =	vst v58  }
.Ltmp4:
0x40: {  	[tilespmem:s31+$0xFFFFFFE0] =	vst v59;
	(pc) =	sbr.rel @p1 .LBB1_4-.Ltmp4, $4  }
0x41: {  	[tilespmem:s31+$0xFFFFFFF0] =	vst v60  }
0x42: {  	[tilespmem:s31+$0x0] =	vst v61  }
0x43: {  	[tilespmem:s31+$0x10] =	vst v62  }
0x44: {  	s16 =	sadd.s32 $0x80, s16;
	s17 =	sadd.s32 $0x400, s17;
	[tilespmem:s31+$0x20] =	vst v63  }
.Ltmp5:
0x45: {  	(pc) =	sbr.rel @p0 .LBB1_3-.Ltmp5, $2  }
0x46: {  	_ =	sdelay $0x2  }
0x47: {  	s16 =	simm.s32 $0x2000;
	p1 =	por $0x0, $0x0  }
.Ltmp6:
0x48: {  	(pc) =	sbr.rel .LBB1_9-.Ltmp6, $4  }
0x49: {  	_ = 	snop  }
0x4a: {  	s12 =	sshll.u32 s12, $0xA  }
0x4b: {  	s12 =	sadd.s32 s4, s12  }
0x4c: {  	[hbm4b:s12+s8] =	stream.linear.scatter [tilespmem:s13], [sflag:$0x2], $0x4000, $0x38;
	[tilespmem:$0x10000] =	vst v63  }
.LBB1_10:
0x4d: {  	_ =	sfence.sel $0x180000  }
0x4e: {  	s2 =	simm.s32 $0x1;
	[bflag:$0x0] =	sbarrier.arrive $0xFFFF  }
0x4f: {  	s31 =	simm.s32 $0x2;
	[sflag:s2] =	ssyncpa.u1 $0x1  }
0x50: {  	[sflag:s31] =	ssyncpa.u1 $0x1  }
0x51: {  	p0 =	sne.s32 s0, $0x0;
	_ =	strace $0x90000047  }
0x52: {  	s0 =	sadd.s32 @!p0 $0x100000, s1;
	[bflag:$0x2] =	sbarrier.arrive $0xFFFF  }
0x53: {  	[sflag:s0] =	ssyncadd.tile.s32 @!p0 $0x1;
	_ =	shalt  }
.Lfunc_end1:
_tile_overlayer_lowered:
.L_overlay_start_2:
0x54: {  	(tag) =	ssettag $0x2  }
0x55: {  	s0 =	rddreg [dreg:$0x0];
	s2 =	stileid.u32  }
0x56: {  	s1 =	rddreg [dreg:$0x1];
	p0 =	sne.s32 s2, $0x0  }
0x57: {  	s3 =	rddreg [dreg:$0x2];
	[bflag:$0x3] =	sbarrier.arrive $0xFFFF;
	s2 =	simm.s32 @!p0 $0x1C01  }
0x58: {  	[timem:s3], [sflag:s2] =	dma.local @!p0 [hbm:s0], s1  }
0x59: {  	s0 =	simm.s32 @!p0 $0x1  }
0x5a: {  	_ =	swait.ge @!p0 [sflag:s0], s1  }
0x5b: {  	s1 =	ssub.s32 @!p0 $0x0, s1;
	[sflag:s0] =	ssyncset.done @!p0 $0x0  }
0x5c: {  	[sflag:s0] =	ssyncadd.s32 @!p0 s1  }
0x5d: {  	[bflag:$0x3] =	sbarrier.arrive $0xFFFF  }
0x5e: {  	_ =	shalt  }

</sc_bundles>
